<compile_context>
chip_gen: v7x
topology: tpu7x:2x2x1
jax: 0.10.2.dev20260603
libtpu: 0.0.44.dev20260713+nightly
codegen_flags: <defaults>
</compile_context>

<pallas_src>
import functools

import jax
import jax.numpy as jnp
from jax import lax
from jax.experimental import pallas as pl
from jax.experimental.pallas import tpu as pltpu
from jax.experimental.pallas import tpu_sc as plsc

P = 512
BLK = 2048
RPB = BLK // 128
NEG_INF = float("-inf")
NTILES = 16
DUMP = P


def _featurize_body(n, x_ref, wcat_ref, bcat_ref, of2_ref, oxp_ref, ox_ref):
    i = pl.program_id(0)
    xb = x_ref[...]
    y = jax.lax.dot_general(
        xb, wcat_ref[...], (((1,), (0,)), ((), ())),
        preferred_element_type=jnp.float32,
    ) + bcat_ref[...]
    ox = y[:, :8]
    of = jax.nn.sigmoid(y[:, 8:9])
    gid = i * BLK + jax.lax.broadcasted_iota(jnp.int32, (BLK, 1), 0)
    ofm = jnp.where(gid < n, of, NEG_INF).reshape(RPB, 128)
    of2_ref[...] = ofm
    oxp_ref[...] = jnp.concatenate(
        [ox[128 * j:128 * (j + 1), :] for j in range(RPB)], axis=1)
    ox_ref[...] = ox


def _slots_body(of2_ref, glist_ref, gvals_ref):
    arr = of2_ref[...]
    nr = arr.shape[0]

    def body(k, cur):
        test = cur | (1 << (29 - k))
        tf = jax.lax.bitcast_convert_type(test, jnp.float32)
        cnt = jnp.sum(jnp.where(arr >= tf, 1.0, 0.0))
        return jnp.where(cnt >= P, test, cur)

    tbits = jax.lax.fori_loop(0, 30, body, jnp.int32(0))
    t = jax.lax.bitcast_convert_type(tbits, jnp.float32)

    ofc = jnp.maximum(arr, 0.0)
    ri = jax.lax.broadcasted_iota(jnp.int32, (nr, nr), 0)
    rj = jax.lax.broadcasted_iota(jnp.int32, (nr, nr), 1)
    lt_rows = jnp.where(rj <= ri, 1.0, 0.0)
    ci = jax.lax.broadcasted_iota(jnp.int32, (128, 128), 0)
    cj = jax.lax.broadcasted_iota(jnp.int32, (128, 128), 1)
    lt_lane = jnp.where(ci <= cj, 1.0, 0.0)
    ii = jax.lax.broadcasted_iota(jnp.int32, (P, P), 0)
    jj = jax.lax.broadcasted_iota(jnp.int32, (P, P), 1)
    eye = jnp.where(ii == jj, 1.0, 0.0)
    ones128 = jnp.ones((128, 1), jnp.float32)
    ones_r = jnp.ones((1, nr), jnp.float32)
    slot_row = jax.lax.broadcasted_iota(
        jnp.int32, (P, 1), 0).astype(jnp.float32)
    slot_lane = jax.lax.broadcasted_iota(
        jnp.int32, (1, P), 1).astype(jnp.float32)
    riota_col = jax.lax.broadcasted_iota(
        jnp.int32, (P, nr), 1).astype(jnp.float32)

    def pyramid(maskf, slot_shift):
        rows = jax.lax.dot_general(
            maskf, ones128, (((1,), (0,)), ((), ())),
            preferred_element_type=jnp.float32, precision=jax.lax.Precision.HIGHEST)
        cum = jax.lax.dot_general(
            lt_rows, rows, (((1,), (0,)), ((), ())),
            preferred_element_type=jnp.float32, precision=jax.lax.Precision.HIGHEST)
        sl = slot_lane - slot_shift
        q_lane = jax.lax.dot_general(
            ones_r, jnp.where(cum <= sl, 1.0, 0.0), (((1,), (0,)), ((), ())),
            preferred_element_type=jnp.float32, precision=jax.lax.Precision.HIGHEST)
        q = jax.lax.dot_general(
            eye, q_lane, (((1,), (1,)), ((), ())),
            preferred_element_type=jnp.float32, precision=jax.lax.Precision.HIGHEST)
        rowsel = jnp.where(q == riota_col, 1.0, 0.0)
        cume = cum - rows
        cum_at_q = jax.lax.dot_general(
            rowsel, cume, (((1,), (0,)), ((), ())),
            preferred_element_type=jnp.float32, precision=jax.lax.Precision.HIGHEST)
        k = (slot_row - slot_shift) - cum_at_q
        lane_incl = jax.lax.dot_general(
            maskf, lt_lane, (((1,), (0,)), ((), ())),
            preferred_element_type=jnp.float32, precision=jax.lax.Precision.HIGHEST)
        lrow = jax.lax.dot_general(
            rowsel, lane_incl, (((1,), (0,)), ((), ())),
            preferred_element_type=jnp.float32, precision=jax.lax.Precision.HIGHEST)
        c = jax.lax.dot_general(
            jnp.where(lrow <= k, 1.0, 0.0), ones128, (((1,), (0,)), ((), ())),
            preferred_element_type=jnp.float32, precision=jax.lax.Precision.HIGHEST)
        rowvals = jax.lax.dot_general(
            rowsel, ofc, (((1,), (0,)), ((), ())),
            preferred_element_type=jnp.float32, precision=jax.lax.Precision.HIGHEST)
        lsel = jnp.where(
            jax.lax.broadcasted_iota(jnp.int32, (P, 128), 1)
            .astype(jnp.float32) == c, 1.0, 0.0)
        val = jax.lax.dot_general(
            rowvals * lsel, ones128, (((1,), (0,)), ((), ())),
            preferred_element_type=jnp.float32, precision=jax.lax.Precision.HIGHEST)
        return q * 128.0 + c, val

    msf = jnp.where(arr > t, 1.0, 0.0)
    mtf = jnp.where(arr == t, 1.0, 0.0)
    gcnt = jnp.sum(msf)
    g_s, v_s = pyramid(msf, 0.0)
    g_t, v_t = pyramid(mtf, gcnt)
    strict = slot_row < gcnt
    g = jnp.where(strict, g_s, g_t)
    val = jnp.where(strict, v_s, v_t)
    gvals_ref[...] = val
    grow = jax.lax.dot_general(
        g, eye, (((0,), (0,)), ((), ())),
        preferred_element_type=jnp.float32, precision=jax.lax.Precision.HIGHEST)
    glist_ref[...] = jnp.concatenate(
        [grow.astype(jnp.int32), jnp.zeros((1, P), jnp.int32)], axis=1)


def _sc_gather_body(glist_hbm, oxp_hbm, ctc_hbm, ibuf, buf, sem):
    wid = lax.axis_index("s")
    pltpu.sync_copy(glist_hbm.at[pl.ds(wid * 32, 32)], ibuf)
    for h in range(2):
        gv = ibuf[pl.ds(h * 16, 16)]
        for l in range(16):
            j = h * 16 + l
            g = gv[l]
            bg = 128 * (128 * (g // BLK) + g % 128) + 8 * ((g // 128) % RPB)
            pltpu.sync_copy(
                oxp_hbm.at[pl.ds(pl.multiple_of(bg, 8), 8)],
                buf.at[pl.ds(j * 8, 8)])
    pltpu.sync_copy(buf, ctc_hbm.at[pl.ds(wid * 256, 256)])


def _assign_body(oxp_ref, gv_ref, ctc_ref, md_ref, inst_ref,
                 xpt_scr, pn_scr):
    i = pl.program_id(0)

    @pl.when(i == 0)
    def _rank_permute():
        vals = gv_ref[...]
        ctc = ctc_ref[...]
        ii = jax.lax.broadcasted_iota(jnp.int32, (P, P), 0)
        jj = jax.lax.broadcasted_iota(jnp.int32, (P, P), 1)
        eye = jnp.where(ii == jj, 1.0, 0.0)
        mi = jnp.broadcast_to(vals, (P, P))
        mj = jax.lax.dot_general(
            jnp.ones((P, 1), jnp.float32), vals, (((1,), (1,)), ((), ())),
            preferred_element_type=jnp.float32, precision=jax.lax.Precision.HIGHEST)
        beats = (mj > mi) | ((mj == mi) & (jj < ii))
        bm = jnp.where(beats, 1.0, 0.0)
        rank = jax.lax.dot_general(
            bm, jnp.ones((P, 1), jnp.float32), (((1,), (0,)), ((), ())),
            preferred_element_type=jnp.float32, precision=jax.lax.Precision.HIGHEST)
        oh = jnp.where(rank == jj.astype(jnp.float32), 1.0, 0.0)
        xps = jax.lax.dot_general(
            oh, ctc, (((0,), (0,)), ((), ())),
            preferred_element_type=jnp.float32, precision=jax.lax.Precision.HIGHEST)
        xpt_scr[...] = jax.lax.dot_general(
            xps, eye, (((0,), (0,)), ((), ())),
            preferred_element_type=jnp.float32, precision=jax.lax.Precision.HIGHEST)
        pnc = jnp.sum(ctc * ctc, axis=1, keepdims=True)
        pn_scr[...] = jax.lax.dot_general(
            pnc, oh, (((0,), (0,)), ((), ())),
            preferred_element_type=jnp.float32, precision=jax.lax.Precision.HIGHEST)

    oxpb = oxp_ref[...]
    oxb = jnp.concatenate(
        [oxpb[:, 8 * j:8 * (j + 1)] for j in range(RPB)], axis=0)
    xpt = xpt_scr[...]
    cross = jax.lax.dot_general(
        oxb, xpt, (((1,), (0,)), ((), ())),
        preferred_element_type=jnp.float32,
    )
    on = jnp.sum(oxb * oxb, axis=1, keepdims=True)
    dist = on + pn_scr[...] - 2.0 * cross
    md = jnp.min(dist, axis=1, keepdims=True)
    pid = jax.lax.broadcasted_iota(jnp.int32, (BLK, P), 1)
    nearest = jnp.min(jnp.where(dist == md, pid, P), axis=1, keepdims=True)
    md_ref[...] = md.reshape(RPB, 128)
    inst_ref[...] = jnp.where(md < 1.0, nearest, -1).reshape(RPB, 128)


def kernel(x, W_beta, b_beta, W_coord, b_coord):
    n, f = x.shape
    d = W_coord.shape[1]
    nblk = (n + BLK - 1) // BLK
    nrows = nblk * RPB

    wcat = jnp.concatenate([W_coord, W_beta], axis=1)
    bcat = jnp.concatenate([b_coord, b_beta])[None, :]

    of2, oxp, ox = pl.pallas_call(
        functools.partial(_featurize_body, n),
        grid=(nblk,),
        in_specs=[
            pl.BlockSpec((BLK, f), lambda i: (i, 0)),
            pl.BlockSpec((f, d + 1), lambda i: (0, 0)),
            pl.BlockSpec((1, d + 1), lambda i: (0, 0)),
        ],
        out_specs=[
            pl.BlockSpec((RPB, 128), lambda i: (i, 0)),
            pl.BlockSpec((128, 128), lambda i: (i, 0)),
            pl.BlockSpec((BLK, d), lambda i: (i, 0)),
        ],
        out_shape=[
            jax.ShapeDtypeStruct((nrows, 128), jnp.float32),
            jax.ShapeDtypeStruct((nblk * 128, 128), jnp.float32),
            jax.ShapeDtypeStruct((n, d), jnp.float32),
        ],
    )(x, wcat, bcat)

    glist, gvals = pl.pallas_call(
        _slots_body,
        in_specs=[pl.BlockSpec((nrows, 128), lambda: (0, 0))],
        out_specs=[
            pl.BlockSpec((1, 2 * P), lambda: (0, 0)),
            pl.BlockSpec((P, 1), lambda: (0, 0)),
        ],
        out_shape=[
            jax.ShapeDtypeStruct((1, 2 * P), jnp.int32),
            jax.ShapeDtypeStruct((P, 1), jnp.float32),
        ],
    )(of2)

    mesh = plsc.VectorSubcoreMesh(
        core_axis_name="c", subcore_axis_name="s", num_cores=1)
    gat = pl.kernel(
        _sc_gather_body,
        out_type=jax.ShapeDtypeStruct((P * 8,), jnp.float32),
        mesh=mesh,
        scratch_types=[
            pltpu.VMEM((32,), jnp.int32),
            pltpu.VMEM((256,), jnp.float32),
            pltpu.SemaphoreType.DMA,
        ],
    )
    ctc1 = gat(glist.reshape(-1)[:P], oxp.reshape(-1))
    ctc = ctc1.reshape(P, 8)

    md2, inst2 = pl.pallas_call(
        _assign_body,
        grid=(nblk,),
        in_specs=[
            pl.BlockSpec((128, 128), lambda i: (i, 0)),
            pl.BlockSpec((P, 1), lambda i: (0, 0)),
            pl.BlockSpec((P, 8), lambda i: (0, 0)),
        ],
        out_specs=[
            pl.BlockSpec((RPB, 128), lambda i: (i, 0)),
            pl.BlockSpec((RPB, 128), lambda i: (i, 0)),
        ],
        out_shape=[
            jax.ShapeDtypeStruct((nrows, 128), jnp.float32),
            jax.ShapeDtypeStruct((nrows, 128), jnp.int32),
        ],
        scratch_shapes=[
            pltpu.VMEM((d, P), jnp.float32),
            pltpu.VMEM((1, P), jnp.float32),
        ],
    )(oxp, gvals, ctc)

    of = of2.reshape(-1)[:n]
    md = md2.reshape(-1)[:n]
    inst = inst2.reshape(-1)[:n]
    return (of, ox, md, inst)

# --- scband reference (transcript-rebuilt; emitter-appended) ---
"""Pipeline reference for scband-instance-decoder-59854664237372 (READ-ONLY COPY).

The authoritative reference and input builder live on the scoring server;
editing this copy changes nothing except your own understanding.
"""

import jax, jax.numpy as jnp
import numpy as np

N, F, D, P = 100000, 128, 8, 512

def setup_inputs(seed: int = 0) -> dict:
    key = jax.random.key(seed)
    k1, k2, k3 = jax.random.split(key, 3)
    x = jax.random.normal(k1, (N, F), dtype=jnp.float32)
    W_beta = jax.random.normal(k2, (F, 1), dtype=jnp.float32) / np.sqrt(F)
    b_beta = jnp.zeros((1,), dtype=jnp.float32)
    W_coord = jax.random.normal(k3, (F, D), dtype=jnp.float32) / np.sqrt(F)
    b_coord = jnp.zeros((D,), dtype=jnp.float32)
    return {"x": x, "W_beta": W_beta, "b_beta": b_beta, "W_coord": W_coord, "b_coord": b_coord}

def reference(x, W_beta, b_beta, W_coord, b_coord):
    # beta_net: Linear(hit_features, 1) -> sigmoid -> per-hit condensation score
    of = jax.nn.sigmoid(jnp.squeeze(x @ W_beta + b_beta, axis=-1))
    # coord_net: Linear(hit_features, instance_features) -> condensation coordinates
    ox = x @ W_coord + b_coord
    # materialize: select particle candidate hits (of > 0.1 capped <2000 in module;
    # here: top-P hits by beta, static-shape equivalent), gather their coords
    _, part_idx = jax.lax.top_k(of, P)
    x_part = jnp.take(ox, part_idx, axis=0)
    # pairwise squared distances hit <-> particle (||a||^2 + ||b||^2 - 2 a.b)
    dist = (jnp.sum(ox * ox, axis=1)[:, None]
            + jnp.sum(x_part * x_part, axis=1)[None, :]
            - 2.0 * (ox @ x_part.T))
    # scatter_min over (hit, particle) edges == per-hit min / argmin over candidates
    min_dist = jnp.min(dist, axis=1)
    nearest = jnp.argmin(dist, axis=1)
    # edges only exist where dist < 1; hits with no edge get instance -1
    instances = jnp.where(min_dist < 1.0, nearest, -1)
    return of, ox, min_dist, instances

if __name__ == "__main__":
    import jax
    _d = setup_inputs()
    print(jax.jit(kernel)(*tuple(_d.values())))

</pallas_src>

<mosaic_0001>
#map = affine_map<(d0, d1) -> (0)>
module attributes {stable_mosaic.version = 14 : i64} {
  func.func @_sc_gather_body(%arg0: i32, %arg1: i32, %arg2: memref<512xi32, #tpu.memory_space<hbm>>, %arg3: memref<802816xf32, #tpu.memory_space<hbm>>, %arg4: memref<4096xf32, #tpu.memory_space<hbm>>, %arg5: memref<32xi32, #tpu.memory_space<vmem>>, %arg6: memref<256xf32, #tpu.memory_space<vmem>>, %arg7: memref<!tpu.dma_semaphore, #tpu.memory_space<semaphore_mem>>) attributes {dimension_semantics = [#tpu.dimension_semantics<core_parallel>, #tpu.dimension_semantics<subcore_parallel>], iteration_bounds = array<i64: 1, 16>, scalar_prefetch = 0 : i64, scratch_operands = 3 : i64, tpu.core_type = #tpu.core_type<sc_vector_subcore>, window_params = [{transform_indices = #map}, {transform_indices = #map}, {transform_indices = #map}]} {
    %mul3A = arith.constant 32 : i32
    %mul3A_0 = arith.muli %arg1, %mul3A : i32
    "tpu.region"() ({
      %run_scoped3A = tpu.sem_alloc : memref<!tpu.dma_semaphore, #tpu.memory_space<semaphore_mem>>
      %dma_start3A = tpu.memref_slice %arg2[%mul3A_0] : memref<512xi32, #tpu.memory_space<hbm>> -> memref<32xi32, #tpu.memory_space<hbm>>
      %dma_start3A_2906 = tpu.memref_slice %arg2[%mul3A_0] : memref<512xi32, #tpu.memory_space<hbm>> -> memref<32xi32, #tpu.memory_space<hbm>>
      tpu.enqueue_dma source(%dma_start3A_2906 : memref<32xi32, #tpu.memory_space<hbm>>) target(%arg5 : memref<32xi32, #tpu.memory_space<vmem>>) target_semaphore(%run_scoped3A : memref<!tpu.dma_semaphore, #tpu.memory_space<semaphore_mem>>)
      %dma_wait3A = tpu.memref_slice %arg2[%mul3A_0] : memref<512xi32, #tpu.memory_space<hbm>> -> memref<32xi32, #tpu.memory_space<hbm>>
      %dma_wait3A_2907 = tpu.memref_slice %arg2[%mul3A_0] : memref<512xi32, #tpu.memory_space<hbm>> -> memref<32xi32, #tpu.memory_space<hbm>>
      tpu.wait_dma2 semaphore(%run_scoped3A : memref<!tpu.dma_semaphore, #tpu.memory_space<semaphore_mem>>) src(%dma_wait3A_2907 : memref<32xi32, #tpu.memory_space<hbm>>) dst(%arg5 : memref<32xi32, #tpu.memory_space<vmem>>)
      tpu.yield
    }) : () -> ()
    %get3A = arith.constant 0 : index
    %get3A_1 = tpu.vector_load %arg5[%get3A] {strides = array<i32>} : memref<32xi32, #tpu.memory_space<vmem>>, vector<16xi32>,
    %get3A_2 = vector.shape_cast %get3A_1 : vector<16xi32> to vector<16xi32>
    %slice3A = vector.extract_strided_slice %get3A_2 {offsets = [0], sizes = [1], strides = [1]} : vector<16xi32> to vector<1xi32>
    %squeeze3A = vector.extract %slice3A[0] : i32 from vector<1xi32>
    %jit3A = arith.constant 2048 : i32
    %div3A = arith.divsi %squeeze3A, %jit3A : i32
    %sign3A = arith.constant 0 : i32
    %sign3A_3 = arith.cmpi sgt, %squeeze3A, %sign3A : i32
    %sign3A_4 = arith.extui %sign3A_3 : i1 to i32
    %sign3A_5 = arith.constant 0 : i32
    %sign3A_6 = arith.cmpi slt, %squeeze3A, %sign3A_5 : i32
    %sign3A_7 = arith.extui %sign3A_6 : i1 to i32
    %sign3A_8 = arith.subi %sign3A_4, %sign3A_7 : i32
    %sign3A_9 = arith.constant 0 : i32
    %sign3A_10 = arith.cmpi sgt, %jit3A, %sign3A_9 : i32
    %sign3A_11 = arith.extui %sign3A_10 : i1 to i32
    %sign3A_12 = arith.constant 0 : i32
    %sign3A_13 = arith.cmpi slt, %jit3A, %sign3A_12 : i32
    %sign3A_14 = arith.extui %sign3A_13 : i1 to i32
    %sign3A_15 = arith.subi %sign3A_11, %sign3A_14 : i32
    %ne3A = arith.cmpi ne, %sign3A_8, %sign3A_15 : i32
    %rem3A = arith.remsi %squeeze3A, %jit3A : i32
    %ne3A_16 = arith.constant 0 : i32
    %ne3A_17 = arith.cmpi ne, %rem3A, %ne3A_16 : i32
    %and3A = arith.andi %ne3A, %ne3A_17 : i1
    %sub3A = arith.constant 1 : i32
    %sub3A_18 = arith.subi %div3A, %sub3A : i32
    %select_n3A = arith.select %and3A, %sub3A_18, %div3A : i32
    %mul3A_19 = arith.constant 128 : i32
    %mul3A_20 = arith.muli %mul3A_19, %select_n3A : i32
    %jit3A_21 = arith.constant 128 : i32
    %eq3A = arith.constant 0 : i32
    %eq3A_22 = arith.cmpi eq, %jit3A_21, %eq3A : i32
    %jit3A_23 = arith.constant 1 : i32
    %select_n3A_24 = arith.select %eq3A_22, %jit3A_23, %jit3A_21 : i32
    %rem3A_25 = arith.remsi %squeeze3A, %select_n3A_24 : i32
    %ne3A_26 = arith.constant 0 : i32
    %ne3A_27 = arith.cmpi ne, %rem3A_25, %ne3A_26 : i32
    %lt3A = arith.constant 0 : i32
    %lt3A_28 = arith.cmpi slt, %rem3A_25, %lt3A : i32
    %lt3A_29 = arith.constant 0 : i32
    %lt3A_30 = arith.cmpi slt, %select_n3A_24, %lt3A_29 : i32
    %ne3A_31 = arith.xori %lt3A_28, %lt3A_30 : i1
    %and3A_32 = arith.andi %ne3A_31, %ne3A_27 : i1
    %add3A = arith.addi %rem3A_25, %select_n3A_24 : i32
    %select_n3A_33 = arith.select %and3A_32, %add3A, %rem3A_25 : i32
    %add3A_34 = arith.addi %mul3A_20, %select_n3A_33 : i32
    %mul3A_35 = arith.constant 128 : i32
    %mul3A_36 = arith.muli %mul3A_35, %add3A_34 : i32
    %jit3A_37 = arith.constant 128 : i32
    %div3A_38 = arith.divsi %squeeze3A, %jit3A_37 : i32
    %sign3A_39 = arith.constant 0 : i32
    %sign3A_40 = arith.cmpi sgt, %squeeze3A, %sign3A_39 : i32
    %sign3A_41 = arith.extui %sign3A_40 : i1 to i32
    %sign3A_42 = arith.constant 0 : i32
    %sign3A_43 = arith.cmpi slt, %squeeze3A, %sign3A_42 : i32
    %sign3A_44 = arith.extui %sign3A_43 : i1 to i32
    %sign3A_45 = arith.subi %sign3A_41, %sign3A_44 : i32
    %sign3A_46 = arith.constant 0 : i32
    %sign3A_47 = arith.cmpi sgt, %jit3A_37, %sign3A_46 : i32
    %sign3A_48 = arith.extui %sign3A_47 : i1 to i32
    %sign3A_49 = arith.constant 0 : i32
    %sign3A_50 = arith.cmpi slt, %jit3A_37, %sign3A_49 : i32
    %sign3A_51 = arith.extui %sign3A_50 : i1 to i32
    %sign3A_52 = arith.subi %sign3A_48, %sign3A_51 : i32
    %ne3A_53 = arith.cmpi ne, %sign3A_45, %sign3A_52 : i32
    %rem3A_54 = arith.remsi %squeeze3A, %jit3A_37 : i32
    %ne3A_55 = arith.constant 0 : i32
    %ne3A_56 = arith.cmpi ne, %rem3A_54, %ne3A_55 : i32
    %and3A_57 = arith.andi %ne3A_53, %ne3A_56 : i1
    %sub3A_58 = arith.constant 1 : i32
    %sub3A_59 = arith.subi %div3A_38, %sub3A_58 : i32
    %select_n3A_60 = arith.select %and3A_57, %sub3A_59, %div3A_38 : i32
    %jit3A_61 = arith.constant 16 : i32
    %eq3A_62 = arith.constant 0 : i32
    %eq3A_63 = arith.cmpi eq, %jit3A_61, %eq3A_62 : i32
    %jit3A_64 = arith.constant 1 : i32
    %select_n3A_65 = arith.select %eq3A_63, %jit3A_64, %jit3A_61 : i32
    %rem3A_66 = arith.remsi %select_n3A_60, %select_n3A_65 : i32
    %ne3A_67 = arith.constant 0 : i32
    %ne3A_68 = arith.cmpi ne, %rem3A_66, %ne3A_67 : i32
    %lt3A_69 = arith.constant 0 : i32
    %lt3A_70 = arith.cmpi slt, %rem3A_66, %lt3A_69 : i32
    %lt3A_71 = arith.constant 0 : i32
    %lt3A_72 = arith.cmpi slt, %select_n3A_65, %lt3A_71 : i32
    %ne3A_73 = arith.xori %lt3A_70, %lt3A_72 : i1
    %and3A_74 = arith.andi %ne3A_73, %ne3A_68 : i1
    %add3A_75 = arith.addi %rem3A_66, %select_n3A_65 : i32
    %select_n3A_76 = arith.select %and3A_74, %add3A_75, %rem3A_66 : i32
    %mul3A_77 = arith.constant 8 : i32
    %mul3A_78 = arith.muli %mul3A_77, %select_n3A_76 : i32
    %add3A_79 = arith.addi %mul3A_36, %mul3A_78 : i32
    %multiple_of3A = tpu.assume_multiple %add3A_79, 8 : i32
    "tpu.region"() ({
      %run_scoped3A = tpu.sem_alloc : memref<!tpu.dma_semaphore, #tpu.memory_space<semaphore_mem>>
      %dma_start3A = arith.constant 0 : i32
      %dma_start3A_2906 = tpu.memref_slice %arg6[%dma_start3A] : memref<256xf32, #tpu.memory_space<vmem>> -> memref<8xf32, #tpu.memory_space<vmem>>
      %dma_start3A_2907 = tpu.memref_slice %arg3[%multiple_of3A] : memref<802816xf32, #tpu.memory_space<hbm>> -> memref<8xf32, #tpu.memory_space<hbm>>
      %dma_start3A_2908 = arith.constant 0 : i32
      %dma_start3A_2909 = tpu.memref_slice %arg6[%dma_start3A_2908] : memref<256xf32, #tpu.memory_space<vmem>> -> memref<8xf32, #tpu.memory_space<vmem>>
      %dma_start3A_2910 = tpu.memref_slice %arg3[%multiple_of3A] : memref<802816xf32, #tpu.memory_space<hbm>> -> memref<8xf32, #tpu.memory_space<hbm>>
      tpu.enqueue_dma source(%dma_start3A_2910 : memref<8xf32, #tpu.memory_space<hbm>>) target(%dma_start3A_2909 : memref<8xf32, #tpu.memory_space<vmem>>) target_semaphore(%run_scoped3A : memref<!tpu.dma_semaphore, #tpu.memory_space<semaphore_mem>>)
      %dma_wait3A = arith.constant 0 : i32
      %dma_wait3A_2911 = tpu.memref_slice %arg6[%dma_wait3A] : memref<256xf32, #tpu.memory_space<vmem>> -> memref<8xf32, #tpu.memory_space<vmem>>
      %dma_wait3A_2912 = tpu.memref_slice %arg3[%multiple_of3A] : memref<802816xf32, #tpu.memory_space<hbm>> -> memref<8xf32, #tpu.memory_space<hbm>>
      %dma_wait3A_2913 = arith.constant 0 : i32
      %dma_wait3A_2914 = tpu.memref_slice %arg6[%dma_wait3A_2913] : memref<256xf32, #tpu.memory_space<vmem>> -> memref<8xf32, #tpu.memory_space<vmem>>
      %dma_wait3A_2915 = tpu.memref_slice %arg3[%multiple_of3A] : memref<802816xf32, #tpu.memory_space<hbm>> -> memref<8xf32, #tpu.memory_space<hbm>>
      tpu.wait_dma2 semaphore(%run_scoped3A : memref<!tpu.dma_semaphore, #tpu.memory_space<semaphore_mem>>) src(%dma_wait3A_2915 : memref<8xf32, #tpu.memory_space<hbm>>) dst(%dma_wait3A_2914 : memref<8xf32, #tpu.memory_space<vmem>>)
      tpu.yield
    }) : () -> ()
    %slice3A_80 = vector.extract_strided_slice %get3A_2 {offsets = [1], sizes = [1], strides = [1]} : vector<16xi32> to vector<1xi32>
    %squeeze3A_81 = vector.extract %slice3A_80[0] : i32 from vector<1xi32>
    %jit3A_82 = arith.constant 2048 : i32
    %div3A_83 = arith.divsi %squeeze3A_81, %jit3A_82 : i32
    %sign3A_84 = arith.constant 0 : i32
    %sign3A_85 = arith.cmpi sgt, %squeeze3A_81, %sign3A_84 : i32
    %sign3A_86 = arith.extui %sign3A_85 : i1 to i32
    %sign3A_87 = arith.constant 0 : i32
    %sign3A_88 = arith.cmpi slt, %squeeze3A_81, %sign3A_87 : i32
    %sign3A_89 = arith.extui %sign3A_88 : i1 to i32
    %sign3A_90 = arith.subi %sign3A_86, %sign3A_89 : i32
    %sign3A_91 = arith.constant 0 : i32
    %sign3A_92 = arith.cmpi sgt, %jit3A_82, %sign3A_91 : i32
    %sign3A_93 = arith.extui %sign3A_92 : i1 to i32
    %sign3A_94 = arith.constant 0 : i32
    %sign3A_95 = arith.cmpi slt, %jit3A_82, %sign3A_94 : i32
    %sign3A_96 = arith.extui %sign3A_95 : i1 to i32
    %sign3A_97 = arith.subi %sign3A_93, %sign3A_96 : i32
    %ne3A_98 = arith.cmpi ne, %sign3A_90, %sign3A_97 : i32
    %rem3A_99 = arith.remsi %squeeze3A_81, %jit3A_82 : i32
    %ne3A_100 = arith.constant 0 : i32
    %ne3A_101 = arith.cmpi ne, %rem3A_99, %ne3A_100 : i32
    %and3A_102 = arith.andi %ne3A_98, %ne3A_101 : i1
    %sub3A_103 = arith.constant 1 : i32
    %sub3A_104 = arith.subi %div3A_83, %sub3A_103 : i32
    %select_n3A_105 = arith.select %and3A_102, %sub3A_104, %div3A_83 : i32
    %mul3A_106 = arith.constant 128 : i32
    %mul3A_107 = arith.muli %mul3A_106, %select_n3A_105 : i32
    %jit3A_108 = arith.constant 128 : i32
    %eq3A_109 = arith.constant 0 : i32
    %eq3A_110 = arith.cmpi eq, %jit3A_108, %eq3A_109 : i32
    %jit3A_111 = arith.constant 1 : i32
    %select_n3A_112 = arith.select %eq3A_110, %jit3A_111, %jit3A_108 : i32
    %rem3A_113 = arith.remsi %squeeze3A_81, %select_n3A_112 : i32
    %ne3A_114 = arith.constant 0 : i32
    %ne3A_115 = arith.cmpi ne, %rem3A_113, %ne3A_114 : i32
    %lt3A_116 = arith.constant 0 : i32
    %lt3A_117 = arith.cmpi slt, %rem3A_113, %lt3A_116 : i32
    %lt3A_118 = arith.constant 0 : i32
    %lt3A_119 = arith.cmpi slt, %select_n3A_112, %lt3A_118 : i32
    %ne3A_120 = arith.xori %lt3A_117, %lt3A_119 : i1
    %and3A_121 = arith.andi %ne3A_120, %ne3A_115 : i1
    %add3A_122 = arith.addi %rem3A_113, %select_n3A_112 : i32
    %select_n3A_123 = arith.select %and3A_121, %add3A_122, %rem3A_113 : i32
    %add3A_124 = arith.addi %mul3A_107, %select_n3A_123 : i32
    %mul3A_125 = arith.constant 128 : i32
    %mul3A_126 = arith.muli %mul3A_125, %add3A_124 : i32
    %jit3A_127 = arith.constant 128 : i32
    %div3A_128 = arith.divsi %squeeze3A_81, %jit3A_127 : i32
    %sign3A_129 = arith.constant 0 : i32
    %sign3A_130 = arith.cmpi sgt, %squeeze3A_81, %sign3A_129 : i32
    %sign3A_131 = arith.extui %sign3A_130 : i1 to i32
    %sign3A_132 = arith.constant 0 : i32
    %sign3A_133 = arith.cmpi slt, %squeeze3A_81, %sign3A_132 : i32
    %sign3A_134 = arith.extui %sign3A_133 : i1 to i32
    %sign3A_135 = arith.subi %sign3A_131, %sign3A_134 : i32
    %sign3A_136 = arith.constant 0 : i32
    %sign3A_137 = arith.cmpi sgt, %jit3A_127, %sign3A_136 : i32
    %sign3A_138 = arith.extui %sign3A_137 : i1 to i32
    %sign3A_139 = arith.constant 0 : i32
    %sign3A_140 = arith.cmpi slt, %jit3A_127, %sign3A_139 : i32
    %sign3A_141 = arith.extui %sign3A_140 : i1 to i32
    %sign3A_142 = arith.subi %sign3A_138, %sign3A_141 : i32
    %ne3A_143 = arith.cmpi ne, %sign3A_135, %sign3A_142 : i32
    %rem3A_144 = arith.remsi %squeeze3A_81, %jit3A_127 : i32
    %ne3A_145 = arith.constant 0 : i32
    %ne3A_146 = arith.cmpi ne, %rem3A_144, %ne3A_145 : i32
    %and3A_147 = arith.andi %ne3A_143, %ne3A_146 : i1
    %sub3A_148 = arith.constant 1 : i32
    %sub3A_149 = arith.subi %div3A_128, %sub3A_148 : i32
    %select_n3A_150 = arith.select %and3A_147, %sub3A_149, %div3A_128 : i32
    %jit3A_151 = arith.constant 16 : i32
    %eq3A_152 = arith.constant 0 : i32
    %eq3A_153 = arith.cmpi eq, %jit3A_151, %eq3A_152 : i32
    %jit3A_154 = arith.constant 1 : i32
    %select_n3A_155 = arith.select %eq3A_153, %jit3A_154, %jit3A_151 : i32
    %rem3A_156 = arith.remsi %select_n3A_150, %select_n3A_155 : i32
    %ne3A_157 = arith.constant 0 : i32
    %ne3A_158 = arith.cmpi ne, %rem3A_156, %ne3A_157 : i32
    %lt3A_159 = arith.constant 0 : i32
    %lt3A_160 = arith.cmpi slt, %rem3A_156, %lt3A_159 : i32
    %lt3A_161 = arith.constant 0 : i32
    %lt3A_162 = arith.cmpi slt, %select_n3A_155, %lt3A_161 : i32
    %ne3A_163 = arith.xori %lt3A_160, %lt3A_162 : i1
    %and3A_164 = arith.andi %ne3A_163, %ne3A_158 : i1
    %add3A_165 = arith.addi %rem3A_156, %select_n3A_155 : i32
    %select_n3A_166 = arith.select %and3A_164, %add3A_165, %rem3A_156 : i32
    %mul3A_167 = arith.constant 8 : i32
    %mul3A_168 = arith.muli %mul3A_167, %select_n3A_166 : i32
    %add3A_169 = arith.addi %mul3A_126, %mul3A_168 : i32
    %multiple_of3A_170 = tpu.assume_multiple %add3A_169, 8 : i32
    "tpu.region"() ({
      %run_scoped3A = tpu.sem_alloc : memref<!tpu.dma_semaphore, #tpu.memory_space<semaphore_mem>>
      %dma_start3A = arith.constant 8 : i32
      %dma_start3A_2906 = tpu.memref_slice %arg6[%dma_start3A] : memref<256xf32, #tpu.memory_space<vmem>> -> memref<8xf32, #tpu.memory_space<vmem>>
      %dma_start3A_2907 = tpu.memref_slice %arg3[%multiple_of3A_170] : memref<802816xf32, #tpu.memory_space<hbm>> -> memref<8xf32, #tpu.memory_space<hbm>>
      %dma_start3A_2908 = arith.constant 8 : i32
      %dma_start3A_2909 = tpu.memref_slice %arg6[%dma_start3A_2908] : memref<256xf32, #tpu.memory_space<vmem>> -> memref<8xf32, #tpu.memory_space<vmem>>
      %dma_start3A_2910 = tpu.memref_slice %arg3[%multiple_of3A_170] : memref<802816xf32, #tpu.memory_space<hbm>> -> memref<8xf32, #tpu.memory_space<hbm>>
      tpu.enqueue_dma source(%dma_start3A_2910 : memref<8xf32, #tpu.memory_space<hbm>>) target(%dma_start3A_2909 : memref<8xf32, #tpu.memory_space<vmem>>) target_semaphore(%run_scoped3A : memref<!tpu.dma_semaphore, #tpu.memory_space<semaphore_mem>>)
      %dma_wait3A = arith.constant 8 : i32
      %dma_wait3A_2911 = tpu.memref_slice %arg6[%dma_wait3A] : memref<256xf32, #tpu.memory_space<vmem>> -> memref<8xf32, #tpu.memory_space<vmem>>
      %dma_wait3A_2912 = tpu.memref_slice %arg3[%multiple_of3A_170] : memref<802816xf32, #tpu.memory_space<hbm>> -> memref<8xf32, #tpu.memory_space<hbm>>
      %dma_wait3A_2913 = arith.constant 8 : i32
      %dma_wait3A_2914 = tpu.memref_slice %arg6[%dma_wait3A_2913] : memref<256xf32, #tpu.memory_space<vmem>> -> memref<8xf32, #tpu.memory_space<vmem>>
      %dma_wait3A_2915 = tpu.memref_slice %arg3[%multiple_of3A_170] : memref<802816xf32, #tpu.memory_space<hbm>> -> memref<8xf32, #tpu.memory_space<hbm>>
      tpu.wait_dma2 semaphore(%run_scoped3A : memref<!tpu.dma_semaphore, #tpu.memory_space<semaphore_mem>>) src(%dma_wait3A_2915 : memref<8xf32, #tpu.memory_space<hbm>>) dst(%dma_wait3A_2914 : memref<8xf32, #tpu.memory_space<vmem>>)
      tpu.yield
    }) : () -> ()
    %slice3A_171 = vector.extract_strided_slice %get3A_2 {offsets = [2], sizes = [1], strides = [1]} : vector<16xi32> to vector<1xi32>
    %squeeze3A_172 = vector.extract %slice3A_171[0] : i32 from vector<1xi32>
    %jit3A_173 = arith.constant 2048 : i32
    %div3A_174 = arith.divsi %squeeze3A_172, %jit3A_173 : i32
    %sign3A_175 = arith.constant 0 : i32
    %sign3A_176 = arith.cmpi sgt, %squeeze3A_172, %sign3A_175 : i32
    %sign3A_177 = arith.extui %sign3A_176 : i1 to i32
    %sign3A_178 = arith.constant 0 : i32
    %sign3A_179 = arith.cmpi slt, %squeeze3A_172, %sign3A_178 : i32
    %sign3A_180 = arith.extui %sign3A_179 : i1 to i32
    %sign3A_181 = arith.subi %sign3A_177, %sign3A_180 : i32
    %sign3A_182 = arith.constant 0 : i32
    %sign3A_183 = arith.cmpi sgt, %jit3A_173, %sign3A_182 : i32
    %sign3A_184 = arith.extui %sign3A_183 : i1 to i32
    %sign3A_185 = arith.constant 0 : i32
    %sign3A_186 = arith.cmpi slt, %jit3A_173, %sign3A_185 : i32
    %sign3A_187 = arith.extui %sign3A_186 : i1 to i32
    %sign3A_188 = arith.subi %sign3A_184, %sign3A_187 : i32
    %ne3A_189 = arith.cmpi ne, %sign3A_181, %sign3A_188 : i32
    %rem3A_190 = arith.remsi %squeeze3A_172, %jit3A_173 : i32
    %ne3A_191 = arith.constant 0 : i32
    %ne3A_192 = arith.cmpi ne, %rem3A_190, %ne3A_191 : i32
    %and3A_193 = arith.andi %ne3A_189, %ne3A_192 : i1
    %sub3A_194 = arith.constant 1 : i32
    %sub3A_195 = arith.subi %div3A_174, %sub3A_194 : i32
    %select_n3A_196 = arith.select %and3A_193, %sub3A_195, %div3A_174 : i32
    %mul3A_197 = arith.constant 128 : i32
    %mul3A_198 = arith.muli %mul3A_197, %select_n3A_196 : i32
    %jit3A_199 = arith.constant 128 : i32
    %eq3A_200 = arith.constant 0 : i32
    %eq3A_201 = arith.cmpi eq, %jit3A_199, %eq3A_200 : i32
    %jit3A_202 = arith.constant 1 : i32
    %select_n3A_203 = arith.select %eq3A_201, %jit3A_202, %jit3A_199 : i32
    %rem3A_204 = arith.remsi %squeeze3A_172, %select_n3A_203 : i32
    %ne3A_205 = arith.constant 0 : i32
    %ne3A_206 = arith.cmpi ne, %rem3A_204, %ne3A_205 : i32
    %lt3A_207 = arith.constant 0 : i32
    %lt3A_208 = arith.cmpi slt, %rem3A_204, %lt3A_207 : i32
    %lt3A_209 = arith.constant 0 : i32
    %lt3A_210 = arith.cmpi slt, %select_n3A_203, %lt3A_209 : i32
    %ne3A_211 = arith.xori %lt3A_208, %lt3A_210 : i1
    %and3A_212 = arith.andi %ne3A_211, %ne3A_206 : i1
    %add3A_213 = arith.addi %rem3A_204, %select_n3A_203 : i32
    %select_n3A_214 = arith.select %and3A_212, %add3A_213, %rem3A_204 : i32
    %add3A_215 = arith.addi %mul3A_198, %select_n3A_214 : i32
    %mul3A_216 = arith.constant 128 : i32
    %mul3A_217 = arith.muli %mul3A_216, %add3A_215 : i32
    %jit3A_218 = arith.constant 128 : i32
    %div3A_219 = arith.divsi %squeeze3A_172, %jit3A_218 : i32
    %sign3A_220 = arith.constant 0 : i32
    %sign3A_221 = arith.cmpi sgt, %squeeze3A_172, %sign3A_220 : i32
    %sign3A_222 = arith.extui %sign3A_221 : i1 to i32
    %sign3A_223 = arith.constant 0 : i32
    %sign3A_224 = arith.cmpi slt, %squeeze3A_172, %sign3A_223 : i32
    %sign3A_225 = arith.extui %sign3A_224 : i1 to i32
    %sign3A_226 = arith.subi %sign3A_222, %sign3A_225 : i32
    %sign3A_227 = arith.constant 0 : i32
    %sign3A_228 = arith.cmpi sgt, %jit3A_218, %sign3A_227 : i32
    %sign3A_229 = arith.extui %sign3A_228 : i1 to i32
    %sign3A_230 = arith.constant 0 : i32
    %sign3A_231 = arith.cmpi slt, %jit3A_218, %sign3A_230 : i32
    %sign3A_232 = arith.extui %sign3A_231 : i1 to i32
    %sign3A_233 = arith.subi %sign3A_229, %sign3A_232 : i32
    %ne3A_234 = arith.cmpi ne, %sign3A_226, %sign3A_233 : i32
    %rem3A_235 = arith.remsi %squeeze3A_172, %jit3A_218 : i32
    %ne3A_236 = arith.constant 0 : i32
    %ne3A_237 = arith.cmpi ne, %rem3A_235, %ne3A_236 : i32
    %and3A_238 = arith.andi %ne3A_234, %ne3A_237 : i1
    %sub3A_239 = arith.constant 1 : i32
    %sub3A_240 = arith.subi %div3A_219, %sub3A_239 : i32
    %select_n3A_241 = arith.select %and3A_238, %sub3A_240, %div3A_219 : i32
    %jit3A_242 = arith.constant 16 : i32
    %eq3A_243 = arith.constant 0 : i32
    %eq3A_244 = arith.cmpi eq, %jit3A_242, %eq3A_243 : i32
    %jit3A_245 = arith.constant 1 : i32
    %select_n3A_246 = arith.select %eq3A_244, %jit3A_245, %jit3A_242 : i32
    %rem3A_247 = arith.remsi %select_n3A_241, %select_n3A_246 : i32
    %ne3A_248 = arith.constant 0 : i32
    %ne3A_249 = arith.cmpi ne, %rem3A_247, %ne3A_248 : i32
    %lt3A_250 = arith.constant 0 : i32
    %lt3A_251 = arith.cmpi slt, %rem3A_247, %lt3A_250 : i32
    %lt3A_252 = arith.constant 0 : i32
    %lt3A_253 = arith.cmpi slt, %select_n3A_246, %lt3A_252 : i32
    %ne3A_254 = arith.xori %lt3A_251, %lt3A_253 : i1
    %and3A_255 = arith.andi %ne3A_254, %ne3A_249 : i1
    %add3A_256 = arith.addi %rem3A_247, %select_n3A_246 : i32
    %select_n3A_257 = arith.select %and3A_255, %add3A_256, %rem3A_247 : i32
    %mul3A_258 = arith.constant 8 : i32
    %mul3A_259 = arith.muli %mul3A_258, %select_n3A_257 : i32
    %add3A_260 = arith.addi %mul3A_217, %mul3A_259 : i32
    %multiple_of3A_261 = tpu.assume_multiple %add3A_260, 8 : i32
    "tpu.region"() ({
      %run_scoped3A = tpu.sem_alloc : memref<!tpu.dma_semaphore, #tpu.memory_space<semaphore_mem>>
      %dma_start3A = arith.constant 16 : i32
      %dma_start3A_2906 = tpu.memref_slice %arg6[%dma_start3A] : memref<256xf32, #tpu.memory_space<vmem>> -> memref<8xf32, #tpu.memory_space<vmem>>
      %dma_start3A_2907 = tpu.memref_slice %arg3[%multiple_of3A_261] : memref<802816xf32, #tpu.memory_space<hbm>> -> memref<8xf32, #tpu.memory_space<hbm>>
      %dma_start3A_2908 = arith.constant 16 : i32
      %dma_start3A_2909 = tpu.memref_slice %arg6[%dma_start3A_2908] : memref<256xf32, #tpu.memory_space<vmem>> -> memref<8xf32, #tpu.memory_space<vmem>>
      %dma_start3A_2910 = tpu.memref_slice %arg3[%multiple_of3A_261] : memref<802816xf32, #tpu.memory_space<hbm>> -> memref<8xf32, #tpu.memory_space<hbm>>
      tpu.enqueue_dma source(%dma_start3A_2910 : memref<8xf32, #tpu.memory_space<hbm>>) target(%dma_start3A_2909 : memref<8xf32, #tpu.memory_space<vmem>>) target_semaphore(%run_scoped3A : memref<!tpu.dma_semaphore, #tpu.memory_space<semaphore_mem>>)
      %dma_wait3A = arith.constant 16 : i32
      %dma_wait3A_2911 = tpu.memref_slice %arg6[%dma_wait3A] : memref<256xf32, #tpu.memory_space<vmem>> -> memref<8xf32, #tpu.memory_space<vmem>>
      %dma_wait3A_2912 = tpu.memref_slice %arg3[%multiple_of3A_261] : memref<802816xf32, #tpu.memory_space<hbm>> -> memref<8xf32, #tpu.memory_space<hbm>>
      %dma_wait3A_2913 = arith.constant 16 : i32
      %dma_wait3A_2914 = tpu.memref_slice %arg6[%dma_wait3A_2913] : memref<256xf32, #tpu.memory_space<vmem>> -> memref<8xf32, #tpu.memory_space<vmem>>
      %dma_wait3A_2915 = tpu.memref_slice %arg3[%multiple_of3A_261] : memref<802816xf32, #tpu.memory_space<hbm>> -> memref<8xf32, #tpu.memory_space<hbm>>
      tpu.wait_dma2 semaphore(%run_scoped3A : memref<!tpu.dma_semaphore, #tpu.memory_space<semaphore_mem>>) src(%dma_wait3A_2915 : memref<8xf32, #tpu.memory_space<hbm>>) dst(%dma_wait3A_2914 : memref<8xf32, #tpu.memory_space<vmem>>)
      tpu.yield
    }) : () -> ()
    %slice3A_262 = vector.extract_strided_slice %get3A_2 {offsets = [3], sizes = [1], strides = [1]} : vector<16xi32> to vector<1xi32>
    %squeeze3A_263 = vector.extract %slice3A_262[0] : i32 from vector<1xi32>
    %jit3A_264 = arith.constant 2048 : i32
    %div3A_265 = arith.divsi %squeeze3A_263, %jit3A_264 : i32
    %sign3A_266 = arith.constant 0 : i32
    %sign3A_267 = arith.cmpi sgt, %squeeze3A_263, %sign3A_266 : i32
    %sign3A_268 = arith.extui %sign3A_267 : i1 to i32
    %sign3A_269 = arith.constant 0 : i32
    %sign3A_270 = arith.cmpi slt, %squeeze3A_263, %sign3A_269 : i32
    %sign3A_271 = arith.extui %sign3A_270 : i1 to i32
    %sign3A_272 = arith.subi %sign3A_268, %sign3A_271 : i32
    %sign3A_273 = arith.constant 0 : i32
    %sign3A_274 = arith.cmpi sgt, %jit3A_264, %sign3A_273 : i32
    %sign3A_275 = arith.extui %sign3A_274 : i1 to i32
    %sign3A_276 = arith.constant 0 : i32
    %sign3A_277 = arith.cmpi slt, %jit3A_264, %sign3A_276 : i32
    %sign3A_278 = arith.extui %sign3A_277 : i1 to i32
    %sign3A_279 = arith.subi %sign3A_275, %sign3A_278 : i32
    %ne3A_280 = arith.cmpi ne, %sign3A_272, %sign3A_279 : i32
    %rem3A_281 = arith.remsi %squeeze3A_263, %jit3A_264 : i32
    %ne3A_282 = arith.constant 0 : i32
    %ne3A_283 = arith.cmpi ne, %rem3A_281, %ne3A_282 : i32
    %and3A_284 = arith.andi %ne3A_280, %ne3A_283 : i1
    %sub3A_285 = arith.constant 1 : i32
    %sub3A_286 = arith.subi %div3A_265, %sub3A_285 : i32
    %select_n3A_287 = arith.select %and3A_284, %sub3A_286, %div3A_265 : i32
    %mul3A_288 = arith.constant 128 : i32
    %mul3A_289 = arith.muli %mul3A_288, %select_n3A_287 : i32
    %jit3A_290 = arith.constant 128 : i32
    %eq3A_291 = arith.constant 0 : i32
    %eq3A_292 = arith.cmpi eq, %jit3A_290, %eq3A_291 : i32
    %jit3A_293 = arith.constant 1 : i32
    %select_n3A_294 = arith.select %eq3A_292, %jit3A_293, %jit3A_290 : i32
    %rem3A_295 = arith.remsi %squeeze3A_263, %select_n3A_294 : i32
    %ne3A_296 = arith.constant 0 : i32
    %ne3A_297 = arith.cmpi ne, %rem3A_295, %ne3A_296 : i32
    %lt3A_298 = arith.constant 0 : i32
    %lt3A_299 = arith.cmpi slt, %rem3A_295, %lt3A_298 : i32
    %lt3A_300 = arith.constant 0 : i32
    %lt3A_301 = arith.cmpi slt, %select_n3A_294, %lt3A_300 : i32
    %ne3A_302 = arith.xori %lt3A_299, %lt3A_301 : i1
    %and3A_303 = arith.andi %ne3A_302, %ne3A_297 : i1
    %add3A_304 = arith.addi %rem3A_295, %select_n3A_294 : i32
    %select_n3A_305 = arith.select %and3A_303, %add3A_304, %rem3A_295 : i32
    %add3A_306 = arith.addi %mul3A_289, %select_n3A_305 : i32
    %mul3A_307 = arith.constant 128 : i32
    %mul3A_308 = arith.muli %mul3A_307, %add3A_306 : i32
    %jit3A_309 = arith.constant 128 : i32
    %div3A_310 = arith.divsi %squeeze3A_263, %jit3A_309 : i32
    %sign3A_311 = arith.constant 0 : i32
    %sign3A_312 = arith.cmpi sgt, %squeeze3A_263, %sign3A_311 : i32
    %sign3A_313 = arith.extui %sign3A_312 : i1 to i32
    %sign3A_314 = arith.constant 0 : i32
    %sign3A_315 = arith.cmpi slt, %squeeze3A_263, %sign3A_314 : i32
    %sign3A_316 = arith.extui %sign3A_315 : i1 to i32
    %sign3A_317 = arith.subi %sign3A_313, %sign3A_316 : i32
    %sign3A_318 = arith.constant 0 : i32
    %sign3A_319 = arith.cmpi sgt, %jit3A_309, %sign3A_318 : i32
    %sign3A_320 = arith.extui %sign3A_319 : i1 to i32
    %sign3A_321 = arith.constant 0 : i32
    %sign3A_322 = arith.cmpi slt, %jit3A_309, %sign3A_321 : i32
    %sign3A_323 = arith.extui %sign3A_322 : i1 to i32
    %sign3A_324 = arith.subi %sign3A_320, %sign3A_323 : i32
    %ne3A_325 = arith.cmpi ne, %sign3A_317, %sign3A_324 : i32
    %rem3A_326 = arith.remsi %squeeze3A_263, %jit3A_309 : i32
    %ne3A_327 = arith.constant 0 : i32
    %ne3A_328 = arith.cmpi ne, %rem3A_326, %ne3A_327 : i32
    %and3A_329 = arith.andi %ne3A_325, %ne3A_328 : i1
    %sub3A_330 = arith.constant 1 : i32
    %sub3A_331 = arith.subi %div3A_310, %sub3A_330 : i32
    %select_n3A_332 = arith.select %and3A_329, %sub3A_331, %div3A_310 : i32
    %jit3A_333 = arith.constant 16 : i32
    %eq3A_334 = arith.constant 0 : i32
    %eq3A_335 = arith.cmpi eq, %jit3A_333, %eq3A_334 : i32
    %jit3A_336 = arith.constant 1 : i32
    %select_n3A_337 = arith.select %eq3A_335, %jit3A_336, %jit3A_333 : i32
    %rem3A_338 = arith.remsi %select_n3A_332, %select_n3A_337 : i32
    %ne3A_339 = arith.constant 0 : i32
    %ne3A_340 = arith.cmpi ne, %rem3A_338, %ne3A_339 : i32
    %lt3A_341 = arith.constant 0 : i32
    %lt3A_342 = arith.cmpi slt, %rem3A_338, %lt3A_341 : i32
    %lt3A_343 = arith.constant 0 : i32
    %lt3A_344 = arith.cmpi slt, %select_n3A_337, %lt3A_343 : i32
    %ne3A_345 = arith.xori %lt3A_342, %lt3A_344 : i1
    %and3A_346 = arith.andi %ne3A_345, %ne3A_340 : i1
    %add3A_347 = arith.addi %rem3A_338, %select_n3A_337 : i32
    %select_n3A_348 = arith.select %and3A_346, %add3A_347, %rem3A_338 : i32
    %mul3A_349 = arith.constant 8 : i32
    %mul3A_350 = arith.muli %mul3A_349, %select_n3A_348 : i32
    %add3A_351 = arith.addi %mul3A_308, %mul3A_350 : i32
    %multiple_of3A_352 = tpu.assume_multiple %add3A_351, 8 : i32
    "tpu.region"() ({
      %run_scoped3A = tpu.sem_alloc : memref<!tpu.dma_semaphore, #tpu.memory_space<semaphore_mem>>
      %dma_start3A = arith.constant 24 : i32
      %dma_start3A_2906 = tpu.memref_slice %arg6[%dma_start3A] : memref<256xf32, #tpu.memory_space<vmem>> -> memref<8xf32, #tpu.memory_space<vmem>>
      %dma_start3A_2907 = tpu.memref_slice %arg3[%multiple_of3A_352] : memref<802816xf32, #tpu.memory_space<hbm>> -> memref<8xf32, #tpu.memory_space<hbm>>
      %dma_start3A_2908 = arith.constant 24 : i32
      %dma_start3A_2909 = tpu.memref_slice %arg6[%dma_start3A_2908] : memref<256xf32, #tpu.memory_space<vmem>> -> memref<8xf32, #tpu.memory_space<vmem>>
      %dma_start3A_2910 = tpu.memref_slice %arg3[%multiple_of3A_352] : memref<802816xf32, #tpu.memory_space<hbm>> -> memref<8xf32, #tpu.memory_space<hbm>>
      tpu.enqueue_dma source(%dma_start3A_2910 : memref<8xf32, #tpu.memory_space<hbm>>) target(%dma_start3A_2909 : memref<8xf32, #tpu.memory_space<vmem>>) target_semaphore(%run_scoped3A : memref<!tpu.dma_semaphore, #tpu.memory_space<semaphore_mem>>)
      %dma_wait3A = arith.constant 24 : i32
      %dma_wait3A_2911 = tpu.memref_slice %arg6[%dma_wait3A] : memref<256xf32, #tpu.memory_space<vmem>> -> memref<8xf32, #tpu.memory_space<vmem>>
      %dma_wait3A_2912 = tpu.memref_slice %arg3[%multiple_of3A_352] : memref<802816xf32, #tpu.memory_space<hbm>> -> memref<8xf32, #tpu.memory_space<hbm>>
      %dma_wait3A_2913 = arith.constant 24 : i32
      %dma_wait3A_2914 = tpu.memref_slice %arg6[%dma_wait3A_2913] : memref<256xf32, #tpu.memory_space<vmem>> -> memref<8xf32, #tpu.memory_space<vmem>>
      %dma_wait3A_2915 = tpu.memref_slice %arg3[%multiple_of3A_352] : memref<802816xf32, #tpu.memory_space<hbm>> -> memref<8xf32, #tpu.memory_space<hbm>>
      tpu.wait_dma2 semaphore(%run_scoped3A : memref<!tpu.dma_semaphore, #tpu.memory_space<semaphore_mem>>) src(%dma_wait3A_2915 : memref<8xf32, #tpu.memory_space<hbm>>) dst(%dma_wait3A_2914 : memref<8xf32, #tpu.memory_space<vmem>>)
      tpu.yield
    }) : () -> ()
    %slice3A_353 = vector.extract_strided_slice %get3A_2 {offsets = [4], sizes = [1], strides = [1]} : vector<16xi32> to vector<1xi32>
    %squeeze3A_354 = vector.extract %slice3A_353[0] : i32 from vector<1xi32>
    %jit3A_355 = arith.constant 2048 : i32
    %div3A_356 = arith.divsi %squeeze3A_354, %jit3A_355 : i32
    %sign3A_357 = arith.constant 0 : i32
    %sign3A_358 = arith.cmpi sgt, %squeeze3A_354, %sign3A_357 : i32
    %sign3A_359 = arith.extui %sign3A_358 : i1 to i32
    %sign3A_360 = arith.constant 0 : i32
    %sign3A_361 = arith.cmpi slt, %squeeze3A_354, %sign3A_360 : i32
    %sign3A_362 = arith.extui %sign3A_361 : i1 to i32
    %sign3A_363 = arith.subi %sign3A_359, %sign3A_362 : i32
    %sign3A_364 = arith.constant 0 : i32
    %sign3A_365 = arith.cmpi sgt, %jit3A_355, %sign3A_364 : i32
    %sign3A_366 = arith.extui %sign3A_365 : i1 to i32
    %sign3A_367 = arith.constant 0 : i32
    %sign3A_368 = arith.cmpi slt, %jit3A_355, %sign3A_367 : i32
    %sign3A_369 = arith.extui %sign3A_368 : i1 to i32
    %sign3A_370 = arith.subi %sign3A_366, %sign3A_369 : i32
    %ne3A_371 = arith.cmpi ne, %sign3A_363, %sign3A_370 : i32
    %rem3A_372 = arith.remsi %squeeze3A_354, %jit3A_355 : i32
    %ne3A_373 = arith.constant 0 : i32
    %ne3A_374 = arith.cmpi ne, %rem3A_372, %ne3A_373 : i32
    %and3A_375 = arith.andi %ne3A_371, %ne3A_374 : i1
    %sub3A_376 = arith.constant 1 : i32
    %sub3A_377 = arith.subi %div3A_356, %sub3A_376 : i32
    %select_n3A_378 = arith.select %and3A_375, %sub3A_377, %div3A_356 : i32
    %mul3A_379 = arith.constant 128 : i32
    %mul3A_380 = arith.muli %mul3A_379, %select_n3A_378 : i32
    %jit3A_381 = arith.constant 128 : i32
    %eq3A_382 = arith.constant 0 : i32
    %eq3A_383 = arith.cmpi eq, %jit3A_381, %eq3A_382 : i32
    %jit3A_384 = arith.constant 1 : i32
    %select_n3A_385 = arith.select %eq3A_383, %jit3A_384, %jit3A_381 : i32
    %rem3A_386 = arith.remsi %squeeze3A_354, %select_n3A_385 : i32
    %ne3A_387 = arith.constant 0 : i32
    %ne3A_388 = arith.cmpi ne, %rem3A_386, %ne3A_387 : i32
    %lt3A_389 = arith.constant 0 : i32
    %lt3A_390 = arith.cmpi slt, %rem3A_386, %lt3A_389 : i32
    %lt3A_391 = arith.constant 0 : i32
    %lt3A_392 = arith.cmpi slt, %select_n3A_385, %lt3A_391 : i32
    %ne3A_393 = arith.xori %lt3A_390, %lt3A_392 : i1
    %and3A_394 = arith.andi %ne3A_393, %ne3A_388 : i1
    %add3A_395 = arith.addi %rem3A_386, %select_n3A_385 : i32
    %select_n3A_396 = arith.select %and3A_394, %add3A_395, %rem3A_386 : i32
    %add3A_397 = arith.addi %mul3A_380, %select_n3A_396 : i32
    %mul3A_398 = arith.constant 128 : i32
    %mul3A_399 = arith.muli %mul3A_398, %add3A_397 : i32
    %jit3A_400 = arith.constant 128 : i32
    %div3A_401 = arith.divsi %squeeze3A_354, %jit3A_400 : i32
    %sign3A_402 = arith.constant 0 : i32
    %sign3A_403 = arith.cmpi sgt, %squeeze3A_354, %sign3A_402 : i32
    %sign3A_404 = arith.extui %sign3A_403 : i1 to i32
    %sign3A_405 = arith.constant 0 : i32
    %sign3A_406 = arith.cmpi slt, %squeeze3A_354, %sign3A_405 : i32
    %sign3A_407 = arith.extui %sign3A_406 : i1 to i32
    %sign3A_408 = arith.subi %sign3A_404, %sign3A_407 : i32
    %sign3A_409 = arith.constant 0 : i32
    %sign3A_410 = arith.cmpi sgt, %jit3A_400, %sign3A_409 : i32
    %sign3A_411 = arith.extui %sign3A_410 : i1 to i32
    %sign3A_412 = arith.constant 0 : i32
    %sign3A_413 = arith.cmpi slt, %jit3A_400, %sign3A_412 : i32
    %sign3A_414 = arith.extui %sign3A_413 : i1 to i32
    %sign3A_415 = arith.subi %sign3A_411, %sign3A_414 : i32
    %ne3A_416 = arith.cmpi ne, %sign3A_408, %sign3A_415 : i32
    %rem3A_417 = arith.remsi %squeeze3A_354, %jit3A_400 : i32
    %ne3A_418 = arith.constant 0 : i32
    %ne3A_419 = arith.cmpi ne, %rem3A_417, %ne3A_418 : i32
    %and3A_420 = arith.andi %ne3A_416, %ne3A_419 : i1
    %sub3A_421 = arith.constant 1 : i32
    %sub3A_422 = arith.subi %div3A_401, %sub3A_421 : i32
    %select_n3A_423 = arith.select %and3A_420, %sub3A_422, %div3A_401 : i32
    %jit3A_424 = arith.constant 16 : i32
    %eq3A_425 = arith.constant 0 : i32
    %eq3A_426 = arith.cmpi eq, %jit3A_424, %eq3A_425 : i32
    %jit3A_427 = arith.constant 1 : i32
    %select_n3A_428 = arith.select %eq3A_426, %jit3A_427, %jit3A_424 : i32
    %rem3A_429 = arith.remsi %select_n3A_423, %select_n3A_428 : i32
    %ne3A_430 = arith.constant 0 : i32
    %ne3A_431 = arith.cmpi ne, %rem3A_429, %ne3A_430 : i32
    %lt3A_432 = arith.constant 0 : i32
    %lt3A_433 = arith.cmpi slt, %rem3A_429, %lt3A_432 : i32
    %lt3A_434 = arith.constant 0 : i32
    %lt3A_435 = arith.cmpi slt, %select_n3A_428, %lt3A_434 : i32
    %ne3A_436 = arith.xori %lt3A_433, %lt3A_435 : i1
    %and3A_437 = arith.andi %ne3A_436, %ne3A_431 : i1
    %add3A_438 = arith.addi %rem3A_429, %select_n3A_428 : i32
    %select_n3A_439 = arith.select %and3A_437, %add3A_438, %rem3A_429 : i32
    %mul3A_440 = arith.constant 8 : i32
    %mul3A_441 = arith.muli %mul3A_440, %select_n3A_439 : i32
    %add3A_442 = arith.addi %mul3A_399, %mul3A_441 : i32
    %multiple_of3A_443 = tpu.assume_multiple %add3A_442, 8 : i32
    "tpu.region"() ({
      %run_scoped3A = tpu.sem_alloc : memref<!tpu.dma_semaphore, #tpu.memory_space<semaphore_mem>>
      %dma_start3A = arith.constant 32 : i32
      %dma_start3A_2906 = tpu.memref_slice %arg6[%dma_start3A] : memref<256xf32, #tpu.memory_space<vmem>> -> memref<8xf32, #tpu.memory_space<vmem>>
      %dma_start3A_2907 = tpu.memref_slice %arg3[%multiple_of3A_443] : memref<802816xf32, #tpu.memory_space<hbm>> -> memref<8xf32, #tpu.memory_space<hbm>>
      %dma_start3A_2908 = arith.constant 32 : i32
      %dma_start3A_2909 = tpu.memref_slice %arg6[%dma_start3A_2908] : memref<256xf32, #tpu.memory_space<vmem>> -> memref<8xf32, #tpu.memory_space<vmem>>
      %dma_start3A_2910 = tpu.memref_slice %arg3[%multiple_of3A_443] : memref<802816xf32, #tpu.memory_space<hbm>> -> memref<8xf32, #tpu.memory_space<hbm>>
      tpu.enqueue_dma source(%dma_start3A_2910 : memref<8xf32, #tpu.memory_space<hbm>>) target(%dma_start3A_2909 : memref<8xf32, #tpu.memory_space<vmem>>) target_semaphore(%run_scoped3A : memref<!tpu.dma_semaphore, #tpu.memory_space<semaphore_mem>>)
      %dma_wait3A = arith.constant 32 : i32
      %dma_wait3A_2911 = tpu.memref_slice %arg6[%dma_wait3A] : memref<256xf32, #tpu.memory_space<vmem>> -> memref<8xf32, #tpu.memory_space<vmem>>
      %dma_wait3A_2912 = tpu.memref_slice %arg3[%multiple_of3A_443] : memref<802816xf32, #tpu.memory_space<hbm>> -> memref<8xf32, #tpu.memory_space<hbm>>
      %dma_wait3A_2913 = arith.constant 32 : i32
      %dma_wait3A_2914 = tpu.memref_slice %arg6[%dma_wait3A_2913] : memref<256xf32, #tpu.memory_space<vmem>> -> memref<8xf32, #tpu.memory_space<vmem>>
      %dma_wait3A_2915 = tpu.memref_slice %arg3[%multiple_of3A_443] : memref<802816xf32, #tpu.memory_space<hbm>> -> memref<8xf32, #tpu.memory_space<hbm>>
      tpu.wait_dma2 semaphore(%run_scoped3A : memref<!tpu.dma_semaphore, #tpu.memory_space<semaphore_mem>>) src(%dma_wait3A_2915 : memref<8xf32, #tpu.memory_space<hbm>>) dst(%dma_wait3A_2914 : memref<8xf32, #tpu.memory_space<vmem>>)
      tpu.yield
    }) : () -> ()
    %slice3A_444 = vector.extract_strided_slice %get3A_2 {offsets = [5], sizes = [1], strides = [1]} : vector<16xi32> to vector<1xi32>
    %squeeze3A_445 = vector.extract %slice3A_444[0] : i32 from vector<1xi32>
    %jit3A_446 = arith.constant 2048 : i32
    %div3A_447 = arith.divsi %squeeze3A_445, %jit3A_446 : i32
    %sign3A_448 = arith.constant 0 : i32
    %sign3A_449 = arith.cmpi sgt, %squeeze3A_445, %sign3A_448 : i32
    %sign3A_450 = arith.extui %sign3A_449 : i1 to i32
    %sign3A_451 = arith.constant 0 : i32
    %sign3A_452 = arith.cmpi slt, %squeeze3A_445, %sign3A_451 : i32
    %sign3A_453 = arith.extui %sign3A_452 : i1 to i32
    %sign3A_454 = arith.subi %sign3A_450, %sign3A_453 : i32
    %sign3A_455 = arith.constant 0 : i32
    %sign3A_456 = arith.cmpi sgt, %jit3A_446, %sign3A_455 : i32
    %sign3A_457 = arith.extui %sign3A_456 : i1 to i32
    %sign3A_458 = arith.constant 0 : i32
    %sign3A_459 = arith.cmpi slt, %jit3A_446, %sign3A_458 : i32
    %sign3A_460 = arith.extui %sign3A_459 : i1 to i32
    %sign3A_461 = arith.subi %sign3A_457, %sign3A_460 : i32
    %ne3A_462 = arith.cmpi ne, %sign3A_454, %sign3A_461 : i32
    %rem3A_463 = arith.remsi %squeeze3A_445, %jit3A_446 : i32
    %ne3A_464 = arith.constant 0 : i32
    %ne3A_465 = arith.cmpi ne, %rem3A_463, %ne3A_464 : i32
    %and3A_466 = arith.andi %ne3A_462, %ne3A_465 : i1
    %sub3A_467 = arith.constant 1 : i32
    %sub3A_468 = arith.subi %div3A_447, %sub3A_467 : i32
    %select_n3A_469 = arith.select %and3A_466, %sub3A_468, %div3A_447 : i32
    %mul3A_470 = arith.constant 128 : i32
    %mul3A_471 = arith.muli %mul3A_470, %select_n3A_469 : i32
    %jit3A_472 = arith.constant 128 : i32
    %eq3A_473 = arith.constant 0 : i32
    %eq3A_474 = arith.cmpi eq, %jit3A_472, %eq3A_473 : i32
    %jit3A_475 = arith.constant 1 : i32
    %select_n3A_476 = arith.select %eq3A_474, %jit3A_475, %jit3A_472 : i32
    %rem3A_477 = arith.remsi %squeeze3A_445, %select_n3A_476 : i32
    %ne3A_478 = arith.constant 0 : i32
    %ne3A_479 = arith.cmpi ne, %rem3A_477, %ne3A_478 : i32
    %lt3A_480 = arith.constant 0 : i32
    %lt3A_481 = arith.cmpi slt, %rem3A_477, %lt3A_480 : i32
    %lt3A_482 = arith.constant 0 : i32
    %lt3A_483 = arith.cmpi slt, %select_n3A_476, %lt3A_482 : i32
    %ne3A_484 = arith.xori %lt3A_481, %lt3A_483 : i1
    %and3A_485 = arith.andi %ne3A_484, %ne3A_479 : i1
    %add3A_486 = arith.addi %rem3A_477, %select_n3A_476 : i32
    %select_n3A_487 = arith.select %and3A_485, %add3A_486, %rem3A_477 : i32
    %add3A_488 = arith.addi %mul3A_471, %select_n3A_487 : i32
    %mul3A_489 = arith.constant 128 : i32
    %mul3A_490 = arith.muli %mul3A_489, %add3A_488 : i32
    %jit3A_491 = arith.constant 128 : i32
    %div3A_492 = arith.divsi %squeeze3A_445, %jit3A_491 : i32
    %sign3A_493 = arith.constant 0 : i32
    %sign3A_494 = arith.cmpi sgt, %squeeze3A_445, %sign3A_493 : i32
    %sign3A_495 = arith.extui %sign3A_494 : i1 to i32
    %sign3A_496 = arith.constant 0 : i32
    %sign3A_497 = arith.cmpi slt, %squeeze3A_445, %sign3A_496 : i32
    %sign3A_498 = arith.extui %sign3A_497 : i1 to i32
    %sign3A_499 = arith.subi %sign3A_495, %sign3A_498 : i32
    %sign3A_500 = arith.constant 0 : i32
    %sign3A_501 = arith.cmpi sgt, %jit3A_491, %sign3A_500 : i32
    %sign3A_502 = arith.extui %sign3A_501 : i1 to i32
    %sign3A_503 = arith.constant 0 : i32
    %sign3A_504 = arith.cmpi slt, %jit3A_491, %sign3A_503 : i32
    %sign3A_505 = arith.extui %sign3A_504 : i1 to i32
    %sign3A_506 = arith.subi %sign3A_502, %sign3A_505 : i32
    %ne3A_507 = arith.cmpi ne, %sign3A_499, %sign3A_506 : i32
    %rem3A_508 = arith.remsi %squeeze3A_445, %jit3A_491 : i32
    %ne3A_509 = arith.constant 0 : i32
    %ne3A_510 = arith.cmpi ne, %rem3A_508, %ne3A_509 : i32
    %and3A_511 = arith.andi %ne3A_507, %ne3A_510 : i1
    %sub3A_512 = arith.constant 1 : i32
    %sub3A_513 = arith.subi %div3A_492, %sub3A_512 : i32
    %select_n3A_514 = arith.select %and3A_511, %sub3A_513, %div3A_492 : i32
    %jit3A_515 = arith.constant 16 : i32
    %eq3A_516 = arith.constant 0 : i32
    %eq3A_517 = arith.cmpi eq, %jit3A_515, %eq3A_516 : i32
    %jit3A_518 = arith.constant 1 : i32
    %select_n3A_519 = arith.select %eq3A_517, %jit3A_518, %jit3A_515 : i32
    %rem3A_520 = arith.remsi %select_n3A_514, %select_n3A_519 : i32
    %ne3A_521 = arith.constant 0 : i32
    %ne3A_522 = arith.cmpi ne, %rem3A_520, %ne3A_521 : i32
    %lt3A_523 = arith.constant 0 : i32
    %lt3A_524 = arith.cmpi slt, %rem3A_520, %lt3A_523 : i32
    %lt3A_525 = arith.constant 0 : i32
    %lt3A_526 = arith.cmpi slt, %select_n3A_519, %lt3A_525 : i32
    %ne3A_527 = arith.xori %lt3A_524, %lt3A_526 : i1
    %and3A_528 = arith.andi %ne3A_527, %ne3A_522 : i1
    %add3A_529 = arith.addi %rem3A_520, %select_n3A_519 : i32
    %select_n3A_530 = arith.select %and3A_528, %add3A_529, %rem3A_520 : i32
    %mul3A_531 = arith.constant 8 : i32
    %mul3A_532 = arith.muli %mul3A_531, %select_n3A_530 : i32
    %add3A_533 = arith.addi %mul3A_490, %mul3A_532 : i32
    %multiple_of3A_534 = tpu.assume_multiple %add3A_533, 8 : i32
    "tpu.region"() ({
      %run_scoped3A = tpu.sem_alloc : memref<!tpu.dma_semaphore, #tpu.memory_space<semaphore_mem>>
      %dma_start3A = arith.constant 40 : i32
      %dma_start3A_2906 = tpu.memref_slice %arg6[%dma_start3A] : memref<256xf32, #tpu.memory_space<vmem>> -> memref<8xf32, #tpu.memory_space<vmem>>
      %dma_start3A_2907 = tpu.memref_slice %arg3[%multiple_of3A_534] : memref<802816xf32, #tpu.memory_space<hbm>> -> memref<8xf32, #tpu.memory_space<hbm>>
      %dma_start3A_2908 = arith.constant 40 : i32
      %dma_start3A_2909 = tpu.memref_slice %arg6[%dma_start3A_2908] : memref<256xf32, #tpu.memory_space<vmem>> -> memref<8xf32, #tpu.memory_space<vmem>>
      %dma_start3A_2910 = tpu.memref_slice %arg3[%multiple_of3A_534] : memref<802816xf32, #tpu.memory_space<hbm>> -> memref<8xf32, #tpu.memory_space<hbm>>
      tpu.enqueue_dma source(%dma_start3A_2910 : memref<8xf32, #tpu.memory_space<hbm>>) target(%dma_start3A_2909 : memref<8xf32, #tpu.memory_space<vmem>>) target_semaphore(%run_scoped3A : memref<!tpu.dma_semaphore, #tpu.memory_space<semaphore_mem>>)
      %dma_wait3A = arith.constant 40 : i32
      %dma_wait3A_2911 = tpu.memref_slice %arg6[%dma_wait3A] : memref<256xf32, #tpu.memory_space<vmem>> -> memref<8xf32, #tpu.memory_space<vmem>>
      %dma_wait3A_2912 = tpu.memref_slice %arg3[%multiple_of3A_534] : memref<802816xf32, #tpu.memory_space<hbm>> -> memref<8xf32, #tpu.memory_space<hbm>>
      %dma_wait3A_2913 = arith.constant 40 : i32
      %dma_wait3A_2914 = tpu.memref_slice %arg6[%dma_wait3A_2913] : memref<256xf32, #tpu.memory_space<vmem>> -> memref<8xf32, #tpu.memory_space<vmem>>
      %dma_wait3A_2915 = tpu.memref_slice %arg3[%multiple_of3A_534] : memref<802816xf32, #tpu.memory_space<hbm>> -> memref<8xf32, #tpu.memory_space<hbm>>
      tpu.wait_dma2 semaphore(%run_scoped3A : memref<!tpu.dma_semaphore, #tpu.memory_space<semaphore_mem>>) src(%dma_wait3A_2915 : memref<8xf32, #tpu.memory_space<hbm>>) dst(%dma_wait3A_2914 : memref<8xf32, #tpu.memory_space<vmem>>)
      tpu.yield
    }) : () -> ()
    %slice3A_535 = vector.extract_strided_slice %get3A_2 {offsets = [6], sizes = [1], strides = [1]} : vector<16xi32> to vector<1xi32>
    %squeeze3A_536 = vector.extract %slice3A_535[0] : i32 from vector<1xi32>
    %jit3A_537 = arith.constant 2048 : i32
    %div3A_538 = arith.divsi %squeeze3A_536, %jit3A_537 : i32
    %sign3A_539 = arith.constant 0 : i32
    %sign3A_540 = arith.cmpi sgt, %squeeze3A_536, %sign3A_539 : i32
    %sign3A_541 = arith.extui %sign3A_540 : i1 to i32
    %sign3A_542 = arith.constant 0 : i32
    %sign3A_543 = arith.cmpi slt, %squeeze3A_536, %sign3A_542 : i32
    %sign3A_544 = arith.extui %sign3A_543 : i1 to i32
    %sign3A_545 = arith.subi %sign3A_541, %sign3A_544 : i32
    %sign3A_546 = arith.constant 0 : i32
    %sign3A_547 = arith.cmpi sgt, %jit3A_537, %sign3A_546 : i32
    %sign3A_548 = arith.extui %sign3A_547 : i1 to i32
    %sign3A_549 = arith.constant 0 : i32
    %sign3A_550 = arith.cmpi slt, %jit3A_537, %sign3A_549 : i32
    %sign3A_551 = arith.extui %sign3A_550 : i1 to i32
    %sign3A_552 = arith.subi %sign3A_548, %sign3A_551 : i32
    %ne3A_553 = arith.cmpi ne, %sign3A_545, %sign3A_552 : i32
    %rem3A_554 = arith.remsi %squeeze3A_536, %jit3A_537 : i32
    %ne3A_555 = arith.constant 0 : i32
    %ne3A_556 = arith.cmpi ne, %rem3A_554, %ne3A_555 : i32
    %and3A_557 = arith.andi %ne3A_553, %ne3A_556 : i1
    %sub3A_558 = arith.constant 1 : i32
    %sub3A_559 = arith.subi %div3A_538, %sub3A_558 : i32
    %select_n3A_560 = arith.select %and3A_557, %sub3A_559, %div3A_538 : i32
    %mul3A_561 = arith.constant 128 : i32
    %mul3A_562 = arith.muli %mul3A_561, %select_n3A_560 : i32
    %jit3A_563 = arith.constant 128 : i32
    %eq3A_564 = arith.constant 0 : i32
    %eq3A_565 = arith.cmpi eq, %jit3A_563, %eq3A_564 : i32
    %jit3A_566 = arith.constant 1 : i32
    %select_n3A_567 = arith.select %eq3A_565, %jit3A_566, %jit3A_563 : i32
    %rem3A_568 = arith.remsi %squeeze3A_536, %select_n3A_567 : i32
    %ne3A_569 = arith.constant 0 : i32
    %ne3A_570 = arith.cmpi ne, %rem3A_568, %ne3A_569 : i32
    %lt3A_571 = arith.constant 0 : i32
    %lt3A_572 = arith.cmpi slt, %rem3A_568, %lt3A_571 : i32
    %lt3A_573 = arith.constant 0 : i32
    %lt3A_574 = arith.cmpi slt, %select_n3A_567, %lt3A_573 : i32
    %ne3A_575 = arith.xori %lt3A_572, %lt3A_574 : i1
    %and3A_576 = arith.andi %ne3A_575, %ne3A_570 : i1
    %add3A_577 = arith.addi %rem3A_568, %select_n3A_567 : i32
    %select_n3A_578 = arith.select %and3A_576, %add3A_577, %rem3A_568 : i32
    %add3A_579 = arith.addi %mul3A_562, %select_n3A_578 : i32
    %mul3A_580 = arith.constant 128 : i32
    %mul3A_581 = arith.muli %mul3A_580, %add3A_579 : i32
    %jit3A_582 = arith.constant 128 : i32
    %div3A_583 = arith.divsi %squeeze3A_536, %jit3A_582 : i32
    %sign3A_584 = arith.constant 0 : i32
    %sign3A_585 = arith.cmpi sgt, %squeeze3A_536, %sign3A_584 : i32
    %sign3A_586 = arith.extui %sign3A_585 : i1 to i32
    %sign3A_587 = arith.constant 0 : i32
    %sign3A_588 = arith.cmpi slt, %squeeze3A_536, %sign3A_587 : i32
    %sign3A_589 = arith.extui %sign3A_588 : i1 to i32
    %sign3A_590 = arith.subi %sign3A_586, %sign3A_589 : i32
    %sign3A_591 = arith.constant 0 : i32
    %sign3A_592 = arith.cmpi sgt, %jit3A_582, %sign3A_591 : i32
    %sign3A_593 = arith.extui %sign3A_592 : i1 to i32
    %sign3A_594 = arith.constant 0 : i32
    %sign3A_595 = arith.cmpi slt, %jit3A_582, %sign3A_594 : i32
    %sign3A_596 = arith.extui %sign3A_595 : i1 to i32
    %sign3A_597 = arith.subi %sign3A_593, %sign3A_596 : i32
    %ne3A_598 = arith.cmpi ne, %sign3A_590, %sign3A_597 : i32
    %rem3A_599 = arith.remsi %squeeze3A_536, %jit3A_582 : i32
    %ne3A_600 = arith.constant 0 : i32
    %ne3A_601 = arith.cmpi ne, %rem3A_599, %ne3A_600 : i32
    %and3A_602 = arith.andi %ne3A_598, %ne3A_601 : i1
    %sub3A_603 = arith.constant 1 : i32
    %sub3A_604 = arith.subi %div3A_583, %sub3A_603 : i32
    %select_n3A_605 = arith.select %and3A_602, %sub3A_604, %div3A_583 : i32
    %jit3A_606 = arith.constant 16 : i32
    %eq3A_607 = arith.constant 0 : i32
    %eq3A_608 = arith.cmpi eq, %jit3A_606, %eq3A_607 : i32
    %jit3A_609 = arith.constant 1 : i32
    %select_n3A_610 = arith.select %eq3A_608, %jit3A_609, %jit3A_606 : i32
    %rem3A_611 = arith.remsi %select_n3A_605, %select_n3A_610 : i32
    %ne3A_612 = arith.constant 0 : i32
    %ne3A_613 = arith.cmpi ne, %rem3A_611, %ne3A_612 : i32
    %lt3A_614 = arith.constant 0 : i32
    %lt3A_615 = arith.cmpi slt, %rem3A_611, %lt3A_614 : i32
    %lt3A_616 = arith.constant 0 : i32
    %lt3A_617 = arith.cmpi slt, %select_n3A_610, %lt3A_616 : i32
    %ne3A_618 = arith.xori %lt3A_615, %lt3A_617 : i1
    %and3A_619 = arith.andi %ne3A_618, %ne3A_613 : i1
    %add3A_620 = arith.addi %rem3A_611, %select_n3A_610 : i32
    %select_n3A_621 = arith.select %and3A_619, %add3A_620, %rem3A_611 : i32
    %mul3A_622 = arith.constant 8 : i32
    %mul3A_623 = arith.muli %mul3A_622, %select_n3A_621 : i32
    %add3A_624 = arith.addi %mul3A_581, %mul3A_623 : i32
    %multiple_of3A_625 = tpu.assume_multiple %add3A_624, 8 : i32
    "tpu.region"() ({
      %run_scoped3A = tpu.sem_alloc : memref<!tpu.dma_semaphore, #tpu.memory_space<semaphore_mem>>
      %dma_start3A = arith.constant 48 : i32
      %dma_start3A_2906 = tpu.memref_slice %arg6[%dma_start3A] : memref<256xf32, #tpu.memory_space<vmem>> -> memref<8xf32, #tpu.memory_space<vmem>>
      %dma_start3A_2907 = tpu.memref_slice %arg3[%multiple_of3A_625] : memref<802816xf32, #tpu.memory_space<hbm>> -> memref<8xf32, #tpu.memory_space<hbm>>
      %dma_start3A_2908 = arith.constant 48 : i32
      %dma_start3A_2909 = tpu.memref_slice %arg6[%dma_start3A_2908] : memref<256xf32, #tpu.memory_space<vmem>> -> memref<8xf32, #tpu.memory_space<vmem>>
      %dma_start3A_2910 = tpu.memref_slice %arg3[%multiple_of3A_625] : memref<802816xf32, #tpu.memory_space<hbm>> -> memref<8xf32, #tpu.memory_space<hbm>>
      tpu.enqueue_dma source(%dma_start3A_2910 : memref<8xf32, #tpu.memory_space<hbm>>) target(%dma_start3A_2909 : memref<8xf32, #tpu.memory_space<vmem>>) target_semaphore(%run_scoped3A : memref<!tpu.dma_semaphore, #tpu.memory_space<semaphore_mem>>)
      %dma_wait3A = arith.constant 48 : i32
      %dma_wait3A_2911 = tpu.memref_slice %arg6[%dma_wait3A] : memref<256xf32, #tpu.memory_space<vmem>> -> memref<8xf32, #tpu.memory_space<vmem>>
      %dma_wait3A_2912 = tpu.memref_slice %arg3[%multiple_of3A_625] : memref<802816xf32, #tpu.memory_space<hbm>> -> memref<8xf32, #tpu.memory_space<hbm>>
      %dma_wait3A_2913 = arith.constant 48 : i32
      %dma_wait3A_2914 = tpu.memref_slice %arg6[%dma_wait3A_2913] : memref<256xf32, #tpu.memory_space<vmem>> -> memref<8xf32, #tpu.memory_space<vmem>>
      %dma_wait3A_2915 = tpu.memref_slice %arg3[%multiple_of3A_625] : memref<802816xf32, #tpu.memory_space<hbm>> -> memref<8xf32, #tpu.memory_space<hbm>>
      tpu.wait_dma2 semaphore(%run_scoped3A : memref<!tpu.dma_semaphore, #tpu.memory_space<semaphore_mem>>) src(%dma_wait3A_2915 : memref<8xf32, #tpu.memory_space<hbm>>) dst(%dma_wait3A_2914 : memref<8xf32, #tpu.memory_space<vmem>>)
      tpu.yield
    }) : () -> ()
    %slice3A_626 = vector.extract_strided_slice %get3A_2 {offsets = [7], sizes = [1], strides = [1]} : vector<16xi32> to vector<1xi32>
    %squeeze3A_627 = vector.extract %slice3A_626[0] : i32 from vector<1xi32>
    %jit3A_628 = arith.constant 2048 : i32
    %div3A_629 = arith.divsi %squeeze3A_627, %jit3A_628 : i32
    %sign3A_630 = arith.constant 0 : i32
    %sign3A_631 = arith.cmpi sgt, %squeeze3A_627, %sign3A_630 : i32
    %sign3A_632 = arith.extui %sign3A_631 : i1 to i32
    %sign3A_633 = arith.constant 0 : i32
    %sign3A_634 = arith.cmpi slt, %squeeze3A_627, %sign3A_633 : i32
    %sign3A_635 = arith.extui %sign3A_634 : i1 to i32
    %sign3A_636 = arith.subi %sign3A_632, %sign3A_635 : i32
    %sign3A_637 = arith.constant 0 : i32
    %sign3A_638 = arith.cmpi sgt, %jit3A_628, %sign3A_637 : i32
    %sign3A_639 = arith.extui %sign3A_638 : i1 to i32
    %sign3A_640 = arith.constant 0 : i32
    %sign3A_641 = arith.cmpi slt, %jit3A_628, %sign3A_640 : i32
    %sign3A_642 = arith.extui %sign3A_641 : i1 to i32
    %sign3A_643 = arith.subi %sign3A_639, %sign3A_642 : i32
    %ne3A_644 = arith.cmpi ne, %sign3A_636, %sign3A_643 : i32
    %rem3A_645 = arith.remsi %squeeze3A_627, %jit3A_628 : i32
    %ne3A_646 = arith.constant 0 : i32
    %ne3A_647 = arith.cmpi ne, %rem3A_645, %ne3A_646 : i32
    %and3A_648 = arith.andi %ne3A_644, %ne3A_647 : i1
    %sub3A_649 = arith.constant 1 : i32
    %sub3A_650 = arith.subi %div3A_629, %sub3A_649 : i32
    %select_n3A_651 = arith.select %and3A_648, %sub3A_650, %div3A_629 : i32
    %mul3A_652 = arith.constant 128 : i32
    %mul3A_653 = arith.muli %mul3A_652, %select_n3A_651 : i32
    %jit3A_654 = arith.constant 128 : i32
    %eq3A_655 = arith.constant 0 : i32
    %eq3A_656 = arith.cmpi eq, %jit3A_654, %eq3A_655 : i32
    %jit3A_657 = arith.constant 1 : i32
    %select_n3A_658 = arith.select %eq3A_656, %jit3A_657, %jit3A_654 : i32
    %rem3A_659 = arith.remsi %squeeze3A_627, %select_n3A_658 : i32
    %ne3A_660 = arith.constant 0 : i32
    %ne3A_661 = arith.cmpi ne, %rem3A_659, %ne3A_660 : i32
    %lt3A_662 = arith.constant 0 : i32
    %lt3A_663 = arith.cmpi slt, %rem3A_659, %lt3A_662 : i32
    %lt3A_664 = arith.constant 0 : i32
    %lt3A_665 = arith.cmpi slt, %select_n3A_658, %lt3A_664 : i32
    %ne3A_666 = arith.xori %lt3A_663, %lt3A_665 : i1
    %and3A_667 = arith.andi %ne3A_666, %ne3A_661 : i1
    %add3A_668 = arith.addi %rem3A_659, %select_n3A_658 : i32
    %select_n3A_669 = arith.select %and3A_667, %add3A_668, %rem3A_659 : i32
    %add3A_670 = arith.addi %mul3A_653, %select_n3A_669 : i32
    %mul3A_671 = arith.constant 128 : i32
    %mul3A_672 = arith.muli %mul3A_671, %add3A_670 : i32
    %jit3A_673 = arith.constant 128 : i32
    %div3A_674 = arith.divsi %squeeze3A_627, %jit3A_673 : i32
    %sign3A_675 = arith.constant 0 : i32
    %sign3A_676 = arith.cmpi sgt, %squeeze3A_627, %sign3A_675 : i32
    %sign3A_677 = arith.extui %sign3A_676 : i1 to i32
    %sign3A_678 = arith.constant 0 : i32
    %sign3A_679 = arith.cmpi slt, %squeeze3A_627, %sign3A_678 : i32
    %sign3A_680 = arith.extui %sign3A_679 : i1 to i32
    %sign3A_681 = arith.subi %sign3A_677, %sign3A_680 : i32
    %sign3A_682 = arith.constant 0 : i32
    %sign3A_683 = arith.cmpi sgt, %jit3A_673, %sign3A_682 : i32
    %sign3A_684 = arith.extui %sign3A_683 : i1 to i32
    %sign3A_685 = arith.constant 0 : i32
    %sign3A_686 = arith.cmpi slt, %jit3A_673, %sign3A_685 : i32
    %sign3A_687 = arith.extui %sign3A_686 : i1 to i32
    %sign3A_688 = arith.subi %sign3A_684, %sign3A_687 : i32
    %ne3A_689 = arith.cmpi ne, %sign3A_681, %sign3A_688 : i32
    %rem3A_690 = arith.remsi %squeeze3A_627, %jit3A_673 : i32
    %ne3A_691 = arith.constant 0 : i32
    %ne3A_692 = arith.cmpi ne, %rem3A_690, %ne3A_691 : i32
    %and3A_693 = arith.andi %ne3A_689, %ne3A_692 : i1
    %sub3A_694 = arith.constant 1 : i32
    %sub3A_695 = arith.subi %div3A_674, %sub3A_694 : i32
    %select_n3A_696 = arith.select %and3A_693, %sub3A_695, %div3A_674 : i32
    %jit3A_697 = arith.constant 16 : i32
    %eq3A_698 = arith.constant 0 : i32
    %eq3A_699 = arith.cmpi eq, %jit3A_697, %eq3A_698 : i32
    %jit3A_700 = arith.constant 1 : i32
    %select_n3A_701 = arith.select %eq3A_699, %jit3A_700, %jit3A_697 : i32
    %rem3A_702 = arith.remsi %select_n3A_696, %select_n3A_701 : i32
    %ne3A_703 = arith.constant 0 : i32
    %ne3A_704 = arith.cmpi ne, %rem3A_702, %ne3A_703 : i32
    %lt3A_705 = arith.constant 0 : i32
    %lt3A_706 = arith.cmpi slt, %rem3A_702, %lt3A_705 : i32
    %lt3A_707 = arith.constant 0 : i32
    %lt3A_708 = arith.cmpi slt, %select_n3A_701, %lt3A_707 : i32
    %ne3A_709 = arith.xori %lt3A_706, %lt3A_708 : i1
    %and3A_710 = arith.andi %ne3A_709, %ne3A_704 : i1
    %add3A_711 = arith.addi %rem3A_702, %select_n3A_701 : i32
    %select_n3A_712 = arith.select %and3A_710, %add3A_711, %rem3A_702 : i32
    %mul3A_713 = arith.constant 8 : i32
    %mul3A_714 = arith.muli %mul3A_713, %select_n3A_712 : i32
    %add3A_715 = arith.addi %mul3A_672, %mul3A_714 : i32
    %multiple_of3A_716 = tpu.assume_multiple %add3A_715, 8 : i32
    "tpu.region"() ({
      %run_scoped3A = tpu.sem_alloc : memref<!tpu.dma_semaphore, #tpu.memory_space<semaphore_mem>>
      %dma_start3A = arith.constant 56 : i32
      %dma_start3A_2906 = tpu.memref_slice %arg6[%dma_start3A] : memref<256xf32, #tpu.memory_space<vmem>> -> memref<8xf32, #tpu.memory_space<vmem>>
      %dma_start3A_2907 = tpu.memref_slice %arg3[%multiple_of3A_716] : memref<802816xf32, #tpu.memory_space<hbm>> -> memref<8xf32, #tpu.memory_space<hbm>>
      %dma_start3A_2908 = arith.constant 56 : i32
      %dma_start3A_2909 = tpu.memref_slice %arg6[%dma_start3A_2908] : memref<256xf32, #tpu.memory_space<vmem>> -> memref<8xf32, #tpu.memory_space<vmem>>
      %dma_start3A_2910 = tpu.memref_slice %arg3[%multiple_of3A_716] : memref<802816xf32, #tpu.memory_space<hbm>> -> memref<8xf32, #tpu.memory_space<hbm>>
      tpu.enqueue_dma source(%dma_start3A_2910 : memref<8xf32, #tpu.memory_space<hbm>>) target(%dma_start3A_2909 : memref<8xf32, #tpu.memory_space<vmem>>) target_semaphore(%run_scoped3A : memref<!tpu.dma_semaphore, #tpu.memory_space<semaphore_mem>>)
      %dma_wait3A = arith.constant 56 : i32
      %dma_wait3A_2911 = tpu.memref_slice %arg6[%dma_wait3A] : memref<256xf32, #tpu.memory_space<vmem>> -> memref<8xf32, #tpu.memory_space<vmem>>
      %dma_wait3A_2912 = tpu.memref_slice %arg3[%multiple_of3A_716] : memref<802816xf32, #tpu.memory_space<hbm>> -> memref<8xf32, #tpu.memory_space<hbm>>
      %dma_wait3A_2913 = arith.constant 56 : i32
      %dma_wait3A_2914 = tpu.memref_slice %arg6[%dma_wait3A_2913] : memref<256xf32, #tpu.memory_space<vmem>> -> memref<8xf32, #tpu.memory_space<vmem>>
      %dma_wait3A_2915 = tpu.memref_slice %arg3[%multiple_of3A_716] : memref<802816xf32, #tpu.memory_space<hbm>> -> memref<8xf32, #tpu.memory_space<hbm>>
      tpu.wait_dma2 semaphore(%run_scoped3A : memref<!tpu.dma_semaphore, #tpu.memory_space<semaphore_mem>>) src(%dma_wait3A_2915 : memref<8xf32, #tpu.memory_space<hbm>>) dst(%dma_wait3A_2914 : memref<8xf32, #tpu.memory_space<vmem>>)
      tpu.yield
    }) : () -> ()
    %slice3A_717 = vector.extract_strided_slice %get3A_2 {offsets = [8], sizes = [1], strides = [1]} : vector<16xi32> to vector<1xi32>
    %squeeze3A_718 = vector.extract %slice3A_717[0] : i32 from vector<1xi32>
    %jit3A_719 = arith.constant 2048 : i32
    %div3A_720 = arith.divsi %squeeze3A_718, %jit3A_719 : i32
    %sign3A_721 = arith.constant 0 : i32
    %sign3A_722 = arith.cmpi sgt, %squeeze3A_718, %sign3A_721 : i32
    %sign3A_723 = arith.extui %sign3A_722 : i1 to i32
    %sign3A_724 = arith.constant 0 : i32
    %sign3A_725 = arith.cmpi slt, %squeeze3A_718, %sign3A_724 : i32
    %sign3A_726 = arith.extui %sign3A_725 : i1 to i32
    %sign3A_727 = arith.subi %sign3A_723, %sign3A_726 : i32
    %sign3A_728 = arith.constant 0 : i32
    %sign3A_729 = arith.cmpi sgt, %jit3A_719, %sign3A_728 : i32
    %sign3A_730 = arith.extui %sign3A_729 : i1 to i32
    %sign3A_731 = arith.constant 0 : i32
    %sign3A_732 = arith.cmpi slt, %jit3A_719, %sign3A_731 : i32
    %sign3A_733 = arith.extui %sign3A_732 : i1 to i32
    %sign3A_734 = arith.subi %sign3A_730, %sign3A_733 : i32
    %ne3A_735 = arith.cmpi ne, %sign3A_727, %sign3A_734 : i32
    %rem3A_736 = arith.remsi %squeeze3A_718, %jit3A_719 : i32
    %ne3A_737 = arith.constant 0 : i32
    %ne3A_738 = arith.cmpi ne, %rem3A_736, %ne3A_737 : i32
    %and3A_739 = arith.andi %ne3A_735, %ne3A_738 : i1
    %sub3A_740 = arith.constant 1 : i32
    %sub3A_741 = arith.subi %div3A_720, %sub3A_740 : i32
    %select_n3A_742 = arith.select %and3A_739, %sub3A_741, %div3A_720 : i32
    %mul3A_743 = arith.constant 128 : i32
    %mul3A_744 = arith.muli %mul3A_743, %select_n3A_742 : i32
    %jit3A_745 = arith.constant 128 : i32
    %eq3A_746 = arith.constant 0 : i32
    %eq3A_747 = arith.cmpi eq, %jit3A_745, %eq3A_746 : i32
    %jit3A_748 = arith.constant 1 : i32
    %select_n3A_749 = arith.select %eq3A_747, %jit3A_748, %jit3A_745 : i32
    %rem3A_750 = arith.remsi %squeeze3A_718, %select_n3A_749 : i32
    %ne3A_751 = arith.constant 0 : i32
    %ne3A_752 = arith.cmpi ne, %rem3A_750, %ne3A_751 : i32
    %lt3A_753 = arith.constant 0 : i32
    %lt3A_754 = arith.cmpi slt, %rem3A_750, %lt3A_753 : i32
    %lt3A_755 = arith.constant 0 : i32
    %lt3A_756 = arith.cmpi slt, %select_n3A_749, %lt3A_755 : i32
    %ne3A_757 = arith.xori %lt3A_754, %lt3A_756 : i1
    %and3A_758 = arith.andi %ne3A_757, %ne3A_752 : i1
    %add3A_759 = arith.addi %rem3A_750, %select_n3A_749 : i32
    %select_n3A_760 = arith.select %and3A_758, %add3A_759, %rem3A_750 : i32
    %add3A_761 = arith.addi %mul3A_744, %select_n3A_760 : i32
    %mul3A_762 = arith.constant 128 : i32
    %mul3A_763 = arith.muli %mul3A_762, %add3A_761 : i32
    %jit3A_764 = arith.constant 128 : i32
    %div3A_765 = arith.divsi %squeeze3A_718, %jit3A_764 : i32
    %sign3A_766 = arith.constant 0 : i32
    %sign3A_767 = arith.cmpi sgt, %squeeze3A_718, %sign3A_766 : i32
    %sign3A_768 = arith.extui %sign3A_767 : i1 to i32
    %sign3A_769 = arith.constant 0 : i32
    %sign3A_770 = arith.cmpi slt, %squeeze3A_718, %sign3A_769 : i32
    %sign3A_771 = arith.extui %sign3A_770 : i1 to i32
    %sign3A_772 = arith.subi %sign3A_768, %sign3A_771 : i32
    %sign3A_773 = arith.constant 0 : i32
    %sign3A_774 = arith.cmpi sgt, %jit3A_764, %sign3A_773 : i32
    %sign3A_775 = arith.extui %sign3A_774 : i1 to i32
    %sign3A_776 = arith.constant 0 : i32
    %sign3A_777 = arith.cmpi slt, %jit3A_764, %sign3A_776 : i32
    %sign3A_778 = arith.extui %sign3A_777 : i1 to i32
    %sign3A_779 = arith.subi %sign3A_775, %sign3A_778 : i32
    %ne3A_780 = arith.cmpi ne, %sign3A_772, %sign3A_779 : i32
    %rem3A_781 = arith.remsi %squeeze3A_718, %jit3A_764 : i32
    %ne3A_782 = arith.constant 0 : i32
    %ne3A_783 = arith.cmpi ne, %rem3A_781, %ne3A_782 : i32
    %and3A_784 = arith.andi %ne3A_780, %ne3A_783 : i1
    %sub3A_785 = arith.constant 1 : i32
    %sub3A_786 = arith.subi %div3A_765, %sub3A_785 : i32
    %select_n3A_787 = arith.select %and3A_784, %sub3A_786, %div3A_765 : i32
    %jit3A_788 = arith.constant 16 : i32
    %eq3A_789 = arith.constant 0 : i32
    %eq3A_790 = arith.cmpi eq, %jit3A_788, %eq3A_789 : i32
    %jit3A_791 = arith.constant 1 : i32
    %select_n3A_792 = arith.select %eq3A_790, %jit3A_791, %jit3A_788 : i32
    %rem3A_793 = arith.remsi %select_n3A_787, %select_n3A_792 : i32
    %ne3A_794 = arith.constant 0 : i32
    %ne3A_795 = arith.cmpi ne, %rem3A_793, %ne3A_794 : i32
    %lt3A_796 = arith.constant 0 : i32
    %lt3A_797 = arith.cmpi slt, %rem3A_793, %lt3A_796 : i32
    %lt3A_798 = arith.constant 0 : i32
    %lt3A_799 = arith.cmpi slt, %select_n3A_792, %lt3A_798 : i32
    %ne3A_800 = arith.xori %lt3A_797, %lt3A_799 : i1
    %and3A_801 = arith.andi %ne3A_800, %ne3A_795 : i1
    %add3A_802 = arith.addi %rem3A_793, %select_n3A_792 : i32
    %select_n3A_803 = arith.select %and3A_801, %add3A_802, %rem3A_793 : i32
    %mul3A_804 = arith.constant 8 : i32
    %mul3A_805 = arith.muli %mul3A_804, %select_n3A_803 : i32
    %add3A_806 = arith.addi %mul3A_763, %mul3A_805 : i32
    %multiple_of3A_807 = tpu.assume_multiple %add3A_806, 8 : i32
    "tpu.region"() ({
      %run_scoped3A = tpu.sem_alloc : memref<!tpu.dma_semaphore, #tpu.memory_space<semaphore_mem>>
      %dma_start3A = arith.constant 64 : i32
      %dma_start3A_2906 = tpu.memref_slice %arg6[%dma_start3A] : memref<256xf32, #tpu.memory_space<vmem>> -> memref<8xf32, #tpu.memory_space<vmem>>
      %dma_start3A_2907 = tpu.memref_slice %arg3[%multiple_of3A_807] : memref<802816xf32, #tpu.memory_space<hbm>> -> memref<8xf32, #tpu.memory_space<hbm>>
      %dma_start3A_2908 = arith.constant 64 : i32
      %dma_start3A_2909 = tpu.memref_slice %arg6[%dma_start3A_2908] : memref<256xf32, #tpu.memory_space<vmem>> -> memref<8xf32, #tpu.memory_space<vmem>>
      %dma_start3A_2910 = tpu.memref_slice %arg3[%multiple_of3A_807] : memref<802816xf32, #tpu.memory_space<hbm>> -> memref<8xf32, #tpu.memory_space<hbm>>
      tpu.enqueue_dma source(%dma_start3A_2910 : memref<8xf32, #tpu.memory_space<hbm>>) target(%dma_start3A_2909 : memref<8xf32, #tpu.memory_space<vmem>>) target_semaphore(%run_scoped3A : memref<!tpu.dma_semaphore, #tpu.memory_space<semaphore_mem>>)
      %dma_wait3A = arith.constant 64 : i32
      %dma_wait3A_2911 = tpu.memref_slice %arg6[%dma_wait3A] : memref<256xf32, #tpu.memory_space<vmem>> -> memref<8xf32, #tpu.memory_space<vmem>>
      %dma_wait3A_2912 = tpu.memref_slice %arg3[%multiple_of3A_807] : memref<802816xf32, #tpu.memory_space<hbm>> -> memref<8xf32, #tpu.memory_space<hbm>>
      %dma_wait3A_2913 = arith.constant 64 : i32
      %dma_wait3A_2914 = tpu.memref_slice %arg6[%dma_wait3A_2913] : memref<256xf32, #tpu.memory_space<vmem>> -> memref<8xf32, #tpu.memory_space<vmem>>
      %dma_wait3A_2915 = tpu.memref_slice %arg3[%multiple_of3A_807] : memref<802816xf32, #tpu.memory_space<hbm>> -> memref<8xf32, #tpu.memory_space<hbm>>
      tpu.wait_dma2 semaphore(%run_scoped3A : memref<!tpu.dma_semaphore, #tpu.memory_space<semaphore_mem>>) src(%dma_wait3A_2915 : memref<8xf32, #tpu.memory_space<hbm>>) dst(%dma_wait3A_2914 : memref<8xf32, #tpu.memory_space<vmem>>)
      tpu.yield
    }) : () -> ()
    %slice3A_808 = vector.extract_strided_slice %get3A_2 {offsets = [9], sizes = [1], strides = [1]} : vector<16xi32> to vector<1xi32>
    %squeeze3A_809 = vector.extract %slice3A_808[0] : i32 from vector<1xi32>
    %jit3A_810 = arith.constant 2048 : i32
    %div3A_811 = arith.divsi %squeeze3A_809, %jit3A_810 : i32
    %sign3A_812 = arith.constant 0 : i32
    %sign3A_813 = arith.cmpi sgt, %squeeze3A_809, %sign3A_812 : i32
    %sign3A_814 = arith.extui %sign3A_813 : i1 to i32
    %sign3A_815 = arith.constant 0 : i32
    %sign3A_816 = arith.cmpi slt, %squeeze3A_809, %sign3A_815 : i32
    %sign3A_817 = arith.extui %sign3A_816 : i1 to i32
    %sign3A_818 = arith.subi %sign3A_814, %sign3A_817 : i32
    %sign3A_819 = arith.constant 0 : i32
    %sign3A_820 = arith.cmpi sgt, %jit3A_810, %sign3A_819 : i32
    %sign3A_821 = arith.extui %sign3A_820 : i1 to i32
    %sign3A_822 = arith.constant 0 : i32
    %sign3A_823 = arith.cmpi slt, %jit3A_810, %sign3A_822 : i32
    %sign3A_824 = arith.extui %sign3A_823 : i1 to i32
    %sign3A_825 = arith.subi %sign3A_821, %sign3A_824 : i32
    %ne3A_826 = arith.cmpi ne, %sign3A_818, %sign3A_825 : i32
    %rem3A_827 = arith.remsi %squeeze3A_809, %jit3A_810 : i32
    %ne3A_828 = arith.constant 0 : i32
    %ne3A_829 = arith.cmpi ne, %rem3A_827, %ne3A_828 : i32
    %and3A_830 = arith.andi %ne3A_826, %ne3A_829 : i1
    %sub3A_831 = arith.constant 1 : i32
    %sub3A_832 = arith.subi %div3A_811, %sub3A_831 : i32
    %select_n3A_833 = arith.select %and3A_830, %sub3A_832, %div3A_811 : i32
    %mul3A_834 = arith.constant 128 : i32
    %mul3A_835 = arith.muli %mul3A_834, %select_n3A_833 : i32
    %jit3A_836 = arith.constant 128 : i32
    %eq3A_837 = arith.constant 0 : i32
    %eq3A_838 = arith.cmpi eq, %jit3A_836, %eq3A_837 : i32
    %jit3A_839 = arith.constant 1 : i32
    %select_n3A_840 = arith.select %eq3A_838, %jit3A_839, %jit3A_836 : i32
    %rem3A_841 = arith.remsi %squeeze3A_809, %select_n3A_840 : i32
    %ne3A_842 = arith.constant 0 : i32
    %ne3A_843 = arith.cmpi ne, %rem3A_841, %ne3A_842 : i32
    %lt3A_844 = arith.constant 0 : i32
    %lt3A_845 = arith.cmpi slt, %rem3A_841, %lt3A_844 : i32
    %lt3A_846 = arith.constant 0 : i32
    %lt3A_847 = arith.cmpi slt, %select_n3A_840, %lt3A_846 : i32
    %ne3A_848 = arith.xori %lt3A_845, %lt3A_847 : i1
    %and3A_849 = arith.andi %ne3A_848, %ne3A_843 : i1
    %add3A_850 = arith.addi %rem3A_841, %select_n3A_840 : i32
    %select_n3A_851 = arith.select %and3A_849, %add3A_850, %rem3A_841 : i32
    %add3A_852 = arith.addi %mul3A_835, %select_n3A_851 : i32
    %mul3A_853 = arith.constant 128 : i32
    %mul3A_854 = arith.muli %mul3A_853, %add3A_852 : i32
    %jit3A_855 = arith.constant 128 : i32
    %div3A_856 = arith.divsi %squeeze3A_809, %jit3A_855 : i32
    %sign3A_857 = arith.constant 0 : i32
    %sign3A_858 = arith.cmpi sgt, %squeeze3A_809, %sign3A_857 : i32
    %sign3A_859 = arith.extui %sign3A_858 : i1 to i32
    %sign3A_860 = arith.constant 0 : i32
    %sign3A_861 = arith.cmpi slt, %squeeze3A_809, %sign3A_860 : i32
    %sign3A_862 = arith.extui %sign3A_861 : i1 to i32
    %sign3A_863 = arith.subi %sign3A_859, %sign3A_862 : i32
    %sign3A_864 = arith.constant 0 : i32
    %sign3A_865 = arith.cmpi sgt, %jit3A_855, %sign3A_864 : i32
    %sign3A_866 = arith.extui %sign3A_865 : i1 to i32
    %sign3A_867 = arith.constant 0 : i32
    %sign3A_868 = arith.cmpi slt, %jit3A_855, %sign3A_867 : i32
    %sign3A_869 = arith.extui %sign3A_868 : i1 to i32
    %sign3A_870 = arith.subi %sign3A_866, %sign3A_869 : i32
    %ne3A_871 = arith.cmpi ne, %sign3A_863, %sign3A_870 : i32
    %rem3A_872 = arith.remsi %squeeze3A_809, %jit3A_855 : i32
    %ne3A_873 = arith.constant 0 : i32
    %ne3A_874 = arith.cmpi ne, %rem3A_872, %ne3A_873 : i32
    %and3A_875 = arith.andi %ne3A_871, %ne3A_874 : i1
    %sub3A_876 = arith.constant 1 : i32
    %sub3A_877 = arith.subi %div3A_856, %sub3A_876 : i32
    %select_n3A_878 = arith.select %and3A_875, %sub3A_877, %div3A_856 : i32
    %jit3A_879 = arith.constant 16 : i32
    %eq3A_880 = arith.constant 0 : i32
    %eq3A_881 = arith.cmpi eq, %jit3A_879, %eq3A_880 : i32
    %jit3A_882 = arith.constant 1 : i32
    %select_n3A_883 = arith.select %eq3A_881, %jit3A_882, %jit3A_879 : i32
    %rem3A_884 = arith.remsi %select_n3A_878, %select_n3A_883 : i32
    %ne3A_885 = arith.constant 0 : i32
    %ne3A_886 = arith.cmpi ne, %rem3A_884, %ne3A_885 : i32
    %lt3A_887 = arith.constant 0 : i32
    %lt3A_888 = arith.cmpi slt, %rem3A_884, %lt3A_887 : i32
    %lt3A_889 = arith.constant 0 : i32
    %lt3A_890 = arith.cmpi slt, %select_n3A_883, %lt3A_889 : i32
    %ne3A_891 = arith.xori %lt3A_888, %lt3A_890 : i1
    %and3A_892 = arith.andi %ne3A_891, %ne3A_886 : i1
    %add3A_893 = arith.addi %rem3A_884, %select_n3A_883 : i32
    %select_n3A_894 = arith.select %and3A_892, %add3A_893, %rem3A_884 : i32
    %mul3A_895 = arith.constant 8 : i32
    %mul3A_896 = arith.muli %mul3A_895, %select_n3A_894 : i32
    %add3A_897 = arith.addi %mul3A_854, %mul3A_896 : i32
    %multiple_of3A_898 = tpu.assume_multiple %add3A_897, 8 : i32
    "tpu.region"() ({
      %run_scoped3A = tpu.sem_alloc : memref<!tpu.dma_semaphore, #tpu.memory_space<semaphore_mem>>
      %dma_start3A = arith.constant 72 : i32
      %dma_start3A_2906 = tpu.memref_slice %arg6[%dma_start3A] : memref<256xf32, #tpu.memory_space<vmem>> -> memref<8xf32, #tpu.memory_space<vmem>>
      %dma_start3A_2907 = tpu.memref_slice %arg3[%multiple_of3A_898] : memref<802816xf32, #tpu.memory_space<hbm>> -> memref<8xf32, #tpu.memory_space<hbm>>
      %dma_start3A_2908 = arith.constant 72 : i32
      %dma_start3A_2909 = tpu.memref_slice %arg6[%dma_start3A_2908] : memref<256xf32, #tpu.memory_space<vmem>> -> memref<8xf32, #tpu.memory_space<vmem>>
      %dma_start3A_2910 = tpu.memref_slice %arg3[%multiple_of3A_898] : memref<802816xf32, #tpu.memory_space<hbm>> -> memref<8xf32, #tpu.memory_space<hbm>>
      tpu.enqueue_dma source(%dma_start3A_2910 : memref<8xf32, #tpu.memory_space<hbm>>) target(%dma_start3A_2909 : memref<8xf32, #tpu.memory_space<vmem>>) target_semaphore(%run_scoped3A : memref<!tpu.dma_semaphore, #tpu.memory_space<semaphore_mem>>)
      %dma_wait3A = arith.constant 72 : i32
      %dma_wait3A_2911 = tpu.memref_slice %arg6[%dma_wait3A] : memref<256xf32, #tpu.memory_space<vmem>> -> memref<8xf32, #tpu.memory_space<vmem>>
      %dma_wait3A_2912 = tpu.memref_slice %arg3[%multiple_of3A_898] : memref<802816xf32, #tpu.memory_space<hbm>> -> memref<8xf32, #tpu.memory_space<hbm>>
      %dma_wait3A_2913 = arith.constant 72 : i32
      %dma_wait3A_2914 = tpu.memref_slice %arg6[%dma_wait3A_2913] : memref<256xf32, #tpu.memory_space<vmem>> -> memref<8xf32, #tpu.memory_space<vmem>>
      %dma_wait3A_2915 = tpu.memref_slice %arg3[%multiple_of3A_898] : memref<802816xf32, #tpu.memory_space<hbm>> -> memref<8xf32, #tpu.memory_space<hbm>>
      tpu.wait_dma2 semaphore(%run_scoped3A : memref<!tpu.dma_semaphore, #tpu.memory_space<semaphore_mem>>) src(%dma_wait3A_2915 : memref<8xf32, #tpu.memory_space<hbm>>) dst(%dma_wait3A_2914 : memref<8xf32, #tpu.memory_space<vmem>>)
      tpu.yield
    }) : () -> ()
    %slice3A_899 = vector.extract_strided_slice %get3A_2 {offsets = [10], sizes = [1], strides = [1]} : vector<16xi32> to vector<1xi32>
    %squeeze3A_900 = vector.extract %slice3A_899[0] : i32 from vector<1xi32>
    %jit3A_901 = arith.constant 2048 : i32
    %div3A_902 = arith.divsi %squeeze3A_900, %jit3A_901 : i32
    %sign3A_903 = arith.constant 0 : i32
    %sign3A_904 = arith.cmpi sgt, %squeeze3A_900, %sign3A_903 : i32
    %sign3A_905 = arith.extui %sign3A_904 : i1 to i32
    %sign3A_906 = arith.constant 0 : i32
    %sign3A_907 = arith.cmpi slt, %squeeze3A_900, %sign3A_906 : i32
    %sign3A_908 = arith.extui %sign3A_907 : i1 to i32
    %sign3A_909 = arith.subi %sign3A_905, %sign3A_908 : i32
    %sign3A_910 = arith.constant 0 : i32
    %sign3A_911 = arith.cmpi sgt, %jit3A_901, %sign3A_910 : i32
    %sign3A_912 = arith.extui %sign3A_911 : i1 to i32
    %sign3A_913 = arith.constant 0 : i32
    %sign3A_914 = arith.cmpi slt, %jit3A_901, %sign3A_913 : i32
    %sign3A_915 = arith.extui %sign3A_914 : i1 to i32
    %sign3A_916 = arith.subi %sign3A_912, %sign3A_915 : i32
    %ne3A_917 = arith.cmpi ne, %sign3A_909, %sign3A_916 : i32
    %rem3A_918 = arith.remsi %squeeze3A_900, %jit3A_901 : i32
    %ne3A_919 = arith.constant 0 : i32
    %ne3A_920 = arith.cmpi ne, %rem3A_918, %ne3A_919 : i32
    %and3A_921 = arith.andi %ne3A_917, %ne3A_920 : i1
    %sub3A_922 = arith.constant 1 : i32
    %sub3A_923 = arith.subi %div3A_902, %sub3A_922 : i32
    %select_n3A_924 = arith.select %and3A_921, %sub3A_923, %div3A_902 : i32
    %mul3A_925 = arith.constant 128 : i32
    %mul3A_926 = arith.muli %mul3A_925, %select_n3A_924 : i32
    %jit3A_927 = arith.constant 128 : i32
    %eq3A_928 = arith.constant 0 : i32
    %eq3A_929 = arith.cmpi eq, %jit3A_927, %eq3A_928 : i32
    %jit3A_930 = arith.constant 1 : i32
    %select_n3A_931 = arith.select %eq3A_929, %jit3A_930, %jit3A_927 : i32
    %rem3A_932 = arith.remsi %squeeze3A_900, %select_n3A_931 : i32
    %ne3A_933 = arith.constant 0 : i32
    %ne3A_934 = arith.cmpi ne, %rem3A_932, %ne3A_933 : i32
    %lt3A_935 = arith.constant 0 : i32
    %lt3A_936 = arith.cmpi slt, %rem3A_932, %lt3A_935 : i32
    %lt3A_937 = arith.constant 0 : i32
    %lt3A_938 = arith.cmpi slt, %select_n3A_931, %lt3A_937 : i32
    %ne3A_939 = arith.xori %lt3A_936, %lt3A_938 : i1
    %and3A_940 = arith.andi %ne3A_939, %ne3A_934 : i1
    %add3A_941 = arith.addi %rem3A_932, %select_n3A_931 : i32
    %select_n3A_942 = arith.select %and3A_940, %add3A_941, %rem3A_932 : i32
    %add3A_943 = arith.addi %mul3A_926, %select_n3A_942 : i32
    %mul3A_944 = arith.constant 128 : i32
    %mul3A_945 = arith.muli %mul3A_944, %add3A_943 : i32
    %jit3A_946 = arith.constant 128 : i32
    %div3A_947 = arith.divsi %squeeze3A_900, %jit3A_946 : i32
    %sign3A_948 = arith.constant 0 : i32
    %sign3A_949 = arith.cmpi sgt, %squeeze3A_900, %sign3A_948 : i32
    %sign3A_950 = arith.extui %sign3A_949 : i1 to i32
    %sign3A_951 = arith.constant 0 : i32
    %sign3A_952 = arith.cmpi slt, %squeeze3A_900, %sign3A_951 : i32
    %sign3A_953 = arith.extui %sign3A_952 : i1 to i32
    %sign3A_954 = arith.subi %sign3A_950, %sign3A_953 : i32
    %sign3A_955 = arith.constant 0 : i32
    %sign3A_956 = arith.cmpi sgt, %jit3A_946, %sign3A_955 : i32
    %sign3A_957 = arith.extui %sign3A_956 : i1 to i32
    %sign3A_958 = arith.constant 0 : i32
    %sign3A_959 = arith.cmpi slt, %jit3A_946, %sign3A_958 : i32
    %sign3A_960 = arith.extui %sign3A_959 : i1 to i32
    %sign3A_961 = arith.subi %sign3A_957, %sign3A_960 : i32
    %ne3A_962 = arith.cmpi ne, %sign3A_954, %sign3A_961 : i32
    %rem3A_963 = arith.remsi %squeeze3A_900, %jit3A_946 : i32
    %ne3A_964 = arith.constant 0 : i32
    %ne3A_965 = arith.cmpi ne, %rem3A_963, %ne3A_964 : i32
    %and3A_966 = arith.andi %ne3A_962, %ne3A_965 : i1
    %sub3A_967 = arith.constant 1 : i32
    %sub3A_968 = arith.subi %div3A_947, %sub3A_967 : i32
    %select_n3A_969 = arith.select %and3A_966, %sub3A_968, %div3A_947 : i32
    %jit3A_970 = arith.constant 16 : i32
    %eq3A_971 = arith.constant 0 : i32
    %eq3A_972 = arith.cmpi eq, %jit3A_970, %eq3A_971 : i32
    %jit3A_973 = arith.constant 1 : i32
    %select_n3A_974 = arith.select %eq3A_972, %jit3A_973, %jit3A_970 : i32
    %rem3A_975 = arith.remsi %select_n3A_969, %select_n3A_974 : i32
    %ne3A_976 = arith.constant 0 : i32
    %ne3A_977 = arith.cmpi ne, %rem3A_975, %ne3A_976 : i32
    %lt3A_978 = arith.constant 0 : i32
    %lt3A_979 = arith.cmpi slt, %rem3A_975, %lt3A_978 : i32
    %lt3A_980 = arith.constant 0 : i32
    %lt3A_981 = arith.cmpi slt, %select_n3A_974, %lt3A_980 : i32
    %ne3A_982 = arith.xori %lt3A_979, %lt3A_981 : i1
    %and3A_983 = arith.andi %ne3A_982, %ne3A_977 : i1
    %add3A_984 = arith.addi %rem3A_975, %select_n3A_974 : i32
    %select_n3A_985 = arith.select %and3A_983, %add3A_984, %rem3A_975 : i32
    %mul3A_986 = arith.constant 8 : i32
    %mul3A_987 = arith.muli %mul3A_986, %select_n3A_985 : i32
    %add3A_988 = arith.addi %mul3A_945, %mul3A_987 : i32
    %multiple_of3A_989 = tpu.assume_multiple %add3A_988, 8 : i32
    "tpu.region"() ({
      %run_scoped3A = tpu.sem_alloc : memref<!tpu.dma_semaphore, #tpu.memory_space<semaphore_mem>>
      %dma_start3A = arith.constant 80 : i32
      %dma_start3A_2906 = tpu.memref_slice %arg6[%dma_start3A] : memref<256xf32, #tpu.memory_space<vmem>> -> memref<8xf32, #tpu.memory_space<vmem>>
      %dma_start3A_2907 = tpu.memref_slice %arg3[%multiple_of3A_989] : memref<802816xf32, #tpu.memory_space<hbm>> -> memref<8xf32, #tpu.memory_space<hbm>>
      %dma_start3A_2908 = arith.constant 80 : i32
      %dma_start3A_2909 = tpu.memref_slice %arg6[%dma_start3A_2908] : memref<256xf32, #tpu.memory_space<vmem>> -> memref<8xf32, #tpu.memory_space<vmem>>
      %dma_start3A_2910 = tpu.memref_slice %arg3[%multiple_of3A_989] : memref<802816xf32, #tpu.memory_space<hbm>> -> memref<8xf32, #tpu.memory_space<hbm>>
      tpu.enqueue_dma source(%dma_start3A_2910 : memref<8xf32, #tpu.memory_space<hbm>>) target(%dma_start3A_2909 : memref<8xf32, #tpu.memory_space<vmem>>) target_semaphore(%run_scoped3A : memref<!tpu.dma_semaphore, #tpu.memory_space<semaphore_mem>>)
      %dma_wait3A = arith.constant 80 : i32
      %dma_wait3A_2911 = tpu.memref_slice %arg6[%dma_wait3A] : memref<256xf32, #tpu.memory_space<vmem>> -> memref<8xf32, #tpu.memory_space<vmem>>
      %dma_wait3A_2912 = tpu.memref_slice %arg3[%multiple_of3A_989] : memref<802816xf32, #tpu.memory_space<hbm>> -> memref<8xf32, #tpu.memory_space<hbm>>
      %dma_wait3A_2913 = arith.constant 80 : i32
      %dma_wait3A_2914 = tpu.memref_slice %arg6[%dma_wait3A_2913] : memref<256xf32, #tpu.memory_space<vmem>> -> memref<8xf32, #tpu.memory_space<vmem>>
      %dma_wait3A_2915 = tpu.memref_slice %arg3[%multiple_of3A_989] : memref<802816xf32, #tpu.memory_space<hbm>> -> memref<8xf32, #tpu.memory_space<hbm>>
      tpu.wait_dma2 semaphore(%run_scoped3A : memref<!tpu.dma_semaphore, #tpu.memory_space<semaphore_mem>>) src(%dma_wait3A_2915 : memref<8xf32, #tpu.memory_space<hbm>>) dst(%dma_wait3A_2914 : memref<8xf32, #tpu.memory_space<vmem>>)
      tpu.yield
    }) : () -> ()
    %slice3A_990 = vector.extract_strided_slice %get3A_2 {offsets = [11], sizes = [1], strides = [1]} : vector<16xi32> to vector<1xi32>
    %squeeze3A_991 = vector.extract %slice3A_990[0] : i32 from vector<1xi32>
    %jit3A_992 = arith.constant 2048 : i32
    %div3A_993 = arith.divsi %squeeze3A_991, %jit3A_992 : i32
    %sign3A_994 = arith.constant 0 : i32
    %sign3A_995 = arith.cmpi sgt, %squeeze3A_991, %sign3A_994 : i32
    %sign3A_996 = arith.extui %sign3A_995 : i1 to i32
    %sign3A_997 = arith.constant 0 : i32
    %sign3A_998 = arith.cmpi slt, %squeeze3A_991, %sign3A_997 : i32
    %sign3A_999 = arith.extui %sign3A_998 : i1 to i32
    %sign3A_1000 = arith.subi %sign3A_996, %sign3A_999 : i32
    %sign3A_1001 = arith.constant 0 : i32
    %sign3A_1002 = arith.cmpi sgt, %jit3A_992, %sign3A_1001 : i32
    %sign3A_1003 = arith.extui %sign3A_1002 : i1 to i32
    %sign3A_1004 = arith.constant 0 : i32
    %sign3A_1005 = arith.cmpi slt, %jit3A_992, %sign3A_1004 : i32
    %sign3A_1006 = arith.extui %sign3A_1005 : i1 to i32
    %sign3A_1007 = arith.subi %sign3A_1003, %sign3A_1006 : i32
    %ne3A_1008 = arith.cmpi ne, %sign3A_1000, %sign3A_1007 : i32
    %rem3A_1009 = arith.remsi %squeeze3A_991, %jit3A_992 : i32
    %ne3A_1010 = arith.constant 0 : i32
    %ne3A_1011 = arith.cmpi ne, %rem3A_1009, %ne3A_1010 : i32
    %and3A_1012 = arith.andi %ne3A_1008, %ne3A_1011 : i1
    %sub3A_1013 = arith.constant 1 : i32
    %sub3A_1014 = arith.subi %div3A_993, %sub3A_1013 : i32
    %select_n3A_1015 = arith.select %and3A_1012, %sub3A_1014, %div3A_993 : i32
    %mul3A_1016 = arith.constant 128 : i32
    %mul3A_1017 = arith.muli %mul3A_1016, %select_n3A_1015 : i32
    %jit3A_1018 = arith.constant 128 : i32
    %eq3A_1019 = arith.constant 0 : i32
    %eq3A_1020 = arith.cmpi eq, %jit3A_1018, %eq3A_1019 : i32
    %jit3A_1021 = arith.constant 1 : i32
    %select_n3A_1022 = arith.select %eq3A_1020, %jit3A_1021, %jit3A_1018 : i32
    %rem3A_1023 = arith.remsi %squeeze3A_991, %select_n3A_1022 : i32
    %ne3A_1024 = arith.constant 0 : i32
    %ne3A_1025 = arith.cmpi ne, %rem3A_1023, %ne3A_1024 : i32
    %lt3A_1026 = arith.constant 0 : i32
    %lt3A_1027 = arith.cmpi slt, %rem3A_1023, %lt3A_1026 : i32
    %lt3A_1028 = arith.constant 0 : i32
    %lt3A_1029 = arith.cmpi slt, %select_n3A_1022, %lt3A_1028 : i32
    %ne3A_1030 = arith.xori %lt3A_1027, %lt3A_1029 : i1
    %and3A_1031 = arith.andi %ne3A_1030, %ne3A_1025 : i1
    %add3A_1032 = arith.addi %rem3A_1023, %select_n3A_1022 : i32
    %select_n3A_1033 = arith.select %and3A_1031, %add3A_1032, %rem3A_1023 : i32
    %add3A_1034 = arith.addi %mul3A_1017, %select_n3A_1033 : i32
    %mul3A_1035 = arith.constant 128 : i32
    %mul3A_1036 = arith.muli %mul3A_1035, %add3A_1034 : i32
    %jit3A_1037 = arith.constant 128 : i32
    %div3A_1038 = arith.divsi %squeeze3A_991, %jit3A_1037 : i32
    %sign3A_1039 = arith.constant 0 : i32
    %sign3A_1040 = arith.cmpi sgt, %squeeze3A_991, %sign3A_1039 : i32
    %sign3A_1041 = arith.extui %sign3A_1040 : i1 to i32
    %sign3A_1042 = arith.constant 0 : i32
    %sign3A_1043 = arith.cmpi slt, %squeeze3A_991, %sign3A_1042 : i32
    %sign3A_1044 = arith.extui %sign3A_1043 : i1 to i32
    %sign3A_1045 = arith.subi %sign3A_1041, %sign3A_1044 : i32
    %sign3A_1046 = arith.constant 0 : i32
    %sign3A_1047 = arith.cmpi sgt, %jit3A_1037, %sign3A_1046 : i32
    %sign3A_1048 = arith.extui %sign3A_1047 : i1 to i32
    %sign3A_1049 = arith.constant 0 : i32
    %sign3A_1050 = arith.cmpi slt, %jit3A_1037, %sign3A_1049 : i32
    %sign3A_1051 = arith.extui %sign3A_1050 : i1 to i32
    %sign3A_1052 = arith.subi %sign3A_1048, %sign3A_1051 : i32
    %ne3A_1053 = arith.cmpi ne, %sign3A_1045, %sign3A_1052 : i32
    %rem3A_1054 = arith.remsi %squeeze3A_991, %jit3A_1037 : i32
    %ne3A_1055 = arith.constant 0 : i32
    %ne3A_1056 = arith.cmpi ne, %rem3A_1054, %ne3A_1055 : i32
    %and3A_1057 = arith.andi %ne3A_1053, %ne3A_1056 : i1
    %sub3A_1058 = arith.constant 1 : i32
    %sub3A_1059 = arith.subi %div3A_1038, %sub3A_1058 : i32
    %select_n3A_1060 = arith.select %and3A_1057, %sub3A_1059, %div3A_1038 : i32
    %jit3A_1061 = arith.constant 16 : i32
    %eq3A_1062 = arith.constant 0 : i32
    %eq3A_1063 = arith.cmpi eq, %jit3A_1061, %eq3A_1062 : i32
    %jit3A_1064 = arith.constant 1 : i32
    %select_n3A_1065 = arith.select %eq3A_1063, %jit3A_1064, %jit3A_1061 : i32
    %rem3A_1066 = arith.remsi %select_n3A_1060, %select_n3A_1065 : i32
    %ne3A_1067 = arith.constant 0 : i32
    %ne3A_1068 = arith.cmpi ne, %rem3A_1066, %ne3A_1067 : i32
    %lt3A_1069 = arith.constant 0 : i32
    %lt3A_1070 = arith.cmpi slt, %rem3A_1066, %lt3A_1069 : i32
    %lt3A_1071 = arith.constant 0 : i32
    %lt3A_1072 = arith.cmpi slt, %select_n3A_1065, %lt3A_1071 : i32
    %ne3A_1073 = arith.xori %lt3A_1070, %lt3A_1072 : i1
    %and3A_1074 = arith.andi %ne3A_1073, %ne3A_1068 : i1
    %add3A_1075 = arith.addi %rem3A_1066, %select_n3A_1065 : i32
    %select_n3A_1076 = arith.select %and3A_1074, %add3A_1075, %rem3A_1066 : i32
    %mul3A_1077 = arith.constant 8 : i32
    %mul3A_1078 = arith.muli %mul3A_1077, %select_n3A_1076 : i32
    %add3A_1079 = arith.addi %mul3A_1036, %mul3A_1078 : i32
    %multiple_of3A_1080 = tpu.assume_multiple %add3A_1079, 8 : i32
    "tpu.region"() ({
      %run_scoped3A = tpu.sem_alloc : memref<!tpu.dma_semaphore, #tpu.memory_space<semaphore_mem>>
      %dma_start3A = arith.constant 88 : i32
      %dma_start3A_2906 = tpu.memref_slice %arg6[%dma_start3A] : memref<256xf32, #tpu.memory_space<vmem>> -> memref<8xf32, #tpu.memory_space<vmem>>
      %dma_start3A_2907 = tpu.memref_slice %arg3[%multiple_of3A_1080] : memref<802816xf32, #tpu.memory_space<hbm>> -> memref<8xf32, #tpu.memory_space<hbm>>
      %dma_start3A_2908 = arith.constant 88 : i32
      %dma_start3A_2909 = tpu.memref_slice %arg6[%dma_start3A_2908] : memref<256xf32, #tpu.memory_space<vmem>> -> memref<8xf32, #tpu.memory_space<vmem>>
      %dma_start3A_2910 = tpu.memref_slice %arg3[%multiple_of3A_1080] : memref<802816xf32, #tpu.memory_space<hbm>> -> memref<8xf32, #tpu.memory_space<hbm>>
      tpu.enqueue_dma source(%dma_start3A_2910 : memref<8xf32, #tpu.memory_space<hbm>>) target(%dma_start3A_2909 : memref<8xf32, #tpu.memory_space<vmem>>) target_semaphore(%run_scoped3A : memref<!tpu.dma_semaphore, #tpu.memory_space<semaphore_mem>>)
      %dma_wait3A = arith.constant 88 : i32
      %dma_wait3A_2911 = tpu.memref_slice %arg6[%dma_wait3A] : memref<256xf32, #tpu.memory_space<vmem>> -> memref<8xf32, #tpu.memory_space<vmem>>
      %dma_wait3A_2912 = tpu.memref_slice %arg3[%multiple_of3A_1080] : memref<802816xf32, #tpu.memory_space<hbm>> -> memref<8xf32, #tpu.memory_space<hbm>>
      %dma_wait3A_2913 = arith.constant 88 : i32
      %dma_wait3A_2914 = tpu.memref_slice %arg6[%dma_wait3A_2913] : memref<256xf32, #tpu.memory_space<vmem>> -> memref<8xf32, #tpu.memory_space<vmem>>
      %dma_wait3A_2915 = tpu.memref_slice %arg3[%multiple_of3A_1080] : memref<802816xf32, #tpu.memory_space<hbm>> -> memref<8xf32, #tpu.memory_space<hbm>>
      tpu.wait_dma2 semaphore(%run_scoped3A : memref<!tpu.dma_semaphore, #tpu.memory_space<semaphore_mem>>) src(%dma_wait3A_2915 : memref<8xf32, #tpu.memory_space<hbm>>) dst(%dma_wait3A_2914 : memref<8xf32, #tpu.memory_space<vmem>>)
      tpu.yield
    }) : () -> ()
    %slice3A_1081 = vector.extract_strided_slice %get3A_2 {offsets = [12], sizes = [1], strides = [1]} : vector<16xi32> to vector<1xi32>
    %squeeze3A_1082 = vector.extract %slice3A_1081[0] : i32 from vector<1xi32>
    %jit3A_1083 = arith.constant 2048 : i32
    %div3A_1084 = arith.divsi %squeeze3A_1082, %jit3A_1083 : i32
    %sign3A_1085 = arith.constant 0 : i32
    %sign3A_1086 = arith.cmpi sgt, %squeeze3A_1082, %sign3A_1085 : i32
    %sign3A_1087 = arith.extui %sign3A_1086 : i1 to i32
    %sign3A_1088 = arith.constant 0 : i32
    %sign3A_1089 = arith.cmpi slt, %squeeze3A_1082, %sign3A_1088 : i32
    %sign3A_1090 = arith.extui %sign3A_1089 : i1 to i32
    %sign3A_1091 = arith.subi %sign3A_1087, %sign3A_1090 : i32
    %sign3A_1092 = arith.constant 0 : i32
    %sign3A_1093 = arith.cmpi sgt, %jit3A_1083, %sign3A_1092 : i32
    %sign3A_1094 = arith.extui %sign3A_1093 : i1 to i32
    %sign3A_1095 = arith.constant 0 : i32
    %sign3A_1096 = arith.cmpi slt, %jit3A_1083, %sign3A_1095 : i32
    %sign3A_1097 = arith.extui %sign3A_1096 : i1 to i32
    %sign3A_1098 = arith.subi %sign3A_1094, %sign3A_1097 : i32
    %ne3A_1099 = arith.cmpi ne, %sign3A_1091, %sign3A_1098 : i32
    %rem3A_1100 = arith.remsi %squeeze3A_1082, %jit3A_1083 : i32
    %ne3A_1101 = arith.constant 0 : i32
    %ne3A_1102 = arith.cmpi ne, %rem3A_1100, %ne3A_1101 : i32
    %and3A_1103 = arith.andi %ne3A_1099, %ne3A_1102 : i1
    %sub3A_1104 = arith.constant 1 : i32
    %sub3A_1105 = arith.subi %div3A_1084, %sub3A_1104 : i32
    %select_n3A_1106 = arith.select %and3A_1103, %sub3A_1105, %div3A_1084 : i32
    %mul3A_1107 = arith.constant 128 : i32
    %mul3A_1108 = arith.muli %mul3A_1107, %select_n3A_1106 : i32
    %jit3A_1109 = arith.constant 128 : i32
    %eq3A_1110 = arith.constant 0 : i32
    %eq3A_1111 = arith.cmpi eq, %jit3A_1109, %eq3A_1110 : i32
    %jit3A_1112 = arith.constant 1 : i32
    %select_n3A_1113 = arith.select %eq3A_1111, %jit3A_1112, %jit3A_1109 : i32
    %rem3A_1114 = arith.remsi %squeeze3A_1082, %select_n3A_1113 : i32
    %ne3A_1115 = arith.constant 0 : i32
    %ne3A_1116 = arith.cmpi ne, %rem3A_1114, %ne3A_1115 : i32
    %lt3A_1117 = arith.constant 0 : i32
    %lt3A_1118 = arith.cmpi slt, %rem3A_1114, %lt3A_1117 : i32
    %lt3A_1119 = arith.constant 0 : i32
    %lt3A_1120 = arith.cmpi slt, %select_n3A_1113, %lt3A_1119 : i32
    %ne3A_1121 = arith.xori %lt3A_1118, %lt3A_1120 : i1
    %and3A_1122 = arith.andi %ne3A_1121, %ne3A_1116 : i1
    %add3A_1123 = arith.addi %rem3A_1114, %select_n3A_1113 : i32
    %select_n3A_1124 = arith.select %and3A_1122, %add3A_1123, %rem3A_1114 : i32
    %add3A_1125 = arith.addi %mul3A_1108, %select_n3A_1124 : i32
    %mul3A_1126 = arith.constant 128 : i32
    %mul3A_1127 = arith.muli %mul3A_1126, %add3A_1125 : i32
    %jit3A_1128 = arith.constant 128 : i32
    %div3A_1129 = arith.divsi %squeeze3A_1082, %jit3A_1128 : i32
    %sign3A_1130 = arith.constant 0 : i32
    %sign3A_1131 = arith.cmpi sgt, %squeeze3A_1082, %sign3A_1130 : i32
    %sign3A_1132 = arith.extui %sign3A_1131 : i1 to i32
    %sign3A_1133 = arith.constant 0 : i32
    %sign3A_1134 = arith.cmpi slt, %squeeze3A_1082, %sign3A_1133 : i32
    %sign3A_1135 = arith.extui %sign3A_1134 : i1 to i32
    %sign3A_1136 = arith.subi %sign3A_1132, %sign3A_1135 : i32
    %sign3A_1137 = arith.constant 0 : i32
    %sign3A_1138 = arith.cmpi sgt, %jit3A_1128, %sign3A_1137 : i32
    %sign3A_1139 = arith.extui %sign3A_1138 : i1 to i32
    %sign3A_1140 = arith.constant 0 : i32
    %sign3A_1141 = arith.cmpi slt, %jit3A_1128, %sign3A_1140 : i32
    %sign3A_1142 = arith.extui %sign3A_1141 : i1 to i32
    %sign3A_1143 = arith.subi %sign3A_1139, %sign3A_1142 : i32
    %ne3A_1144 = arith.cmpi ne, %sign3A_1136, %sign3A_1143 : i32
    %rem3A_1145 = arith.remsi %squeeze3A_1082, %jit3A_1128 : i32
    %ne3A_1146 = arith.constant 0 : i32
    %ne3A_1147 = arith.cmpi ne, %rem3A_1145, %ne3A_1146 : i32
    %and3A_1148 = arith.andi %ne3A_1144, %ne3A_1147 : i1
    %sub3A_1149 = arith.constant 1 : i32
    %sub3A_1150 = arith.subi %div3A_1129, %sub3A_1149 : i32
    %select_n3A_1151 = arith.select %and3A_1148, %sub3A_1150, %div3A_1129 : i32
    %jit3A_1152 = arith.constant 16 : i32
    %eq3A_1153 = arith.constant 0 : i32
    %eq3A_1154 = arith.cmpi eq, %jit3A_1152, %eq3A_1153 : i32
    %jit3A_1155 = arith.constant 1 : i32
    %select_n3A_1156 = arith.select %eq3A_1154, %jit3A_1155, %jit3A_1152 : i32
    %rem3A_1157 = arith.remsi %select_n3A_1151, %select_n3A_1156 : i32
    %ne3A_1158 = arith.constant 0 : i32
    %ne3A_1159 = arith.cmpi ne, %rem3A_1157, %ne3A_1158 : i32
    %lt3A_1160 = arith.constant 0 : i32
    %lt3A_1161 = arith.cmpi slt, %rem3A_1157, %lt3A_1160 : i32
    %lt3A_1162 = arith.constant 0 : i32
    %lt3A_1163 = arith.cmpi slt, %select_n3A_1156, %lt3A_1162 : i32
    %ne3A_1164 = arith.xori %lt3A_1161, %lt3A_1163 : i1
    %and3A_1165 = arith.andi %ne3A_1164, %ne3A_1159 : i1
    %add3A_1166 = arith.addi %rem3A_1157, %select_n3A_1156 : i32
    %select_n3A_1167 = arith.select %and3A_1165, %add3A_1166, %rem3A_1157 : i32
    %mul3A_1168 = arith.constant 8 : i32
    %mul3A_1169 = arith.muli %mul3A_1168, %select_n3A_1167 : i32
    %add3A_1170 = arith.addi %mul3A_1127, %mul3A_1169 : i32
    %multiple_of3A_1171 = tpu.assume_multiple %add3A_1170, 8 : i32
    "tpu.region"() ({
      %run_scoped3A = tpu.sem_alloc : memref<!tpu.dma_semaphore, #tpu.memory_space<semaphore_mem>>
      %dma_start3A = arith.constant 96 : i32
      %dma_start3A_2906 = tpu.memref_slice %arg6[%dma_start3A] : memref<256xf32, #tpu.memory_space<vmem>> -> memref<8xf32, #tpu.memory_space<vmem>>
      %dma_start3A_2907 = tpu.memref_slice %arg3[%multiple_of3A_1171] : memref<802816xf32, #tpu.memory_space<hbm>> -> memref<8xf32, #tpu.memory_space<hbm>>
      %dma_start3A_2908 = arith.constant 96 : i32
      %dma_start3A_2909 = tpu.memref_slice %arg6[%dma_start3A_2908] : memref<256xf32, #tpu.memory_space<vmem>> -> memref<8xf32, #tpu.memory_space<vmem>>
      %dma_start3A_2910 = tpu.memref_slice %arg3[%multiple_of3A_1171] : memref<802816xf32, #tpu.memory_space<hbm>> -> memref<8xf32, #tpu.memory_space<hbm>>
      tpu.enqueue_dma source(%dma_start3A_2910 : memref<8xf32, #tpu.memory_space<hbm>>) target(%dma_start3A_2909 : memref<8xf32, #tpu.memory_space<vmem>>) target_semaphore(%run_scoped3A : memref<!tpu.dma_semaphore, #tpu.memory_space<semaphore_mem>>)
      %dma_wait3A = arith.constant 96 : i32
      %dma_wait3A_2911 = tpu.memref_slice %arg6[%dma_wait3A] : memref<256xf32, #tpu.memory_space<vmem>> -> memref<8xf32, #tpu.memory_space<vmem>>
      %dma_wait3A_2912 = tpu.memref_slice %arg3[%multiple_of3A_1171] : memref<802816xf32, #tpu.memory_space<hbm>> -> memref<8xf32, #tpu.memory_space<hbm>>
      %dma_wait3A_2913 = arith.constant 96 : i32
      %dma_wait3A_2914 = tpu.memref_slice %arg6[%dma_wait3A_2913] : memref<256xf32, #tpu.memory_space<vmem>> -> memref<8xf32, #tpu.memory_space<vmem>>
      %dma_wait3A_2915 = tpu.memref_slice %arg3[%multiple_of3A_1171] : memref<802816xf32, #tpu.memory_space<hbm>> -> memref<8xf32, #tpu.memory_space<hbm>>
      tpu.wait_dma2 semaphore(%run_scoped3A : memref<!tpu.dma_semaphore, #tpu.memory_space<semaphore_mem>>) src(%dma_wait3A_2915 : memref<8xf32, #tpu.memory_space<hbm>>) dst(%dma_wait3A_2914 : memref<8xf32, #tpu.memory_space<vmem>>)
      tpu.yield
    }) : () -> ()
    %slice3A_1172 = vector.extract_strided_slice %get3A_2 {offsets = [13], sizes = [1], strides = [1]} : vector<16xi32> to vector<1xi32>
    %squeeze3A_1173 = vector.extract %slice3A_1172[0] : i32 from vector<1xi32>
    %jit3A_1174 = arith.constant 2048 : i32
    %div3A_1175 = arith.divsi %squeeze3A_1173, %jit3A_1174 : i32
    %sign3A_1176 = arith.constant 0 : i32
    %sign3A_1177 = arith.cmpi sgt, %squeeze3A_1173, %sign3A_1176 : i32
    %sign3A_1178 = arith.extui %sign3A_1177 : i1 to i32
    %sign3A_1179 = arith.constant 0 : i32
    %sign3A_1180 = arith.cmpi slt, %squeeze3A_1173, %sign3A_1179 : i32
    %sign3A_1181 = arith.extui %sign3A_1180 : i1 to i32
    %sign3A_1182 = arith.subi %sign3A_1178, %sign3A_1181 : i32
    %sign3A_1183 = arith.constant 0 : i32
    %sign3A_1184 = arith.cmpi sgt, %jit3A_1174, %sign3A_1183 : i32
    %sign3A_1185 = arith.extui %sign3A_1184 : i1 to i32
    %sign3A_1186 = arith.constant 0 : i32
    %sign3A_1187 = arith.cmpi slt, %jit3A_1174, %sign3A_1186 : i32
    %sign3A_1188 = arith.extui %sign3A_1187 : i1 to i32
    %sign3A_1189 = arith.subi %sign3A_1185, %sign3A_1188 : i32
    %ne3A_1190 = arith.cmpi ne, %sign3A_1182, %sign3A_1189 : i32
    %rem3A_1191 = arith.remsi %squeeze3A_1173, %jit3A_1174 : i32
    %ne3A_1192 = arith.constant 0 : i32
    %ne3A_1193 = arith.cmpi ne, %rem3A_1191, %ne3A_1192 : i32
    %and3A_1194 = arith.andi %ne3A_1190, %ne3A_1193 : i1
    %sub3A_1195 = arith.constant 1 : i32
    %sub3A_1196 = arith.subi %div3A_1175, %sub3A_1195 : i32
    %select_n3A_1197 = arith.select %and3A_1194, %sub3A_1196, %div3A_1175 : i32
    %mul3A_1198 = arith.constant 128 : i32
    %mul3A_1199 = arith.muli %mul3A_1198, %select_n3A_1197 : i32
    %jit3A_1200 = arith.constant 128 : i32
    %eq3A_1201 = arith.constant 0 : i32
    %eq3A_1202 = arith.cmpi eq, %jit3A_1200, %eq3A_1201 : i32
    %jit3A_1203 = arith.constant 1 : i32
    %select_n3A_1204 = arith.select %eq3A_1202, %jit3A_1203, %jit3A_1200 : i32
    %rem3A_1205 = arith.remsi %squeeze3A_1173, %select_n3A_1204 : i32
    %ne3A_1206 = arith.constant 0 : i32
    %ne3A_1207 = arith.cmpi ne, %rem3A_1205, %ne3A_1206 : i32
    %lt3A_1208 = arith.constant 0 : i32
    %lt3A_1209 = arith.cmpi slt, %rem3A_1205, %lt3A_1208 : i32
    %lt3A_1210 = arith.constant 0 : i32
    %lt3A_1211 = arith.cmpi slt, %select_n3A_1204, %lt3A_1210 : i32
    %ne3A_1212 = arith.xori %lt3A_1209, %lt3A_1211 : i1
    %and3A_1213 = arith.andi %ne3A_1212, %ne3A_1207 : i1
    %add3A_1214 = arith.addi %rem3A_1205, %select_n3A_1204 : i32
    %select_n3A_1215 = arith.select %and3A_1213, %add3A_1214, %rem3A_1205 : i32
    %add3A_1216 = arith.addi %mul3A_1199, %select_n3A_1215 : i32
    %mul3A_1217 = arith.constant 128 : i32
    %mul3A_1218 = arith.muli %mul3A_1217, %add3A_1216 : i32
    %jit3A_1219 = arith.constant 128 : i32
    %div3A_1220 = arith.divsi %squeeze3A_1173, %jit3A_1219 : i32
    %sign3A_1221 = arith.constant 0 : i32
    %sign3A_1222 = arith.cmpi sgt, %squeeze3A_1173, %sign3A_1221 : i32
    %sign3A_1223 = arith.extui %sign3A_1222 : i1 to i32
    %sign3A_1224 = arith.constant 0 : i32
    %sign3A_1225 = arith.cmpi slt, %squeeze3A_1173, %sign3A_1224 : i32
    %sign3A_1226 = arith.extui %sign3A_1225 : i1 to i32
    %sign3A_1227 = arith.subi %sign3A_1223, %sign3A_1226 : i32
    %sign3A_1228 = arith.constant 0 : i32
    %sign3A_1229 = arith.cmpi sgt, %jit3A_1219, %sign3A_1228 : i32
    %sign3A_1230 = arith.extui %sign3A_1229 : i1 to i32
    %sign3A_1231 = arith.constant 0 : i32
    %sign3A_1232 = arith.cmpi slt, %jit3A_1219, %sign3A_1231 : i32
    %sign3A_1233 = arith.extui %sign3A_1232 : i1 to i32
    %sign3A_1234 = arith.subi %sign3A_1230, %sign3A_1233 : i32
    %ne3A_1235 = arith.cmpi ne, %sign3A_1227, %sign3A_1234 : i32
    %rem3A_1236 = arith.remsi %squeeze3A_1173, %jit3A_1219 : i32
    %ne3A_1237 = arith.constant 0 : i32
    %ne3A_1238 = arith.cmpi ne, %rem3A_1236, %ne3A_1237 : i32
    %and3A_1239 = arith.andi %ne3A_1235, %ne3A_1238 : i1
    %sub3A_1240 = arith.constant 1 : i32
    %sub3A_1241 = arith.subi %div3A_1220, %sub3A_1240 : i32
    %select_n3A_1242 = arith.select %and3A_1239, %sub3A_1241, %div3A_1220 : i32
    %jit3A_1243 = arith.constant 16 : i32
    %eq3A_1244 = arith.constant 0 : i32
    %eq3A_1245 = arith.cmpi eq, %jit3A_1243, %eq3A_1244 : i32
    %jit3A_1246 = arith.constant 1 : i32
    %select_n3A_1247 = arith.select %eq3A_1245, %jit3A_1246, %jit3A_1243 : i32
    %rem3A_1248 = arith.remsi %select_n3A_1242, %select_n3A_1247 : i32
    %ne3A_1249 = arith.constant 0 : i32
    %ne3A_1250 = arith.cmpi ne, %rem3A_1248, %ne3A_1249 : i32
    %lt3A_1251 = arith.constant 0 : i32
    %lt3A_1252 = arith.cmpi slt, %rem3A_1248, %lt3A_1251 : i32
    %lt3A_1253 = arith.constant 0 : i32
    %lt3A_1254 = arith.cmpi slt, %select_n3A_1247, %lt3A_1253 : i32
    %ne3A_1255 = arith.xori %lt3A_1252, %lt3A_1254 : i1
    %and3A_1256 = arith.andi %ne3A_1255, %ne3A_1250 : i1
    %add3A_1257 = arith.addi %rem3A_1248, %select_n3A_1247 : i32
    %select_n3A_1258 = arith.select %and3A_1256, %add3A_1257, %rem3A_1248 : i32
    %mul3A_1259 = arith.constant 8 : i32
    %mul3A_1260 = arith.muli %mul3A_1259, %select_n3A_1258 : i32
    %add3A_1261 = arith.addi %mul3A_1218, %mul3A_1260 : i32
    %multiple_of3A_1262 = tpu.assume_multiple %add3A_1261, 8 : i32
    "tpu.region"() ({
      %run_scoped3A = tpu.sem_alloc : memref<!tpu.dma_semaphore, #tpu.memory_space<semaphore_mem>>
      %dma_start3A = arith.constant 104 : i32
      %dma_start3A_2906 = tpu.memref_slice %arg6[%dma_start3A] : memref<256xf32, #tpu.memory_space<vmem>> -> memref<8xf32, #tpu.memory_space<vmem>>
      %dma_start3A_2907 = tpu.memref_slice %arg3[%multiple_of3A_1262] : memref<802816xf32, #tpu.memory_space<hbm>> -> memref<8xf32, #tpu.memory_space<hbm>>
      %dma_start3A_2908 = arith.constant 104 : i32
      %dma_start3A_2909 = tpu.memref_slice %arg6[%dma_start3A_2908] : memref<256xf32, #tpu.memory_space<vmem>> -> memref<8xf32, #tpu.memory_space<vmem>>
      %dma_start3A_2910 = tpu.memref_slice %arg3[%multiple_of3A_1262] : memref<802816xf32, #tpu.memory_space<hbm>> -> memref<8xf32, #tpu.memory_space<hbm>>
      tpu.enqueue_dma source(%dma_start3A_2910 : memref<8xf32, #tpu.memory_space<hbm>>) target(%dma_start3A_2909 : memref<8xf32, #tpu.memory_space<vmem>>) target_semaphore(%run_scoped3A : memref<!tpu.dma_semaphore, #tpu.memory_space<semaphore_mem>>)
      %dma_wait3A = arith.constant 104 : i32
      %dma_wait3A_2911 = tpu.memref_slice %arg6[%dma_wait3A] : memref<256xf32, #tpu.memory_space<vmem>> -> memref<8xf32, #tpu.memory_space<vmem>>
      %dma_wait3A_2912 = tpu.memref_slice %arg3[%multiple_of3A_1262] : memref<802816xf32, #tpu.memory_space<hbm>> -> memref<8xf32, #tpu.memory_space<hbm>>
      %dma_wait3A_2913 = arith.constant 104 : i32
      %dma_wait3A_2914 = tpu.memref_slice %arg6[%dma_wait3A_2913] : memref<256xf32, #tpu.memory_space<vmem>> -> memref<8xf32, #tpu.memory_space<vmem>>
      %dma_wait3A_2915 = tpu.memref_slice %arg3[%multiple_of3A_1262] : memref<802816xf32, #tpu.memory_space<hbm>> -> memref<8xf32, #tpu.memory_space<hbm>>
      tpu.wait_dma2 semaphore(%run_scoped3A : memref<!tpu.dma_semaphore, #tpu.memory_space<semaphore_mem>>) src(%dma_wait3A_2915 : memref<8xf32, #tpu.memory_space<hbm>>) dst(%dma_wait3A_2914 : memref<8xf32, #tpu.memory_space<vmem>>)
      tpu.yield
    }) : () -> ()
    %slice3A_1263 = vector.extract_strided_slice %get3A_2 {offsets = [14], sizes = [1], strides = [1]} : vector<16xi32> to vector<1xi32>
    %squeeze3A_1264 = vector.extract %slice3A_1263[0] : i32 from vector<1xi32>
    %jit3A_1265 = arith.constant 2048 : i32
    %div3A_1266 = arith.divsi %squeeze3A_1264, %jit3A_1265 : i32
    %sign3A_1267 = arith.constant 0 : i32
    %sign3A_1268 = arith.cmpi sgt, %squeeze3A_1264, %sign3A_1267 : i32
    %sign3A_1269 = arith.extui %sign3A_1268 : i1 to i32
    %sign3A_1270 = arith.constant 0 : i32
    %sign3A_1271 = arith.cmpi slt, %squeeze3A_1264, %sign3A_1270 : i32
    %sign3A_1272 = arith.extui %sign3A_1271 : i1 to i32
    %sign3A_1273 = arith.subi %sign3A_1269, %sign3A_1272 : i32
    %sign3A_1274 = arith.constant 0 : i32
    %sign3A_1275 = arith.cmpi sgt, %jit3A_1265, %sign3A_1274 : i32
    %sign3A_1276 = arith.extui %sign3A_1275 : i1 to i32
    %sign3A_1277 = arith.constant 0 : i32
    %sign3A_1278 = arith.cmpi slt, %jit3A_1265, %sign3A_1277 : i32
    %sign3A_1279 = arith.extui %sign3A_1278 : i1 to i32
    %sign3A_1280 = arith.subi %sign3A_1276, %sign3A_1279 : i32
    %ne3A_1281 = arith.cmpi ne, %sign3A_1273, %sign3A_1280 : i32
    %rem3A_1282 = arith.remsi %squeeze3A_1264, %jit3A_1265 : i32
    %ne3A_1283 = arith.constant 0 : i32
    %ne3A_1284 = arith.cmpi ne, %rem3A_1282, %ne3A_1283 : i32
    %and3A_1285 = arith.andi %ne3A_1281, %ne3A_1284 : i1
    %sub3A_1286 = arith.constant 1 : i32
    %sub3A_1287 = arith.subi %div3A_1266, %sub3A_1286 : i32
    %select_n3A_1288 = arith.select %and3A_1285, %sub3A_1287, %div3A_1266 : i32
    %mul3A_1289 = arith.constant 128 : i32
    %mul3A_1290 = arith.muli %mul3A_1289, %select_n3A_1288 : i32
    %jit3A_1291 = arith.constant 128 : i32
    %eq3A_1292 = arith.constant 0 : i32
    %eq3A_1293 = arith.cmpi eq, %jit3A_1291, %eq3A_1292 : i32
    %jit3A_1294 = arith.constant 1 : i32
    %select_n3A_1295 = arith.select %eq3A_1293, %jit3A_1294, %jit3A_1291 : i32
    %rem3A_1296 = arith.remsi %squeeze3A_1264, %select_n3A_1295 : i32
    %ne3A_1297 = arith.constant 0 : i32
    %ne3A_1298 = arith.cmpi ne, %rem3A_1296, %ne3A_1297 : i32
    %lt3A_1299 = arith.constant 0 : i32
    %lt3A_1300 = arith.cmpi slt, %rem3A_1296, %lt3A_1299 : i32
    %lt3A_1301 = arith.constant 0 : i32
    %lt3A_1302 = arith.cmpi slt, %select_n3A_1295, %lt3A_1301 : i32
    %ne3A_1303 = arith.xori %lt3A_1300, %lt3A_1302 : i1
    %and3A_1304 = arith.andi %ne3A_1303, %ne3A_1298 : i1
    %add3A_1305 = arith.addi %rem3A_1296, %select_n3A_1295 : i32
    %select_n3A_1306 = arith.select %and3A_1304, %add3A_1305, %rem3A_1296 : i32
    %add3A_1307 = arith.addi %mul3A_1290, %select_n3A_1306 : i32
    %mul3A_1308 = arith.constant 128 : i32
    %mul3A_1309 = arith.muli %mul3A_1308, %add3A_1307 : i32
    %jit3A_1310 = arith.constant 128 : i32
    %div3A_1311 = arith.divsi %squeeze3A_1264, %jit3A_1310 : i32
    %sign3A_1312 = arith.constant 0 : i32
    %sign3A_1313 = arith.cmpi sgt, %squeeze3A_1264, %sign3A_1312 : i32
    %sign3A_1314 = arith.extui %sign3A_1313 : i1 to i32
    %sign3A_1315 = arith.constant 0 : i32
    %sign3A_1316 = arith.cmpi slt, %squeeze3A_1264, %sign3A_1315 : i32
    %sign3A_1317 = arith.extui %sign3A_1316 : i1 to i32
    %sign3A_1318 = arith.subi %sign3A_1314, %sign3A_1317 : i32
    %sign3A_1319 = arith.constant 0 : i32
    %sign3A_1320 = arith.cmpi sgt, %jit3A_1310, %sign3A_1319 : i32
    %sign3A_1321 = arith.extui %sign3A_1320 : i1 to i32
    %sign3A_1322 = arith.constant 0 : i32
    %sign3A_1323 = arith.cmpi slt, %jit3A_1310, %sign3A_1322 : i32
    %sign3A_1324 = arith.extui %sign3A_1323 : i1 to i32
    %sign3A_1325 = arith.subi %sign3A_1321, %sign3A_1324 : i32
    %ne3A_1326 = arith.cmpi ne, %sign3A_1318, %sign3A_1325 : i32
    %rem3A_1327 = arith.remsi %squeeze3A_1264, %jit3A_1310 : i32
    %ne3A_1328 = arith.constant 0 : i32
    %ne3A_1329 = arith.cmpi ne, %rem3A_1327, %ne3A_1328 : i32
    %and3A_1330 = arith.andi %ne3A_1326, %ne3A_1329 : i1
    %sub3A_1331 = arith.constant 1 : i32
    %sub3A_1332 = arith.subi %div3A_1311, %sub3A_1331 : i32
    %select_n3A_1333 = arith.select %and3A_1330, %sub3A_1332, %div3A_1311 : i32
    %jit3A_1334 = arith.constant 16 : i32
    %eq3A_1335 = arith.constant 0 : i32
    %eq3A_1336 = arith.cmpi eq, %jit3A_1334, %eq3A_1335 : i32
    %jit3A_1337 = arith.constant 1 : i32
    %select_n3A_1338 = arith.select %eq3A_1336, %jit3A_1337, %jit3A_1334 : i32
    %rem3A_1339 = arith.remsi %select_n3A_1333, %select_n3A_1338 : i32
    %ne3A_1340 = arith.constant 0 : i32
    %ne3A_1341 = arith.cmpi ne, %rem3A_1339, %ne3A_1340 : i32
    %lt3A_1342 = arith.constant 0 : i32
    %lt3A_1343 = arith.cmpi slt, %rem3A_1339, %lt3A_1342 : i32
    %lt3A_1344 = arith.constant 0 : i32
    %lt3A_1345 = arith.cmpi slt, %select_n3A_1338, %lt3A_1344 : i32
    %ne3A_1346 = arith.xori %lt3A_1343, %lt3A_1345 : i1
    %and3A_1347 = arith.andi %ne3A_1346, %ne3A_1341 : i1
    %add3A_1348 = arith.addi %rem3A_1339, %select_n3A_1338 : i32
    %select_n3A_1349 = arith.select %and3A_1347, %add3A_1348, %rem3A_1339 : i32
    %mul3A_1350 = arith.constant 8 : i32
    %mul3A_1351 = arith.muli %mul3A_1350, %select_n3A_1349 : i32
    %add3A_1352 = arith.addi %mul3A_1309, %mul3A_1351 : i32
    %multiple_of3A_1353 = tpu.assume_multiple %add3A_1352, 8 : i32
    "tpu.region"() ({
      %run_scoped3A = tpu.sem_alloc : memref<!tpu.dma_semaphore, #tpu.memory_space<semaphore_mem>>
      %dma_start3A = arith.constant 112 : i32
      %dma_start3A_2906 = tpu.memref_slice %arg6[%dma_start3A] : memref<256xf32, #tpu.memory_space<vmem>> -> memref<8xf32, #tpu.memory_space<vmem>>
      %dma_start3A_2907 = tpu.memref_slice %arg3[%multiple_of3A_1353] : memref<802816xf32, #tpu.memory_space<hbm>> -> memref<8xf32, #tpu.memory_space<hbm>>
      %dma_start3A_2908 = arith.constant 112 : i32
      %dma_start3A_2909 = tpu.memref_slice %arg6[%dma_start3A_2908] : memref<256xf32, #tpu.memory_space<vmem>> -> memref<8xf32, #tpu.memory_space<vmem>>
      %dma_start3A_2910 = tpu.memref_slice %arg3[%multiple_of3A_1353] : memref<802816xf32, #tpu.memory_space<hbm>> -> memref<8xf32, #tpu.memory_space<hbm>>
      tpu.enqueue_dma source(%dma_start3A_2910 : memref<8xf32, #tpu.memory_space<hbm>>) target(%dma_start3A_2909 : memref<8xf32, #tpu.memory_space<vmem>>) target_semaphore(%run_scoped3A : memref<!tpu.dma_semaphore, #tpu.memory_space<semaphore_mem>>)
      %dma_wait3A = arith.constant 112 : i32
      %dma_wait3A_2911 = tpu.memref_slice %arg6[%dma_wait3A] : memref<256xf32, #tpu.memory_space<vmem>> -> memref<8xf32, #tpu.memory_space<vmem>>
      %dma_wait3A_2912 = tpu.memref_slice %arg3[%multiple_of3A_1353] : memref<802816xf32, #tpu.memory_space<hbm>> -> memref<8xf32, #tpu.memory_space<hbm>>
      %dma_wait3A_2913 = arith.constant 112 : i32
      %dma_wait3A_2914 = tpu.memref_slice %arg6[%dma_wait3A_2913] : memref<256xf32, #tpu.memory_space<vmem>> -> memref<8xf32, #tpu.memory_space<vmem>>
      %dma_wait3A_2915 = tpu.memref_slice %arg3[%multiple_of3A_1353] : memref<802816xf32, #tpu.memory_space<hbm>> -> memref<8xf32, #tpu.memory_space<hbm>>
      tpu.wait_dma2 semaphore(%run_scoped3A : memref<!tpu.dma_semaphore, #tpu.memory_space<semaphore_mem>>) src(%dma_wait3A_2915 : memref<8xf32, #tpu.memory_space<hbm>>) dst(%dma_wait3A_2914 : memref<8xf32, #tpu.memory_space<vmem>>)
      tpu.yield
    }) : () -> ()
    %slice3A_1354 = vector.extract_strided_slice %get3A_2 {offsets = [15], sizes = [1], strides = [1]} : vector<16xi32> to vector<1xi32>
    %squeeze3A_1355 = vector.extract %slice3A_1354[0] : i32 from vector<1xi32>
    %jit3A_1356 = arith.constant 2048 : i32
    %div3A_1357 = arith.divsi %squeeze3A_1355, %jit3A_1356 : i32
    %sign3A_1358 = arith.constant 0 : i32
    %sign3A_1359 = arith.cmpi sgt, %squeeze3A_1355, %sign3A_1358 : i32
    %sign3A_1360 = arith.extui %sign3A_1359 : i1 to i32
    %sign3A_1361 = arith.constant 0 : i32
    %sign3A_1362 = arith.cmpi slt, %squeeze3A_1355, %sign3A_1361 : i32
    %sign3A_1363 = arith.extui %sign3A_1362 : i1 to i32
    %sign3A_1364 = arith.subi %sign3A_1360, %sign3A_1363 : i32
    %sign3A_1365 = arith.constant 0 : i32
    %sign3A_1366 = arith.cmpi sgt, %jit3A_1356, %sign3A_1365 : i32
    %sign3A_1367 = arith.extui %sign3A_1366 : i1 to i32
    %sign3A_1368 = arith.constant 0 : i32
    %sign3A_1369 = arith.cmpi slt, %jit3A_1356, %sign3A_1368 : i32
    %sign3A_1370 = arith.extui %sign3A_1369 : i1 to i32
    %sign3A_1371 = arith.subi %sign3A_1367, %sign3A_1370 : i32
    %ne3A_1372 = arith.cmpi ne, %sign3A_1364, %sign3A_1371 : i32
    %rem3A_1373 = arith.remsi %squeeze3A_1355, %jit3A_1356 : i32
    %ne3A_1374 = arith.constant 0 : i32
    %ne3A_1375 = arith.cmpi ne, %rem3A_1373, %ne3A_1374 : i32
    %and3A_1376 = arith.andi %ne3A_1372, %ne3A_1375 : i1
    %sub3A_1377 = arith.constant 1 : i32
    %sub3A_1378 = arith.subi %div3A_1357, %sub3A_1377 : i32
    %select_n3A_1379 = arith.select %and3A_1376, %sub3A_1378, %div3A_1357 : i32
    %mul3A_1380 = arith.constant 128 : i32
    %mul3A_1381 = arith.muli %mul3A_1380, %select_n3A_1379 : i32
    %jit3A_1382 = arith.constant 128 : i32
    %eq3A_1383 = arith.constant 0 : i32
    %eq3A_1384 = arith.cmpi eq, %jit3A_1382, %eq3A_1383 : i32
    %jit3A_1385 = arith.constant 1 : i32
    %select_n3A_1386 = arith.select %eq3A_1384, %jit3A_1385, %jit3A_1382 : i32
    %rem3A_1387 = arith.remsi %squeeze3A_1355, %select_n3A_1386 : i32
    %ne3A_1388 = arith.constant 0 : i32
    %ne3A_1389 = arith.cmpi ne, %rem3A_1387, %ne3A_1388 : i32
    %lt3A_1390 = arith.constant 0 : i32
    %lt3A_1391 = arith.cmpi slt, %rem3A_1387, %lt3A_1390 : i32
    %lt3A_1392 = arith.constant 0 : i32
    %lt3A_1393 = arith.cmpi slt, %select_n3A_1386, %lt3A_1392 : i32
    %ne3A_1394 = arith.xori %lt3A_1391, %lt3A_1393 : i1
    %and3A_1395 = arith.andi %ne3A_1394, %ne3A_1389 : i1
    %add3A_1396 = arith.addi %rem3A_1387, %select_n3A_1386 : i32
    %select_n3A_1397 = arith.select %and3A_1395, %add3A_1396, %rem3A_1387 : i32
    %add3A_1398 = arith.addi %mul3A_1381, %select_n3A_1397 : i32
    %mul3A_1399 = arith.constant 128 : i32
    %mul3A_1400 = arith.muli %mul3A_1399, %add3A_1398 : i32
    %jit3A_1401 = arith.constant 128 : i32
    %div3A_1402 = arith.divsi %squeeze3A_1355, %jit3A_1401 : i32
    %sign3A_1403 = arith.constant 0 : i32
    %sign3A_1404 = arith.cmpi sgt, %squeeze3A_1355, %sign3A_1403 : i32
    %sign3A_1405 = arith.extui %sign3A_1404 : i1 to i32
    %sign3A_1406 = arith.constant 0 : i32
    %sign3A_1407 = arith.cmpi slt, %squeeze3A_1355, %sign3A_1406 : i32
    %sign3A_1408 = arith.extui %sign3A_1407 : i1 to i32
    %sign3A_1409 = arith.subi %sign3A_1405, %sign3A_1408 : i32
    %sign3A_1410 = arith.constant 0 : i32
    %sign3A_1411 = arith.cmpi sgt, %jit3A_1401, %sign3A_1410 : i32
    %sign3A_1412 = arith.extui %sign3A_1411 : i1 to i32
    %sign3A_1413 = arith.constant 0 : i32
    %sign3A_1414 = arith.cmpi slt, %jit3A_1401, %sign3A_1413 : i32
    %sign3A_1415 = arith.extui %sign3A_1414 : i1 to i32
    %sign3A_1416 = arith.subi %sign3A_1412, %sign3A_1415 : i32
    %ne3A_1417 = arith.cmpi ne, %sign3A_1409, %sign3A_1416 : i32
    %rem3A_1418 = arith.remsi %squeeze3A_1355, %jit3A_1401 : i32
    %ne3A_1419 = arith.constant 0 : i32
    %ne3A_1420 = arith.cmpi ne, %rem3A_1418, %ne3A_1419 : i32
    %and3A_1421 = arith.andi %ne3A_1417, %ne3A_1420 : i1
    %sub3A_1422 = arith.constant 1 : i32
    %sub3A_1423 = arith.subi %div3A_1402, %sub3A_1422 : i32
    %select_n3A_1424 = arith.select %and3A_1421, %sub3A_1423, %div3A_1402 : i32
    %jit3A_1425 = arith.constant 16 : i32
    %eq3A_1426 = arith.constant 0 : i32
    %eq3A_1427 = arith.cmpi eq, %jit3A_1425, %eq3A_1426 : i32
    %jit3A_1428 = arith.constant 1 : i32
    %select_n3A_1429 = arith.select %eq3A_1427, %jit3A_1428, %jit3A_1425 : i32
    %rem3A_1430 = arith.remsi %select_n3A_1424, %select_n3A_1429 : i32
    %ne3A_1431 = arith.constant 0 : i32
    %ne3A_1432 = arith.cmpi ne, %rem3A_1430, %ne3A_1431 : i32
    %lt3A_1433 = arith.constant 0 : i32
    %lt3A_1434 = arith.cmpi slt, %rem3A_1430, %lt3A_1433 : i32
    %lt3A_1435 = arith.constant 0 : i32
    %lt3A_1436 = arith.cmpi slt, %select_n3A_1429, %lt3A_1435 : i32
    %ne3A_1437 = arith.xori %lt3A_1434, %lt3A_1436 : i1
    %and3A_1438 = arith.andi %ne3A_1437, %ne3A_1432 : i1
    %add3A_1439 = arith.addi %rem3A_1430, %select_n3A_1429 : i32
    %select_n3A_1440 = arith.select %and3A_1438, %add3A_1439, %rem3A_1430 : i32
    %mul3A_1441 = arith.constant 8 : i32
    %mul3A_1442 = arith.muli %mul3A_1441, %select_n3A_1440 : i32
    %add3A_1443 = arith.addi %mul3A_1400, %mul3A_1442 : i32
    %multiple_of3A_1444 = tpu.assume_multiple %add3A_1443, 8 : i32
    "tpu.region"() ({
      %run_scoped3A = tpu.sem_alloc : memref<!tpu.dma_semaphore, #tpu.memory_space<semaphore_mem>>
      %dma_start3A = arith.constant 120 : i32
      %dma_start3A_2906 = tpu.memref_slice %arg6[%dma_start3A] : memref<256xf32, #tpu.memory_space<vmem>> -> memref<8xf32, #tpu.memory_space<vmem>>
      %dma_start3A_2907 = tpu.memref_slice %arg3[%multiple_of3A_1444] : memref<802816xf32, #tpu.memory_space<hbm>> -> memref<8xf32, #tpu.memory_space<hbm>>
      %dma_start3A_2908 = arith.constant 120 : i32
      %dma_start3A_2909 = tpu.memref_slice %arg6[%dma_start3A_2908] : memref<256xf32, #tpu.memory_space<vmem>> -> memref<8xf32, #tpu.memory_space<vmem>>
      %dma_start3A_2910 = tpu.memref_slice %arg3[%multiple_of3A_1444] : memref<802816xf32, #tpu.memory_space<hbm>> -> memref<8xf32, #tpu.memory_space<hbm>>
      tpu.enqueue_dma source(%dma_start3A_2910 : memref<8xf32, #tpu.memory_space<hbm>>) target(%dma_start3A_2909 : memref<8xf32, #tpu.memory_space<vmem>>) target_semaphore(%run_scoped3A : memref<!tpu.dma_semaphore, #tpu.memory_space<semaphore_mem>>)
      %dma_wait3A = arith.constant 120 : i32
      %dma_wait3A_2911 = tpu.memref_slice %arg6[%dma_wait3A] : memref<256xf32, #tpu.memory_space<vmem>> -> memref<8xf32, #tpu.memory_space<vmem>>
      %dma_wait3A_2912 = tpu.memref_slice %arg3[%multiple_of3A_1444] : memref<802816xf32, #tpu.memory_space<hbm>> -> memref<8xf32, #tpu.memory_space<hbm>>
      %dma_wait3A_2913 = arith.constant 120 : i32
      %dma_wait3A_2914 = tpu.memref_slice %arg6[%dma_wait3A_2913] : memref<256xf32, #tpu.memory_space<vmem>> -> memref<8xf32, #tpu.memory_space<vmem>>
      %dma_wait3A_2915 = tpu.memref_slice %arg3[%multiple_of3A_1444] : memref<802816xf32, #tpu.memory_space<hbm>> -> memref<8xf32, #tpu.memory_space<hbm>>
      tpu.wait_dma2 semaphore(%run_scoped3A : memref<!tpu.dma_semaphore, #tpu.memory_space<semaphore_mem>>) src(%dma_wait3A_2915 : memref<8xf32, #tpu.memory_space<hbm>>) dst(%dma_wait3A_2914 : memref<8xf32, #tpu.memory_space<vmem>>)
      tpu.yield
    }) : () -> ()
    %get3A_1445 = arith.constant 16 : index
    %get3A_1446 = tpu.vector_load %arg5[%get3A_1445] {strides = array<i32>} : memref<32xi32, #tpu.memory_space<vmem>>, vector<16xi32>,
    %get3A_1447 = vector.shape_cast %get3A_1446 : vector<16xi32> to vector<16xi32>
    %slice3A_1448 = vector.extract_strided_slice %get3A_1447 {offsets = [0], sizes = [1], strides = [1]} : vector<16xi32> to vector<1xi32>
    %squeeze3A_1449 = vector.extract %slice3A_1448[0] : i32 from vector<1xi32>
    %jit3A_1450 = arith.constant 2048 : i32
    %div3A_1451 = arith.divsi %squeeze3A_1449, %jit3A_1450 : i32
    %sign3A_1452 = arith.constant 0 : i32
    %sign3A_1453 = arith.cmpi sgt, %squeeze3A_1449, %sign3A_1452 : i32
    %sign3A_1454 = arith.extui %sign3A_1453 : i1 to i32
    %sign3A_1455 = arith.constant 0 : i32
    %sign3A_1456 = arith.cmpi slt, %squeeze3A_1449, %sign3A_1455 : i32
    %sign3A_1457 = arith.extui %sign3A_1456 : i1 to i32
    %sign3A_1458 = arith.subi %sign3A_1454, %sign3A_1457 : i32
    %sign3A_1459 = arith.constant 0 : i32
    %sign3A_1460 = arith.cmpi sgt, %jit3A_1450, %sign3A_1459 : i32
    %sign3A_1461 = arith.extui %sign3A_1460 : i1 to i32
    %sign3A_1462 = arith.constant 0 : i32
    %sign3A_1463 = arith.cmpi slt, %jit3A_1450, %sign3A_1462 : i32
    %sign3A_1464 = arith.extui %sign3A_1463 : i1 to i32
    %sign3A_1465 = arith.subi %sign3A_1461, %sign3A_1464 : i32
    %ne3A_1466 = arith.cmpi ne, %sign3A_1458, %sign3A_1465 : i32
    %rem3A_1467 = arith.remsi %squeeze3A_1449, %jit3A_1450 : i32
    %ne3A_1468 = arith.constant 0 : i32
    %ne3A_1469 = arith.cmpi ne, %rem3A_1467, %ne3A_1468 : i32
    %and3A_1470 = arith.andi %ne3A_1466, %ne3A_1469 : i1
    %sub3A_1471 = arith.constant 1 : i32
    %sub3A_1472 = arith.subi %div3A_1451, %sub3A_1471 : i32
    %select_n3A_1473 = arith.select %and3A_1470, %sub3A_1472, %div3A_1451 : i32
    %mul3A_1474 = arith.constant 128 : i32
    %mul3A_1475 = arith.muli %mul3A_1474, %select_n3A_1473 : i32
    %jit3A_1476 = arith.constant 128 : i32
    %eq3A_1477 = arith.constant 0 : i32
    %eq3A_1478 = arith.cmpi eq, %jit3A_1476, %eq3A_1477 : i32
    %jit3A_1479 = arith.constant 1 : i32
    %select_n3A_1480 = arith.select %eq3A_1478, %jit3A_1479, %jit3A_1476 : i32
    %rem3A_1481 = arith.remsi %squeeze3A_1449, %select_n3A_1480 : i32
    %ne3A_1482 = arith.constant 0 : i32
    %ne3A_1483 = arith.cmpi ne, %rem3A_1481, %ne3A_1482 : i32
    %lt3A_1484 = arith.constant 0 : i32
    %lt3A_1485 = arith.cmpi slt, %rem3A_1481, %lt3A_1484 : i32
    %lt3A_1486 = arith.constant 0 : i32
    %lt3A_1487 = arith.cmpi slt, %select_n3A_1480, %lt3A_1486 : i32
    %ne3A_1488 = arith.xori %lt3A_1485, %lt3A_1487 : i1
    %and3A_1489 = arith.andi %ne3A_1488, %ne3A_1483 : i1
    %add3A_1490 = arith.addi %rem3A_1481, %select_n3A_1480 : i32
    %select_n3A_1491 = arith.select %and3A_1489, %add3A_1490, %rem3A_1481 : i32
    %add3A_1492 = arith.addi %mul3A_1475, %select_n3A_1491 : i32
    %mul3A_1493 = arith.constant 128 : i32
    %mul3A_1494 = arith.muli %mul3A_1493, %add3A_1492 : i32
    %jit3A_1495 = arith.constant 128 : i32
    %div3A_1496 = arith.divsi %squeeze3A_1449, %jit3A_1495 : i32
    %sign3A_1497 = arith.constant 0 : i32
    %sign3A_1498 = arith.cmpi sgt, %squeeze3A_1449, %sign3A_1497 : i32
    %sign3A_1499 = arith.extui %sign3A_1498 : i1 to i32
    %sign3A_1500 = arith.constant 0 : i32
    %sign3A_1501 = arith.cmpi slt, %squeeze3A_1449, %sign3A_1500 : i32
    %sign3A_1502 = arith.extui %sign3A_1501 : i1 to i32
    %sign3A_1503 = arith.subi %sign3A_1499, %sign3A_1502 : i32
    %sign3A_1504 = arith.constant 0 : i32
    %sign3A_1505 = arith.cmpi sgt, %jit3A_1495, %sign3A_1504 : i32
    %sign3A_1506 = arith.extui %sign3A_1505 : i1 to i32
    %sign3A_1507 = arith.constant 0 : i32
    %sign3A_1508 = arith.cmpi slt, %jit3A_1495, %sign3A_1507 : i32
    %sign3A_1509 = arith.extui %sign3A_1508 : i1 to i32
    %sign3A_1510 = arith.subi %sign3A_1506, %sign3A_1509 : i32
    %ne3A_1511 = arith.cmpi ne, %sign3A_1503, %sign3A_1510 : i32
    %rem3A_1512 = arith.remsi %squeeze3A_1449, %jit3A_1495 : i32
    %ne3A_1513 = arith.constant 0 : i32
    %ne3A_1514 = arith.cmpi ne, %rem3A_1512, %ne3A_1513 : i32
    %and3A_1515 = arith.andi %ne3A_1511, %ne3A_1514 : i1
    %sub3A_1516 = arith.constant 1 : i32
    %sub3A_1517 = arith.subi %div3A_1496, %sub3A_1516 : i32
    %select_n3A_1518 = arith.select %and3A_1515, %sub3A_1517, %div3A_1496 : i32
    %jit3A_1519 = arith.constant 16 : i32
    %eq3A_1520 = arith.constant 0 : i32
    %eq3A_1521 = arith.cmpi eq, %jit3A_1519, %eq3A_1520 : i32
    %jit3A_1522 = arith.constant 1 : i32
    %select_n3A_1523 = arith.select %eq3A_1521, %jit3A_1522, %jit3A_1519 : i32
    %rem3A_1524 = arith.remsi %select_n3A_1518, %select_n3A_1523 : i32
    %ne3A_1525 = arith.constant 0 : i32
    %ne3A_1526 = arith.cmpi ne, %rem3A_1524, %ne3A_1525 : i32
    %lt3A_1527 = arith.constant 0 : i32
    %lt3A_1528 = arith.cmpi slt, %rem3A_1524, %lt3A_1527 : i32
    %lt3A_1529 = arith.constant 0 : i32
    %lt3A_1530 = arith.cmpi slt, %select_n3A_1523, %lt3A_1529 : i32
    %ne3A_1531 = arith.xori %lt3A_1528, %lt3A_1530 : i1
    %and3A_1532 = arith.andi %ne3A_1531, %ne3A_1526 : i1
    %add3A_1533 = arith.addi %rem3A_1524, %select_n3A_1523 : i32
    %select_n3A_1534 = arith.select %and3A_1532, %add3A_1533, %rem3A_1524 : i32
    %mul3A_1535 = arith.constant 8 : i32
    %mul3A_1536 = arith.muli %mul3A_1535, %select_n3A_1534 : i32
    %add3A_1537 = arith.addi %mul3A_1494, %mul3A_1536 : i32
    %multiple_of3A_1538 = tpu.assume_multiple %add3A_1537, 8 : i32
    "tpu.region"() ({
      %run_scoped3A = tpu.sem_alloc : memref<!tpu.dma_semaphore, #tpu.memory_space<semaphore_mem>>
      %dma_start3A = arith.constant 128 : i32
      %dma_start3A_2906 = tpu.memref_slice %arg6[%dma_start3A] : memref<256xf32, #tpu.memory_space<vmem>> -> memref<8xf32, #tpu.memory_space<vmem>>
      %dma_start3A_2907 = tpu.memref_slice %arg3[%multiple_of3A_1538] : memref<802816xf32, #tpu.memory_space<hbm>> -> memref<8xf32, #tpu.memory_space<hbm>>
      %dma_start3A_2908 = arith.constant 128 : i32
      %dma_start3A_2909 = tpu.memref_slice %arg6[%dma_start3A_2908] : memref<256xf32, #tpu.memory_space<vmem>> -> memref<8xf32, #tpu.memory_space<vmem>>
      %dma_start3A_2910 = tpu.memref_slice %arg3[%multiple_of3A_1538] : memref<802816xf32, #tpu.memory_space<hbm>> -> memref<8xf32, #tpu.memory_space<hbm>>
      tpu.enqueue_dma source(%dma_start3A_2910 : memref<8xf32, #tpu.memory_space<hbm>>) target(%dma_start3A_2909 : memref<8xf32, #tpu.memory_space<vmem>>) target_semaphore(%run_scoped3A : memref<!tpu.dma_semaphore, #tpu.memory_space<semaphore_mem>>)
      %dma_wait3A = arith.constant 128 : i32
      %dma_wait3A_2911 = tpu.memref_slice %arg6[%dma_wait3A] : memref<256xf32, #tpu.memory_space<vmem>> -> memref<8xf32, #tpu.memory_space<vmem>>
      %dma_wait3A_2912 = tpu.memref_slice %arg3[%multiple_of3A_1538] : memref<802816xf32, #tpu.memory_space<hbm>> -> memref<8xf32, #tpu.memory_space<hbm>>
      %dma_wait3A_2913 = arith.constant 128 : i32
      %dma_wait3A_2914 = tpu.memref_slice %arg6[%dma_wait3A_2913] : memref<256xf32, #tpu.memory_space<vmem>> -> memref<8xf32, #tpu.memory_space<vmem>>
      %dma_wait3A_2915 = tpu.memref_slice %arg3[%multiple_of3A_1538] : memref<802816xf32, #tpu.memory_space<hbm>> -> memref<8xf32, #tpu.memory_space<hbm>>
      tpu.wait_dma2 semaphore(%run_scoped3A : memref<!tpu.dma_semaphore, #tpu.memory_space<semaphore_mem>>) src(%dma_wait3A_2915 : memref<8xf32, #tpu.memory_space<hbm>>) dst(%dma_wait3A_2914 : memref<8xf32, #tpu.memory_space<vmem>>)
      tpu.yield
    }) : () -> ()
    %slice3A_1539 = vector.extract_strided_slice %get3A_1447 {offsets = [1], sizes = [1], strides = [1]} : vector<16xi32> to vector<1xi32>
    %squeeze3A_1540 = vector.extract %slice3A_1539[0] : i32 from vector<1xi32>
    %jit3A_1541 = arith.constant 2048 : i32
    %div3A_1542 = arith.divsi %squeeze3A_1540, %jit3A_1541 : i32
    %sign3A_1543 = arith.constant 0 : i32
    %sign3A_1544 = arith.cmpi sgt, %squeeze3A_1540, %sign3A_1543 : i32
    %sign3A_1545 = arith.extui %sign3A_1544 : i1 to i32
    %sign3A_1546 = arith.constant 0 : i32
    %sign3A_1547 = arith.cmpi slt, %squeeze3A_1540, %sign3A_1546 : i32
    %sign3A_1548 = arith.extui %sign3A_1547 : i1 to i32
    %sign3A_1549 = arith.subi %sign3A_1545, %sign3A_1548 : i32
    %sign3A_1550 = arith.constant 0 : i32
    %sign3A_1551 = arith.cmpi sgt, %jit3A_1541, %sign3A_1550 : i32
    %sign3A_1552 = arith.extui %sign3A_1551 : i1 to i32
    %sign3A_1553 = arith.constant 0 : i32
    %sign3A_1554 = arith.cmpi slt, %jit3A_1541, %sign3A_1553 : i32
    %sign3A_1555 = arith.extui %sign3A_1554 : i1 to i32
    %sign3A_1556 = arith.subi %sign3A_1552, %sign3A_1555 : i32
    %ne3A_1557 = arith.cmpi ne, %sign3A_1549, %sign3A_1556 : i32
    %rem3A_1558 = arith.remsi %squeeze3A_1540, %jit3A_1541 : i32
    %ne3A_1559 = arith.constant 0 : i32
    %ne3A_1560 = arith.cmpi ne, %rem3A_1558, %ne3A_1559 : i32
    %and3A_1561 = arith.andi %ne3A_1557, %ne3A_1560 : i1
    %sub3A_1562 = arith.constant 1 : i32
    %sub3A_1563 = arith.subi %div3A_1542, %sub3A_1562 : i32
    %select_n3A_1564 = arith.select %and3A_1561, %sub3A_1563, %div3A_1542 : i32
    %mul3A_1565 = arith.constant 128 : i32
    %mul3A_1566 = arith.muli %mul3A_1565, %select_n3A_1564 : i32
    %jit3A_1567 = arith.constant 128 : i32
    %eq3A_1568 = arith.constant 0 : i32
    %eq3A_1569 = arith.cmpi eq, %jit3A_1567, %eq3A_1568 : i32
    %jit3A_1570 = arith.constant 1 : i32
    %select_n3A_1571 = arith.select %eq3A_1569, %jit3A_1570, %jit3A_1567 : i32
    %rem3A_1572 = arith.remsi %squeeze3A_1540, %select_n3A_1571 : i32
    %ne3A_1573 = arith.constant 0 : i32
    %ne3A_1574 = arith.cmpi ne, %rem3A_1572, %ne3A_1573 : i32
    %lt3A_1575 = arith.constant 0 : i32
    %lt3A_1576 = arith.cmpi slt, %rem3A_1572, %lt3A_1575 : i32
    %lt3A_1577 = arith.constant 0 : i32
    %lt3A_1578 = arith.cmpi slt, %select_n3A_1571, %lt3A_1577 : i32
    %ne3A_1579 = arith.xori %lt3A_1576, %lt3A_1578 : i1
    %and3A_1580 = arith.andi %ne3A_1579, %ne3A_1574 : i1
    %add3A_1581 = arith.addi %rem3A_1572, %select_n3A_1571 : i32
    %select_n3A_1582 = arith.select %and3A_1580, %add3A_1581, %rem3A_1572 : i32
    %add3A_1583 = arith.addi %mul3A_1566, %select_n3A_1582 : i32
    %mul3A_1584 = arith.constant 128 : i32
    %mul3A_1585 = arith.muli %mul3A_1584, %add3A_1583 : i32
    %jit3A_1586 = arith.constant 128 : i32
    %div3A_1587 = arith.divsi %squeeze3A_1540, %jit3A_1586 : i32
    %sign3A_1588 = arith.constant 0 : i32
    %sign3A_1589 = arith.cmpi sgt, %squeeze3A_1540, %sign3A_1588 : i32
    %sign3A_1590 = arith.extui %sign3A_1589 : i1 to i32
    %sign3A_1591 = arith.constant 0 : i32
    %sign3A_1592 = arith.cmpi slt, %squeeze3A_1540, %sign3A_1591 : i32
    %sign3A_1593 = arith.extui %sign3A_1592 : i1 to i32
    %sign3A_1594 = arith.subi %sign3A_1590, %sign3A_1593 : i32
    %sign3A_1595 = arith.constant 0 : i32
    %sign3A_1596 = arith.cmpi sgt, %jit3A_1586, %sign3A_1595 : i32
    %sign3A_1597 = arith.extui %sign3A_1596 : i1 to i32
    %sign3A_1598 = arith.constant 0 : i32
    %sign3A_1599 = arith.cmpi slt, %jit3A_1586, %sign3A_1598 : i32
    %sign3A_1600 = arith.extui %sign3A_1599 : i1 to i32
    %sign3A_1601 = arith.subi %sign3A_1597, %sign3A_1600 : i32
    %ne3A_1602 = arith.cmpi ne, %sign3A_1594, %sign3A_1601 : i32
    %rem3A_1603 = arith.remsi %squeeze3A_1540, %jit3A_1586 : i32
    %ne3A_1604 = arith.constant 0 : i32
    %ne3A_1605 = arith.cmpi ne, %rem3A_1603, %ne3A_1604 : i32
    %and3A_1606 = arith.andi %ne3A_1602, %ne3A_1605 : i1
    %sub3A_1607 = arith.constant 1 : i32
    %sub3A_1608 = arith.subi %div3A_1587, %sub3A_1607 : i32
    %select_n3A_1609 = arith.select %and3A_1606, %sub3A_1608, %div3A_1587 : i32
    %jit3A_1610 = arith.constant 16 : i32
    %eq3A_1611 = arith.constant 0 : i32
    %eq3A_1612 = arith.cmpi eq, %jit3A_1610, %eq3A_1611 : i32
    %jit3A_1613 = arith.constant 1 : i32
    %select_n3A_1614 = arith.select %eq3A_1612, %jit3A_1613, %jit3A_1610 : i32
    %rem3A_1615 = arith.remsi %select_n3A_1609, %select_n3A_1614 : i32
    %ne3A_1616 = arith.constant 0 : i32
    %ne3A_1617 = arith.cmpi ne, %rem3A_1615, %ne3A_1616 : i32
    %lt3A_1618 = arith.constant 0 : i32
    %lt3A_1619 = arith.cmpi slt, %rem3A_1615, %lt3A_1618 : i32
    %lt3A_1620 = arith.constant 0 : i32
    %lt3A_1621 = arith.cmpi slt, %select_n3A_1614, %lt3A_1620 : i32
    %ne3A_1622 = arith.xori %lt3A_1619, %lt3A_1621 : i1
    %and3A_1623 = arith.andi %ne3A_1622, %ne3A_1617 : i1
    %add3A_1624 = arith.addi %rem3A_1615, %select_n3A_1614 : i32
    %select_n3A_1625 = arith.select %and3A_1623, %add3A_1624, %rem3A_1615 : i32
    %mul3A_1626 = arith.constant 8 : i32
    %mul3A_1627 = arith.muli %mul3A_1626, %select_n3A_1625 : i32
    %add3A_1628 = arith.addi %mul3A_1585, %mul3A_1627 : i32
    %multiple_of3A_1629 = tpu.assume_multiple %add3A_1628, 8 : i32
    "tpu.region"() ({
      %run_scoped3A = tpu.sem_alloc : memref<!tpu.dma_semaphore, #tpu.memory_space<semaphore_mem>>
      %dma_start3A = arith.constant 136 : i32
      %dma_start3A_2906 = tpu.memref_slice %arg6[%dma_start3A] : memref<256xf32, #tpu.memory_space<vmem>> -> memref<8xf32, #tpu.memory_space<vmem>>
      %dma_start3A_2907 = tpu.memref_slice %arg3[%multiple_of3A_1629] : memref<802816xf32, #tpu.memory_space<hbm>> -> memref<8xf32, #tpu.memory_space<hbm>>
      %dma_start3A_2908 = arith.constant 136 : i32
      %dma_start3A_2909 = tpu.memref_slice %arg6[%dma_start3A_2908] : memref<256xf32, #tpu.memory_space<vmem>> -> memref<8xf32, #tpu.memory_space<vmem>>
      %dma_start3A_2910 = tpu.memref_slice %arg3[%multiple_of3A_1629] : memref<802816xf32, #tpu.memory_space<hbm>> -> memref<8xf32, #tpu.memory_space<hbm>>
      tpu.enqueue_dma source(%dma_start3A_2910 : memref<8xf32, #tpu.memory_space<hbm>>) target(%dma_start3A_2909 : memref<8xf32, #tpu.memory_space<vmem>>) target_semaphore(%run_scoped3A : memref<!tpu.dma_semaphore, #tpu.memory_space<semaphore_mem>>)
      %dma_wait3A = arith.constant 136 : i32
      %dma_wait3A_2911 = tpu.memref_slice %arg6[%dma_wait3A] : memref<256xf32, #tpu.memory_space<vmem>> -> memref<8xf32, #tpu.memory_space<vmem>>
      %dma_wait3A_2912 = tpu.memref_slice %arg3[%multiple_of3A_1629] : memref<802816xf32, #tpu.memory_space<hbm>> -> memref<8xf32, #tpu.memory_space<hbm>>
      %dma_wait3A_2913 = arith.constant 136 : i32
      %dma_wait3A_2914 = tpu.memref_slice %arg6[%dma_wait3A_2913] : memref<256xf32, #tpu.memory_space<vmem>> -> memref<8xf32, #tpu.memory_space<vmem>>
      %dma_wait3A_2915 = tpu.memref_slice %arg3[%multiple_of3A_1629] : memref<802816xf32, #tpu.memory_space<hbm>> -> memref<8xf32, #tpu.memory_space<hbm>>
      tpu.wait_dma2 semaphore(%run_scoped3A : memref<!tpu.dma_semaphore, #tpu.memory_space<semaphore_mem>>) src(%dma_wait3A_2915 : memref<8xf32, #tpu.memory_space<hbm>>) dst(%dma_wait3A_2914 : memref<8xf32, #tpu.memory_space<vmem>>)
      tpu.yield
    }) : () -> ()
    %slice3A_1630 = vector.extract_strided_slice %get3A_1447 {offsets = [2], sizes = [1], strides = [1]} : vector<16xi32> to vector<1xi32>
    %squeeze3A_1631 = vector.extract %slice3A_1630[0] : i32 from vector<1xi32>
    %jit3A_1632 = arith.constant 2048 : i32
    %div3A_1633 = arith.divsi %squeeze3A_1631, %jit3A_1632 : i32
    %sign3A_1634 = arith.constant 0 : i32
    %sign3A_1635 = arith.cmpi sgt, %squeeze3A_1631, %sign3A_1634 : i32
    %sign3A_1636 = arith.extui %sign3A_1635 : i1 to i32
    %sign3A_1637 = arith.constant 0 : i32
    %sign3A_1638 = arith.cmpi slt, %squeeze3A_1631, %sign3A_1637 : i32
    %sign3A_1639 = arith.extui %sign3A_1638 : i1 to i32
    %sign3A_1640 = arith.subi %sign3A_1636, %sign3A_1639 : i32
    %sign3A_1641 = arith.constant 0 : i32
    %sign3A_1642 = arith.cmpi sgt, %jit3A_1632, %sign3A_1641 : i32
    %sign3A_1643 = arith.extui %sign3A_1642 : i1 to i32
    %sign3A_1644 = arith.constant 0 : i32
    %sign3A_1645 = arith.cmpi slt, %jit3A_1632, %sign3A_1644 : i32
    %sign3A_1646 = arith.extui %sign3A_1645 : i1 to i32
    %sign3A_1647 = arith.subi %sign3A_1643, %sign3A_1646 : i32
    %ne3A_1648 = arith.cmpi ne, %sign3A_1640, %sign3A_1647 : i32
    %rem3A_1649 = arith.remsi %squeeze3A_1631, %jit3A_1632 : i32
    %ne3A_1650 = arith.constant 0 : i32
    %ne3A_1651 = arith.cmpi ne, %rem3A_1649, %ne3A_1650 : i32
    %and3A_1652 = arith.andi %ne3A_1648, %ne3A_1651 : i1
    %sub3A_1653 = arith.constant 1 : i32
    %sub3A_1654 = arith.subi %div3A_1633, %sub3A_1653 : i32
    %select_n3A_1655 = arith.select %and3A_1652, %sub3A_1654, %div3A_1633 : i32
    %mul3A_1656 = arith.constant 128 : i32
    %mul3A_1657 = arith.muli %mul3A_1656, %select_n3A_1655 : i32
    %jit3A_1658 = arith.constant 128 : i32
    %eq3A_1659 = arith.constant 0 : i32
    %eq3A_1660 = arith.cmpi eq, %jit3A_1658, %eq3A_1659 : i32
    %jit3A_1661 = arith.constant 1 : i32
    %select_n3A_1662 = arith.select %eq3A_1660, %jit3A_1661, %jit3A_1658 : i32
    %rem3A_1663 = arith.remsi %squeeze3A_1631, %select_n3A_1662 : i32
    %ne3A_1664 = arith.constant 0 : i32
    %ne3A_1665 = arith.cmpi ne, %rem3A_1663, %ne3A_1664 : i32
    %lt3A_1666 = arith.constant 0 : i32
    %lt3A_1667 = arith.cmpi slt, %rem3A_1663, %lt3A_1666 : i32
    %lt3A_1668 = arith.constant 0 : i32
    %lt3A_1669 = arith.cmpi slt, %select_n3A_1662, %lt3A_1668 : i32
    %ne3A_1670 = arith.xori %lt3A_1667, %lt3A_1669 : i1
    %and3A_1671 = arith.andi %ne3A_1670, %ne3A_1665 : i1
    %add3A_1672 = arith.addi %rem3A_1663, %select_n3A_1662 : i32
    %select_n3A_1673 = arith.select %and3A_1671, %add3A_1672, %rem3A_1663 : i32
    %add3A_1674 = arith.addi %mul3A_1657, %select_n3A_1673 : i32
    %mul3A_1675 = arith.constant 128 : i32
    %mul3A_1676 = arith.muli %mul3A_1675, %add3A_1674 : i32
    %jit3A_1677 = arith.constant 128 : i32
    %div3A_1678 = arith.divsi %squeeze3A_1631, %jit3A_1677 : i32
    %sign3A_1679 = arith.constant 0 : i32
    %sign3A_1680 = arith.cmpi sgt, %squeeze3A_1631, %sign3A_1679 : i32
    %sign3A_1681 = arith.extui %sign3A_1680 : i1 to i32
    %sign3A_1682 = arith.constant 0 : i32
    %sign3A_1683 = arith.cmpi slt, %squeeze3A_1631, %sign3A_1682 : i32
    %sign3A_1684 = arith.extui %sign3A_1683 : i1 to i32
    %sign3A_1685 = arith.subi %sign3A_1681, %sign3A_1684 : i32
    %sign3A_1686 = arith.constant 0 : i32
    %sign3A_1687 = arith.cmpi sgt, %jit3A_1677, %sign3A_1686 : i32
    %sign3A_1688 = arith.extui %sign3A_1687 : i1 to i32
    %sign3A_1689 = arith.constant 0 : i32
    %sign3A_1690 = arith.cmpi slt, %jit3A_1677, %sign3A_1689 : i32
    %sign3A_1691 = arith.extui %sign3A_1690 : i1 to i32
    %sign3A_1692 = arith.subi %sign3A_1688, %sign3A_1691 : i32
    %ne3A_1693 = arith.cmpi ne, %sign3A_1685, %sign3A_1692 : i32
    %rem3A_1694 = arith.remsi %squeeze3A_1631, %jit3A_1677 : i32
    %ne3A_1695 = arith.constant 0 : i32
    %ne3A_1696 = arith.cmpi ne, %rem3A_1694, %ne3A_1695 : i32
    %and3A_1697 = arith.andi %ne3A_1693, %ne3A_1696 : i1
    %sub3A_1698 = arith.constant 1 : i32
    %sub3A_1699 = arith.subi %div3A_1678, %sub3A_1698 : i32
    %select_n3A_1700 = arith.select %and3A_1697, %sub3A_1699, %div3A_1678 : i32
    %jit3A_1701 = arith.constant 16 : i32
    %eq3A_1702 = arith.constant 0 : i32
    %eq3A_1703 = arith.cmpi eq, %jit3A_1701, %eq3A_1702 : i32
    %jit3A_1704 = arith.constant 1 : i32
    %select_n3A_1705 = arith.select %eq3A_1703, %jit3A_1704, %jit3A_1701 : i32
    %rem3A_1706 = arith.remsi %select_n3A_1700, %select_n3A_1705 : i32
    %ne3A_1707 = arith.constant 0 : i32
    %ne3A_1708 = arith.cmpi ne, %rem3A_1706, %ne3A_1707 : i32
    %lt3A_1709 = arith.constant 0 : i32
    %lt3A_1710 = arith.cmpi slt, %rem3A_1706, %lt3A_1709 : i32
    %lt3A_1711 = arith.constant 0 : i32
    %lt3A_1712 = arith.cmpi slt, %select_n3A_1705, %lt3A_1711 : i32
    %ne3A_1713 = arith.xori %lt3A_1710, %lt3A_1712 : i1
    %and3A_1714 = arith.andi %ne3A_1713, %ne3A_1708 : i1
    %add3A_1715 = arith.addi %rem3A_1706, %select_n3A_1705 : i32
    %select_n3A_1716 = arith.select %and3A_1714, %add3A_1715, %rem3A_1706 : i32
    %mul3A_1717 = arith.constant 8 : i32
    %mul3A_1718 = arith.muli %mul3A_1717, %select_n3A_1716 : i32
    %add3A_1719 = arith.addi %mul3A_1676, %mul3A_1718 : i32
    %multiple_of3A_1720 = tpu.assume_multiple %add3A_1719, 8 : i32
    "tpu.region"() ({
      %run_scoped3A = tpu.sem_alloc : memref<!tpu.dma_semaphore, #tpu.memory_space<semaphore_mem>>
      %dma_start3A = arith.constant 144 : i32
      %dma_start3A_2906 = tpu.memref_slice %arg6[%dma_start3A] : memref<256xf32, #tpu.memory_space<vmem>> -> memref<8xf32, #tpu.memory_space<vmem>>
      %dma_start3A_2907 = tpu.memref_slice %arg3[%multiple_of3A_1720] : memref<802816xf32, #tpu.memory_space<hbm>> -> memref<8xf32, #tpu.memory_space<hbm>>
      %dma_start3A_2908 = arith.constant 144 : i32
      %dma_start3A_2909 = tpu.memref_slice %arg6[%dma_start3A_2908] : memref<256xf32, #tpu.memory_space<vmem>> -> memref<8xf32, #tpu.memory_space<vmem>>
      %dma_start3A_2910 = tpu.memref_slice %arg3[%multiple_of3A_1720] : memref<802816xf32, #tpu.memory_space<hbm>> -> memref<8xf32, #tpu.memory_space<hbm>>
      tpu.enqueue_dma source(%dma_start3A_2910 : memref<8xf32, #tpu.memory_space<hbm>>) target(%dma_start3A_2909 : memref<8xf32, #tpu.memory_space<vmem>>) target_semaphore(%run_scoped3A : memref<!tpu.dma_semaphore, #tpu.memory_space<semaphore_mem>>)
      %dma_wait3A = arith.constant 144 : i32
      %dma_wait3A_2911 = tpu.memref_slice %arg6[%dma_wait3A] : memref<256xf32, #tpu.memory_space<vmem>> -> memref<8xf32, #tpu.memory_space<vmem>>
      %dma_wait3A_2912 = tpu.memref_slice %arg3[%multiple_of3A_1720] : memref<802816xf32, #tpu.memory_space<hbm>> -> memref<8xf32, #tpu.memory_space<hbm>>
      %dma_wait3A_2913 = arith.constant 144 : i32
      %dma_wait3A_2914 = tpu.memref_slice %arg6[%dma_wait3A_2913] : memref<256xf32, #tpu.memory_space<vmem>> -> memref<8xf32, #tpu.memory_space<vmem>>
      %dma_wait3A_2915 = tpu.memref_slice %arg3[%multiple_of3A_1720] : memref<802816xf32, #tpu.memory_space<hbm>> -> memref<8xf32, #tpu.memory_space<hbm>>
      tpu.wait_dma2 semaphore(%run_scoped3A : memref<!tpu.dma_semaphore, #tpu.memory_space<semaphore_mem>>) src(%dma_wait3A_2915 : memref<8xf32, #tpu.memory_space<hbm>>) dst(%dma_wait3A_2914 : memref<8xf32, #tpu.memory_space<vmem>>)
      tpu.yield
    }) : () -> ()
    %slice3A_1721 = vector.extract_strided_slice %get3A_1447 {offsets = [3], sizes = [1], strides = [1]} : vector<16xi32> to vector<1xi32>
    %squeeze3A_1722 = vector.extract %slice3A_1721[0] : i32 from vector<1xi32>
    %jit3A_1723 = arith.constant 2048 : i32
    %div3A_1724 = arith.divsi %squeeze3A_1722, %jit3A_1723 : i32
    %sign3A_1725 = arith.constant 0 : i32
    %sign3A_1726 = arith.cmpi sgt, %squeeze3A_1722, %sign3A_1725 : i32
    %sign3A_1727 = arith.extui %sign3A_1726 : i1 to i32
    %sign3A_1728 = arith.constant 0 : i32
    %sign3A_1729 = arith.cmpi slt, %squeeze3A_1722, %sign3A_1728 : i32
    %sign3A_1730 = arith.extui %sign3A_1729 : i1 to i32
    %sign3A_1731 = arith.subi %sign3A_1727, %sign3A_1730 : i32
    %sign3A_1732 = arith.constant 0 : i32
    %sign3A_1733 = arith.cmpi sgt, %jit3A_1723, %sign3A_1732 : i32
    %sign3A_1734 = arith.extui %sign3A_1733 : i1 to i32
    %sign3A_1735 = arith.constant 0 : i32
    %sign3A_1736 = arith.cmpi slt, %jit3A_1723, %sign3A_1735 : i32
    %sign3A_1737 = arith.extui %sign3A_1736 : i1 to i32
    %sign3A_1738 = arith.subi %sign3A_1734, %sign3A_1737 : i32
    %ne3A_1739 = arith.cmpi ne, %sign3A_1731, %sign3A_1738 : i32
    %rem3A_1740 = arith.remsi %squeeze3A_1722, %jit3A_1723 : i32
    %ne3A_1741 = arith.constant 0 : i32
    %ne3A_1742 = arith.cmpi ne, %rem3A_1740, %ne3A_1741 : i32
    %and3A_1743 = arith.andi %ne3A_1739, %ne3A_1742 : i1
    %sub3A_1744 = arith.constant 1 : i32
    %sub3A_1745 = arith.subi %div3A_1724, %sub3A_1744 : i32
    %select_n3A_1746 = arith.select %and3A_1743, %sub3A_1745, %div3A_1724 : i32
    %mul3A_1747 = arith.constant 128 : i32
    %mul3A_1748 = arith.muli %mul3A_1747, %select_n3A_1746 : i32
    %jit3A_1749 = arith.constant 128 : i32
    %eq3A_1750 = arith.constant 0 : i32
    %eq3A_1751 = arith.cmpi eq, %jit3A_1749, %eq3A_1750 : i32
    %jit3A_1752 = arith.constant 1 : i32
    %select_n3A_1753 = arith.select %eq3A_1751, %jit3A_1752, %jit3A_1749 : i32
    %rem3A_1754 = arith.remsi %squeeze3A_1722, %select_n3A_1753 : i32
    %ne3A_1755 = arith.constant 0 : i32
    %ne3A_1756 = arith.cmpi ne, %rem3A_1754, %ne3A_1755 : i32
    %lt3A_1757 = arith.constant 0 : i32
    %lt3A_1758 = arith.cmpi slt, %rem3A_1754, %lt3A_1757 : i32
    %lt3A_1759 = arith.constant 0 : i32
    %lt3A_1760 = arith.cmpi slt, %select_n3A_1753, %lt3A_1759 : i32
    %ne3A_1761 = arith.xori %lt3A_1758, %lt3A_1760 : i1
    %and3A_1762 = arith.andi %ne3A_1761, %ne3A_1756 : i1
    %add3A_1763 = arith.addi %rem3A_1754, %select_n3A_1753 : i32
    %select_n3A_1764 = arith.select %and3A_1762, %add3A_1763, %rem3A_1754 : i32
    %add3A_1765 = arith.addi %mul3A_1748, %select_n3A_1764 : i32
    %mul3A_1766 = arith.constant 128 : i32
    %mul3A_1767 = arith.muli %mul3A_1766, %add3A_1765 : i32
    %jit3A_1768 = arith.constant 128 : i32
    %div3A_1769 = arith.divsi %squeeze3A_1722, %jit3A_1768 : i32
    %sign3A_1770 = arith.constant 0 : i32
    %sign3A_1771 = arith.cmpi sgt, %squeeze3A_1722, %sign3A_1770 : i32
    %sign3A_1772 = arith.extui %sign3A_1771 : i1 to i32
    %sign3A_1773 = arith.constant 0 : i32
    %sign3A_1774 = arith.cmpi slt, %squeeze3A_1722, %sign3A_1773 : i32
    %sign3A_1775 = arith.extui %sign3A_1774 : i1 to i32
    %sign3A_1776 = arith.subi %sign3A_1772, %sign3A_1775 : i32
    %sign3A_1777 = arith.constant 0 : i32
    %sign3A_1778 = arith.cmpi sgt, %jit3A_1768, %sign3A_1777 : i32
    %sign3A_1779 = arith.extui %sign3A_1778 : i1 to i32
    %sign3A_1780 = arith.constant 0 : i32
    %sign3A_1781 = arith.cmpi slt, %jit3A_1768, %sign3A_1780 : i32
    %sign3A_1782 = arith.extui %sign3A_1781 : i1 to i32
    %sign3A_1783 = arith.subi %sign3A_1779, %sign3A_1782 : i32
    %ne3A_1784 = arith.cmpi ne, %sign3A_1776, %sign3A_1783 : i32
    %rem3A_1785 = arith.remsi %squeeze3A_1722, %jit3A_1768 : i32
    %ne3A_1786 = arith.constant 0 : i32
    %ne3A_1787 = arith.cmpi ne, %rem3A_1785, %ne3A_1786 : i32
    %and3A_1788 = arith.andi %ne3A_1784, %ne3A_1787 : i1
    %sub3A_1789 = arith.constant 1 : i32
    %sub3A_1790 = arith.subi %div3A_1769, %sub3A_1789 : i32
    %select_n3A_1791 = arith.select %and3A_1788, %sub3A_1790, %div3A_1769 : i32
    %jit3A_1792 = arith.constant 16 : i32
    %eq3A_1793 = arith.constant 0 : i32
    %eq3A_1794 = arith.cmpi eq, %jit3A_1792, %eq3A_1793 : i32
    %jit3A_1795 = arith.constant 1 : i32
    %select_n3A_1796 = arith.select %eq3A_1794, %jit3A_1795, %jit3A_1792 : i32
    %rem3A_1797 = arith.remsi %select_n3A_1791, %select_n3A_1796 : i32
    %ne3A_1798 = arith.constant 0 : i32
    %ne3A_1799 = arith.cmpi ne, %rem3A_1797, %ne3A_1798 : i32
    %lt3A_1800 = arith.constant 0 : i32
    %lt3A_1801 = arith.cmpi slt, %rem3A_1797, %lt3A_1800 : i32
    %lt3A_1802 = arith.constant 0 : i32
    %lt3A_1803 = arith.cmpi slt, %select_n3A_1796, %lt3A_1802 : i32
    %ne3A_1804 = arith.xori %lt3A_1801, %lt3A_1803 : i1
    %and3A_1805 = arith.andi %ne3A_1804, %ne3A_1799 : i1
    %add3A_1806 = arith.addi %rem3A_1797, %select_n3A_1796 : i32
    %select_n3A_1807 = arith.select %and3A_1805, %add3A_1806, %rem3A_1797 : i32
    %mul3A_1808 = arith.constant 8 : i32
    %mul3A_1809 = arith.muli %mul3A_1808, %select_n3A_1807 : i32
    %add3A_1810 = arith.addi %mul3A_1767, %mul3A_1809 : i32
    %multiple_of3A_1811 = tpu.assume_multiple %add3A_1810, 8 : i32
    "tpu.region"() ({
      %run_scoped3A = tpu.sem_alloc : memref<!tpu.dma_semaphore, #tpu.memory_space<semaphore_mem>>
      %dma_start3A = arith.constant 152 : i32
      %dma_start3A_2906 = tpu.memref_slice %arg6[%dma_start3A] : memref<256xf32, #tpu.memory_space<vmem>> -> memref<8xf32, #tpu.memory_space<vmem>>
      %dma_start3A_2907 = tpu.memref_slice %arg3[%multiple_of3A_1811] : memref<802816xf32, #tpu.memory_space<hbm>> -> memref<8xf32, #tpu.memory_space<hbm>>
      %dma_start3A_2908 = arith.constant 152 : i32
      %dma_start3A_2909 = tpu.memref_slice %arg6[%dma_start3A_2908] : memref<256xf32, #tpu.memory_space<vmem>> -> memref<8xf32, #tpu.memory_space<vmem>>
      %dma_start3A_2910 = tpu.memref_slice %arg3[%multiple_of3A_1811] : memref<802816xf32, #tpu.memory_space<hbm>> -> memref<8xf32, #tpu.memory_space<hbm>>
      tpu.enqueue_dma source(%dma_start3A_2910 : memref<8xf32, #tpu.memory_space<hbm>>) target(%dma_start3A_2909 : memref<8xf32, #tpu.memory_space<vmem>>) target_semaphore(%run_scoped3A : memref<!tpu.dma_semaphore, #tpu.memory_space<semaphore_mem>>)
      %dma_wait3A = arith.constant 152 : i32
      %dma_wait3A_2911 = tpu.memref_slice %arg6[%dma_wait3A] : memref<256xf32, #tpu.memory_space<vmem>> -> memref<8xf32, #tpu.memory_space<vmem>>
      %dma_wait3A_2912 = tpu.memref_slice %arg3[%multiple_of3A_1811] : memref<802816xf32, #tpu.memory_space<hbm>> -> memref<8xf32, #tpu.memory_space<hbm>>
      %dma_wait3A_2913 = arith.constant 152 : i32
      %dma_wait3A_2914 = tpu.memref_slice %arg6[%dma_wait3A_2913] : memref<256xf32, #tpu.memory_space<vmem>> -> memref<8xf32, #tpu.memory_space<vmem>>
      %dma_wait3A_2915 = tpu.memref_slice %arg3[%multiple_of3A_1811] : memref<802816xf32, #tpu.memory_space<hbm>> -> memref<8xf32, #tpu.memory_space<hbm>>
      tpu.wait_dma2 semaphore(%run_scoped3A : memref<!tpu.dma_semaphore, #tpu.memory_space<semaphore_mem>>) src(%dma_wait3A_2915 : memref<8xf32, #tpu.memory_space<hbm>>) dst(%dma_wait3A_2914 : memref<8xf32, #tpu.memory_space<vmem>>)
      tpu.yield
    }) : () -> ()
    %slice3A_1812 = vector.extract_strided_slice %get3A_1447 {offsets = [4], sizes = [1], strides = [1]} : vector<16xi32> to vector<1xi32>
    %squeeze3A_1813 = vector.extract %slice3A_1812[0] : i32 from vector<1xi32>
    %jit3A_1814 = arith.constant 2048 : i32
    %div3A_1815 = arith.divsi %squeeze3A_1813, %jit3A_1814 : i32
    %sign3A_1816 = arith.constant 0 : i32
    %sign3A_1817 = arith.cmpi sgt, %squeeze3A_1813, %sign3A_1816 : i32
    %sign3A_1818 = arith.extui %sign3A_1817 : i1 to i32
    %sign3A_1819 = arith.constant 0 : i32
    %sign3A_1820 = arith.cmpi slt, %squeeze3A_1813, %sign3A_1819 : i32
    %sign3A_1821 = arith.extui %sign3A_1820 : i1 to i32
    %sign3A_1822 = arith.subi %sign3A_1818, %sign3A_1821 : i32
    %sign3A_1823 = arith.constant 0 : i32
    %sign3A_1824 = arith.cmpi sgt, %jit3A_1814, %sign3A_1823 : i32
    %sign3A_1825 = arith.extui %sign3A_1824 : i1 to i32
    %sign3A_1826 = arith.constant 0 : i32
    %sign3A_1827 = arith.cmpi slt, %jit3A_1814, %sign3A_1826 : i32
    %sign3A_1828 = arith.extui %sign3A_1827 : i1 to i32
    %sign3A_1829 = arith.subi %sign3A_1825, %sign3A_1828 : i32
    %ne3A_1830 = arith.cmpi ne, %sign3A_1822, %sign3A_1829 : i32
    %rem3A_1831 = arith.remsi %squeeze3A_1813, %jit3A_1814 : i32
    %ne3A_1832 = arith.constant 0 : i32
    %ne3A_1833 = arith.cmpi ne, %rem3A_1831, %ne3A_1832 : i32
    %and3A_1834 = arith.andi %ne3A_1830, %ne3A_1833 : i1
    %sub3A_1835 = arith.constant 1 : i32
    %sub3A_1836 = arith.subi %div3A_1815, %sub3A_1835 : i32
    %select_n3A_1837 = arith.select %and3A_1834, %sub3A_1836, %div3A_1815 : i32
    %mul3A_1838 = arith.constant 128 : i32
    %mul3A_1839 = arith.muli %mul3A_1838, %select_n3A_1837 : i32
    %jit3A_1840 = arith.constant 128 : i32
    %eq3A_1841 = arith.constant 0 : i32
    %eq3A_1842 = arith.cmpi eq, %jit3A_1840, %eq3A_1841 : i32
    %jit3A_1843 = arith.constant 1 : i32
    %select_n3A_1844 = arith.select %eq3A_1842, %jit3A_1843, %jit3A_1840 : i32
    %rem3A_1845 = arith.remsi %squeeze3A_1813, %select_n3A_1844 : i32
    %ne3A_1846 = arith.constant 0 : i32
    %ne3A_1847 = arith.cmpi ne, %rem3A_1845, %ne3A_1846 : i32
    %lt3A_1848 = arith.constant 0 : i32
    %lt3A_1849 = arith.cmpi slt, %rem3A_1845, %lt3A_1848 : i32
    %lt3A_1850 = arith.constant 0 : i32
    %lt3A_1851 = arith.cmpi slt, %select_n3A_1844, %lt3A_1850 : i32
    %ne3A_1852 = arith.xori %lt3A_1849, %lt3A_1851 : i1
    %and3A_1853 = arith.andi %ne3A_1852, %ne3A_1847 : i1
    %add3A_1854 = arith.addi %rem3A_1845, %select_n3A_1844 : i32
    %select_n3A_1855 = arith.select %and3A_1853, %add3A_1854, %rem3A_1845 : i32
    %add3A_1856 = arith.addi %mul3A_1839, %select_n3A_1855 : i32
    %mul3A_1857 = arith.constant 128 : i32
    %mul3A_1858 = arith.muli %mul3A_1857, %add3A_1856 : i32
    %jit3A_1859 = arith.constant 128 : i32
    %div3A_1860 = arith.divsi %squeeze3A_1813, %jit3A_1859 : i32
    %sign3A_1861 = arith.constant 0 : i32
    %sign3A_1862 = arith.cmpi sgt, %squeeze3A_1813, %sign3A_1861 : i32
    %sign3A_1863 = arith.extui %sign3A_1862 : i1 to i32
    %sign3A_1864 = arith.constant 0 : i32
    %sign3A_1865 = arith.cmpi slt, %squeeze3A_1813, %sign3A_1864 : i32
    %sign3A_1866 = arith.extui %sign3A_1865 : i1 to i32
    %sign3A_1867 = arith.subi %sign3A_1863, %sign3A_1866 : i32
    %sign3A_1868 = arith.constant 0 : i32
    %sign3A_1869 = arith.cmpi sgt, %jit3A_1859, %sign3A_1868 : i32
    %sign3A_1870 = arith.extui %sign3A_1869 : i1 to i32
    %sign3A_1871 = arith.constant 0 : i32
    %sign3A_1872 = arith.cmpi slt, %jit3A_1859, %sign3A_1871 : i32
    %sign3A_1873 = arith.extui %sign3A_1872 : i1 to i32
    %sign3A_1874 = arith.subi %sign3A_1870, %sign3A_1873 : i32
    %ne3A_1875 = arith.cmpi ne, %sign3A_1867, %sign3A_1874 : i32
    %rem3A_1876 = arith.remsi %squeeze3A_1813, %jit3A_1859 : i32
    %ne3A_1877 = arith.constant 0 : i32
    %ne3A_1878 = arith.cmpi ne, %rem3A_1876, %ne3A_1877 : i32
    %and3A_1879 = arith.andi %ne3A_1875, %ne3A_1878 : i1
    %sub3A_1880 = arith.constant 1 : i32
    %sub3A_1881 = arith.subi %div3A_1860, %sub3A_1880 : i32
    %select_n3A_1882 = arith.select %and3A_1879, %sub3A_1881, %div3A_1860 : i32
    %jit3A_1883 = arith.constant 16 : i32
    %eq3A_1884 = arith.constant 0 : i32
    %eq3A_1885 = arith.cmpi eq, %jit3A_1883, %eq3A_1884 : i32
    %jit3A_1886 = arith.constant 1 : i32
    %select_n3A_1887 = arith.select %eq3A_1885, %jit3A_1886, %jit3A_1883 : i32
    %rem3A_1888 = arith.remsi %select_n3A_1882, %select_n3A_1887 : i32
    %ne3A_1889 = arith.constant 0 : i32
    %ne3A_1890 = arith.cmpi ne, %rem3A_1888, %ne3A_1889 : i32
    %lt3A_1891 = arith.constant 0 : i32
    %lt3A_1892 = arith.cmpi slt, %rem3A_1888, %lt3A_1891 : i32
    %lt3A_1893 = arith.constant 0 : i32
    %lt3A_1894 = arith.cmpi slt, %select_n3A_1887, %lt3A_1893 : i32
    %ne3A_1895 = arith.xori %lt3A_1892, %lt3A_1894 : i1
    %and3A_1896 = arith.andi %ne3A_1895, %ne3A_1890 : i1
    %add3A_1897 = arith.addi %rem3A_1888, %select_n3A_1887 : i32
    %select_n3A_1898 = arith.select %and3A_1896, %add3A_1897, %rem3A_1888 : i32
    %mul3A_1899 = arith.constant 8 : i32
    %mul3A_1900 = arith.muli %mul3A_1899, %select_n3A_1898 : i32
    %add3A_1901 = arith.addi %mul3A_1858, %mul3A_1900 : i32
    %multiple_of3A_1902 = tpu.assume_multiple %add3A_1901, 8 : i32
    "tpu.region"() ({
      %run_scoped3A = tpu.sem_alloc : memref<!tpu.dma_semaphore, #tpu.memory_space<semaphore_mem>>
      %dma_start3A = arith.constant 160 : i32
      %dma_start3A_2906 = tpu.memref_slice %arg6[%dma_start3A] : memref<256xf32, #tpu.memory_space<vmem>> -> memref<8xf32, #tpu.memory_space<vmem>>
      %dma_start3A_2907 = tpu.memref_slice %arg3[%multiple_of3A_1902] : memref<802816xf32, #tpu.memory_space<hbm>> -> memref<8xf32, #tpu.memory_space<hbm>>
      %dma_start3A_2908 = arith.constant 160 : i32
      %dma_start3A_2909 = tpu.memref_slice %arg6[%dma_start3A_2908] : memref<256xf32, #tpu.memory_space<vmem>> -> memref<8xf32, #tpu.memory_space<vmem>>
      %dma_start3A_2910 = tpu.memref_slice %arg3[%multiple_of3A_1902] : memref<802816xf32, #tpu.memory_space<hbm>> -> memref<8xf32, #tpu.memory_space<hbm>>
      tpu.enqueue_dma source(%dma_start3A_2910 : memref<8xf32, #tpu.memory_space<hbm>>) target(%dma_start3A_2909 : memref<8xf32, #tpu.memory_space<vmem>>) target_semaphore(%run_scoped3A : memref<!tpu.dma_semaphore, #tpu.memory_space<semaphore_mem>>)
      %dma_wait3A = arith.constant 160 : i32
      %dma_wait3A_2911 = tpu.memref_slice %arg6[%dma_wait3A] : memref<256xf32, #tpu.memory_space<vmem>> -> memref<8xf32, #tpu.memory_space<vmem>>
      %dma_wait3A_2912 = tpu.memref_slice %arg3[%multiple_of3A_1902] : memref<802816xf32, #tpu.memory_space<hbm>> -> memref<8xf32, #tpu.memory_space<hbm>>
      %dma_wait3A_2913 = arith.constant 160 : i32
      %dma_wait3A_2914 = tpu.memref_slice %arg6[%dma_wait3A_2913] : memref<256xf32, #tpu.memory_space<vmem>> -> memref<8xf32, #tpu.memory_space<vmem>>
      %dma_wait3A_2915 = tpu.memref_slice %arg3[%multiple_of3A_1902] : memref<802816xf32, #tpu.memory_space<hbm>> -> memref<8xf32, #tpu.memory_space<hbm>>
      tpu.wait_dma2 semaphore(%run_scoped3A : memref<!tpu.dma_semaphore, #tpu.memory_space<semaphore_mem>>) src(%dma_wait3A_2915 : memref<8xf32, #tpu.memory_space<hbm>>) dst(%dma_wait3A_2914 : memref<8xf32, #tpu.memory_space<vmem>>)
      tpu.yield
    }) : () -> ()
    %slice3A_1903 = vector.extract_strided_slice %get3A_1447 {offsets = [5], sizes = [1], strides = [1]} : vector<16xi32> to vector<1xi32>
    %squeeze3A_1904 = vector.extract %slice3A_1903[0] : i32 from vector<1xi32>
    %jit3A_1905 = arith.constant 2048 : i32
    %div3A_1906 = arith.divsi %squeeze3A_1904, %jit3A_1905 : i32
    %sign3A_1907 = arith.constant 0 : i32
    %sign3A_1908 = arith.cmpi sgt, %squeeze3A_1904, %sign3A_1907 : i32
    %sign3A_1909 = arith.extui %sign3A_1908 : i1 to i32
    %sign3A_1910 = arith.constant 0 : i32
    %sign3A_1911 = arith.cmpi slt, %squeeze3A_1904, %sign3A_1910 : i32
    %sign3A_1912 = arith.extui %sign3A_1911 : i1 to i32
    %sign3A_1913 = arith.subi %sign3A_1909, %sign3A_1912 : i32
    %sign3A_1914 = arith.constant 0 : i32
    %sign3A_1915 = arith.cmpi sgt, %jit3A_1905, %sign3A_1914 : i32
    %sign3A_1916 = arith.extui %sign3A_1915 : i1 to i32
    %sign3A_1917 = arith.constant 0 : i32
    %sign3A_1918 = arith.cmpi slt, %jit3A_1905, %sign3A_1917 : i32
    %sign3A_1919 = arith.extui %sign3A_1918 : i1 to i32
    %sign3A_1920 = arith.subi %sign3A_1916, %sign3A_1919 : i32
    %ne3A_1921 = arith.cmpi ne, %sign3A_1913, %sign3A_1920 : i32
    %rem3A_1922 = arith.remsi %squeeze3A_1904, %jit3A_1905 : i32
    %ne3A_1923 = arith.constant 0 : i32
    %ne3A_1924 = arith.cmpi ne, %rem3A_1922, %ne3A_1923 : i32
    %and3A_1925 = arith.andi %ne3A_1921, %ne3A_1924 : i1
    %sub3A_1926 = arith.constant 1 : i32
    %sub3A_1927 = arith.subi %div3A_1906, %sub3A_1926 : i32
    %select_n3A_1928 = arith.select %and3A_1925, %sub3A_1927, %div3A_1906 : i32
    %mul3A_1929 = arith.constant 128 : i32
    %mul3A_1930 = arith.muli %mul3A_1929, %select_n3A_1928 : i32
    %jit3A_1931 = arith.constant 128 : i32
    %eq3A_1932 = arith.constant 0 : i32
    %eq3A_1933 = arith.cmpi eq, %jit3A_1931, %eq3A_1932 : i32
    %jit3A_1934 = arith.constant 1 : i32
    %select_n3A_1935 = arith.select %eq3A_1933, %jit3A_1934, %jit3A_1931 : i32
    %rem3A_1936 = arith.remsi %squeeze3A_1904, %select_n3A_1935 : i32
    %ne3A_1937 = arith.constant 0 : i32
    %ne3A_1938 = arith.cmpi ne, %rem3A_1936, %ne3A_1937 : i32
    %lt3A_1939 = arith.constant 0 : i32
    %lt3A_1940 = arith.cmpi slt, %rem3A_1936, %lt3A_1939 : i32
    %lt3A_1941 = arith.constant 0 : i32
    %lt3A_1942 = arith.cmpi slt, %select_n3A_1935, %lt3A_1941 : i32
    %ne3A_1943 = arith.xori %lt3A_1940, %lt3A_1942 : i1
    %and3A_1944 = arith.andi %ne3A_1943, %ne3A_1938 : i1
    %add3A_1945 = arith.addi %rem3A_1936, %select_n3A_1935 : i32
    %select_n3A_1946 = arith.select %and3A_1944, %add3A_1945, %rem3A_1936 : i32
    %add3A_1947 = arith.addi %mul3A_1930, %select_n3A_1946 : i32
    %mul3A_1948 = arith.constant 128 : i32
    %mul3A_1949 = arith.muli %mul3A_1948, %add3A_1947 : i32
    %jit3A_1950 = arith.constant 128 : i32
    %div3A_1951 = arith.divsi %squeeze3A_1904, %jit3A_1950 : i32
    %sign3A_1952 = arith.constant 0 : i32
    %sign3A_1953 = arith.cmpi sgt, %squeeze3A_1904, %sign3A_1952 : i32
    %sign3A_1954 = arith.extui %sign3A_1953 : i1 to i32
    %sign3A_1955 = arith.constant 0 : i32
    %sign3A_1956 = arith.cmpi slt, %squeeze3A_1904, %sign3A_1955 : i32
    %sign3A_1957 = arith.extui %sign3A_1956 : i1 to i32
    %sign3A_1958 = arith.subi %sign3A_1954, %sign3A_1957 : i32
    %sign3A_1959 = arith.constant 0 : i32
    %sign3A_1960 = arith.cmpi sgt, %jit3A_1950, %sign3A_1959 : i32
    %sign3A_1961 = arith.extui %sign3A_1960 : i1 to i32
    %sign3A_1962 = arith.constant 0 : i32
    %sign3A_1963 = arith.cmpi slt, %jit3A_1950, %sign3A_1962 : i32
    %sign3A_1964 = arith.extui %sign3A_1963 : i1 to i32
    %sign3A_1965 = arith.subi %sign3A_1961, %sign3A_1964 : i32
    %ne3A_1966 = arith.cmpi ne, %sign3A_1958, %sign3A_1965 : i32
    %rem3A_1967 = arith.remsi %squeeze3A_1904, %jit3A_1950 : i32
    %ne3A_1968 = arith.constant 0 : i32
    %ne3A_1969 = arith.cmpi ne, %rem3A_1967, %ne3A_1968 : i32
    %and3A_1970 = arith.andi %ne3A_1966, %ne3A_1969 : i1
    %sub3A_1971 = arith.constant 1 : i32
    %sub3A_1972 = arith.subi %div3A_1951, %sub3A_1971 : i32
    %select_n3A_1973 = arith.select %and3A_1970, %sub3A_1972, %div3A_1951 : i32
    %jit3A_1974 = arith.constant 16 : i32
    %eq3A_1975 = arith.constant 0 : i32
    %eq3A_1976 = arith.cmpi eq, %jit3A_1974, %eq3A_1975 : i32
    %jit3A_1977 = arith.constant 1 : i32
    %select_n3A_1978 = arith.select %eq3A_1976, %jit3A_1977, %jit3A_1974 : i32
    %rem3A_1979 = arith.remsi %select_n3A_1973, %select_n3A_1978 : i32
    %ne3A_1980 = arith.constant 0 : i32
    %ne3A_1981 = arith.cmpi ne, %rem3A_1979, %ne3A_1980 : i32
    %lt3A_1982 = arith.constant 0 : i32
    %lt3A_1983 = arith.cmpi slt, %rem3A_1979, %lt3A_1982 : i32
    %lt3A_1984 = arith.constant 0 : i32
    %lt3A_1985 = arith.cmpi slt, %select_n3A_1978, %lt3A_1984 : i32
    %ne3A_1986 = arith.xori %lt3A_1983, %lt3A_1985 : i1
    %and3A_1987 = arith.andi %ne3A_1986, %ne3A_1981 : i1
    %add3A_1988 = arith.addi %rem3A_1979, %select_n3A_1978 : i32
    %select_n3A_1989 = arith.select %and3A_1987, %add3A_1988, %rem3A_1979 : i32
    %mul3A_1990 = arith.constant 8 : i32
    %mul3A_1991 = arith.muli %mul3A_1990, %select_n3A_1989 : i32
    %add3A_1992 = arith.addi %mul3A_1949, %mul3A_1991 : i32
    %multiple_of3A_1993 = tpu.assume_multiple %add3A_1992, 8 : i32
    "tpu.region"() ({
      %run_scoped3A = tpu.sem_alloc : memref<!tpu.dma_semaphore, #tpu.memory_space<semaphore_mem>>
      %dma_start3A = arith.constant 168 : i32
      %dma_start3A_2906 = tpu.memref_slice %arg6[%dma_start3A] : memref<256xf32, #tpu.memory_space<vmem>> -> memref<8xf32, #tpu.memory_space<vmem>>
      %dma_start3A_2907 = tpu.memref_slice %arg3[%multiple_of3A_1993] : memref<802816xf32, #tpu.memory_space<hbm>> -> memref<8xf32, #tpu.memory_space<hbm>>
      %dma_start3A_2908 = arith.constant 168 : i32
      %dma_start3A_2909 = tpu.memref_slice %arg6[%dma_start3A_2908] : memref<256xf32, #tpu.memory_space<vmem>> -> memref<8xf32, #tpu.memory_space<vmem>>
      %dma_start3A_2910 = tpu.memref_slice %arg3[%multiple_of3A_1993] : memref<802816xf32, #tpu.memory_space<hbm>> -> memref<8xf32, #tpu.memory_space<hbm>>
      tpu.enqueue_dma source(%dma_start3A_2910 : memref<8xf32, #tpu.memory_space<hbm>>) target(%dma_start3A_2909 : memref<8xf32, #tpu.memory_space<vmem>>) target_semaphore(%run_scoped3A : memref<!tpu.dma_semaphore, #tpu.memory_space<semaphore_mem>>)
      %dma_wait3A = arith.constant 168 : i32
      %dma_wait3A_2911 = tpu.memref_slice %arg6[%dma_wait3A] : memref<256xf32, #tpu.memory_space<vmem>> -> memref<8xf32, #tpu.memory_space<vmem>>
      %dma_wait3A_2912 = tpu.memref_slice %arg3[%multiple_of3A_1993] : memref<802816xf32, #tpu.memory_space<hbm>> -> memref<8xf32, #tpu.memory_space<hbm>>
      %dma_wait3A_2913 = arith.constant 168 : i32
      %dma_wait3A_2914 = tpu.memref_slice %arg6[%dma_wait3A_2913] : memref<256xf32, #tpu.memory_space<vmem>> -> memref<8xf32, #tpu.memory_space<vmem>>
      %dma_wait3A_2915 = tpu.memref_slice %arg3[%multiple_of3A_1993] : memref<802816xf32, #tpu.memory_space<hbm>> -> memref<8xf32, #tpu.memory_space<hbm>>
      tpu.wait_dma2 semaphore(%run_scoped3A : memref<!tpu.dma_semaphore, #tpu.memory_space<semaphore_mem>>) src(%dma_wait3A_2915 : memref<8xf32, #tpu.memory_space<hbm>>) dst(%dma_wait3A_2914 : memref<8xf32, #tpu.memory_space<vmem>>)
      tpu.yield
    }) : () -> ()
    %slice3A_1994 = vector.extract_strided_slice %get3A_1447 {offsets = [6], sizes = [1], strides = [1]} : vector<16xi32> to vector<1xi32>
    %squeeze3A_1995 = vector.extract %slice3A_1994[0] : i32 from vector<1xi32>
    %jit3A_1996 = arith.constant 2048 : i32
    %div3A_1997 = arith.divsi %squeeze3A_1995, %jit3A_1996 : i32
    %sign3A_1998 = arith.constant 0 : i32
    %sign3A_1999 = arith.cmpi sgt, %squeeze3A_1995, %sign3A_1998 : i32
    %sign3A_2000 = arith.extui %sign3A_1999 : i1 to i32
    %sign3A_2001 = arith.constant 0 : i32
    %sign3A_2002 = arith.cmpi slt, %squeeze3A_1995, %sign3A_2001 : i32
    %sign3A_2003 = arith.extui %sign3A_2002 : i1 to i32
    %sign3A_2004 = arith.subi %sign3A_2000, %sign3A_2003 : i32
    %sign3A_2005 = arith.constant 0 : i32
    %sign3A_2006 = arith.cmpi sgt, %jit3A_1996, %sign3A_2005 : i32
    %sign3A_2007 = arith.extui %sign3A_2006 : i1 to i32
    %sign3A_2008 = arith.constant 0 : i32
    %sign3A_2009 = arith.cmpi slt, %jit3A_1996, %sign3A_2008 : i32
    %sign3A_2010 = arith.extui %sign3A_2009 : i1 to i32
    %sign3A_2011 = arith.subi %sign3A_2007, %sign3A_2010 : i32
    %ne3A_2012 = arith.cmpi ne, %sign3A_2004, %sign3A_2011 : i32
    %rem3A_2013 = arith.remsi %squeeze3A_1995, %jit3A_1996 : i32
    %ne3A_2014 = arith.constant 0 : i32
    %ne3A_2015 = arith.cmpi ne, %rem3A_2013, %ne3A_2014 : i32
    %and3A_2016 = arith.andi %ne3A_2012, %ne3A_2015 : i1
    %sub3A_2017 = arith.constant 1 : i32
    %sub3A_2018 = arith.subi %div3A_1997, %sub3A_2017 : i32
    %select_n3A_2019 = arith.select %and3A_2016, %sub3A_2018, %div3A_1997 : i32
    %mul3A_2020 = arith.constant 128 : i32
    %mul3A_2021 = arith.muli %mul3A_2020, %select_n3A_2019 : i32
    %jit3A_2022 = arith.constant 128 : i32
    %eq3A_2023 = arith.constant 0 : i32
    %eq3A_2024 = arith.cmpi eq, %jit3A_2022, %eq3A_2023 : i32
    %jit3A_2025 = arith.constant 1 : i32
    %select_n3A_2026 = arith.select %eq3A_2024, %jit3A_2025, %jit3A_2022 : i32
    %rem3A_2027 = arith.remsi %squeeze3A_1995, %select_n3A_2026 : i32
    %ne3A_2028 = arith.constant 0 : i32
    %ne3A_2029 = arith.cmpi ne, %rem3A_2027, %ne3A_2028 : i32
    %lt3A_2030 = arith.constant 0 : i32
    %lt3A_2031 = arith.cmpi slt, %rem3A_2027, %lt3A_2030 : i32
    %lt3A_2032 = arith.constant 0 : i32
    %lt3A_2033 = arith.cmpi slt, %select_n3A_2026, %lt3A_2032 : i32
    %ne3A_2034 = arith.xori %lt3A_2031, %lt3A_2033 : i1
    %and3A_2035 = arith.andi %ne3A_2034, %ne3A_2029 : i1
    %add3A_2036 = arith.addi %rem3A_2027, %select_n3A_2026 : i32
    %select_n3A_2037 = arith.select %and3A_2035, %add3A_2036, %rem3A_2027 : i32
    %add3A_2038 = arith.addi %mul3A_2021, %select_n3A_2037 : i32
    %mul3A_2039 = arith.constant 128 : i32
    %mul3A_2040 = arith.muli %mul3A_2039, %add3A_2038 : i32
    %jit3A_2041 = arith.constant 128 : i32
    %div3A_2042 = arith.divsi %squeeze3A_1995, %jit3A_2041 : i32
    %sign3A_2043 = arith.constant 0 : i32
    %sign3A_2044 = arith.cmpi sgt, %squeeze3A_1995, %sign3A_2043 : i32
    %sign3A_2045 = arith.extui %sign3A_2044 : i1 to i32
    %sign3A_2046 = arith.constant 0 : i32
    %sign3A_2047 = arith.cmpi slt, %squeeze3A_1995, %sign3A_2046 : i32
    %sign3A_2048 = arith.extui %sign3A_2047 : i1 to i32
    %sign3A_2049 = arith.subi %sign3A_2045, %sign3A_2048 : i32
    %sign3A_2050 = arith.constant 0 : i32
    %sign3A_2051 = arith.cmpi sgt, %jit3A_2041, %sign3A_2050 : i32
    %sign3A_2052 = arith.extui %sign3A_2051 : i1 to i32
    %sign3A_2053 = arith.constant 0 : i32
    %sign3A_2054 = arith.cmpi slt, %jit3A_2041, %sign3A_2053 : i32
    %sign3A_2055 = arith.extui %sign3A_2054 : i1 to i32
    %sign3A_2056 = arith.subi %sign3A_2052, %sign3A_2055 : i32
    %ne3A_2057 = arith.cmpi ne, %sign3A_2049, %sign3A_2056 : i32
    %rem3A_2058 = arith.remsi %squeeze3A_1995, %jit3A_2041 : i32
    %ne3A_2059 = arith.constant 0 : i32
    %ne3A_2060 = arith.cmpi ne, %rem3A_2058, %ne3A_2059 : i32
    %and3A_2061 = arith.andi %ne3A_2057, %ne3A_2060 : i1
    %sub3A_2062 = arith.constant 1 : i32
    %sub3A_2063 = arith.subi %div3A_2042, %sub3A_2062 : i32
    %select_n3A_2064 = arith.select %and3A_2061, %sub3A_2063, %div3A_2042 : i32
    %jit3A_2065 = arith.constant 16 : i32
    %eq3A_2066 = arith.constant 0 : i32
    %eq3A_2067 = arith.cmpi eq, %jit3A_2065, %eq3A_2066 : i32
    %jit3A_2068 = arith.constant 1 : i32
    %select_n3A_2069 = arith.select %eq3A_2067, %jit3A_2068, %jit3A_2065 : i32
    %rem3A_2070 = arith.remsi %select_n3A_2064, %select_n3A_2069 : i32
    %ne3A_2071 = arith.constant 0 : i32
    %ne3A_2072 = arith.cmpi ne, %rem3A_2070, %ne3A_2071 : i32
    %lt3A_2073 = arith.constant 0 : i32
    %lt3A_2074 = arith.cmpi slt, %rem3A_2070, %lt3A_2073 : i32
    %lt3A_2075 = arith.constant 0 : i32
    %lt3A_2076 = arith.cmpi slt, %select_n3A_2069, %lt3A_2075 : i32
    %ne3A_2077 = arith.xori %lt3A_2074, %lt3A_2076 : i1
    %and3A_2078 = arith.andi %ne3A_2077, %ne3A_2072 : i1
    %add3A_2079 = arith.addi %rem3A_2070, %select_n3A_2069 : i32
    %select_n3A_2080 = arith.select %and3A_2078, %add3A_2079, %rem3A_2070 : i32
    %mul3A_2081 = arith.constant 8 : i32
    %mul3A_2082 = arith.muli %mul3A_2081, %select_n3A_2080 : i32
    %add3A_2083 = arith.addi %mul3A_2040, %mul3A_2082 : i32
    %multiple_of3A_2084 = tpu.assume_multiple %add3A_2083, 8 : i32
    "tpu.region"() ({
      %run_scoped3A = tpu.sem_alloc : memref<!tpu.dma_semaphore, #tpu.memory_space<semaphore_mem>>
      %dma_start3A = arith.constant 176 : i32
      %dma_start3A_2906 = tpu.memref_slice %arg6[%dma_start3A] : memref<256xf32, #tpu.memory_space<vmem>> -> memref<8xf32, #tpu.memory_space<vmem>>
      %dma_start3A_2907 = tpu.memref_slice %arg3[%multiple_of3A_2084] : memref<802816xf32, #tpu.memory_space<hbm>> -> memref<8xf32, #tpu.memory_space<hbm>>
      %dma_start3A_2908 = arith.constant 176 : i32
      %dma_start3A_2909 = tpu.memref_slice %arg6[%dma_start3A_2908] : memref<256xf32, #tpu.memory_space<vmem>> -> memref<8xf32, #tpu.memory_space<vmem>>
      %dma_start3A_2910 = tpu.memref_slice %arg3[%multiple_of3A_2084] : memref<802816xf32, #tpu.memory_space<hbm>> -> memref<8xf32, #tpu.memory_space<hbm>>
      tpu.enqueue_dma source(%dma_start3A_2910 : memref<8xf32, #tpu.memory_space<hbm>>) target(%dma_start3A_2909 : memref<8xf32, #tpu.memory_space<vmem>>) target_semaphore(%run_scoped3A : memref<!tpu.dma_semaphore, #tpu.memory_space<semaphore_mem>>)
      %dma_wait3A = arith.constant 176 : i32
      %dma_wait3A_2911 = tpu.memref_slice %arg6[%dma_wait3A] : memref<256xf32, #tpu.memory_space<vmem>> -> memref<8xf32, #tpu.memory_space<vmem>>
      %dma_wait3A_2912 = tpu.memref_slice %arg3[%multiple_of3A_2084] : memref<802816xf32, #tpu.memory_space<hbm>> -> memref<8xf32, #tpu.memory_space<hbm>>
      %dma_wait3A_2913 = arith.constant 176 : i32
      %dma_wait3A_2914 = tpu.memref_slice %arg6[%dma_wait3A_2913] : memref<256xf32, #tpu.memory_space<vmem>> -> memref<8xf32, #tpu.memory_space<vmem>>
      %dma_wait3A_2915 = tpu.memref_slice %arg3[%multiple_of3A_2084] : memref<802816xf32, #tpu.memory_space<hbm>> -> memref<8xf32, #tpu.memory_space<hbm>>
      tpu.wait_dma2 semaphore(%run_scoped3A : memref<!tpu.dma_semaphore, #tpu.memory_space<semaphore_mem>>) src(%dma_wait3A_2915 : memref<8xf32, #tpu.memory_space<hbm>>) dst(%dma_wait3A_2914 : memref<8xf32, #tpu.memory_space<vmem>>)
      tpu.yield
    }) : () -> ()
    %slice3A_2085 = vector.extract_strided_slice %get3A_1447 {offsets = [7], sizes = [1], strides = [1]} : vector<16xi32> to vector<1xi32>
    %squeeze3A_2086 = vector.extract %slice3A_2085[0] : i32 from vector<1xi32>
    %jit3A_2087 = arith.constant 2048 : i32
    %div3A_2088 = arith.divsi %squeeze3A_2086, %jit3A_2087 : i32
    %sign3A_2089 = arith.constant 0 : i32
    %sign3A_2090 = arith.cmpi sgt, %squeeze3A_2086, %sign3A_2089 : i32
    %sign3A_2091 = arith.extui %sign3A_2090 : i1 to i32
    %sign3A_2092 = arith.constant 0 : i32
    %sign3A_2093 = arith.cmpi slt, %squeeze3A_2086, %sign3A_2092 : i32
    %sign3A_2094 = arith.extui %sign3A_2093 : i1 to i32
    %sign3A_2095 = arith.subi %sign3A_2091, %sign3A_2094 : i32
    %sign3A_2096 = arith.constant 0 : i32
    %sign3A_2097 = arith.cmpi sgt, %jit3A_2087, %sign3A_2096 : i32
    %sign3A_2098 = arith.extui %sign3A_2097 : i1 to i32
    %sign3A_2099 = arith.constant 0 : i32
    %sign3A_2100 = arith.cmpi slt, %jit3A_2087, %sign3A_2099 : i32
    %sign3A_2101 = arith.extui %sign3A_2100 : i1 to i32
    %sign3A_2102 = arith.subi %sign3A_2098, %sign3A_2101 : i32
    %ne3A_2103 = arith.cmpi ne, %sign3A_2095, %sign3A_2102 : i32
    %rem3A_2104 = arith.remsi %squeeze3A_2086, %jit3A_2087 : i32
    %ne3A_2105 = arith.constant 0 : i32
    %ne3A_2106 = arith.cmpi ne, %rem3A_2104, %ne3A_2105 : i32
    %and3A_2107 = arith.andi %ne3A_2103, %ne3A_2106 : i1
    %sub3A_2108 = arith.constant 1 : i32
    %sub3A_2109 = arith.subi %div3A_2088, %sub3A_2108 : i32
    %select_n3A_2110 = arith.select %and3A_2107, %sub3A_2109, %div3A_2088 : i32
    %mul3A_2111 = arith.constant 128 : i32
    %mul3A_2112 = arith.muli %mul3A_2111, %select_n3A_2110 : i32
    %jit3A_2113 = arith.constant 128 : i32
    %eq3A_2114 = arith.constant 0 : i32
    %eq3A_2115 = arith.cmpi eq, %jit3A_2113, %eq3A_2114 : i32
    %jit3A_2116 = arith.constant 1 : i32
    %select_n3A_2117 = arith.select %eq3A_2115, %jit3A_2116, %jit3A_2113 : i32
    %rem3A_2118 = arith.remsi %squeeze3A_2086, %select_n3A_2117 : i32
    %ne3A_2119 = arith.constant 0 : i32
    %ne3A_2120 = arith.cmpi ne, %rem3A_2118, %ne3A_2119 : i32
    %lt3A_2121 = arith.constant 0 : i32
    %lt3A_2122 = arith.cmpi slt, %rem3A_2118, %lt3A_2121 : i32
    %lt3A_2123 = arith.constant 0 : i32
    %lt3A_2124 = arith.cmpi slt, %select_n3A_2117, %lt3A_2123 : i32
    %ne3A_2125 = arith.xori %lt3A_2122, %lt3A_2124 : i1
    %and3A_2126 = arith.andi %ne3A_2125, %ne3A_2120 : i1
    %add3A_2127 = arith.addi %rem3A_2118, %select_n3A_2117 : i32
    %select_n3A_2128 = arith.select %and3A_2126, %add3A_2127, %rem3A_2118 : i32
    %add3A_2129 = arith.addi %mul3A_2112, %select_n3A_2128 : i32
    %mul3A_2130 = arith.constant 128 : i32
    %mul3A_2131 = arith.muli %mul3A_2130, %add3A_2129 : i32
    %jit3A_2132 = arith.constant 128 : i32
    %div3A_2133 = arith.divsi %squeeze3A_2086, %jit3A_2132 : i32
    %sign3A_2134 = arith.constant 0 : i32
    %sign3A_2135 = arith.cmpi sgt, %squeeze3A_2086, %sign3A_2134 : i32
    %sign3A_2136 = arith.extui %sign3A_2135 : i1 to i32
    %sign3A_2137 = arith.constant 0 : i32
    %sign3A_2138 = arith.cmpi slt, %squeeze3A_2086, %sign3A_2137 : i32
    %sign3A_2139 = arith.extui %sign3A_2138 : i1 to i32
    %sign3A_2140 = arith.subi %sign3A_2136, %sign3A_2139 : i32
    %sign3A_2141 = arith.constant 0 : i32
    %sign3A_2142 = arith.cmpi sgt, %jit3A_2132, %sign3A_2141 : i32
    %sign3A_2143 = arith.extui %sign3A_2142 : i1 to i32
    %sign3A_2144 = arith.constant 0 : i32
    %sign3A_2145 = arith.cmpi slt, %jit3A_2132, %sign3A_2144 : i32
    %sign3A_2146 = arith.extui %sign3A_2145 : i1 to i32
    %sign3A_2147 = arith.subi %sign3A_2143, %sign3A_2146 : i32
    %ne3A_2148 = arith.cmpi ne, %sign3A_2140, %sign3A_2147 : i32
    %rem3A_2149 = arith.remsi %squeeze3A_2086, %jit3A_2132 : i32
    %ne3A_2150 = arith.constant 0 : i32
    %ne3A_2151 = arith.cmpi ne, %rem3A_2149, %ne3A_2150 : i32
    %and3A_2152 = arith.andi %ne3A_2148, %ne3A_2151 : i1
    %sub3A_2153 = arith.constant 1 : i32
    %sub3A_2154 = arith.subi %div3A_2133, %sub3A_2153 : i32
    %select_n3A_2155 = arith.select %and3A_2152, %sub3A_2154, %div3A_2133 : i32
    %jit3A_2156 = arith.constant 16 : i32
    %eq3A_2157 = arith.constant 0 : i32
    %eq3A_2158 = arith.cmpi eq, %jit3A_2156, %eq3A_2157 : i32
    %jit3A_2159 = arith.constant 1 : i32
    %select_n3A_2160 = arith.select %eq3A_2158, %jit3A_2159, %jit3A_2156 : i32
    %rem3A_2161 = arith.remsi %select_n3A_2155, %select_n3A_2160 : i32
    %ne3A_2162 = arith.constant 0 : i32
    %ne3A_2163 = arith.cmpi ne, %rem3A_2161, %ne3A_2162 : i32
    %lt3A_2164 = arith.constant 0 : i32
    %lt3A_2165 = arith.cmpi slt, %rem3A_2161, %lt3A_2164 : i32
    %lt3A_2166 = arith.constant 0 : i32
    %lt3A_2167 = arith.cmpi slt, %select_n3A_2160, %lt3A_2166 : i32
    %ne3A_2168 = arith.xori %lt3A_2165, %lt3A_2167 : i1
    %and3A_2169 = arith.andi %ne3A_2168, %ne3A_2163 : i1
    %add3A_2170 = arith.addi %rem3A_2161, %select_n3A_2160 : i32
    %select_n3A_2171 = arith.select %and3A_2169, %add3A_2170, %rem3A_2161 : i32
    %mul3A_2172 = arith.constant 8 : i32
    %mul3A_2173 = arith.muli %mul3A_2172, %select_n3A_2171 : i32
    %add3A_2174 = arith.addi %mul3A_2131, %mul3A_2173 : i32
    %multiple_of3A_2175 = tpu.assume_multiple %add3A_2174, 8 : i32
    "tpu.region"() ({
      %run_scoped3A = tpu.sem_alloc : memref<!tpu.dma_semaphore, #tpu.memory_space<semaphore_mem>>
      %dma_start3A = arith.constant 184 : i32
      %dma_start3A_2906 = tpu.memref_slice %arg6[%dma_start3A] : memref<256xf32, #tpu.memory_space<vmem>> -> memref<8xf32, #tpu.memory_space<vmem>>
      %dma_start3A_2907 = tpu.memref_slice %arg3[%multiple_of3A_2175] : memref<802816xf32, #tpu.memory_space<hbm>> -> memref<8xf32, #tpu.memory_space<hbm>>
      %dma_start3A_2908 = arith.constant 184 : i32
      %dma_start3A_2909 = tpu.memref_slice %arg6[%dma_start3A_2908] : memref<256xf32, #tpu.memory_space<vmem>> -> memref<8xf32, #tpu.memory_space<vmem>>
      %dma_start3A_2910 = tpu.memref_slice %arg3[%multiple_of3A_2175] : memref<802816xf32, #tpu.memory_space<hbm>> -> memref<8xf32, #tpu.memory_space<hbm>>
      tpu.enqueue_dma source(%dma_start3A_2910 : memref<8xf32, #tpu.memory_space<hbm>>) target(%dma_start3A_2909 : memref<8xf32, #tpu.memory_space<vmem>>) target_semaphore(%run_scoped3A : memref<!tpu.dma_semaphore, #tpu.memory_space<semaphore_mem>>)
      %dma_wait3A = arith.constant 184 : i32
      %dma_wait3A_2911 = tpu.memref_slice %arg6[%dma_wait3A] : memref<256xf32, #tpu.memory_space<vmem>> -> memref<8xf32, #tpu.memory_space<vmem>>
      %dma_wait3A_2912 = tpu.memref_slice %arg3[%multiple_of3A_2175] : memref<802816xf32, #tpu.memory_space<hbm>> -> memref<8xf32, #tpu.memory_space<hbm>>
      %dma_wait3A_2913 = arith.constant 184 : i32
      %dma_wait3A_2914 = tpu.memref_slice %arg6[%dma_wait3A_2913] : memref<256xf32, #tpu.memory_space<vmem>> -> memref<8xf32, #tpu.memory_space<vmem>>
      %dma_wait3A_2915 = tpu.memref_slice %arg3[%multiple_of3A_2175] : memref<802816xf32, #tpu.memory_space<hbm>> -> memref<8xf32, #tpu.memory_space<hbm>>
      tpu.wait_dma2 semaphore(%run_scoped3A : memref<!tpu.dma_semaphore, #tpu.memory_space<semaphore_mem>>) src(%dma_wait3A_2915 : memref<8xf32, #tpu.memory_space<hbm>>) dst(%dma_wait3A_2914 : memref<8xf32, #tpu.memory_space<vmem>>)
      tpu.yield
    }) : () -> ()
    %slice3A_2176 = vector.extract_strided_slice %get3A_1447 {offsets = [8], sizes = [1], strides = [1]} : vector<16xi32> to vector<1xi32>
    %squeeze3A_2177 = vector.extract %slice3A_2176[0] : i32 from vector<1xi32>
    %jit3A_2178 = arith.constant 2048 : i32
    %div3A_2179 = arith.divsi %squeeze3A_2177, %jit3A_2178 : i32
    %sign3A_2180 = arith.constant 0 : i32
    %sign3A_2181 = arith.cmpi sgt, %squeeze3A_2177, %sign3A_2180 : i32
    %sign3A_2182 = arith.extui %sign3A_2181 : i1 to i32
    %sign3A_2183 = arith.constant 0 : i32
    %sign3A_2184 = arith.cmpi slt, %squeeze3A_2177, %sign3A_2183 : i32
    %sign3A_2185 = arith.extui %sign3A_2184 : i1 to i32
    %sign3A_2186 = arith.subi %sign3A_2182, %sign3A_2185 : i32
    %sign3A_2187 = arith.constant 0 : i32
    %sign3A_2188 = arith.cmpi sgt, %jit3A_2178, %sign3A_2187 : i32
    %sign3A_2189 = arith.extui %sign3A_2188 : i1 to i32
    %sign3A_2190 = arith.constant 0 : i32
    %sign3A_2191 = arith.cmpi slt, %jit3A_2178, %sign3A_2190 : i32
    %sign3A_2192 = arith.extui %sign3A_2191 : i1 to i32
    %sign3A_2193 = arith.subi %sign3A_2189, %sign3A_2192 : i32
    %ne3A_2194 = arith.cmpi ne, %sign3A_2186, %sign3A_2193 : i32
    %rem3A_2195 = arith.remsi %squeeze3A_2177, %jit3A_2178 : i32
    %ne3A_2196 = arith.constant 0 : i32
    %ne3A_2197 = arith.cmpi ne, %rem3A_2195, %ne3A_2196 : i32
    %and3A_2198 = arith.andi %ne3A_2194, %ne3A_2197 : i1
    %sub3A_2199 = arith.constant 1 : i32
    %sub3A_2200 = arith.subi %div3A_2179, %sub3A_2199 : i32
    %select_n3A_2201 = arith.select %and3A_2198, %sub3A_2200, %div3A_2179 : i32
    %mul3A_2202 = arith.constant 128 : i32
    %mul3A_2203 = arith.muli %mul3A_2202, %select_n3A_2201 : i32
    %jit3A_2204 = arith.constant 128 : i32
    %eq3A_2205 = arith.constant 0 : i32
    %eq3A_2206 = arith.cmpi eq, %jit3A_2204, %eq3A_2205 : i32
    %jit3A_2207 = arith.constant 1 : i32
    %select_n3A_2208 = arith.select %eq3A_2206, %jit3A_2207, %jit3A_2204 : i32
    %rem3A_2209 = arith.remsi %squeeze3A_2177, %select_n3A_2208 : i32
    %ne3A_2210 = arith.constant 0 : i32
    %ne3A_2211 = arith.cmpi ne, %rem3A_2209, %ne3A_2210 : i32
    %lt3A_2212 = arith.constant 0 : i32
    %lt3A_2213 = arith.cmpi slt, %rem3A_2209, %lt3A_2212 : i32
    %lt3A_2214 = arith.constant 0 : i32
    %lt3A_2215 = arith.cmpi slt, %select_n3A_2208, %lt3A_2214 : i32
    %ne3A_2216 = arith.xori %lt3A_2213, %lt3A_2215 : i1
    %and3A_2217 = arith.andi %ne3A_2216, %ne3A_2211 : i1
    %add3A_2218 = arith.addi %rem3A_2209, %select_n3A_2208 : i32
    %select_n3A_2219 = arith.select %and3A_2217, %add3A_2218, %rem3A_2209 : i32
    %add3A_2220 = arith.addi %mul3A_2203, %select_n3A_2219 : i32
    %mul3A_2221 = arith.constant 128 : i32
    %mul3A_2222 = arith.muli %mul3A_2221, %add3A_2220 : i32
    %jit3A_2223 = arith.constant 128 : i32
    %div3A_2224 = arith.divsi %squeeze3A_2177, %jit3A_2223 : i32
    %sign3A_2225 = arith.constant 0 : i32
    %sign3A_2226 = arith.cmpi sgt, %squeeze3A_2177, %sign3A_2225 : i32
    %sign3A_2227 = arith.extui %sign3A_2226 : i1 to i32
    %sign3A_2228 = arith.constant 0 : i32
    %sign3A_2229 = arith.cmpi slt, %squeeze3A_2177, %sign3A_2228 : i32
    %sign3A_2230 = arith.extui %sign3A_2229 : i1 to i32
    %sign3A_2231 = arith.subi %sign3A_2227, %sign3A_2230 : i32
    %sign3A_2232 = arith.constant 0 : i32
    %sign3A_2233 = arith.cmpi sgt, %jit3A_2223, %sign3A_2232 : i32
    %sign3A_2234 = arith.extui %sign3A_2233 : i1 to i32
    %sign3A_2235 = arith.constant 0 : i32
    %sign3A_2236 = arith.cmpi slt, %jit3A_2223, %sign3A_2235 : i32
    %sign3A_2237 = arith.extui %sign3A_2236 : i1 to i32
    %sign3A_2238 = arith.subi %sign3A_2234, %sign3A_2237 : i32
    %ne3A_2239 = arith.cmpi ne, %sign3A_2231, %sign3A_2238 : i32
    %rem3A_2240 = arith.remsi %squeeze3A_2177, %jit3A_2223 : i32
    %ne3A_2241 = arith.constant 0 : i32
    %ne3A_2242 = arith.cmpi ne, %rem3A_2240, %ne3A_2241 : i32
    %and3A_2243 = arith.andi %ne3A_2239, %ne3A_2242 : i1
    %sub3A_2244 = arith.constant 1 : i32
    %sub3A_2245 = arith.subi %div3A_2224, %sub3A_2244 : i32
    %select_n3A_2246 = arith.select %and3A_2243, %sub3A_2245, %div3A_2224 : i32
    %jit3A_2247 = arith.constant 16 : i32
    %eq3A_2248 = arith.constant 0 : i32
    %eq3A_2249 = arith.cmpi eq, %jit3A_2247, %eq3A_2248 : i32
    %jit3A_2250 = arith.constant 1 : i32
    %select_n3A_2251 = arith.select %eq3A_2249, %jit3A_2250, %jit3A_2247 : i32
    %rem3A_2252 = arith.remsi %select_n3A_2246, %select_n3A_2251 : i32
    %ne3A_2253 = arith.constant 0 : i32
    %ne3A_2254 = arith.cmpi ne, %rem3A_2252, %ne3A_2253 : i32
    %lt3A_2255 = arith.constant 0 : i32
    %lt3A_2256 = arith.cmpi slt, %rem3A_2252, %lt3A_2255 : i32
    %lt3A_2257 = arith.constant 0 : i32
    %lt3A_2258 = arith.cmpi slt, %select_n3A_2251, %lt3A_2257 : i32
    %ne3A_2259 = arith.xori %lt3A_2256, %lt3A_2258 : i1
    %and3A_2260 = arith.andi %ne3A_2259, %ne3A_2254 : i1
    %add3A_2261 = arith.addi %rem3A_2252, %select_n3A_2251 : i32
    %select_n3A_2262 = arith.select %and3A_2260, %add3A_2261, %rem3A_2252 : i32
    %mul3A_2263 = arith.constant 8 : i32
    %mul3A_2264 = arith.muli %mul3A_2263, %select_n3A_2262 : i32
    %add3A_2265 = arith.addi %mul3A_2222, %mul3A_2264 : i32
    %multiple_of3A_2266 = tpu.assume_multiple %add3A_2265, 8 : i32
    "tpu.region"() ({
      %run_scoped3A = tpu.sem_alloc : memref<!tpu.dma_semaphore, #tpu.memory_space<semaphore_mem>>
      %dma_start3A = arith.constant 192 : i32
      %dma_start3A_2906 = tpu.memref_slice %arg6[%dma_start3A] : memref<256xf32, #tpu.memory_space<vmem>> -> memref<8xf32, #tpu.memory_space<vmem>>
      %dma_start3A_2907 = tpu.memref_slice %arg3[%multiple_of3A_2266] : memref<802816xf32, #tpu.memory_space<hbm>> -> memref<8xf32, #tpu.memory_space<hbm>>
      %dma_start3A_2908 = arith.constant 192 : i32
      %dma_start3A_2909 = tpu.memref_slice %arg6[%dma_start3A_2908] : memref<256xf32, #tpu.memory_space<vmem>> -> memref<8xf32, #tpu.memory_space<vmem>>
      %dma_start3A_2910 = tpu.memref_slice %arg3[%multiple_of3A_2266] : memref<802816xf32, #tpu.memory_space<hbm>> -> memref<8xf32, #tpu.memory_space<hbm>>
      tpu.enqueue_dma source(%dma_start3A_2910 : memref<8xf32, #tpu.memory_space<hbm>>) target(%dma_start3A_2909 : memref<8xf32, #tpu.memory_space<vmem>>) target_semaphore(%run_scoped3A : memref<!tpu.dma_semaphore, #tpu.memory_space<semaphore_mem>>)
      %dma_wait3A = arith.constant 192 : i32
      %dma_wait3A_2911 = tpu.memref_slice %arg6[%dma_wait3A] : memref<256xf32, #tpu.memory_space<vmem>> -> memref<8xf32, #tpu.memory_space<vmem>>
      %dma_wait3A_2912 = tpu.memref_slice %arg3[%multiple_of3A_2266] : memref<802816xf32, #tpu.memory_space<hbm>> -> memref<8xf32, #tpu.memory_space<hbm>>
      %dma_wait3A_2913 = arith.constant 192 : i32
      %dma_wait3A_2914 = tpu.memref_slice %arg6[%dma_wait3A_2913] : memref<256xf32, #tpu.memory_space<vmem>> -> memref<8xf32, #tpu.memory_space<vmem>>
      %dma_wait3A_2915 = tpu.memref_slice %arg3[%multiple_of3A_2266] : memref<802816xf32, #tpu.memory_space<hbm>> -> memref<8xf32, #tpu.memory_space<hbm>>
      tpu.wait_dma2 semaphore(%run_scoped3A : memref<!tpu.dma_semaphore, #tpu.memory_space<semaphore_mem>>) src(%dma_wait3A_2915 : memref<8xf32, #tpu.memory_space<hbm>>) dst(%dma_wait3A_2914 : memref<8xf32, #tpu.memory_space<vmem>>)
      tpu.yield
    }) : () -> ()
    %slice3A_2267 = vector.extract_strided_slice %get3A_1447 {offsets = [9], sizes = [1], strides = [1]} : vector<16xi32> to vector<1xi32>
    %squeeze3A_2268 = vector.extract %slice3A_2267[0] : i32 from vector<1xi32>
    %jit3A_2269 = arith.constant 2048 : i32
    %div3A_2270 = arith.divsi %squeeze3A_2268, %jit3A_2269 : i32
    %sign3A_2271 = arith.constant 0 : i32
    %sign3A_2272 = arith.cmpi sgt, %squeeze3A_2268, %sign3A_2271 : i32
    %sign3A_2273 = arith.extui %sign3A_2272 : i1 to i32
    %sign3A_2274 = arith.constant 0 : i32
    %sign3A_2275 = arith.cmpi slt, %squeeze3A_2268, %sign3A_2274 : i32
    %sign3A_2276 = arith.extui %sign3A_2275 : i1 to i32
    %sign3A_2277 = arith.subi %sign3A_2273, %sign3A_2276 : i32
    %sign3A_2278 = arith.constant 0 : i32
    %sign3A_2279 = arith.cmpi sgt, %jit3A_2269, %sign3A_2278 : i32
    %sign3A_2280 = arith.extui %sign3A_2279 : i1 to i32
    %sign3A_2281 = arith.constant 0 : i32
    %sign3A_2282 = arith.cmpi slt, %jit3A_2269, %sign3A_2281 : i32
    %sign3A_2283 = arith.extui %sign3A_2282 : i1 to i32
    %sign3A_2284 = arith.subi %sign3A_2280, %sign3A_2283 : i32
    %ne3A_2285 = arith.cmpi ne, %sign3A_2277, %sign3A_2284 : i32
    %rem3A_2286 = arith.remsi %squeeze3A_2268, %jit3A_2269 : i32
    %ne3A_2287 = arith.constant 0 : i32
    %ne3A_2288 = arith.cmpi ne, %rem3A_2286, %ne3A_2287 : i32
    %and3A_2289 = arith.andi %ne3A_2285, %ne3A_2288 : i1
    %sub3A_2290 = arith.constant 1 : i32
    %sub3A_2291 = arith.subi %div3A_2270, %sub3A_2290 : i32
    %select_n3A_2292 = arith.select %and3A_2289, %sub3A_2291, %div3A_2270 : i32
    %mul3A_2293 = arith.constant 128 : i32
    %mul3A_2294 = arith.muli %mul3A_2293, %select_n3A_2292 : i32
    %jit3A_2295 = arith.constant 128 : i32
    %eq3A_2296 = arith.constant 0 : i32
    %eq3A_2297 = arith.cmpi eq, %jit3A_2295, %eq3A_2296 : i32
    %jit3A_2298 = arith.constant 1 : i32
    %select_n3A_2299 = arith.select %eq3A_2297, %jit3A_2298, %jit3A_2295 : i32
    %rem3A_2300 = arith.remsi %squeeze3A_2268, %select_n3A_2299 : i32
    %ne3A_2301 = arith.constant 0 : i32
    %ne3A_2302 = arith.cmpi ne, %rem3A_2300, %ne3A_2301 : i32
    %lt3A_2303 = arith.constant 0 : i32
    %lt3A_2304 = arith.cmpi slt, %rem3A_2300, %lt3A_2303 : i32
    %lt3A_2305 = arith.constant 0 : i32
    %lt3A_2306 = arith.cmpi slt, %select_n3A_2299, %lt3A_2305 : i32
    %ne3A_2307 = arith.xori %lt3A_2304, %lt3A_2306 : i1
    %and3A_2308 = arith.andi %ne3A_2307, %ne3A_2302 : i1
    %add3A_2309 = arith.addi %rem3A_2300, %select_n3A_2299 : i32
    %select_n3A_2310 = arith.select %and3A_2308, %add3A_2309, %rem3A_2300 : i32
    %add3A_2311 = arith.addi %mul3A_2294, %select_n3A_2310 : i32
    %mul3A_2312 = arith.constant 128 : i32
    %mul3A_2313 = arith.muli %mul3A_2312, %add3A_2311 : i32
    %jit3A_2314 = arith.constant 128 : i32
    %div3A_2315 = arith.divsi %squeeze3A_2268, %jit3A_2314 : i32
    %sign3A_2316 = arith.constant 0 : i32
    %sign3A_2317 = arith.cmpi sgt, %squeeze3A_2268, %sign3A_2316 : i32
    %sign3A_2318 = arith.extui %sign3A_2317 : i1 to i32
    %sign3A_2319 = arith.constant 0 : i32
    %sign3A_2320 = arith.cmpi slt, %squeeze3A_2268, %sign3A_2319 : i32
    %sign3A_2321 = arith.extui %sign3A_2320 : i1 to i32
    %sign3A_2322 = arith.subi %sign3A_2318, %sign3A_2321 : i32
    %sign3A_2323 = arith.constant 0 : i32
    %sign3A_2324 = arith.cmpi sgt, %jit3A_2314, %sign3A_2323 : i32
    %sign3A_2325 = arith.extui %sign3A_2324 : i1 to i32
    %sign3A_2326 = arith.constant 0 : i32
    %sign3A_2327 = arith.cmpi slt, %jit3A_2314, %sign3A_2326 : i32
    %sign3A_2328 = arith.extui %sign3A_2327 : i1 to i32
    %sign3A_2329 = arith.subi %sign3A_2325, %sign3A_2328 : i32
    %ne3A_2330 = arith.cmpi ne, %sign3A_2322, %sign3A_2329 : i32
    %rem3A_2331 = arith.remsi %squeeze3A_2268, %jit3A_2314 : i32
    %ne3A_2332 = arith.constant 0 : i32
    %ne3A_2333 = arith.cmpi ne, %rem3A_2331, %ne3A_2332 : i32
    %and3A_2334 = arith.andi %ne3A_2330, %ne3A_2333 : i1
    %sub3A_2335 = arith.constant 1 : i32
    %sub3A_2336 = arith.subi %div3A_2315, %sub3A_2335 : i32
    %select_n3A_2337 = arith.select %and3A_2334, %sub3A_2336, %div3A_2315 : i32
    %jit3A_2338 = arith.constant 16 : i32
    %eq3A_2339 = arith.constant 0 : i32
    %eq3A_2340 = arith.cmpi eq, %jit3A_2338, %eq3A_2339 : i32
    %jit3A_2341 = arith.constant 1 : i32
    %select_n3A_2342 = arith.select %eq3A_2340, %jit3A_2341, %jit3A_2338 : i32
    %rem3A_2343 = arith.remsi %select_n3A_2337, %select_n3A_2342 : i32
    %ne3A_2344 = arith.constant 0 : i32
    %ne3A_2345 = arith.cmpi ne, %rem3A_2343, %ne3A_2344 : i32
    %lt3A_2346 = arith.constant 0 : i32
    %lt3A_2347 = arith.cmpi slt, %rem3A_2343, %lt3A_2346 : i32
    %lt3A_2348 = arith.constant 0 : i32
    %lt3A_2349 = arith.cmpi slt, %select_n3A_2342, %lt3A_2348 : i32
    %ne3A_2350 = arith.xori %lt3A_2347, %lt3A_2349 : i1
    %and3A_2351 = arith.andi %ne3A_2350, %ne3A_2345 : i1
    %add3A_2352 = arith.addi %rem3A_2343, %select_n3A_2342 : i32
    %select_n3A_2353 = arith.select %and3A_2351, %add3A_2352, %rem3A_2343 : i32
    %mul3A_2354 = arith.constant 8 : i32
    %mul3A_2355 = arith.muli %mul3A_2354, %select_n3A_2353 : i32
    %add3A_2356 = arith.addi %mul3A_2313, %mul3A_2355 : i32
    %multiple_of3A_2357 = tpu.assume_multiple %add3A_2356, 8 : i32
    "tpu.region"() ({
      %run_scoped3A = tpu.sem_alloc : memref<!tpu.dma_semaphore, #tpu.memory_space<semaphore_mem>>
      %dma_start3A = arith.constant 200 : i32
      %dma_start3A_2906 = tpu.memref_slice %arg6[%dma_start3A] : memref<256xf32, #tpu.memory_space<vmem>> -> memref<8xf32, #tpu.memory_space<vmem>>
      %dma_start3A_2907 = tpu.memref_slice %arg3[%multiple_of3A_2357] : memref<802816xf32, #tpu.memory_space<hbm>> -> memref<8xf32, #tpu.memory_space<hbm>>
      %dma_start3A_2908 = arith.constant 200 : i32
      %dma_start3A_2909 = tpu.memref_slice %arg6[%dma_start3A_2908] : memref<256xf32, #tpu.memory_space<vmem>> -> memref<8xf32, #tpu.memory_space<vmem>>
      %dma_start3A_2910 = tpu.memref_slice %arg3[%multiple_of3A_2357] : memref<802816xf32, #tpu.memory_space<hbm>> -> memref<8xf32, #tpu.memory_space<hbm>>
      tpu.enqueue_dma source(%dma_start3A_2910 : memref<8xf32, #tpu.memory_space<hbm>>) target(%dma_start3A_2909 : memref<8xf32, #tpu.memory_space<vmem>>) target_semaphore(%run_scoped3A : memref<!tpu.dma_semaphore, #tpu.memory_space<semaphore_mem>>)
      %dma_wait3A = arith.constant 200 : i32
      %dma_wait3A_2911 = tpu.memref_slice %arg6[%dma_wait3A] : memref<256xf32, #tpu.memory_space<vmem>> -> memref<8xf32, #tpu.memory_space<vmem>>
      %dma_wait3A_2912 = tpu.memref_slice %arg3[%multiple_of3A_2357] : memref<802816xf32, #tpu.memory_space<hbm>> -> memref<8xf32, #tpu.memory_space<hbm>>
      %dma_wait3A_2913 = arith.constant 200 : i32
      %dma_wait3A_2914 = tpu.memref_slice %arg6[%dma_wait3A_2913] : memref<256xf32, #tpu.memory_space<vmem>> -> memref<8xf32, #tpu.memory_space<vmem>>
      %dma_wait3A_2915 = tpu.memref_slice %arg3[%multiple_of3A_2357] : memref<802816xf32, #tpu.memory_space<hbm>> -> memref<8xf32, #tpu.memory_space<hbm>>
      tpu.wait_dma2 semaphore(%run_scoped3A : memref<!tpu.dma_semaphore, #tpu.memory_space<semaphore_mem>>) src(%dma_wait3A_2915 : memref<8xf32, #tpu.memory_space<hbm>>) dst(%dma_wait3A_2914 : memref<8xf32, #tpu.memory_space<vmem>>)
      tpu.yield
    }) : () -> ()
    %slice3A_2358 = vector.extract_strided_slice %get3A_1447 {offsets = [10], sizes = [1], strides = [1]} : vector<16xi32> to vector<1xi32>
    %squeeze3A_2359 = vector.extract %slice3A_2358[0] : i32 from vector<1xi32>
    %jit3A_2360 = arith.constant 2048 : i32
    %div3A_2361 = arith.divsi %squeeze3A_2359, %jit3A_2360 : i32
    %sign3A_2362 = arith.constant 0 : i32
    %sign3A_2363 = arith.cmpi sgt, %squeeze3A_2359, %sign3A_2362 : i32
    %sign3A_2364 = arith.extui %sign3A_2363 : i1 to i32
    %sign3A_2365 = arith.constant 0 : i32
    %sign3A_2366 = arith.cmpi slt, %squeeze3A_2359, %sign3A_2365 : i32
    %sign3A_2367 = arith.extui %sign3A_2366 : i1 to i32
    %sign3A_2368 = arith.subi %sign3A_2364, %sign3A_2367 : i32
    %sign3A_2369 = arith.constant 0 : i32
    %sign3A_2370 = arith.cmpi sgt, %jit3A_2360, %sign3A_2369 : i32
    %sign3A_2371 = arith.extui %sign3A_2370 : i1 to i32
    %sign3A_2372 = arith.constant 0 : i32
    %sign3A_2373 = arith.cmpi slt, %jit3A_2360, %sign3A_2372 : i32
    %sign3A_2374 = arith.extui %sign3A_2373 : i1 to i32
    %sign3A_2375 = arith.subi %sign3A_2371, %sign3A_2374 : i32
    %ne3A_2376 = arith.cmpi ne, %sign3A_2368, %sign3A_2375 : i32
    %rem3A_2377 = arith.remsi %squeeze3A_2359, %jit3A_2360 : i32
    %ne3A_2378 = arith.constant 0 : i32
    %ne3A_2379 = arith.cmpi ne, %rem3A_2377, %ne3A_2378 : i32
    %and3A_2380 = arith.andi %ne3A_2376, %ne3A_2379 : i1
    %sub3A_2381 = arith.constant 1 : i32
    %sub3A_2382 = arith.subi %div3A_2361, %sub3A_2381 : i32
    %select_n3A_2383 = arith.select %and3A_2380, %sub3A_2382, %div3A_2361 : i32
    %mul3A_2384 = arith.constant 128 : i32
    %mul3A_2385 = arith.muli %mul3A_2384, %select_n3A_2383 : i32
    %jit3A_2386 = arith.constant 128 : i32
    %eq3A_2387 = arith.constant 0 : i32
    %eq3A_2388 = arith.cmpi eq, %jit3A_2386, %eq3A_2387 : i32
    %jit3A_2389 = arith.constant 1 : i32
    %select_n3A_2390 = arith.select %eq3A_2388, %jit3A_2389, %jit3A_2386 : i32
    %rem3A_2391 = arith.remsi %squeeze3A_2359, %select_n3A_2390 : i32
    %ne3A_2392 = arith.constant 0 : i32
    %ne3A_2393 = arith.cmpi ne, %rem3A_2391, %ne3A_2392 : i32
    %lt3A_2394 = arith.constant 0 : i32
    %lt3A_2395 = arith.cmpi slt, %rem3A_2391, %lt3A_2394 : i32
    %lt3A_2396 = arith.constant 0 : i32
    %lt3A_2397 = arith.cmpi slt, %select_n3A_2390, %lt3A_2396 : i32
    %ne3A_2398 = arith.xori %lt3A_2395, %lt3A_2397 : i1
    %and3A_2399 = arith.andi %ne3A_2398, %ne3A_2393 : i1
    %add3A_2400 = arith.addi %rem3A_2391, %select_n3A_2390 : i32
    %select_n3A_2401 = arith.select %and3A_2399, %add3A_2400, %rem3A_2391 : i32
    %add3A_2402 = arith.addi %mul3A_2385, %select_n3A_2401 : i32
    %mul3A_2403 = arith.constant 128 : i32
    %mul3A_2404 = arith.muli %mul3A_2403, %add3A_2402 : i32
    %jit3A_2405 = arith.constant 128 : i32
    %div3A_2406 = arith.divsi %squeeze3A_2359, %jit3A_2405 : i32
    %sign3A_2407 = arith.constant 0 : i32
    %sign3A_2408 = arith.cmpi sgt, %squeeze3A_2359, %sign3A_2407 : i32
    %sign3A_2409 = arith.extui %sign3A_2408 : i1 to i32
    %sign3A_2410 = arith.constant 0 : i32
    %sign3A_2411 = arith.cmpi slt, %squeeze3A_2359, %sign3A_2410 : i32
    %sign3A_2412 = arith.extui %sign3A_2411 : i1 to i32
    %sign3A_2413 = arith.subi %sign3A_2409, %sign3A_2412 : i32
    %sign3A_2414 = arith.constant 0 : i32
    %sign3A_2415 = arith.cmpi sgt, %jit3A_2405, %sign3A_2414 : i32
    %sign3A_2416 = arith.extui %sign3A_2415 : i1 to i32
    %sign3A_2417 = arith.constant 0 : i32
    %sign3A_2418 = arith.cmpi slt, %jit3A_2405, %sign3A_2417 : i32
    %sign3A_2419 = arith.extui %sign3A_2418 : i1 to i32
    %sign3A_2420 = arith.subi %sign3A_2416, %sign3A_2419 : i32
    %ne3A_2421 = arith.cmpi ne, %sign3A_2413, %sign3A_2420 : i32
    %rem3A_2422 = arith.remsi %squeeze3A_2359, %jit3A_2405 : i32
    %ne3A_2423 = arith.constant 0 : i32
    %ne3A_2424 = arith.cmpi ne, %rem3A_2422, %ne3A_2423 : i32
    %and3A_2425 = arith.andi %ne3A_2421, %ne3A_2424 : i1
    %sub3A_2426 = arith.constant 1 : i32
    %sub3A_2427 = arith.subi %div3A_2406, %sub3A_2426 : i32
    %select_n3A_2428 = arith.select %and3A_2425, %sub3A_2427, %div3A_2406 : i32
    %jit3A_2429 = arith.constant 16 : i32
    %eq3A_2430 = arith.constant 0 : i32
    %eq3A_2431 = arith.cmpi eq, %jit3A_2429, %eq3A_2430 : i32
    %jit3A_2432 = arith.constant 1 : i32
    %select_n3A_2433 = arith.select %eq3A_2431, %jit3A_2432, %jit3A_2429 : i32
    %rem3A_2434 = arith.remsi %select_n3A_2428, %select_n3A_2433 : i32
    %ne3A_2435 = arith.constant 0 : i32
    %ne3A_2436 = arith.cmpi ne, %rem3A_2434, %ne3A_2435 : i32
    %lt3A_2437 = arith.constant 0 : i32
    %lt3A_2438 = arith.cmpi slt, %rem3A_2434, %lt3A_2437 : i32
    %lt3A_2439 = arith.constant 0 : i32
    %lt3A_2440 = arith.cmpi slt, %select_n3A_2433, %lt3A_2439 : i32
    %ne3A_2441 = arith.xori %lt3A_2438, %lt3A_2440 : i1
    %and3A_2442 = arith.andi %ne3A_2441, %ne3A_2436 : i1
    %add3A_2443 = arith.addi %rem3A_2434, %select_n3A_2433 : i32
    %select_n3A_2444 = arith.select %and3A_2442, %add3A_2443, %rem3A_2434 : i32
    %mul3A_2445 = arith.constant 8 : i32
    %mul3A_2446 = arith.muli %mul3A_2445, %select_n3A_2444 : i32
    %add3A_2447 = arith.addi %mul3A_2404, %mul3A_2446 : i32
    %multiple_of3A_2448 = tpu.assume_multiple %add3A_2447, 8 : i32
    "tpu.region"() ({
      %run_scoped3A = tpu.sem_alloc : memref<!tpu.dma_semaphore, #tpu.memory_space<semaphore_mem>>
      %dma_start3A = arith.constant 208 : i32
      %dma_start3A_2906 = tpu.memref_slice %arg6[%dma_start3A] : memref<256xf32, #tpu.memory_space<vmem>> -> memref<8xf32, #tpu.memory_space<vmem>>
      %dma_start3A_2907 = tpu.memref_slice %arg3[%multiple_of3A_2448] : memref<802816xf32, #tpu.memory_space<hbm>> -> memref<8xf32, #tpu.memory_space<hbm>>
      %dma_start3A_2908 = arith.constant 208 : i32
      %dma_start3A_2909 = tpu.memref_slice %arg6[%dma_start3A_2908] : memref<256xf32, #tpu.memory_space<vmem>> -> memref<8xf32, #tpu.memory_space<vmem>>
      %dma_start3A_2910 = tpu.memref_slice %arg3[%multiple_of3A_2448] : memref<802816xf32, #tpu.memory_space<hbm>> -> memref<8xf32, #tpu.memory_space<hbm>>
      tpu.enqueue_dma source(%dma_start3A_2910 : memref<8xf32, #tpu.memory_space<hbm>>) target(%dma_start3A_2909 : memref<8xf32, #tpu.memory_space<vmem>>) target_semaphore(%run_scoped3A : memref<!tpu.dma_semaphore, #tpu.memory_space<semaphore_mem>>)
      %dma_wait3A = arith.constant 208 : i32
      %dma_wait3A_2911 = tpu.memref_slice %arg6[%dma_wait3A] : memref<256xf32, #tpu.memory_space<vmem>> -> memref<8xf32, #tpu.memory_space<vmem>>
      %dma_wait3A_2912 = tpu.memref_slice %arg3[%multiple_of3A_2448] : memref<802816xf32, #tpu.memory_space<hbm>> -> memref<8xf32, #tpu.memory_space<hbm>>
      %dma_wait3A_2913 = arith.constant 208 : i32
      %dma_wait3A_2914 = tpu.memref_slice %arg6[%dma_wait3A_2913] : memref<256xf32, #tpu.memory_space<vmem>> -> memref<8xf32, #tpu.memory_space<vmem>>
      %dma_wait3A_2915 = tpu.memref_slice %arg3[%multiple_of3A_2448] : memref<802816xf32, #tpu.memory_space<hbm>> -> memref<8xf32, #tpu.memory_space<hbm>>
      tpu.wait_dma2 semaphore(%run_scoped3A : memref<!tpu.dma_semaphore, #tpu.memory_space<semaphore_mem>>) src(%dma_wait3A_2915 : memref<8xf32, #tpu.memory_space<hbm>>) dst(%dma_wait3A_2914 : memref<8xf32, #tpu.memory_space<vmem>>)
      tpu.yield
    }) : () -> ()
    %slice3A_2449 = vector.extract_strided_slice %get3A_1447 {offsets = [11], sizes = [1], strides = [1]} : vector<16xi32> to vector<1xi32>
    %squeeze3A_2450 = vector.extract %slice3A_2449[0] : i32 from vector<1xi32>
    %jit3A_2451 = arith.constant 2048 : i32
    %div3A_2452 = arith.divsi %squeeze3A_2450, %jit3A_2451 : i32
    %sign3A_2453 = arith.constant 0 : i32
    %sign3A_2454 = arith.cmpi sgt, %squeeze3A_2450, %sign3A_2453 : i32
    %sign3A_2455 = arith.extui %sign3A_2454 : i1 to i32
    %sign3A_2456 = arith.constant 0 : i32
    %sign3A_2457 = arith.cmpi slt, %squeeze3A_2450, %sign3A_2456 : i32
    %sign3A_2458 = arith.extui %sign3A_2457 : i1 to i32
    %sign3A_2459 = arith.subi %sign3A_2455, %sign3A_2458 : i32
    %sign3A_2460 = arith.constant 0 : i32
    %sign3A_2461 = arith.cmpi sgt, %jit3A_2451, %sign3A_2460 : i32
    %sign3A_2462 = arith.extui %sign3A_2461 : i1 to i32
    %sign3A_2463 = arith.constant 0 : i32
    %sign3A_2464 = arith.cmpi slt, %jit3A_2451, %sign3A_2463 : i32
    %sign3A_2465 = arith.extui %sign3A_2464 : i1 to i32
    %sign3A_2466 = arith.subi %sign3A_2462, %sign3A_2465 : i32
    %ne3A_2467 = arith.cmpi ne, %sign3A_2459, %sign3A_2466 : i32
    %rem3A_2468 = arith.remsi %squeeze3A_2450, %jit3A_2451 : i32
    %ne3A_2469 = arith.constant 0 : i32
    %ne3A_2470 = arith.cmpi ne, %rem3A_2468, %ne3A_2469 : i32
    %and3A_2471 = arith.andi %ne3A_2467, %ne3A_2470 : i1
    %sub3A_2472 = arith.constant 1 : i32
    %sub3A_2473 = arith.subi %div3A_2452, %sub3A_2472 : i32
    %select_n3A_2474 = arith.select %and3A_2471, %sub3A_2473, %div3A_2452 : i32
    %mul3A_2475 = arith.constant 128 : i32
    %mul3A_2476 = arith.muli %mul3A_2475, %select_n3A_2474 : i32
    %jit3A_2477 = arith.constant 128 : i32
    %eq3A_2478 = arith.constant 0 : i32
    %eq3A_2479 = arith.cmpi eq, %jit3A_2477, %eq3A_2478 : i32
    %jit3A_2480 = arith.constant 1 : i32
    %select_n3A_2481 = arith.select %eq3A_2479, %jit3A_2480, %jit3A_2477 : i32
    %rem3A_2482 = arith.remsi %squeeze3A_2450, %select_n3A_2481 : i32
    %ne3A_2483 = arith.constant 0 : i32
    %ne3A_2484 = arith.cmpi ne, %rem3A_2482, %ne3A_2483 : i32
    %lt3A_2485 = arith.constant 0 : i32
    %lt3A_2486 = arith.cmpi slt, %rem3A_2482, %lt3A_2485 : i32
    %lt3A_2487 = arith.constant 0 : i32
    %lt3A_2488 = arith.cmpi slt, %select_n3A_2481, %lt3A_2487 : i32
    %ne3A_2489 = arith.xori %lt3A_2486, %lt3A_2488 : i1
    %and3A_2490 = arith.andi %ne3A_2489, %ne3A_2484 : i1
    %add3A_2491 = arith.addi %rem3A_2482, %select_n3A_2481 : i32
    %select_n3A_2492 = arith.select %and3A_2490, %add3A_2491, %rem3A_2482 : i32
    %add3A_2493 = arith.addi %mul3A_2476, %select_n3A_2492 : i32
    %mul3A_2494 = arith.constant 128 : i32
    %mul3A_2495 = arith.muli %mul3A_2494, %add3A_2493 : i32
    %jit3A_2496 = arith.constant 128 : i32
    %div3A_2497 = arith.divsi %squeeze3A_2450, %jit3A_2496 : i32
    %sign3A_2498 = arith.constant 0 : i32
    %sign3A_2499 = arith.cmpi sgt, %squeeze3A_2450, %sign3A_2498 : i32
    %sign3A_2500 = arith.extui %sign3A_2499 : i1 to i32
    %sign3A_2501 = arith.constant 0 : i32
    %sign3A_2502 = arith.cmpi slt, %squeeze3A_2450, %sign3A_2501 : i32
    %sign3A_2503 = arith.extui %sign3A_2502 : i1 to i32
    %sign3A_2504 = arith.subi %sign3A_2500, %sign3A_2503 : i32
    %sign3A_2505 = arith.constant 0 : i32
    %sign3A_2506 = arith.cmpi sgt, %jit3A_2496, %sign3A_2505 : i32
    %sign3A_2507 = arith.extui %sign3A_2506 : i1 to i32
    %sign3A_2508 = arith.constant 0 : i32
    %sign3A_2509 = arith.cmpi slt, %jit3A_2496, %sign3A_2508 : i32
    %sign3A_2510 = arith.extui %sign3A_2509 : i1 to i32
    %sign3A_2511 = arith.subi %sign3A_2507, %sign3A_2510 : i32
    %ne3A_2512 = arith.cmpi ne, %sign3A_2504, %sign3A_2511 : i32
    %rem3A_2513 = arith.remsi %squeeze3A_2450, %jit3A_2496 : i32
    %ne3A_2514 = arith.constant 0 : i32
    %ne3A_2515 = arith.cmpi ne, %rem3A_2513, %ne3A_2514 : i32
    %and3A_2516 = arith.andi %ne3A_2512, %ne3A_2515 : i1
    %sub3A_2517 = arith.constant 1 : i32
    %sub3A_2518 = arith.subi %div3A_2497, %sub3A_2517 : i32
    %select_n3A_2519 = arith.select %and3A_2516, %sub3A_2518, %div3A_2497 : i32
    %jit3A_2520 = arith.constant 16 : i32
    %eq3A_2521 = arith.constant 0 : i32
    %eq3A_2522 = arith.cmpi eq, %jit3A_2520, %eq3A_2521 : i32
    %jit3A_2523 = arith.constant 1 : i32
    %select_n3A_2524 = arith.select %eq3A_2522, %jit3A_2523, %jit3A_2520 : i32
    %rem3A_2525 = arith.remsi %select_n3A_2519, %select_n3A_2524 : i32
    %ne3A_2526 = arith.constant 0 : i32
    %ne3A_2527 = arith.cmpi ne, %rem3A_2525, %ne3A_2526 : i32
    %lt3A_2528 = arith.constant 0 : i32
    %lt3A_2529 = arith.cmpi slt, %rem3A_2525, %lt3A_2528 : i32
    %lt3A_2530 = arith.constant 0 : i32
    %lt3A_2531 = arith.cmpi slt, %select_n3A_2524, %lt3A_2530 : i32
    %ne3A_2532 = arith.xori %lt3A_2529, %lt3A_2531 : i1
    %and3A_2533 = arith.andi %ne3A_2532, %ne3A_2527 : i1
    %add3A_2534 = arith.addi %rem3A_2525, %select_n3A_2524 : i32
    %select_n3A_2535 = arith.select %and3A_2533, %add3A_2534, %rem3A_2525 : i32
    %mul3A_2536 = arith.constant 8 : i32
    %mul3A_2537 = arith.muli %mul3A_2536, %select_n3A_2535 : i32
    %add3A_2538 = arith.addi %mul3A_2495, %mul3A_2537 : i32
    %multiple_of3A_2539 = tpu.assume_multiple %add3A_2538, 8 : i32
    "tpu.region"() ({
      %run_scoped3A = tpu.sem_alloc : memref<!tpu.dma_semaphore, #tpu.memory_space<semaphore_mem>>
      %dma_start3A = arith.constant 216 : i32
      %dma_start3A_2906 = tpu.memref_slice %arg6[%dma_start3A] : memref<256xf32, #tpu.memory_space<vmem>> -> memref<8xf32, #tpu.memory_space<vmem>>
      %dma_start3A_2907 = tpu.memref_slice %arg3[%multiple_of3A_2539] : memref<802816xf32, #tpu.memory_space<hbm>> -> memref<8xf32, #tpu.memory_space<hbm>>
      %dma_start3A_2908 = arith.constant 216 : i32
      %dma_start3A_2909 = tpu.memref_slice %arg6[%dma_start3A_2908] : memref<256xf32, #tpu.memory_space<vmem>> -> memref<8xf32, #tpu.memory_space<vmem>>
      %dma_start3A_2910 = tpu.memref_slice %arg3[%multiple_of3A_2539] : memref<802816xf32, #tpu.memory_space<hbm>> -> memref<8xf32, #tpu.memory_space<hbm>>
      tpu.enqueue_dma source(%dma_start3A_2910 : memref<8xf32, #tpu.memory_space<hbm>>) target(%dma_start3A_2909 : memref<8xf32, #tpu.memory_space<vmem>>) target_semaphore(%run_scoped3A : memref<!tpu.dma_semaphore, #tpu.memory_space<semaphore_mem>>)
      %dma_wait3A = arith.constant 216 : i32
      %dma_wait3A_2911 = tpu.memref_slice %arg6[%dma_wait3A] : memref<256xf32, #tpu.memory_space<vmem>> -> memref<8xf32, #tpu.memory_space<vmem>>
      %dma_wait3A_2912 = tpu.memref_slice %arg3[%multiple_of3A_2539] : memref<802816xf32, #tpu.memory_space<hbm>> -> memref<8xf32, #tpu.memory_space<hbm>>
      %dma_wait3A_2913 = arith.constant 216 : i32
      %dma_wait3A_2914 = tpu.memref_slice %arg6[%dma_wait3A_2913] : memref<256xf32, #tpu.memory_space<vmem>> -> memref<8xf32, #tpu.memory_space<vmem>>
      %dma_wait3A_2915 = tpu.memref_slice %arg3[%multiple_of3A_2539] : memref<802816xf32, #tpu.memory_space<hbm>> -> memref<8xf32, #tpu.memory_space<hbm>>
      tpu.wait_dma2 semaphore(%run_scoped3A : memref<!tpu.dma_semaphore, #tpu.memory_space<semaphore_mem>>) src(%dma_wait3A_2915 : memref<8xf32, #tpu.memory_space<hbm>>) dst(%dma_wait3A_2914 : memref<8xf32, #tpu.memory_space<vmem>>)
      tpu.yield
    }) : () -> ()
    %slice3A_2540 = vector.extract_strided_slice %get3A_1447 {offsets = [12], sizes = [1], strides = [1]} : vector<16xi32> to vector<1xi32>
    %squeeze3A_2541 = vector.extract %slice3A_2540[0] : i32 from vector<1xi32>
    %jit3A_2542 = arith.constant 2048 : i32
    %div3A_2543 = arith.divsi %squeeze3A_2541, %jit3A_2542 : i32
    %sign3A_2544 = arith.constant 0 : i32
    %sign3A_2545 = arith.cmpi sgt, %squeeze3A_2541, %sign3A_2544 : i32
    %sign3A_2546 = arith.extui %sign3A_2545 : i1 to i32
    %sign3A_2547 = arith.constant 0 : i32
    %sign3A_2548 = arith.cmpi slt, %squeeze3A_2541, %sign3A_2547 : i32
    %sign3A_2549 = arith.extui %sign3A_2548 : i1 to i32
    %sign3A_2550 = arith.subi %sign3A_2546, %sign3A_2549 : i32
    %sign3A_2551 = arith.constant 0 : i32
    %sign3A_2552 = arith.cmpi sgt, %jit3A_2542, %sign3A_2551 : i32
    %sign3A_2553 = arith.extui %sign3A_2552 : i1 to i32
    %sign3A_2554 = arith.constant 0 : i32
    %sign3A_2555 = arith.cmpi slt, %jit3A_2542, %sign3A_2554 : i32
    %sign3A_2556 = arith.extui %sign3A_2555 : i1 to i32
    %sign3A_2557 = arith.subi %sign3A_2553, %sign3A_2556 : i32
    %ne3A_2558 = arith.cmpi ne, %sign3A_2550, %sign3A_2557 : i32
    %rem3A_2559 = arith.remsi %squeeze3A_2541, %jit3A_2542 : i32
    %ne3A_2560 = arith.constant 0 : i32
    %ne3A_2561 = arith.cmpi ne, %rem3A_2559, %ne3A_2560 : i32
    %and3A_2562 = arith.andi %ne3A_2558, %ne3A_2561 : i1
    %sub3A_2563 = arith.constant 1 : i32
    %sub3A_2564 = arith.subi %div3A_2543, %sub3A_2563 : i32
    %select_n3A_2565 = arith.select %and3A_2562, %sub3A_2564, %div3A_2543 : i32
    %mul3A_2566 = arith.constant 128 : i32
    %mul3A_2567 = arith.muli %mul3A_2566, %select_n3A_2565 : i32
    %jit3A_2568 = arith.constant 128 : i32
    %eq3A_2569 = arith.constant 0 : i32
    %eq3A_2570 = arith.cmpi eq, %jit3A_2568, %eq3A_2569 : i32
    %jit3A_2571 = arith.constant 1 : i32
    %select_n3A_2572 = arith.select %eq3A_2570, %jit3A_2571, %jit3A_2568 : i32
    %rem3A_2573 = arith.remsi %squeeze3A_2541, %select_n3A_2572 : i32
    %ne3A_2574 = arith.constant 0 : i32
    %ne3A_2575 = arith.cmpi ne, %rem3A_2573, %ne3A_2574 : i32
    %lt3A_2576 = arith.constant 0 : i32
    %lt3A_2577 = arith.cmpi slt, %rem3A_2573, %lt3A_2576 : i32
    %lt3A_2578 = arith.constant 0 : i32
    %lt3A_2579 = arith.cmpi slt, %select_n3A_2572, %lt3A_2578 : i32
    %ne3A_2580 = arith.xori %lt3A_2577, %lt3A_2579 : i1
    %and3A_2581 = arith.andi %ne3A_2580, %ne3A_2575 : i1
    %add3A_2582 = arith.addi %rem3A_2573, %select_n3A_2572 : i32
    %select_n3A_2583 = arith.select %and3A_2581, %add3A_2582, %rem3A_2573 : i32
    %add3A_2584 = arith.addi %mul3A_2567, %select_n3A_2583 : i32
    %mul3A_2585 = arith.constant 128 : i32
    %mul3A_2586 = arith.muli %mul3A_2585, %add3A_2584 : i32
    %jit3A_2587 = arith.constant 128 : i32
    %div3A_2588 = arith.divsi %squeeze3A_2541, %jit3A_2587 : i32
    %sign3A_2589 = arith.constant 0 : i32
    %sign3A_2590 = arith.cmpi sgt, %squeeze3A_2541, %sign3A_2589 : i32
    %sign3A_2591 = arith.extui %sign3A_2590 : i1 to i32
    %sign3A_2592 = arith.constant 0 : i32
    %sign3A_2593 = arith.cmpi slt, %squeeze3A_2541, %sign3A_2592 : i32
    %sign3A_2594 = arith.extui %sign3A_2593 : i1 to i32
    %sign3A_2595 = arith.subi %sign3A_2591, %sign3A_2594 : i32
    %sign3A_2596 = arith.constant 0 : i32
    %sign3A_2597 = arith.cmpi sgt, %jit3A_2587, %sign3A_2596 : i32
    %sign3A_2598 = arith.extui %sign3A_2597 : i1 to i32
    %sign3A_2599 = arith.constant 0 : i32
    %sign3A_2600 = arith.cmpi slt, %jit3A_2587, %sign3A_2599 : i32
    %sign3A_2601 = arith.extui %sign3A_2600 : i1 to i32
    %sign3A_2602 = arith.subi %sign3A_2598, %sign3A_2601 : i32
    %ne3A_2603 = arith.cmpi ne, %sign3A_2595, %sign3A_2602 : i32
    %rem3A_2604 = arith.remsi %squeeze3A_2541, %jit3A_2587 : i32
    %ne3A_2605 = arith.constant 0 : i32
    %ne3A_2606 = arith.cmpi ne, %rem3A_2604, %ne3A_2605 : i32
    %and3A_2607 = arith.andi %ne3A_2603, %ne3A_2606 : i1
    %sub3A_2608 = arith.constant 1 : i32
    %sub3A_2609 = arith.subi %div3A_2588, %sub3A_2608 : i32
    %select_n3A_2610 = arith.select %and3A_2607, %sub3A_2609, %div3A_2588 : i32
    %jit3A_2611 = arith.constant 16 : i32
    %eq3A_2612 = arith.constant 0 : i32
    %eq3A_2613 = arith.cmpi eq, %jit3A_2611, %eq3A_2612 : i32
    %jit3A_2614 = arith.constant 1 : i32
    %select_n3A_2615 = arith.select %eq3A_2613, %jit3A_2614, %jit3A_2611 : i32
    %rem3A_2616 = arith.remsi %select_n3A_2610, %select_n3A_2615 : i32
    %ne3A_2617 = arith.constant 0 : i32
    %ne3A_2618 = arith.cmpi ne, %rem3A_2616, %ne3A_2617 : i32
    %lt3A_2619 = arith.constant 0 : i32
    %lt3A_2620 = arith.cmpi slt, %rem3A_2616, %lt3A_2619 : i32
    %lt3A_2621 = arith.constant 0 : i32
    %lt3A_2622 = arith.cmpi slt, %select_n3A_2615, %lt3A_2621 : i32
    %ne3A_2623 = arith.xori %lt3A_2620, %lt3A_2622 : i1
    %and3A_2624 = arith.andi %ne3A_2623, %ne3A_2618 : i1
    %add3A_2625 = arith.addi %rem3A_2616, %select_n3A_2615 : i32
    %select_n3A_2626 = arith.select %and3A_2624, %add3A_2625, %rem3A_2616 : i32
    %mul3A_2627 = arith.constant 8 : i32
    %mul3A_2628 = arith.muli %mul3A_2627, %select_n3A_2626 : i32
    %add3A_2629 = arith.addi %mul3A_2586, %mul3A_2628 : i32
    %multiple_of3A_2630 = tpu.assume_multiple %add3A_2629, 8 : i32
    "tpu.region"() ({
      %run_scoped3A = tpu.sem_alloc : memref<!tpu.dma_semaphore, #tpu.memory_space<semaphore_mem>>
      %dma_start3A = arith.constant 224 : i32
      %dma_start3A_2906 = tpu.memref_slice %arg6[%dma_start3A] : memref<256xf32, #tpu.memory_space<vmem>> -> memref<8xf32, #tpu.memory_space<vmem>>
      %dma_start3A_2907 = tpu.memref_slice %arg3[%multiple_of3A_2630] : memref<802816xf32, #tpu.memory_space<hbm>> -> memref<8xf32, #tpu.memory_space<hbm>>
      %dma_start3A_2908 = arith.constant 224 : i32
      %dma_start3A_2909 = tpu.memref_slice %arg6[%dma_start3A_2908] : memref<256xf32, #tpu.memory_space<vmem>> -> memref<8xf32, #tpu.memory_space<vmem>>
      %dma_start3A_2910 = tpu.memref_slice %arg3[%multiple_of3A_2630] : memref<802816xf32, #tpu.memory_space<hbm>> -> memref<8xf32, #tpu.memory_space<hbm>>
      tpu.enqueue_dma source(%dma_start3A_2910 : memref<8xf32, #tpu.memory_space<hbm>>) target(%dma_start3A_2909 : memref<8xf32, #tpu.memory_space<vmem>>) target_semaphore(%run_scoped3A : memref<!tpu.dma_semaphore, #tpu.memory_space<semaphore_mem>>)
      %dma_wait3A = arith.constant 224 : i32
      %dma_wait3A_2911 = tpu.memref_slice %arg6[%dma_wait3A] : memref<256xf32, #tpu.memory_space<vmem>> -> memref<8xf32, #tpu.memory_space<vmem>>
      %dma_wait3A_2912 = tpu.memref_slice %arg3[%multiple_of3A_2630] : memref<802816xf32, #tpu.memory_space<hbm>> -> memref<8xf32, #tpu.memory_space<hbm>>
      %dma_wait3A_2913 = arith.constant 224 : i32
      %dma_wait3A_2914 = tpu.memref_slice %arg6[%dma_wait3A_2913] : memref<256xf32, #tpu.memory_space<vmem>> -> memref<8xf32, #tpu.memory_space<vmem>>
      %dma_wait3A_2915 = tpu.memref_slice %arg3[%multiple_of3A_2630] : memref<802816xf32, #tpu.memory_space<hbm>> -> memref<8xf32, #tpu.memory_space<hbm>>
      tpu.wait_dma2 semaphore(%run_scoped3A : memref<!tpu.dma_semaphore, #tpu.memory_space<semaphore_mem>>) src(%dma_wait3A_2915 : memref<8xf32, #tpu.memory_space<hbm>>) dst(%dma_wait3A_2914 : memref<8xf32, #tpu.memory_space<vmem>>)
      tpu.yield
    }) : () -> ()
    %slice3A_2631 = vector.extract_strided_slice %get3A_1447 {offsets = [13], sizes = [1], strides = [1]} : vector<16xi32> to vector<1xi32>
    %squeeze3A_2632 = vector.extract %slice3A_2631[0] : i32 from vector<1xi32>
    %jit3A_2633 = arith.constant 2048 : i32
    %div3A_2634 = arith.divsi %squeeze3A_2632, %jit3A_2633 : i32
    %sign3A_2635 = arith.constant 0 : i32
    %sign3A_2636 = arith.cmpi sgt, %squeeze3A_2632, %sign3A_2635 : i32
    %sign3A_2637 = arith.extui %sign3A_2636 : i1 to i32
    %sign3A_2638 = arith.constant 0 : i32
    %sign3A_2639 = arith.cmpi slt, %squeeze3A_2632, %sign3A_2638 : i32
    %sign3A_2640 = arith.extui %sign3A_2639 : i1 to i32
    %sign3A_2641 = arith.subi %sign3A_2637, %sign3A_2640 : i32
    %sign3A_2642 = arith.constant 0 : i32
    %sign3A_2643 = arith.cmpi sgt, %jit3A_2633, %sign3A_2642 : i32
    %sign3A_2644 = arith.extui %sign3A_2643 : i1 to i32
    %sign3A_2645 = arith.constant 0 : i32
    %sign3A_2646 = arith.cmpi slt, %jit3A_2633, %sign3A_2645 : i32
    %sign3A_2647 = arith.extui %sign3A_2646 : i1 to i32
    %sign3A_2648 = arith.subi %sign3A_2644, %sign3A_2647 : i32
    %ne3A_2649 = arith.cmpi ne, %sign3A_2641, %sign3A_2648 : i32
    %rem3A_2650 = arith.remsi %squeeze3A_2632, %jit3A_2633 : i32
    %ne3A_2651 = arith.constant 0 : i32
    %ne3A_2652 = arith.cmpi ne, %rem3A_2650, %ne3A_2651 : i32
    %and3A_2653 = arith.andi %ne3A_2649, %ne3A_2652 : i1
    %sub3A_2654 = arith.constant 1 : i32
    %sub3A_2655 = arith.subi %div3A_2634, %sub3A_2654 : i32
    %select_n3A_2656 = arith.select %and3A_2653, %sub3A_2655, %div3A_2634 : i32
    %mul3A_2657 = arith.constant 128 : i32
    %mul3A_2658 = arith.muli %mul3A_2657, %select_n3A_2656 : i32
    %jit3A_2659 = arith.constant 128 : i32
    %eq3A_2660 = arith.constant 0 : i32
    %eq3A_2661 = arith.cmpi eq, %jit3A_2659, %eq3A_2660 : i32
    %jit3A_2662 = arith.constant 1 : i32
    %select_n3A_2663 = arith.select %eq3A_2661, %jit3A_2662, %jit3A_2659 : i32
    %rem3A_2664 = arith.remsi %squeeze3A_2632, %select_n3A_2663 : i32
    %ne3A_2665 = arith.constant 0 : i32
    %ne3A_2666 = arith.cmpi ne, %rem3A_2664, %ne3A_2665 : i32
    %lt3A_2667 = arith.constant 0 : i32
    %lt3A_2668 = arith.cmpi slt, %rem3A_2664, %lt3A_2667 : i32
    %lt3A_2669 = arith.constant 0 : i32
    %lt3A_2670 = arith.cmpi slt, %select_n3A_2663, %lt3A_2669 : i32
    %ne3A_2671 = arith.xori %lt3A_2668, %lt3A_2670 : i1
    %and3A_2672 = arith.andi %ne3A_2671, %ne3A_2666 : i1
    %add3A_2673 = arith.addi %rem3A_2664, %select_n3A_2663 : i32
    %select_n3A_2674 = arith.select %and3A_2672, %add3A_2673, %rem3A_2664 : i32
    %add3A_2675 = arith.addi %mul3A_2658, %select_n3A_2674 : i32
    %mul3A_2676 = arith.constant 128 : i32
    %mul3A_2677 = arith.muli %mul3A_2676, %add3A_2675 : i32
    %jit3A_2678 = arith.constant 128 : i32
    %div3A_2679 = arith.divsi %squeeze3A_2632, %jit3A_2678 : i32
    %sign3A_2680 = arith.constant 0 : i32
    %sign3A_2681 = arith.cmpi sgt, %squeeze3A_2632, %sign3A_2680 : i32
    %sign3A_2682 = arith.extui %sign3A_2681 : i1 to i32
    %sign3A_2683 = arith.constant 0 : i32
    %sign3A_2684 = arith.cmpi slt, %squeeze3A_2632, %sign3A_2683 : i32
    %sign3A_2685 = arith.extui %sign3A_2684 : i1 to i32
    %sign3A_2686 = arith.subi %sign3A_2682, %sign3A_2685 : i32
    %sign3A_2687 = arith.constant 0 : i32
    %sign3A_2688 = arith.cmpi sgt, %jit3A_2678, %sign3A_2687 : i32
    %sign3A_2689 = arith.extui %sign3A_2688 : i1 to i32
    %sign3A_2690 = arith.constant 0 : i32
    %sign3A_2691 = arith.cmpi slt, %jit3A_2678, %sign3A_2690 : i32
    %sign3A_2692 = arith.extui %sign3A_2691 : i1 to i32
    %sign3A_2693 = arith.subi %sign3A_2689, %sign3A_2692 : i32
    %ne3A_2694 = arith.cmpi ne, %sign3A_2686, %sign3A_2693 : i32
    %rem3A_2695 = arith.remsi %squeeze3A_2632, %jit3A_2678 : i32
    %ne3A_2696 = arith.constant 0 : i32
    %ne3A_2697 = arith.cmpi ne, %rem3A_2695, %ne3A_2696 : i32
    %and3A_2698 = arith.andi %ne3A_2694, %ne3A_2697 : i1
    %sub3A_2699 = arith.constant 1 : i32
    %sub3A_2700 = arith.subi %div3A_2679, %sub3A_2699 : i32
    %select_n3A_2701 = arith.select %and3A_2698, %sub3A_2700, %div3A_2679 : i32
    %jit3A_2702 = arith.constant 16 : i32
    %eq3A_2703 = arith.constant 0 : i32
    %eq3A_2704 = arith.cmpi eq, %jit3A_2702, %eq3A_2703 : i32
    %jit3A_2705 = arith.constant 1 : i32
    %select_n3A_2706 = arith.select %eq3A_2704, %jit3A_2705, %jit3A_2702 : i32
    %rem3A_2707 = arith.remsi %select_n3A_2701, %select_n3A_2706 : i32
    %ne3A_2708 = arith.constant 0 : i32
    %ne3A_2709 = arith.cmpi ne, %rem3A_2707, %ne3A_2708 : i32
    %lt3A_2710 = arith.constant 0 : i32
    %lt3A_2711 = arith.cmpi slt, %rem3A_2707, %lt3A_2710 : i32
    %lt3A_2712 = arith.constant 0 : i32
    %lt3A_2713 = arith.cmpi slt, %select_n3A_2706, %lt3A_2712 : i32
    %ne3A_2714 = arith.xori %lt3A_2711, %lt3A_2713 : i1
    %and3A_2715 = arith.andi %ne3A_2714, %ne3A_2709 : i1
    %add3A_2716 = arith.addi %rem3A_2707, %select_n3A_2706 : i32
    %select_n3A_2717 = arith.select %and3A_2715, %add3A_2716, %rem3A_2707 : i32
    %mul3A_2718 = arith.constant 8 : i32
    %mul3A_2719 = arith.muli %mul3A_2718, %select_n3A_2717 : i32
    %add3A_2720 = arith.addi %mul3A_2677, %mul3A_2719 : i32
    %multiple_of3A_2721 = tpu.assume_multiple %add3A_2720, 8 : i32
    "tpu.region"() ({
      %run_scoped3A = tpu.sem_alloc : memref<!tpu.dma_semaphore, #tpu.memory_space<semaphore_mem>>
      %dma_start3A = arith.constant 232 : i32
      %dma_start3A_2906 = tpu.memref_slice %arg6[%dma_start3A] : memref<256xf32, #tpu.memory_space<vmem>> -> memref<8xf32, #tpu.memory_space<vmem>>
      %dma_start3A_2907 = tpu.memref_slice %arg3[%multiple_of3A_2721] : memref<802816xf32, #tpu.memory_space<hbm>> -> memref<8xf32, #tpu.memory_space<hbm>>
      %dma_start3A_2908 = arith.constant 232 : i32
      %dma_start3A_2909 = tpu.memref_slice %arg6[%dma_start3A_2908] : memref<256xf32, #tpu.memory_space<vmem>> -> memref<8xf32, #tpu.memory_space<vmem>>
      %dma_start3A_2910 = tpu.memref_slice %arg3[%multiple_of3A_2721] : memref<802816xf32, #tpu.memory_space<hbm>> -> memref<8xf32, #tpu.memory_space<hbm>>
      tpu.enqueue_dma source(%dma_start3A_2910 : memref<8xf32, #tpu.memory_space<hbm>>) target(%dma_start3A_2909 : memref<8xf32, #tpu.memory_space<vmem>>) target_semaphore(%run_scoped3A : memref<!tpu.dma_semaphore, #tpu.memory_space<semaphore_mem>>)
      %dma_wait3A = arith.constant 232 : i32
      %dma_wait3A_2911 = tpu.memref_slice %arg6[%dma_wait3A] : memref<256xf32, #tpu.memory_space<vmem>> -> memref<8xf32, #tpu.memory_space<vmem>>
      %dma_wait3A_2912 = tpu.memref_slice %arg3[%multiple_of3A_2721] : memref<802816xf32, #tpu.memory_space<hbm>> -> memref<8xf32, #tpu.memory_space<hbm>>
      %dma_wait3A_2913 = arith.constant 232 : i32
      %dma_wait3A_2914 = tpu.memref_slice %arg6[%dma_wait3A_2913] : memref<256xf32, #tpu.memory_space<vmem>> -> memref<8xf32, #tpu.memory_space<vmem>>
      %dma_wait3A_2915 = tpu.memref_slice %arg3[%multiple_of3A_2721] : memref<802816xf32, #tpu.memory_space<hbm>> -> memref<8xf32, #tpu.memory_space<hbm>>
      tpu.wait_dma2 semaphore(%run_scoped3A : memref<!tpu.dma_semaphore, #tpu.memory_space<semaphore_mem>>) src(%dma_wait3A_2915 : memref<8xf32, #tpu.memory_space<hbm>>) dst(%dma_wait3A_2914 : memref<8xf32, #tpu.memory_space<vmem>>)
      tpu.yield
    }) : () -> ()
    %slice3A_2722 = vector.extract_strided_slice %get3A_1447 {offsets = [14], sizes = [1], strides = [1]} : vector<16xi32> to vector<1xi32>
    %squeeze3A_2723 = vector.extract %slice3A_2722[0] : i32 from vector<1xi32>
    %jit3A_2724 = arith.constant 2048 : i32
    %div3A_2725 = arith.divsi %squeeze3A_2723, %jit3A_2724 : i32
    %sign3A_2726 = arith.constant 0 : i32
    %sign3A_2727 = arith.cmpi sgt, %squeeze3A_2723, %sign3A_2726 : i32
    %sign3A_2728 = arith.extui %sign3A_2727 : i1 to i32
    %sign3A_2729 = arith.constant 0 : i32
    %sign3A_2730 = arith.cmpi slt, %squeeze3A_2723, %sign3A_2729 : i32
    %sign3A_2731 = arith.extui %sign3A_2730 : i1 to i32
    %sign3A_2732 = arith.subi %sign3A_2728, %sign3A_2731 : i32
    %sign3A_2733 = arith.constant 0 : i32
    %sign3A_2734 = arith.cmpi sgt, %jit3A_2724, %sign3A_2733 : i32
    %sign3A_2735 = arith.extui %sign3A_2734 : i1 to i32
    %sign3A_2736 = arith.constant 0 : i32
    %sign3A_2737 = arith.cmpi slt, %jit3A_2724, %sign3A_2736 : i32
    %sign3A_2738 = arith.extui %sign3A_2737 : i1 to i32
    %sign3A_2739 = arith.subi %sign3A_2735, %sign3A_2738 : i32
    %ne3A_2740 = arith.cmpi ne, %sign3A_2732, %sign3A_2739 : i32
    %rem3A_2741 = arith.remsi %squeeze3A_2723, %jit3A_2724 : i32
    %ne3A_2742 = arith.constant 0 : i32
    %ne3A_2743 = arith.cmpi ne, %rem3A_2741, %ne3A_2742 : i32
    %and3A_2744 = arith.andi %ne3A_2740, %ne3A_2743 : i1
    %sub3A_2745 = arith.constant 1 : i32
    %sub3A_2746 = arith.subi %div3A_2725, %sub3A_2745 : i32
    %select_n3A_2747 = arith.select %and3A_2744, %sub3A_2746, %div3A_2725 : i32
    %mul3A_2748 = arith.constant 128 : i32
    %mul3A_2749 = arith.muli %mul3A_2748, %select_n3A_2747 : i32
    %jit3A_2750 = arith.constant 128 : i32
    %eq3A_2751 = arith.constant 0 : i32
    %eq3A_2752 = arith.cmpi eq, %jit3A_2750, %eq3A_2751 : i32
    %jit3A_2753 = arith.constant 1 : i32
    %select_n3A_2754 = arith.select %eq3A_2752, %jit3A_2753, %jit3A_2750 : i32
    %rem3A_2755 = arith.remsi %squeeze3A_2723, %select_n3A_2754 : i32
    %ne3A_2756 = arith.constant 0 : i32
    %ne3A_2757 = arith.cmpi ne, %rem3A_2755, %ne3A_2756 : i32
    %lt3A_2758 = arith.constant 0 : i32
    %lt3A_2759 = arith.cmpi slt, %rem3A_2755, %lt3A_2758 : i32
    %lt3A_2760 = arith.constant 0 : i32
    %lt3A_2761 = arith.cmpi slt, %select_n3A_2754, %lt3A_2760 : i32
    %ne3A_2762 = arith.xori %lt3A_2759, %lt3A_2761 : i1
    %and3A_2763 = arith.andi %ne3A_2762, %ne3A_2757 : i1
    %add3A_2764 = arith.addi %rem3A_2755, %select_n3A_2754 : i32
    %select_n3A_2765 = arith.select %and3A_2763, %add3A_2764, %rem3A_2755 : i32
    %add3A_2766 = arith.addi %mul3A_2749, %select_n3A_2765 : i32
    %mul3A_2767 = arith.constant 128 : i32
    %mul3A_2768 = arith.muli %mul3A_2767, %add3A_2766 : i32
    %jit3A_2769 = arith.constant 128 : i32
    %div3A_2770 = arith.divsi %squeeze3A_2723, %jit3A_2769 : i32
    %sign3A_2771 = arith.constant 0 : i32
    %sign3A_2772 = arith.cmpi sgt, %squeeze3A_2723, %sign3A_2771 : i32
    %sign3A_2773 = arith.extui %sign3A_2772 : i1 to i32
    %sign3A_2774 = arith.constant 0 : i32
    %sign3A_2775 = arith.cmpi slt, %squeeze3A_2723, %sign3A_2774 : i32
    %sign3A_2776 = arith.extui %sign3A_2775 : i1 to i32
    %sign3A_2777 = arith.subi %sign3A_2773, %sign3A_2776 : i32
    %sign3A_2778 = arith.constant 0 : i32
    %sign3A_2779 = arith.cmpi sgt, %jit3A_2769, %sign3A_2778 : i32
    %sign3A_2780 = arith.extui %sign3A_2779 : i1 to i32
    %sign3A_2781 = arith.constant 0 : i32
    %sign3A_2782 = arith.cmpi slt, %jit3A_2769, %sign3A_2781 : i32
    %sign3A_2783 = arith.extui %sign3A_2782 : i1 to i32
    %sign3A_2784 = arith.subi %sign3A_2780, %sign3A_2783 : i32
    %ne3A_2785 = arith.cmpi ne, %sign3A_2777, %sign3A_2784 : i32
    %rem3A_2786 = arith.remsi %squeeze3A_2723, %jit3A_2769 : i32
    %ne3A_2787 = arith.constant 0 : i32
    %ne3A_2788 = arith.cmpi ne, %rem3A_2786, %ne3A_2787 : i32
    %and3A_2789 = arith.andi %ne3A_2785, %ne3A_2788 : i1
    %sub3A_2790 = arith.constant 1 : i32
    %sub3A_2791 = arith.subi %div3A_2770, %sub3A_2790 : i32
    %select_n3A_2792 = arith.select %and3A_2789, %sub3A_2791, %div3A_2770 : i32
    %jit3A_2793 = arith.constant 16 : i32
    %eq3A_2794 = arith.constant 0 : i32
    %eq3A_2795 = arith.cmpi eq, %jit3A_2793, %eq3A_2794 : i32
    %jit3A_2796 = arith.constant 1 : i32
    %select_n3A_2797 = arith.select %eq3A_2795, %jit3A_2796, %jit3A_2793 : i32
    %rem3A_2798 = arith.remsi %select_n3A_2792, %select_n3A_2797 : i32
    %ne3A_2799 = arith.constant 0 : i32
    %ne3A_2800 = arith.cmpi ne, %rem3A_2798, %ne3A_2799 : i32
    %lt3A_2801 = arith.constant 0 : i32
    %lt3A_2802 = arith.cmpi slt, %rem3A_2798, %lt3A_2801 : i32
    %lt3A_2803 = arith.constant 0 : i32
    %lt3A_2804 = arith.cmpi slt, %select_n3A_2797, %lt3A_2803 : i32
    %ne3A_2805 = arith.xori %lt3A_2802, %lt3A_2804 : i1
    %and3A_2806 = arith.andi %ne3A_2805, %ne3A_2800 : i1
    %add3A_2807 = arith.addi %rem3A_2798, %select_n3A_2797 : i32
    %select_n3A_2808 = arith.select %and3A_2806, %add3A_2807, %rem3A_2798 : i32
    %mul3A_2809 = arith.constant 8 : i32
    %mul3A_2810 = arith.muli %mul3A_2809, %select_n3A_2808 : i32
    %add3A_2811 = arith.addi %mul3A_2768, %mul3A_2810 : i32
    %multiple_of3A_2812 = tpu.assume_multiple %add3A_2811, 8 : i32
    "tpu.region"() ({
      %run_scoped3A = tpu.sem_alloc : memref<!tpu.dma_semaphore, #tpu.memory_space<semaphore_mem>>
      %dma_start3A = arith.constant 240 : i32
      %dma_start3A_2906 = tpu.memref_slice %arg6[%dma_start3A] : memref<256xf32, #tpu.memory_space<vmem>> -> memref<8xf32, #tpu.memory_space<vmem>>
      %dma_start3A_2907 = tpu.memref_slice %arg3[%multiple_of3A_2812] : memref<802816xf32, #tpu.memory_space<hbm>> -> memref<8xf32, #tpu.memory_space<hbm>>
      %dma_start3A_2908 = arith.constant 240 : i32
      %dma_start3A_2909 = tpu.memref_slice %arg6[%dma_start3A_2908] : memref<256xf32, #tpu.memory_space<vmem>> -> memref<8xf32, #tpu.memory_space<vmem>>
      %dma_start3A_2910 = tpu.memref_slice %arg3[%multiple_of3A_2812] : memref<802816xf32, #tpu.memory_space<hbm>> -> memref<8xf32, #tpu.memory_space<hbm>>
      tpu.enqueue_dma source(%dma_start3A_2910 : memref<8xf32, #tpu.memory_space<hbm>>) target(%dma_start3A_2909 : memref<8xf32, #tpu.memory_space<vmem>>) target_semaphore(%run_scoped3A : memref<!tpu.dma_semaphore, #tpu.memory_space<semaphore_mem>>)
      %dma_wait3A = arith.constant 240 : i32
      %dma_wait3A_2911 = tpu.memref_slice %arg6[%dma_wait3A] : memref<256xf32, #tpu.memory_space<vmem>> -> memref<8xf32, #tpu.memory_space<vmem>>
      %dma_wait3A_2912 = tpu.memref_slice %arg3[%multiple_of3A_2812] : memref<802816xf32, #tpu.memory_space<hbm>> -> memref<8xf32, #tpu.memory_space<hbm>>
      %dma_wait3A_2913 = arith.constant 240 : i32
      %dma_wait3A_2914 = tpu.memref_slice %arg6[%dma_wait3A_2913] : memref<256xf32, #tpu.memory_space<vmem>> -> memref<8xf32, #tpu.memory_space<vmem>>
      %dma_wait3A_2915 = tpu.memref_slice %arg3[%multiple_of3A_2812] : memref<802816xf32, #tpu.memory_space<hbm>> -> memref<8xf32, #tpu.memory_space<hbm>>
      tpu.wait_dma2 semaphore(%run_scoped3A : memref<!tpu.dma_semaphore, #tpu.memory_space<semaphore_mem>>) src(%dma_wait3A_2915 : memref<8xf32, #tpu.memory_space<hbm>>) dst(%dma_wait3A_2914 : memref<8xf32, #tpu.memory_space<vmem>>)
      tpu.yield
    }) : () -> ()
    %slice3A_2813 = vector.extract_strided_slice %get3A_1447 {offsets = [15], sizes = [1], strides = [1]} : vector<16xi32> to vector<1xi32>
    %squeeze3A_2814 = vector.extract %slice3A_2813[0] : i32 from vector<1xi32>
    %jit3A_2815 = arith.constant 2048 : i32
    %div3A_2816 = arith.divsi %squeeze3A_2814, %jit3A_2815 : i32
    %sign3A_2817 = arith.constant 0 : i32
    %sign3A_2818 = arith.cmpi sgt, %squeeze3A_2814, %sign3A_2817 : i32
    %sign3A_2819 = arith.extui %sign3A_2818 : i1 to i32
    %sign3A_2820 = arith.constant 0 : i32
    %sign3A_2821 = arith.cmpi slt, %squeeze3A_2814, %sign3A_2820 : i32
    %sign3A_2822 = arith.extui %sign3A_2821 : i1 to i32
    %sign3A_2823 = arith.subi %sign3A_2819, %sign3A_2822 : i32
    %sign3A_2824 = arith.constant 0 : i32
    %sign3A_2825 = arith.cmpi sgt, %jit3A_2815, %sign3A_2824 : i32
    %sign3A_2826 = arith.extui %sign3A_2825 : i1 to i32
    %sign3A_2827 = arith.constant 0 : i32
    %sign3A_2828 = arith.cmpi slt, %jit3A_2815, %sign3A_2827 : i32
    %sign3A_2829 = arith.extui %sign3A_2828 : i1 to i32
    %sign3A_2830 = arith.subi %sign3A_2826, %sign3A_2829 : i32
    %ne3A_2831 = arith.cmpi ne, %sign3A_2823, %sign3A_2830 : i32
    %rem3A_2832 = arith.remsi %squeeze3A_2814, %jit3A_2815 : i32
    %ne3A_2833 = arith.constant 0 : i32
    %ne3A_2834 = arith.cmpi ne, %rem3A_2832, %ne3A_2833 : i32
    %and3A_2835 = arith.andi %ne3A_2831, %ne3A_2834 : i1
    %sub3A_2836 = arith.constant 1 : i32
    %sub3A_2837 = arith.subi %div3A_2816, %sub3A_2836 : i32
    %select_n3A_2838 = arith.select %and3A_2835, %sub3A_2837, %div3A_2816 : i32
    %mul3A_2839 = arith.constant 128 : i32
    %mul3A_2840 = arith.muli %mul3A_2839, %select_n3A_2838 : i32
    %jit3A_2841 = arith.constant 128 : i32
    %eq3A_2842 = arith.constant 0 : i32
    %eq3A_2843 = arith.cmpi eq, %jit3A_2841, %eq3A_2842 : i32
    %jit3A_2844 = arith.constant 1 : i32
    %select_n3A_2845 = arith.select %eq3A_2843, %jit3A_2844, %jit3A_2841 : i32
    %rem3A_2846 = arith.remsi %squeeze3A_2814, %select_n3A_2845 : i32
    %ne3A_2847 = arith.constant 0 : i32
    %ne3A_2848 = arith.cmpi ne, %rem3A_2846, %ne3A_2847 : i32
    %lt3A_2849 = arith.constant 0 : i32
    %lt3A_2850 = arith.cmpi slt, %rem3A_2846, %lt3A_2849 : i32
    %lt3A_2851 = arith.constant 0 : i32
    %lt3A_2852 = arith.cmpi slt, %select_n3A_2845, %lt3A_2851 : i32
    %ne3A_2853 = arith.xori %lt3A_2850, %lt3A_2852 : i1
    %and3A_2854 = arith.andi %ne3A_2853, %ne3A_2848 : i1
    %add3A_2855 = arith.addi %rem3A_2846, %select_n3A_2845 : i32
    %select_n3A_2856 = arith.select %and3A_2854, %add3A_2855, %rem3A_2846 : i32
    %add3A_2857 = arith.addi %mul3A_2840, %select_n3A_2856 : i32
    %mul3A_2858 = arith.constant 128 : i32
    %mul3A_2859 = arith.muli %mul3A_2858, %add3A_2857 : i32
    %jit3A_2860 = arith.constant 128 : i32
    %div3A_2861 = arith.divsi %squeeze3A_2814, %jit3A_2860 : i32
    %sign3A_2862 = arith.constant 0 : i32
    %sign3A_2863 = arith.cmpi sgt, %squeeze3A_2814, %sign3A_2862 : i32
    %sign3A_2864 = arith.extui %sign3A_2863 : i1 to i32
    %sign3A_2865 = arith.constant 0 : i32
    %sign3A_2866 = arith.cmpi slt, %squeeze3A_2814, %sign3A_2865 : i32
    %sign3A_2867 = arith.extui %sign3A_2866 : i1 to i32
    %sign3A_2868 = arith.subi %sign3A_2864, %sign3A_2867 : i32
    %sign3A_2869 = arith.constant 0 : i32
    %sign3A_2870 = arith.cmpi sgt, %jit3A_2860, %sign3A_2869 : i32
    %sign3A_2871 = arith.extui %sign3A_2870 : i1 to i32
    %sign3A_2872 = arith.constant 0 : i32
    %sign3A_2873 = arith.cmpi slt, %jit3A_2860, %sign3A_2872 : i32
    %sign3A_2874 = arith.extui %sign3A_2873 : i1 to i32
    %sign3A_2875 = arith.subi %sign3A_2871, %sign3A_2874 : i32
    %ne3A_2876 = arith.cmpi ne, %sign3A_2868, %sign3A_2875 : i32
    %rem3A_2877 = arith.remsi %squeeze3A_2814, %jit3A_2860 : i32
    %ne3A_2878 = arith.constant 0 : i32
    %ne3A_2879 = arith.cmpi ne, %rem3A_2877, %ne3A_2878 : i32
    %and3A_2880 = arith.andi %ne3A_2876, %ne3A_2879 : i1
    %sub3A_2881 = arith.constant 1 : i32
    %sub3A_2882 = arith.subi %div3A_2861, %sub3A_2881 : i32
    %select_n3A_2883 = arith.select %and3A_2880, %sub3A_2882, %div3A_2861 : i32
    %jit3A_2884 = arith.constant 16 : i32
    %eq3A_2885 = arith.constant 0 : i32
    %eq3A_2886 = arith.cmpi eq, %jit3A_2884, %eq3A_2885 : i32
    %jit3A_2887 = arith.constant 1 : i32
    %select_n3A_2888 = arith.select %eq3A_2886, %jit3A_2887, %jit3A_2884 : i32
    %rem3A_2889 = arith.remsi %select_n3A_2883, %select_n3A_2888 : i32
    %ne3A_2890 = arith.constant 0 : i32
    %ne3A_2891 = arith.cmpi ne, %rem3A_2889, %ne3A_2890 : i32
    %lt3A_2892 = arith.constant 0 : i32
    %lt3A_2893 = arith.cmpi slt, %rem3A_2889, %lt3A_2892 : i32
    %lt3A_2894 = arith.constant 0 : i32
    %lt3A_2895 = arith.cmpi slt, %select_n3A_2888, %lt3A_2894 : i32
    %ne3A_2896 = arith.xori %lt3A_2893, %lt3A_2895 : i1
    %and3A_2897 = arith.andi %ne3A_2896, %ne3A_2891 : i1
    %add3A_2898 = arith.addi %rem3A_2889, %select_n3A_2888 : i32
    %select_n3A_2899 = arith.select %and3A_2897, %add3A_2898, %rem3A_2889 : i32
    %mul3A_2900 = arith.constant 8 : i32
    %mul3A_2901 = arith.muli %mul3A_2900, %select_n3A_2899 : i32
    %add3A_2902 = arith.addi %mul3A_2859, %mul3A_2901 : i32
    %multiple_of3A_2903 = tpu.assume_multiple %add3A_2902, 8 : i32
    "tpu.region"() ({
      %run_scoped3A = tpu.sem_alloc : memref<!tpu.dma_semaphore, #tpu.memory_space<semaphore_mem>>
      %dma_start3A = arith.constant 248 : i32
      %dma_start3A_2906 = tpu.memref_slice %arg6[%dma_start3A] : memref<256xf32, #tpu.memory_space<vmem>> -> memref<8xf32, #tpu.memory_space<vmem>>
      %dma_start3A_2907 = tpu.memref_slice %arg3[%multiple_of3A_2903] : memref<802816xf32, #tpu.memory_space<hbm>> -> memref<8xf32, #tpu.memory_space<hbm>>
      %dma_start3A_2908 = arith.constant 248 : i32
      %dma_start3A_2909 = tpu.memref_slice %arg6[%dma_start3A_2908] : memref<256xf32, #tpu.memory_space<vmem>> -> memref<8xf32, #tpu.memory_space<vmem>>
      %dma_start3A_2910 = tpu.memref_slice %arg3[%multiple_of3A_2903] : memref<802816xf32, #tpu.memory_space<hbm>> -> memref<8xf32, #tpu.memory_space<hbm>>
      tpu.enqueue_dma source(%dma_start3A_2910 : memref<8xf32, #tpu.memory_space<hbm>>) target(%dma_start3A_2909 : memref<8xf32, #tpu.memory_space<vmem>>) target_semaphore(%run_scoped3A : memref<!tpu.dma_semaphore, #tpu.memory_space<semaphore_mem>>)
      %dma_wait3A = arith.constant 248 : i32
      %dma_wait3A_2911 = tpu.memref_slice %arg6[%dma_wait3A] : memref<256xf32, #tpu.memory_space<vmem>> -> memref<8xf32, #tpu.memory_space<vmem>>
      %dma_wait3A_2912 = tpu.memref_slice %arg3[%multiple_of3A_2903] : memref<802816xf32, #tpu.memory_space<hbm>> -> memref<8xf32, #tpu.memory_space<hbm>>
      %dma_wait3A_2913 = arith.constant 248 : i32
      %dma_wait3A_2914 = tpu.memref_slice %arg6[%dma_wait3A_2913] : memref<256xf32, #tpu.memory_space<vmem>> -> memref<8xf32, #tpu.memory_space<vmem>>
      %dma_wait3A_2915 = tpu.memref_slice %arg3[%multiple_of3A_2903] : memref<802816xf32, #tpu.memory_space<hbm>> -> memref<8xf32, #tpu.memory_space<hbm>>
      tpu.wait_dma2 semaphore(%run_scoped3A : memref<!tpu.dma_semaphore, #tpu.memory_space<semaphore_mem>>) src(%dma_wait3A_2915 : memref<8xf32, #tpu.memory_space<hbm>>) dst(%dma_wait3A_2914 : memref<8xf32, #tpu.memory_space<vmem>>)
      tpu.yield
    }) : () -> ()
    %mul3A_2904 = arith.constant 256 : i32
    %mul3A_2905 = arith.muli %arg1, %mul3A_2904 : i32
    "tpu.region"() ({
      %run_scoped3A = tpu.sem_alloc : memref<!tpu.dma_semaphore, #tpu.memory_space<semaphore_mem>>
      %dma_start3A = tpu.memref_slice %arg4[%mul3A_2905] : memref<4096xf32, #tpu.memory_space<hbm>> -> memref<256xf32, #tpu.memory_space<hbm>>
      %dma_start3A_2906 = tpu.memref_slice %arg4[%mul3A_2905] : memref<4096xf32, #tpu.memory_space<hbm>> -> memref<256xf32, #tpu.memory_space<hbm>>
      tpu.enqueue_dma source(%arg6 : memref<256xf32, #tpu.memory_space<vmem>>) target(%dma_start3A_2906 : memref<256xf32, #tpu.memory_space<hbm>>) target_semaphore(%run_scoped3A : memref<!tpu.dma_semaphore, #tpu.memory_space<semaphore_mem>>)
      %dma_wait3A = tpu.memref_slice %arg4[%mul3A_2905] : memref<4096xf32, #tpu.memory_space<hbm>> -> memref<256xf32, #tpu.memory_space<hbm>>
      %dma_wait3A_2907 = tpu.memref_slice %arg4[%mul3A_2905] : memref<4096xf32, #tpu.memory_space<hbm>> -> memref<256xf32, #tpu.memory_space<hbm>>
      tpu.wait_dma2 semaphore(%run_scoped3A : memref<!tpu.dma_semaphore, #tpu.memory_space<semaphore_mem>>) src(%arg6 : memref<256xf32, #tpu.memory_space<vmem>>) dst(%dma_wait3A_2907 : memref<256xf32, #tpu.memory_space<hbm>>)
      tpu.yield
    }) : () -> ()
    return
  }
}

module attributes {stable_mosaic.version = 14 : i64} {
  func.func @_slots_body(%arg0: memref<784x128xf32, #tpu.memory_space<vmem>>, %arg1: memref<1x1024xi32, #tpu.memory_space<vmem>>, %arg2: memref<512x1xf32, #tpu.memory_space<vmem>>) attributes {dimension_semantics = [], scalar_prefetch = 0 : i64, scratch_operands = 0 : i64, tpu.core_type = #tpu.core_type<tc>} {
    %get3A = arith.constant 0 : index
    %get3A_0 = arith.constant 0 : index
    %get3A_1 = vector.load %arg0[%get3A, %get3A_0] : memref<784x128xf32, #tpu.memory_space<vmem>>, vector<784x128xf32>
    %scan3A = arith.constant 0 : i32
    %scan3A_2 = arith.constant 0 : i32
    %scan3A_3 = arith.constant 30 : i32
    %scan3A_4 = arith.addi %scan3A_2, %scan3A_3 : i32
    %scan3A_5 = arith.constant 1 : i32
    %scan3A_6 = scf.for %scan3A_189 = %scan3A_2 to %scan3A_4 step %scan3A_5 iter_args(%scan3A_190 = %scan3A) -> (i32)  : i32 {
      %sub3A_191 = arith.constant 29 : i32
      %sub3A_192 = arith.subi %sub3A_191, %scan3A_189 : i32
      %shift_left3A = arith.constant 1 : i32
      %shift_left3A_193 = arith.shli %shift_left3A, %sub3A_192 : i32
      %or3A = arith.ori %scan3A_190, %shift_left3A_193 : i32
      %bitcast_convert_type3A_194 = arith.bitcast %or3A : i32 to f32
      %ge3A = vector.broadcast %bitcast_convert_type3A_194 : f32 to vector<784x128xf32>
      %ge3A_195 = arith.cmpf oge, %get3A_1, %ge3A : vector<784x128xf32>
      %jit3A_196 = arith.constant 1.000000e+00 : f32
      %jit3A_197 = arith.constant 0.000000e+00 : f32
      %broadcast_in_dim3A_198 = vector.broadcast %jit3A_196 : f32 to vector<784x128xf32>
      %broadcast_in_dim3A_199 = vector.broadcast %jit3A_197 : f32 to vector<784x128xf32>
      %select_n3A_200 = arith.select %ge3A_195, %broadcast_in_dim3A_198, %broadcast_in_dim3A_199 : vector<784x128xi1>, vector<784x128xf32>
      %reduce_sum3A_201 = vector.shape_cast %select_n3A_200 : vector<784x128xf32> to vector<1x784x128xf32>
      %reduce_sum3A_202 = arith.constant dense<0.000000e+00> : vector<1xf32>
      %reduce_sum3A_203 = vector.multi_reduction <add>, %reduce_sum3A_201, %reduce_sum3A_202 [1, 2] : vector<1x784x128xf32> to vector<1xf32>
      %reduce_sum3A_204 = vector.shape_cast %reduce_sum3A_203 : vector<1xf32> to vector<1x1x1xf32>
      %reduce_sum3A_205 = vector.extract %reduce_sum3A_204[0, 0, 0] : f32 from vector<1x1x1xf32>
      %ge3A_206 = arith.constant 5.120000e+02 : f32
      %ge3A_207 = arith.cmpf oge, %reduce_sum3A_205, %ge3A_206 : f32
      %select_n3A_208 = arith.select %ge3A_207, %or3A, %scan3A_190 : i32
      scf.yield %select_n3A_208 : i32
    }
    %scan3A_7 = arith.constant 30 : i32
    %bitcast_convert_type3A = arith.bitcast %scan3A_6 : i32 to f32
    %max3A = arith.constant 0.000000e+00 : f32
    %max3A_8 = vector.broadcast %max3A : f32 to vector<784x128xf32>
    %max3A_9 = arith.maximumf %get3A_1, %max3A_8 : vector<784x128xf32>
    %iota3A = tpu.iota {dimensions = array<i32: 0>} : vector<784x784xi32>
    %iota3A_10 = tpu.iota {dimensions = array<i32: 1>} : vector<784x784xi32>
    %le3A = arith.cmpi sle, %iota3A_10, %iota3A : vector<784x784xi32>
    %jit3A = arith.constant 1.000000e+00 : f32
    %jit3A_11 = arith.constant 0.000000e+00 : f32
    %broadcast_in_dim3A = vector.broadcast %jit3A : f32 to vector<784x784xf32>
    %broadcast_in_dim3A_12 = vector.broadcast %jit3A_11 : f32 to vector<784x784xf32>
    %select_n3A = arith.select %le3A, %broadcast_in_dim3A, %broadcast_in_dim3A_12 : vector<784x784xi1>, vector<784x784xf32>
    %iota3A_13 = tpu.iota {dimensions = array<i32: 0>} : vector<128x128xi32>
    %iota3A_14 = tpu.iota {dimensions = array<i32: 1>} : vector<128x128xi32>
    %le3A_15 = arith.cmpi sle, %iota3A_13, %iota3A_14 : vector<128x128xi32>
    %jit3A_16 = arith.constant 1.000000e+00 : f32
    %jit3A_17 = arith.constant 0.000000e+00 : f32
    %broadcast_in_dim3A_18 = vector.broadcast %jit3A_16 : f32 to vector<128x128xf32>
    %broadcast_in_dim3A_19 = vector.broadcast %jit3A_17 : f32 to vector<128x128xf32>
    %select_n3A_20 = arith.select %le3A_15, %broadcast_in_dim3A_18, %broadcast_in_dim3A_19 : vector<128x128xi1>, vector<128x128xf32>
    %iota3A_21 = tpu.iota {dimensions = array<i32: 0>} : vector<512x512xi32>
    %iota3A_22 = tpu.iota {dimensions = array<i32: 1>} : vector<512x512xi32>
    %eq3A = arith.cmpi eq, %iota3A_21, %iota3A_22 : vector<512x512xi32>
    %jit3A_23 = arith.constant 1.000000e+00 : f32
    %jit3A_24 = arith.constant 0.000000e+00 : f32
    %broadcast_in_dim3A_25 = vector.broadcast %jit3A_23 : f32 to vector<512x512xf32>
    %broadcast_in_dim3A_26 = vector.broadcast %jit3A_24 : f32 to vector<512x512xf32>
    %select_n3A_27 = arith.select %eq3A, %broadcast_in_dim3A_25, %broadcast_in_dim3A_26 : vector<512x512xi1>, vector<512x512xf32>
    %broadcast_in_dim3A_28 = arith.constant 1.000000e+00 : f32
    %broadcast_in_dim3A_29 = vector.broadcast %broadcast_in_dim3A_28 : f32 to vector<128x1xf32>
    %broadcast_in_dim3A_30 = arith.constant 1.000000e+00 : f32
    %broadcast_in_dim3A_31 = vector.broadcast %broadcast_in_dim3A_30 : f32 to vector<1x784xf32>
    %iota3A_32 = tpu.iota {dimensions = array<i32: 0>} : vector<512x1xi32>
    %convert_element_type3A = arith.sitofp %iota3A_32 : vector<512x1xi32> to vector<512x1xf32>
    %iota3A_33 = tpu.iota {dimensions = array<i32: 1>} : vector<1x512xi32>
    %convert_element_type3A_34 = arith.sitofp %iota3A_33 : vector<1x512xi32> to vector<1x512xf32>
    %iota3A_35 = tpu.iota {dimensions = array<i32: 1>} : vector<512x784xi32>
    %convert_element_type3A_36 = arith.sitofp %iota3A_35 : vector<512x784xi32> to vector<512x784xf32>
    %gt3A = vector.broadcast %bitcast_convert_type3A : f32 to vector<784x128xf32>
    %gt3A_37 = arith.cmpf ogt, %get3A_1, %gt3A : vector<784x128xf32>
    %jit3A_38 = arith.constant 1.000000e+00 : f32
    %jit3A_39 = arith.constant 0.000000e+00 : f32
    %broadcast_in_dim3A_40 = vector.broadcast %jit3A_38 : f32 to vector<784x128xf32>
    %broadcast_in_dim3A_41 = vector.broadcast %jit3A_39 : f32 to vector<784x128xf32>
    %select_n3A_42 = arith.select %gt3A_37, %broadcast_in_dim3A_40, %broadcast_in_dim3A_41 : vector<784x128xi1>, vector<784x128xf32>
    %eq3A_43 = vector.broadcast %bitcast_convert_type3A : f32 to vector<784x128xf32>
    %eq3A_44 = arith.cmpf oeq, %get3A_1, %eq3A_43 : vector<784x128xf32>
    %jit3A_45 = arith.constant 1.000000e+00 : f32
    %jit3A_46 = arith.constant 0.000000e+00 : f32
    %broadcast_in_dim3A_47 = vector.broadcast %jit3A_45 : f32 to vector<784x128xf32>
    %broadcast_in_dim3A_48 = vector.broadcast %jit3A_46 : f32 to vector<784x128xf32>
    %select_n3A_49 = arith.select %eq3A_44, %broadcast_in_dim3A_47, %broadcast_in_dim3A_48 : vector<784x128xi1>, vector<784x128xf32>
    %reduce_sum3A = vector.shape_cast %select_n3A_42 : vector<784x128xf32> to vector<1x784x128xf32>
    %reduce_sum3A_50 = arith.constant dense<0.000000e+00> : vector<1xf32>
    %reduce_sum3A_51 = vector.multi_reduction <add>, %reduce_sum3A, %reduce_sum3A_50 [1, 2] : vector<1x784x128xf32> to vector<1xf32>
    %reduce_sum3A_52 = vector.shape_cast %reduce_sum3A_51 : vector<1xf32> to vector<1x1x1xf32>
    %reduce_sum3A_53 = vector.extract %reduce_sum3A_52[0, 0, 0] : f32 from vector<1x1x1xf32>
    %dot_general3A = arith.constant dense<0.000000e+00> : vector<784x1xf32>
    %dot_general3A_54 = tpu.matmul %select_n3A_42, %broadcast_in_dim3A_29, %dot_general3A {dimension_numbers = #tpu.dot_dimension_numbers<[1], [0], [0], [1], [0, 0, 1, 1], [], []>, precision = #tpu.contract_precision<fp32>, transpose_lhs_hint = false} : vector<784x128xf32>, vector<128x1xf32>, vector<784x1xf32> -> vector<784x1xf32>
    %dot_general3A_55 = arith.constant dense<0.000000e+00> : vector<784x1xf32>
    %dot_general3A_56 = tpu.matmul %select_n3A, %dot_general3A_54, %dot_general3A_55 {dimension_numbers = #tpu.dot_dimension_numbers<[1], [0], [0], [1], [0, 0, 1, 1], [], []>, precision = #tpu.contract_precision<fp32>, transpose_lhs_hint = false} : vector<784x784xf32>, vector<784x1xf32>, vector<784x1xf32> -> vector<784x1xf32>
    %sub3A = arith.constant 0.000000e+00 : f32
    %sub3A_57 = vector.broadcast %sub3A : f32 to vector<1x512xf32>
    %sub3A_58 = arith.subf %convert_element_type3A_34, %sub3A_57 : vector<1x512xf32>
    %le3A_59 = vector.broadcast %dot_general3A_56 : vector<784x1xf32> to vector<784x512xf32>
    %le3A_60 = vector.broadcast %sub3A_58 : vector<1x512xf32> to vector<784x512xf32>
    %le3A_61 = arith.cmpf ole, %le3A_59, %le3A_60 : vector<784x512xf32>
    %jit3A_62 = arith.constant 1.000000e+00 : f32
    %jit3A_63 = arith.constant 0.000000e+00 : f32
    %broadcast_in_dim3A_64 = vector.broadcast %jit3A_62 : f32 to vector<784x512xf32>
    %broadcast_in_dim3A_65 = vector.broadcast %jit3A_63 : f32 to vector<784x512xf32>
    %select_n3A_66 = arith.select %le3A_61, %broadcast_in_dim3A_64, %broadcast_in_dim3A_65 : vector<784x512xi1>, vector<784x512xf32>
    %dot_general3A_67 = arith.constant dense<0.000000e+00> : vector<1x512xf32>
    %dot_general3A_68 = tpu.matmul %broadcast_in_dim3A_31, %select_n3A_66, %dot_general3A_67 {dimension_numbers = #tpu.dot_dimension_numbers<[1], [0], [0], [1], [0, 0, 1, 1], [], []>, precision = #tpu.contract_precision<fp32>, transpose_lhs_hint = false} : vector<1x784xf32>, vector<784x512xf32>, vector<1x512xf32> -> vector<1x512xf32>
    %dot_general3A_69 = arith.constant dense<0.000000e+00> : vector<512x1xf32>
    %dot_general3A_70 = tpu.matmul %select_n3A_27, %dot_general3A_68, %dot_general3A_69 {dimension_numbers = #tpu.dot_dimension_numbers<[1], [1], [0], [0], [0, 0, 1, 0], [], []>, precision = #tpu.contract_precision<fp32>, transpose_lhs_hint = false} : vector<512x512xf32>, vector<1x512xf32>, vector<512x1xf32> -> vector<512x1xf32>
    %eq3A_71 = vector.broadcast %dot_general3A_70 : vector<512x1xf32> to vector<512x784xf32>
    %eq3A_72 = arith.cmpf oeq, %eq3A_71, %convert_element_type3A_36 : vector<512x784xf32>
    %jit3A_73 = arith.constant 1.000000e+00 : f32
    %jit3A_74 = arith.constant 0.000000e+00 : f32
    %broadcast_in_dim3A_75 = vector.broadcast %jit3A_73 : f32 to vector<512x784xf32>
    %broadcast_in_dim3A_76 = vector.broadcast %jit3A_74 : f32 to vector<512x784xf32>
    %select_n3A_77 = arith.select %eq3A_72, %broadcast_in_dim3A_75, %broadcast_in_dim3A_76 : vector<512x784xi1>, vector<512x784xf32>
    %sub3A_78 = arith.subf %dot_general3A_56, %dot_general3A_54 : vector<784x1xf32>
    %dot_general3A_79 = arith.constant dense<0.000000e+00> : vector<512x1xf32>
    %dot_general3A_80 = tpu.matmul %select_n3A_77, %sub3A_78, %dot_general3A_79 {dimension_numbers = #tpu.dot_dimension_numbers<[1], [0], [0], [1], [0, 0, 1, 1], [], []>, precision = #tpu.contract_precision<fp32>, transpose_lhs_hint = false} : vector<512x784xf32>, vector<784x1xf32>, vector<512x1xf32> -> vector<512x1xf32>
    %sub3A_81 = arith.constant 0.000000e+00 : f32
    %sub3A_82 = vector.broadcast %sub3A_81 : f32 to vector<512x1xf32>
    %sub3A_83 = arith.subf %convert_element_type3A, %sub3A_82 : vector<512x1xf32>
    %sub3A_84 = arith.subf %sub3A_83, %dot_general3A_80 : vector<512x1xf32>
    %dot_general3A_85 = arith.constant dense<0.000000e+00> : vector<784x128xf32>
    %dot_general3A_86 = tpu.matmul %select_n3A_42, %select_n3A_20, %dot_general3A_85 {dimension_numbers = #tpu.dot_dimension_numbers<[1], [0], [0], [1], [0, 0, 1, 1], [], []>, precision = #tpu.contract_precision<fp32>, transpose_lhs_hint = false} : vector<784x128xf32>, vector<128x128xf32>, vector<784x128xf32> -> vector<784x128xf32>
    %dot_general3A_87 = arith.constant dense<0.000000e+00> : vector<512x128xf32>
    %dot_general3A_88 = tpu.matmul %select_n3A_77, %dot_general3A_86, %dot_general3A_87 {dimension_numbers = #tpu.dot_dimension_numbers<[1], [0], [0], [1], [0, 0, 1, 1], [], []>, precision = #tpu.contract_precision<fp32>, transpose_lhs_hint = false} : vector<512x784xf32>, vector<784x128xf32>, vector<512x128xf32> -> vector<512x128xf32>
    %le3A_89 = vector.broadcast %sub3A_84 : vector<512x1xf32> to vector<512x128xf32>
    %le3A_90 = arith.cmpf ole, %dot_general3A_88, %le3A_89 : vector<512x128xf32>
    %jit3A_91 = arith.constant 1.000000e+00 : f32
    %jit3A_92 = arith.constant 0.000000e+00 : f32
    %broadcast_in_dim3A_93 = vector.broadcast %jit3A_91 : f32 to vector<512x128xf32>
    %broadcast_in_dim3A_94 = vector.broadcast %jit3A_92 : f32 to vector<512x128xf32>
    %select_n3A_95 = arith.select %le3A_90, %broadcast_in_dim3A_93, %broadcast_in_dim3A_94 : vector<512x128xi1>, vector<512x128xf32>
    %dot_general3A_96 = arith.constant dense<0.000000e+00> : vector<512x1xf32>
    %dot_general3A_97 = tpu.matmul %select_n3A_95, %broadcast_in_dim3A_29, %dot_general3A_96 {dimension_numbers = #tpu.dot_dimension_numbers<[1], [0], [0], [1], [0, 0, 1, 1], [], []>, precision = #tpu.contract_precision<fp32>, transpose_lhs_hint = false} : vector<512x128xf32>, vector<128x1xf32>, vector<512x1xf32> -> vector<512x1xf32>
    %dot_general3A_98 = arith.constant dense<0.000000e+00> : vector<512x128xf32>
    %dot_general3A_99 = tpu.matmul %select_n3A_77, %max3A_9, %dot_general3A_98 {dimension_numbers = #tpu.dot_dimension_numbers<[1], [0], [0], [1], [0, 0, 1, 1], [], []>, precision = #tpu.contract_precision<fp32>, transpose_lhs_hint = false} : vector<512x784xf32>, vector<784x128xf32>, vector<512x128xf32> -> vector<512x128xf32>
    %iota3A_100 = tpu.iota {dimensions = array<i32: 1>} : vector<512x128xi32>
    %convert_element_type3A_101 = arith.sitofp %iota3A_100 : vector<512x128xi32> to vector<512x128xf32>
    %eq3A_102 = vector.broadcast %dot_general3A_97 : vector<512x1xf32> to vector<512x128xf32>
    %eq3A_103 = arith.cmpf oeq, %convert_element_type3A_101, %eq3A_102 : vector<512x128xf32>
    %jit3A_104 = arith.constant 1.000000e+00 : f32
    %jit3A_105 = arith.constant 0.000000e+00 : f32
    %broadcast_in_dim3A_106 = vector.broadcast %jit3A_104 : f32 to vector<512x128xf32>
    %broadcast_in_dim3A_107 = vector.broadcast %jit3A_105 : f32 to vector<512x128xf32>
    %select_n3A_108 = arith.select %eq3A_103, %broadcast_in_dim3A_106, %broadcast_in_dim3A_107 : vector<512x128xi1>, vector<512x128xf32>
    %mul3A = arith.mulf %dot_general3A_99, %select_n3A_108 : vector<512x128xf32>
    %dot_general3A_109 = arith.constant dense<0.000000e+00> : vector<512x1xf32>
    %dot_general3A_110 = tpu.matmul %mul3A, %broadcast_in_dim3A_29, %dot_general3A_109 {dimension_numbers = #tpu.dot_dimension_numbers<[1], [0], [0], [1], [0, 0, 1, 1], [], []>, precision = #tpu.contract_precision<fp32>, transpose_lhs_hint = false} : vector<512x128xf32>, vector<128x1xf32>, vector<512x1xf32> -> vector<512x1xf32>
    %mul3A_111 = arith.constant 1.280000e+02 : f32
    %mul3A_112 = vector.broadcast %mul3A_111 : f32 to vector<512x1xf32>
    %mul3A_113 = arith.mulf %dot_general3A_70, %mul3A_112 : vector<512x1xf32>
    %add3A = arith.addf %mul3A_113, %dot_general3A_97 : vector<512x1xf32>
    %dot_general3A_114 = arith.constant dense<0.000000e+00> : vector<784x1xf32>
    %dot_general3A_115 = tpu.matmul %select_n3A_49, %broadcast_in_dim3A_29, %dot_general3A_114 {dimension_numbers = #tpu.dot_dimension_numbers<[1], [0], [0], [1], [0, 0, 1, 1], [], []>, precision = #tpu.contract_precision<fp32>, transpose_lhs_hint = false} : vector<784x128xf32>, vector<128x1xf32>, vector<784x1xf32> -> vector<784x1xf32>
    %dot_general3A_116 = arith.constant dense<0.000000e+00> : vector<784x1xf32>
    %dot_general3A_117 = tpu.matmul %select_n3A, %dot_general3A_115, %dot_general3A_116 {dimension_numbers = #tpu.dot_dimension_numbers<[1], [0], [0], [1], [0, 0, 1, 1], [], []>, precision = #tpu.contract_precision<fp32>, transpose_lhs_hint = false} : vector<784x784xf32>, vector<784x1xf32>, vector<784x1xf32> -> vector<784x1xf32>
    %sub3A_118 = vector.broadcast %reduce_sum3A_53 : f32 to vector<1x512xf32>
    %sub3A_119 = arith.subf %convert_element_type3A_34, %sub3A_118 : vector<1x512xf32>
    %le3A_120 = vector.broadcast %dot_general3A_117 : vector<784x1xf32> to vector<784x512xf32>
    %le3A_121 = vector.broadcast %sub3A_119 : vector<1x512xf32> to vector<784x512xf32>
    %le3A_122 = arith.cmpf ole, %le3A_120, %le3A_121 : vector<784x512xf32>
    %jit3A_123 = arith.constant 1.000000e+00 : f32
    %jit3A_124 = arith.constant 0.000000e+00 : f32
    %broadcast_in_dim3A_125 = vector.broadcast %jit3A_123 : f32 to vector<784x512xf32>
    %broadcast_in_dim3A_126 = vector.broadcast %jit3A_124 : f32 to vector<784x512xf32>
    %select_n3A_127 = arith.select %le3A_122, %broadcast_in_dim3A_125, %broadcast_in_dim3A_126 : vector<784x512xi1>, vector<784x512xf32>
    %dot_general3A_128 = arith.constant dense<0.000000e+00> : vector<1x512xf32>
    %dot_general3A_129 = tpu.matmul %broadcast_in_dim3A_31, %select_n3A_127, %dot_general3A_128 {dimension_numbers = #tpu.dot_dimension_numbers<[1], [0], [0], [1], [0, 0, 1, 1], [], []>, precision = #tpu.contract_precision<fp32>, transpose_lhs_hint = false} : vector<1x784xf32>, vector<784x512xf32>, vector<1x512xf32> -> vector<1x512xf32>
    %dot_general3A_130 = arith.constant dense<0.000000e+00> : vector<512x1xf32>
    %dot_general3A_131 = tpu.matmul %select_n3A_27, %dot_general3A_129, %dot_general3A_130 {dimension_numbers = #tpu.dot_dimension_numbers<[1], [1], [0], [0], [0, 0, 1, 0], [], []>, precision = #tpu.contract_precision<fp32>, transpose_lhs_hint = false} : vector<512x512xf32>, vector<1x512xf32>, vector<512x1xf32> -> vector<512x1xf32>
    %eq3A_132 = vector.broadcast %dot_general3A_131 : vector<512x1xf32> to vector<512x784xf32>
    %eq3A_133 = arith.cmpf oeq, %eq3A_132, %convert_element_type3A_36 : vector<512x784xf32>
    %jit3A_134 = arith.constant 1.000000e+00 : f32
    %jit3A_135 = arith.constant 0.000000e+00 : f32
    %broadcast_in_dim3A_136 = vector.broadcast %jit3A_134 : f32 to vector<512x784xf32>
    %broadcast_in_dim3A_137 = vector.broadcast %jit3A_135 : f32 to vector<512x784xf32>
    %select_n3A_138 = arith.select %eq3A_133, %broadcast_in_dim3A_136, %broadcast_in_dim3A_137 : vector<512x784xi1>, vector<512x784xf32>
    %sub3A_139 = arith.subf %dot_general3A_117, %dot_general3A_115 : vector<784x1xf32>
    %dot_general3A_140 = arith.constant dense<0.000000e+00> : vector<512x1xf32>
    %dot_general3A_141 = tpu.matmul %select_n3A_138, %sub3A_139, %dot_general3A_140 {dimension_numbers = #tpu.dot_dimension_numbers<[1], [0], [0], [1], [0, 0, 1, 1], [], []>, precision = #tpu.contract_precision<fp32>, transpose_lhs_hint = false} : vector<512x784xf32>, vector<784x1xf32>, vector<512x1xf32> -> vector<512x1xf32>
    %sub3A_142 = vector.broadcast %reduce_sum3A_53 : f32 to vector<512x1xf32>
    %sub3A_143 = arith.subf %convert_element_type3A, %sub3A_142 : vector<512x1xf32>
    %sub3A_144 = arith.subf %sub3A_143, %dot_general3A_141 : vector<512x1xf32>
    %dot_general3A_145 = arith.constant dense<0.000000e+00> : vector<784x128xf32>
    %dot_general3A_146 = tpu.matmul %select_n3A_49, %select_n3A_20, %dot_general3A_145 {dimension_numbers = #tpu.dot_dimension_numbers<[1], [0], [0], [1], [0, 0, 1, 1], [], []>, precision = #tpu.contract_precision<fp32>, transpose_lhs_hint = false} : vector<784x128xf32>, vector<128x128xf32>, vector<784x128xf32> -> vector<784x128xf32>
    %dot_general3A_147 = arith.constant dense<0.000000e+00> : vector<512x128xf32>
    %dot_general3A_148 = tpu.matmul %select_n3A_138, %dot_general3A_146, %dot_general3A_147 {dimension_numbers = #tpu.dot_dimension_numbers<[1], [0], [0], [1], [0, 0, 1, 1], [], []>, precision = #tpu.contract_precision<fp32>, transpose_lhs_hint = false} : vector<512x784xf32>, vector<784x128xf32>, vector<512x128xf32> -> vector<512x128xf32>
    %le3A_149 = vector.broadcast %sub3A_144 : vector<512x1xf32> to vector<512x128xf32>
    %le3A_150 = arith.cmpf ole, %dot_general3A_148, %le3A_149 : vector<512x128xf32>
    %jit3A_151 = arith.constant 1.000000e+00 : f32
    %jit3A_152 = arith.constant 0.000000e+00 : f32
    %broadcast_in_dim3A_153 = vector.broadcast %jit3A_151 : f32 to vector<512x128xf32>
    %broadcast_in_dim3A_154 = vector.broadcast %jit3A_152 : f32 to vector<512x128xf32>
    %select_n3A_155 = arith.select %le3A_150, %broadcast_in_dim3A_153, %broadcast_in_dim3A_154 : vector<512x128xi1>, vector<512x128xf32>
    %dot_general3A_156 = arith.constant dense<0.000000e+00> : vector<512x1xf32>
    %dot_general3A_157 = tpu.matmul %select_n3A_155, %broadcast_in_dim3A_29, %dot_general3A_156 {dimension_numbers = #tpu.dot_dimension_numbers<[1], [0], [0], [1], [0, 0, 1, 1], [], []>, precision = #tpu.contract_precision<fp32>, transpose_lhs_hint = false} : vector<512x128xf32>, vector<128x1xf32>, vector<512x1xf32> -> vector<512x1xf32>
    %dot_general3A_158 = arith.constant dense<0.000000e+00> : vector<512x128xf32>
    %dot_general3A_159 = tpu.matmul %select_n3A_138, %max3A_9, %dot_general3A_158 {dimension_numbers = #tpu.dot_dimension_numbers<[1], [0], [0], [1], [0, 0, 1, 1], [], []>, precision = #tpu.contract_precision<fp32>, transpose_lhs_hint = false} : vector<512x784xf32>, vector<784x128xf32>, vector<512x128xf32> -> vector<512x128xf32>
    %iota3A_160 = tpu.iota {dimensions = array<i32: 1>} : vector<512x128xi32>
    %convert_element_type3A_161 = arith.sitofp %iota3A_160 : vector<512x128xi32> to vector<512x128xf32>
    %eq3A_162 = vector.broadcast %dot_general3A_157 : vector<512x1xf32> to vector<512x128xf32>
    %eq3A_163 = arith.cmpf oeq, %convert_element_type3A_161, %eq3A_162 : vector<512x128xf32>
    %jit3A_164 = arith.constant 1.000000e+00 : f32
    %jit3A_165 = arith.constant 0.000000e+00 : f32
    %broadcast_in_dim3A_166 = vector.broadcast %jit3A_164 : f32 to vector<512x128xf32>
    %broadcast_in_dim3A_167 = vector.broadcast %jit3A_165 : f32 to vector<512x128xf32>
    %select_n3A_168 = arith.select %eq3A_163, %broadcast_in_dim3A_166, %broadcast_in_dim3A_167 : vector<512x128xi1>, vector<512x128xf32>
    %mul3A_169 = arith.mulf %dot_general3A_159, %select_n3A_168 : vector<512x128xf32>
    %dot_general3A_170 = arith.constant dense<0.000000e+00> : vector<512x1xf32>
    %dot_general3A_171 = tpu.matmul %mul3A_169, %broadcast_in_dim3A_29, %dot_general3A_170 {dimension_numbers = #tpu.dot_dimension_numbers<[1], [0], [0], [1], [0, 0, 1, 1], [], []>, precision = #tpu.contract_precision<fp32>, transpose_lhs_hint = false} : vector<512x128xf32>, vector<128x1xf32>, vector<512x1xf32> -> vector<512x1xf32>
    %mul3A_172 = arith.constant 1.280000e+02 : f32
    %mul3A_173 = vector.broadcast %mul3A_172 : f32 to vector<512x1xf32>
    %mul3A_174 = arith.mulf %dot_general3A_131, %mul3A_173 : vector<512x1xf32>
    %add3A_175 = arith.addf %mul3A_174, %dot_general3A_157 : vector<512x1xf32>
    %lt3A = vector.broadcast %reduce_sum3A_53 : f32 to vector<512x1xf32>
    %lt3A_176 = arith.cmpf olt, %convert_element_type3A, %lt3A : vector<512x1xf32>
    %select_n3A_177 = arith.select %lt3A_176, %add3A, %add3A_175 : vector<512x1xi1>, vector<512x1xf32>
    %select_n3A_178 = arith.select %lt3A_176, %dot_general3A_110, %dot_general3A_171 : vector<512x1xi1>, vector<512x1xf32>
    %swap3A = arith.constant 0 : index
    %swap3A_179 = arith.constant 0 : index
    %swap3A_180 = vector.load %arg2[%swap3A, %swap3A_179] : memref<512x1xf32, #tpu.memory_space<vmem>>, vector<512x1xf32>
    tpu.vector_store %arg2[%swap3A, %swap3A_179], %select_n3A_178 {strides = array<i32>} : memref<512x1xf32, #tpu.memory_space<vmem>>, vector<512x1xf32>,
    %dot_general3A_181 = arith.constant dense<0.000000e+00> : vector<1x512xf32>
    %dot_general3A_182 = tpu.matmul %select_n3A_177, %select_n3A_27, %dot_general3A_181 {dimension_numbers = #tpu.dot_dimension_numbers<[0], [0], [1], [1], [0, 1, 1, 1], [], []>, precision = #tpu.contract_precision<fp32>, transpose_lhs_hint = false} : vector<512x1xf32>, vector<512x512xf32>, vector<1x512xf32> -> vector<1x512xf32>
    %convert_element_type3A_183 = arith.fptosi %dot_general3A_182 : vector<1x512xf32> to vector<1x512xi32>
    %broadcast_in_dim3A_184 = arith.constant 0 : i32
    %broadcast_in_dim3A_185 = vector.broadcast %broadcast_in_dim3A_184 : i32 to vector<1x512xi32>
    %concatenate3A = tpu.concatenate %convert_element_type3A_183, %broadcast_in_dim3A_185 in 1 : vector<1x512xi32>, vector<1x512xi32> -> vector<1x1024xi32>
    %swap3A_186 = arith.constant 0 : index
    %swap3A_187 = arith.constant 0 : index
    %swap3A_188 = vector.load %arg1[%swap3A_186, %swap3A_187] : memref<1x1024xi32, #tpu.memory_space<vmem>>, vector<1x1024xi32>
    tpu.vector_store %arg1[%swap3A_186, %swap3A_187], %concatenate3A {strides = array<i32>} : memref<1x1024xi32, #tpu.memory_space<vmem>>, vector<1x1024xi32>,
    return
  }
}

module attributes {stable_mosaic.version = 14 : i64} {
  func.func @_featurize_body(%arg0: i32, %arg1: memref<2048x128xf32, #tpu.memory_space<vmem>>, %arg2: memref<128x9xf32, #tpu.memory_space<vmem>>, %arg3: memref<1x9xf32, #tpu.memory_space<vmem>>, %arg4: memref<16x128xf32, #tpu.memory_space<vmem>>, %arg5: memref<128x128xf32, #tpu.memory_space<vmem>>, %arg6: memref<2048x8xf32, #tpu.memory_space<vmem>>) attributes {dimension_semantics = [#tpu.dimension_semantics<arbitrary>], iteration_bounds = array<i64: 49>, scalar_prefetch = 0 : i64, scratch_operands = 0 : i64, tpu.core_type = #tpu.core_type<tc>, window_params = [{transform_indices = @transform_0, window_bounds = array<i64: 2048, 128>}, {pipeline_mode = #tpu.pipeline_mode<synchronous>, transform_indices = @transform_1, window_bounds = array<i64: 128, 9>}, {pipeline_mode = #tpu.pipeline_mode<synchronous>, transform_indices = @transform_2, window_bounds = array<i64: 1, 9>}, {transform_indices = @transform_3, window_bounds = array<i64: 16, 128>}, {transform_indices = @transform_4, window_bounds = array<i64: 128, 128>}, {transform_indices = @transform_5, window_bounds = array<i64: 2048, 8>}]} {
    %get3A = arith.constant 0 : index
    %get3A_0 = arith.constant 0 : index
    %get3A_1 = vector.load %arg1[%get3A, %get3A_0] : memref<2048x128xf32, #tpu.memory_space<vmem>>, vector<2048x128xf32>
    %get3A_2 = arith.constant 0 : index
    %get3A_3 = arith.constant 0 : index
    %get3A_4 = vector.load %arg2[%get3A_2, %get3A_3] : memref<128x9xf32, #tpu.memory_space<vmem>>, vector<128x9xf32>
    %dot_general3A = arith.constant dense<0.000000e+00> : vector<2048x9xf32>
    %dot_general3A_5 = tpu.matmul %get3A_1, %get3A_4, %dot_general3A {dimension_numbers = #tpu.dot_dimension_numbers<[1], [0], [0], [1], [0, 0, 1, 1], [], []>, transpose_lhs_hint = false} : vector<2048x128xf32>, vector<128x9xf32>, vector<2048x9xf32> -> vector<2048x9xf32>
    %get3A_6 = arith.constant 0 : index
    %get3A_7 = arith.constant 0 : index
    %get3A_8 = vector.load %arg3[%get3A_6, %get3A_7] : memref<1x9xf32, #tpu.memory_space<vmem>>, vector<1x9xf32>
    %add3A = vector.broadcast %get3A_8 : vector<1x9xf32> to vector<2048x9xf32>
    %add3A_9 = arith.addf %dot_general3A_5, %add3A : vector<2048x9xf32>
    %slice3A = vector.extract_strided_slice %add3A_9 {offsets = [0, 0], sizes = [2048, 8], strides = [1, 1]} : vector<2048x9xf32> to vector<2048x8xf32>
    %slice3A_10 = vector.extract_strided_slice %add3A_9 {offsets = [0, 8], sizes = [2048, 1], strides = [1, 1]} : vector<2048x9xf32> to vector<2048x1xf32>
    %logistic3A = arith.negf %slice3A_10 : vector<2048x1xf32>
    %logistic3A_11 = math.exp %logistic3A : vector<2048x1xf32>
    %logistic3A_12 = arith.constant 1.000000e+00 : f32
    %logistic3A_13 = vector.broadcast %logistic3A_12 : f32 to vector<2048x1xf32>
    %logistic3A_14 = arith.addf %logistic3A_13, %logistic3A_11 : vector<2048x1xf32>
    %logistic3A_15 = arith.divf %logistic3A_13, %logistic3A_14 : vector<2048x1xf32>
    %mul3A = arith.constant 2048 : i32
    %mul3A_16 = arith.muli %arg0, %mul3A : i32
    %iota3A = tpu.iota {dimensions = array<i32: 0>} : vector<2048x1xi32>
    %add3A_17 = vector.broadcast %mul3A_16 : i32 to vector<2048x1xi32>
    %add3A_18 = arith.addi %add3A_17, %iota3A : vector<2048x1xi32>
    %lt3A = arith.constant 100000 : i32
    %lt3A_19 = vector.broadcast %lt3A : i32 to vector<2048x1xi32>
    %lt3A_20 = arith.cmpi slt, %add3A_18, %lt3A_19 : vector<2048x1xi32>
    %jit3A = arith.constant 0xFF800000 : f32
    %broadcast_in_dim3A = vector.broadcast %jit3A : f32 to vector<2048x1xf32>
    %select_n3A = arith.select %lt3A_20, %logistic3A_15, %broadcast_in_dim3A : vector<2048x1xi1>, vector<2048x1xf32>
    %reshape3A = vector.shape_cast %select_n3A : vector<2048x1xf32> to vector<16x128xf32>
    %swap3A = arith.constant 0 : index
    %swap3A_21 = arith.constant 0 : index
    %swap3A_22 = vector.load %arg4[%swap3A, %swap3A_21] : memref<16x128xf32, #tpu.memory_space<vmem>>, vector<16x128xf32>
    tpu.vector_store %arg4[%swap3A, %swap3A_21], %reshape3A {strides = array<i32>} : memref<16x128xf32, #tpu.memory_space<vmem>>, vector<16x128xf32>,
    %slice3A_23 = vector.extract_strided_slice %slice3A {offsets = [0, 0], sizes = [128, 8], strides = [1, 1]} : vector<2048x8xf32> to vector<128x8xf32>
    %slice3A_24 = vector.extract_strided_slice %slice3A {offsets = [128, 0], sizes = [128, 8], strides = [1, 1]} : vector<2048x8xf32> to vector<128x8xf32>
    %slice3A_25 = vector.extract_strided_slice %slice3A {offsets = [256, 0], sizes = [128, 8], strides = [1, 1]} : vector<2048x8xf32> to vector<128x8xf32>
    %slice3A_26 = vector.extract_strided_slice %slice3A {offsets = [384, 0], sizes = [128, 8], strides = [1, 1]} : vector<2048x8xf32> to vector<128x8xf32>
    %slice3A_27 = vector.extract_strided_slice %slice3A {offsets = [512, 0], sizes = [128, 8], strides = [1, 1]} : vector<2048x8xf32> to vector<128x8xf32>
    %slice3A_28 = vector.extract_strided_slice %slice3A {offsets = [640, 0], sizes = [128, 8], strides = [1, 1]} : vector<2048x8xf32> to vector<128x8xf32>
    %slice3A_29 = vector.extract_strided_slice %slice3A {offsets = [768, 0], sizes = [128, 8], strides = [1, 1]} : vector<2048x8xf32> to vector<128x8xf32>
    %slice3A_30 = vector.extract_strided_slice %slice3A {offsets = [896, 0], sizes = [128, 8], strides = [1, 1]} : vector<2048x8xf32> to vector<128x8xf32>
    %slice3A_31 = vector.extract_strided_slice %slice3A {offsets = [1024, 0], sizes = [128, 8], strides = [1, 1]} : vector<2048x8xf32> to vector<128x8xf32>
    %slice3A_32 = vector.extract_strided_slice %slice3A {offsets = [1152, 0], sizes = [128, 8], strides = [1, 1]} : vector<2048x8xf32> to vector<128x8xf32>
    %slice3A_33 = vector.extract_strided_slice %slice3A {offsets = [1280, 0], sizes = [128, 8], strides = [1, 1]} : vector<2048x8xf32> to vector<128x8xf32>
    %slice3A_34 = vector.extract_strided_slice %slice3A {offsets = [1408, 0], sizes = [128, 8], strides = [1, 1]} : vector<2048x8xf32> to vector<128x8xf32>
    %slice3A_35 = vector.extract_strided_slice %slice3A {offsets = [1536, 0], sizes = [128, 8], strides = [1, 1]} : vector<2048x8xf32> to vector<128x8xf32>
    %slice3A_36 = vector.extract_strided_slice %slice3A {offsets = [1664, 0], sizes = [128, 8], strides = [1, 1]} : vector<2048x8xf32> to vector<128x8xf32>
    %slice3A_37 = vector.extract_strided_slice %slice3A {offsets = [1792, 0], sizes = [128, 8], strides = [1, 1]} : vector<2048x8xf32> to vector<128x8xf32>
    %slice3A_38 = vector.extract_strided_slice %slice3A {offsets = [1920, 0], sizes = [128, 8], strides = [1, 1]} : vector<2048x8xf32> to vector<128x8xf32>
    %concatenate3A = tpu.concatenate %slice3A_23, %slice3A_24, %slice3A_25, %slice3A_26, %slice3A_27, %slice3A_28, %slice3A_29, %slice3A_30, %slice3A_31, %slice3A_32, %slice3A_33, %slice3A_34, %slice3A_35, %slice3A_36, %slice3A_37, %slice3A_38 in 1 : vector<128x8xf32>, vector<128x8xf32>, vector<128x8xf32>, vector<128x8xf32>, vector<128x8xf32>, vector<128x8xf32>, vector<128x8xf32>, vector<128x8xf32>, vector<128x8xf32>, vector<128x8xf32>, vector<128x8xf32>, vector<128x8xf32>, vector<128x8xf32>, vector<128x8xf32>, vector<128x8xf32>, vector<128x8xf32> -> vector<128x128xf32>
    %swap3A_39 = arith.constant 0 : index
    %swap3A_40 = arith.constant 0 : index
    %swap3A_41 = vector.load %arg5[%swap3A_39, %swap3A_40] : memref<128x128xf32, #tpu.memory_space<vmem>>, vector<128x128xf32>
    tpu.vector_store %arg5[%swap3A_39, %swap3A_40], %concatenate3A {strides = array<i32>} : memref<128x128xf32, #tpu.memory_space<vmem>>, vector<128x128xf32>,
    %swap3A_42 = arith.constant 0 : index
    %swap3A_43 = arith.constant 0 : index
    %swap3A_44 = vector.load %arg6[%swap3A_42, %swap3A_43] : memref<2048x8xf32, #tpu.memory_space<vmem>>, vector<2048x8xf32>
    tpu.vector_store %arg6[%swap3A_42, %swap3A_43], %slice3A {strides = array<i32>} : memref<2048x8xf32, #tpu.memory_space<vmem>>, vector<2048x8xf32>,
    return
  }
  func.func @transform_0(%arg0: i32) -> (i32, i32) {
    %c0_i32 = arith.constant 0 : i32
    %c0_i32_0 = arith.constant 0 : i32
    return %arg0, %c0_i32 : i32, i32
  }
  func.func @transform_1(%arg0: i32) -> (i32, i32) {
    %c0_i32 = arith.constant 0 : i32
    %c0_i32_0 = arith.constant 0 : i32
    %c0_i32_1 = arith.constant 0 : i32
    return %c0_i32, %c0_i32_0 : i32, i32
  }
  func.func @transform_2(%arg0: i32) -> (i32, i32) {
    %c0_i32 = arith.constant 0 : i32
    %c0_i32_0 = arith.constant 0 : i32
    %c0_i32_1 = arith.constant 0 : i32
    return %c0_i32, %c0_i32_0 : i32, i32
  }
  func.func @transform_3(%arg0: i32) -> (i32, i32) {
    %c0_i32 = arith.constant 0 : i32
    %c0_i32_0 = arith.constant 0 : i32
    return %arg0, %c0_i32 : i32, i32
  }
  func.func @transform_4(%arg0: i32) -> (i32, i32) {
    %c0_i32 = arith.constant 0 : i32
    %c0_i32_0 = arith.constant 0 : i32
    return %arg0, %c0_i32 : i32, i32
  }
  func.func @transform_5(%arg0: i32) -> (i32, i32) {
    %c0_i32 = arith.constant 0 : i32
    %c0_i32_0 = arith.constant 0 : i32
    return %arg0, %c0_i32 : i32, i32
  }
}

module attributes {stable_mosaic.version = 14 : i64} {
  func.func @_assign_body(%arg0: i32, %arg1: memref<128x128xf32, #tpu.memory_space<vmem>>, %arg2: memref<512x1xf32, #tpu.memory_space<vmem>>, %arg3: memref<512x8xf32, #tpu.memory_space<vmem>>, %arg4: memref<16x128xf32, #tpu.memory_space<vmem>>, %arg5: memref<16x128xi32, #tpu.memory_space<vmem>>, %arg6: memref<8x512xf32, #tpu.memory_space<vmem>>, %arg7: memref<1x512xf32, #tpu.memory_space<vmem>>) attributes {dimension_semantics = [#tpu.dimension_semantics<arbitrary>], iteration_bounds = array<i64: 49>, scalar_prefetch = 0 : i64, scratch_operands = 2 : i64, tpu.core_type = #tpu.core_type<tc>, window_params = [{transform_indices = @transform_0, window_bounds = array<i64: 128, 128>}, {pipeline_mode = #tpu.pipeline_mode<synchronous>, transform_indices = @transform_1, window_bounds = array<i64: 512, 1>}, {pipeline_mode = #tpu.pipeline_mode<synchronous>, transform_indices = @transform_2, window_bounds = array<i64: 512, 8>}, {transform_indices = @transform_3, window_bounds = array<i64: 16, 128>}, {transform_indices = @transform_4, window_bounds = array<i64: 16, 128>}]} {
    %eq3A = arith.constant 0 : i32
    %eq3A_0 = arith.cmpi eq, %arg0, %eq3A : i32
    %convert_element_type3A = arith.extui %eq3A_0 : i1 to i32
    %cond3A = arith.constant 0 : i32
    %cond3A_1 = arith.cmpi ne, %convert_element_type3A, %cond3A : i32
    scf.if %cond3A_1 {
      %get3A_51 = arith.constant 0 : index
      %get3A_52 = arith.constant 0 : index
      %get3A_53 = vector.load %arg2[%get3A_51, %get3A_52] : memref<512x1xf32, #tpu.memory_space<vmem>>, vector<512x1xf32>
      %get3A_54 = arith.constant 0 : index
      %get3A_55 = arith.constant 0 : index
      %get3A_56 = vector.load %arg3[%get3A_54, %get3A_55] : memref<512x8xf32, #tpu.memory_space<vmem>>, vector<512x8xf32>
      %iota3A_57 = tpu.iota {dimensions = array<i32: 0>} : vector<512x512xi32>
      %iota3A_58 = tpu.iota {dimensions = array<i32: 1>} : vector<512x512xi32>
      %eq3A_59 = arith.cmpi eq, %iota3A_57, %iota3A_58 : vector<512x512xi32>
      %jit3A_60 = arith.constant 1.000000e+00 : f32
      %jit3A_61 = arith.constant 0.000000e+00 : f32
      %broadcast_in_dim3A_62 = vector.broadcast %jit3A_60 : f32 to vector<512x512xf32>
      %broadcast_in_dim3A_63 = vector.broadcast %jit3A_61 : f32 to vector<512x512xf32>
      %select_n3A_64 = arith.select %eq3A_59, %broadcast_in_dim3A_62, %broadcast_in_dim3A_63 : vector<512x512xi1>, vector<512x512xf32>
      %broadcast_in_dim3A_65 = vector.shape_cast %get3A_53 : vector<512x1xf32> to vector<512x1xf32>
      %broadcast_in_dim3A_66 = vector.broadcast %broadcast_in_dim3A_65 : vector<512x1xf32> to vector<512x512xf32>
      %broadcast_in_dim3A_67 = arith.constant 1.000000e+00 : f32
      %broadcast_in_dim3A_68 = vector.broadcast %broadcast_in_dim3A_67 : f32 to vector<512x1xf32>
      %dot_general3A_69 = arith.constant dense<0.000000e+00> : vector<512x512xf32>
      %dot_general3A_70 = tpu.matmul %broadcast_in_dim3A_68, %get3A_53, %dot_general3A_69 {dimension_numbers = #tpu.dot_dimension_numbers<[1], [1], [0], [0], [0, 0, 1, 0], [], []>, precision = #tpu.contract_precision<fp32>, transpose_lhs_hint = false} : vector<512x1xf32>, vector<512x1xf32>, vector<512x512xf32> -> vector<512x512xf32>
      %gt3A = arith.cmpf ogt, %dot_general3A_70, %broadcast_in_dim3A_66 : vector<512x512xf32>
      %eq3A_71 = arith.cmpf oeq, %dot_general3A_70, %broadcast_in_dim3A_66 : vector<512x512xf32>
      %lt3A_72 = arith.cmpi slt, %iota3A_58, %iota3A_57 : vector<512x512xi32>
      %and3A = arith.andi %eq3A_71, %lt3A_72 : vector<512x512xi1>
      %or3A = arith.ori %gt3A, %and3A : vector<512x512xi1>
      %jit3A_73 = arith.constant 1.000000e+00 : f32
      %jit3A_74 = arith.constant 0.000000e+00 : f32
      %broadcast_in_dim3A_75 = vector.broadcast %jit3A_73 : f32 to vector<512x512xf32>
      %broadcast_in_dim3A_76 = vector.broadcast %jit3A_74 : f32 to vector<512x512xf32>
      %select_n3A_77 = arith.select %or3A, %broadcast_in_dim3A_75, %broadcast_in_dim3A_76 : vector<512x512xi1>, vector<512x512xf32>
      %broadcast_in_dim3A_78 = arith.constant 1.000000e+00 : f32
      %broadcast_in_dim3A_79 = vector.broadcast %broadcast_in_dim3A_78 : f32 to vector<512x1xf32>
      %dot_general3A_80 = arith.constant dense<0.000000e+00> : vector<512x1xf32>
      %dot_general3A_81 = tpu.matmul %select_n3A_77, %broadcast_in_dim3A_79, %dot_general3A_80 {dimension_numbers = #tpu.dot_dimension_numbers<[1], [0], [0], [1], [0, 0, 1, 1], [], []>, precision = #tpu.contract_precision<fp32>, transpose_lhs_hint = false} : vector<512x512xf32>, vector<512x1xf32>, vector<512x1xf32> -> vector<512x1xf32>
      %convert_element_type3A_82 = arith.sitofp %iota3A_58 : vector<512x512xi32> to vector<512x512xf32>
      %eq3A_83 = vector.broadcast %dot_general3A_81 : vector<512x1xf32> to vector<512x512xf32>
      %eq3A_84 = arith.cmpf oeq, %eq3A_83, %convert_element_type3A_82 : vector<512x512xf32>
      %jit3A_85 = arith.constant 1.000000e+00 : f32
      %jit3A_86 = arith.constant 0.000000e+00 : f32
      %broadcast_in_dim3A_87 = vector.broadcast %jit3A_85 : f32 to vector<512x512xf32>
      %broadcast_in_dim3A_88 = vector.broadcast %jit3A_86 : f32 to vector<512x512xf32>
      %select_n3A_89 = arith.select %eq3A_84, %broadcast_in_dim3A_87, %broadcast_in_dim3A_88 : vector<512x512xi1>, vector<512x512xf32>
      %dot_general3A_90 = arith.constant dense<0.000000e+00> : vector<512x8xf32>
      %dot_general3A_91 = tpu.matmul %select_n3A_89, %get3A_56, %dot_general3A_90 {dimension_numbers = #tpu.dot_dimension_numbers<[0], [0], [1], [1], [0, 1, 1, 1], [], []>, precision = #tpu.contract_precision<fp32>, transpose_lhs_hint = false} : vector<512x512xf32>, vector<512x8xf32>, vector<512x8xf32> -> vector<512x8xf32>
      %dot_general3A_92 = arith.constant dense<0.000000e+00> : vector<8x512xf32>
      %dot_general3A_93 = tpu.matmul %dot_general3A_91, %select_n3A_64, %dot_general3A_92 {dimension_numbers = #tpu.dot_dimension_numbers<[0], [0], [1], [1], [0, 1, 1, 1], [], []>, precision = #tpu.contract_precision<fp32>, transpose_lhs_hint = false} : vector<512x8xf32>, vector<512x512xf32>, vector<8x512xf32> -> vector<8x512xf32>
      %swap3A_94 = arith.constant 0 : index
      %swap3A_95 = arith.constant 0 : index
      %swap3A_96 = vector.load %arg6[%swap3A_94, %swap3A_95] : memref<8x512xf32, #tpu.memory_space<vmem>>, vector<8x512xf32>
      tpu.vector_store %arg6[%swap3A_94, %swap3A_95], %dot_general3A_93 {strides = array<i32>} : memref<8x512xf32, #tpu.memory_space<vmem>>, vector<8x512xf32>,
      %mul3A_97 = arith.mulf %get3A_56, %get3A_56 : vector<512x8xf32>
      %reduce_sum3A_98 = arith.constant dense<0.000000e+00> : vector<512xf32>
      %reduce_sum3A_99 = vector.multi_reduction <add>, %mul3A_97, %reduce_sum3A_98 [1] : vector<512x8xf32> to vector<512xf32>
      %broadcast_in_dim3A_100 = vector.shape_cast %reduce_sum3A_99 : vector<512xf32> to vector<512x1xf32>
      %dot_general3A_101 = arith.constant dense<0.000000e+00> : vector<1x512xf32>
      %dot_general3A_102 = tpu.matmul %broadcast_in_dim3A_100, %select_n3A_89, %dot_general3A_101 {dimension_numbers = #tpu.dot_dimension_numbers<[0], [0], [1], [1], [0, 1, 1, 1], [], []>, precision = #tpu.contract_precision<fp32>, transpose_lhs_hint = false} : vector<512x1xf32>, vector<512x512xf32>, vector<1x512xf32> -> vector<1x512xf32>
      %swap3A_103 = arith.constant 0 : index
      %swap3A_104 = arith.constant 0 : index
      %swap3A_105 = vector.load %arg7[%swap3A_103, %swap3A_104] : memref<1x512xf32, #tpu.memory_space<vmem>>, vector<1x512xf32>
      tpu.vector_store %arg7[%swap3A_103, %swap3A_104], %dot_general3A_102 {strides = array<i32>} : memref<1x512xf32, #tpu.memory_space<vmem>>, vector<1x512xf32>,
    } else {
    }
    %get3A = arith.constant 0 : index
    %get3A_2 = arith.constant 0 : index
    %get3A_3 = vector.load %arg1[%get3A, %get3A_2] : memref<128x128xf32, #tpu.memory_space<vmem>>, vector<128x128xf32>
    %slice3A = vector.extract_strided_slice %get3A_3 {offsets = [0, 0], sizes = [128, 8], strides = [1, 1]} : vector<128x128xf32> to vector<128x8xf32>
    %slice3A_4 = vector.extract_strided_slice %get3A_3 {offsets = [0, 8], sizes = [128, 8], strides = [1, 1]} : vector<128x128xf32> to vector<128x8xf32>
    %slice3A_5 = vector.extract_strided_slice %get3A_3 {offsets = [0, 16], sizes = [128, 8], strides = [1, 1]} : vector<128x128xf32> to vector<128x8xf32>
    %slice3A_6 = vector.extract_strided_slice %get3A_3 {offsets = [0, 24], sizes = [128, 8], strides = [1, 1]} : vector<128x128xf32> to vector<128x8xf32>
    %slice3A_7 = vector.extract_strided_slice %get3A_3 {offsets = [0, 32], sizes = [128, 8], strides = [1, 1]} : vector<128x128xf32> to vector<128x8xf32>
    %slice3A_8 = vector.extract_strided_slice %get3A_3 {offsets = [0, 40], sizes = [128, 8], strides = [1, 1]} : vector<128x128xf32> to vector<128x8xf32>
    %slice3A_9 = vector.extract_strided_slice %get3A_3 {offsets = [0, 48], sizes = [128, 8], strides = [1, 1]} : vector<128x128xf32> to vector<128x8xf32>
    %slice3A_10 = vector.extract_strided_slice %get3A_3 {offsets = [0, 56], sizes = [128, 8], strides = [1, 1]} : vector<128x128xf32> to vector<128x8xf32>
    %slice3A_11 = vector.extract_strided_slice %get3A_3 {offsets = [0, 64], sizes = [128, 8], strides = [1, 1]} : vector<128x128xf32> to vector<128x8xf32>
    %slice3A_12 = vector.extract_strided_slice %get3A_3 {offsets = [0, 72], sizes = [128, 8], strides = [1, 1]} : vector<128x128xf32> to vector<128x8xf32>
    %slice3A_13 = vector.extract_strided_slice %get3A_3 {offsets = [0, 80], sizes = [128, 8], strides = [1, 1]} : vector<128x128xf32> to vector<128x8xf32>
    %slice3A_14 = vector.extract_strided_slice %get3A_3 {offsets = [0, 88], sizes = [128, 8], strides = [1, 1]} : vector<128x128xf32> to vector<128x8xf32>
    %slice3A_15 = vector.extract_strided_slice %get3A_3 {offsets = [0, 96], sizes = [128, 8], strides = [1, 1]} : vector<128x128xf32> to vector<128x8xf32>
    %slice3A_16 = vector.extract_strided_slice %get3A_3 {offsets = [0, 104], sizes = [128, 8], strides = [1, 1]} : vector<128x128xf32> to vector<128x8xf32>
    %slice3A_17 = vector.extract_strided_slice %get3A_3 {offsets = [0, 112], sizes = [128, 8], strides = [1, 1]} : vector<128x128xf32> to vector<128x8xf32>
    %slice3A_18 = vector.extract_strided_slice %get3A_3 {offsets = [0, 120], sizes = [128, 8], strides = [1, 1]} : vector<128x128xf32> to vector<128x8xf32>
    %concatenate3A = tpu.concatenate %slice3A, %slice3A_4, %slice3A_5, %slice3A_6, %slice3A_7, %slice3A_8, %slice3A_9, %slice3A_10, %slice3A_11, %slice3A_12, %slice3A_13, %slice3A_14, %slice3A_15, %slice3A_16, %slice3A_17, %slice3A_18 in 0 : vector<128x8xf32>, vector<128x8xf32>, vector<128x8xf32>, vector<128x8xf32>, vector<128x8xf32>, vector<128x8xf32>, vector<128x8xf32>, vector<128x8xf32>, vector<128x8xf32>, vector<128x8xf32>, vector<128x8xf32>, vector<128x8xf32>, vector<128x8xf32>, vector<128x8xf32>, vector<128x8xf32>, vector<128x8xf32> -> vector<2048x8xf32>
    %get3A_19 = arith.constant 0 : index
    %get3A_20 = arith.constant 0 : index
    %get3A_21 = vector.load %arg6[%get3A_19, %get3A_20] : memref<8x512xf32, #tpu.memory_space<vmem>>, vector<8x512xf32>
    %dot_general3A = arith.constant dense<0.000000e+00> : vector<2048x512xf32>
    %dot_general3A_22 = tpu.matmul %concatenate3A, %get3A_21, %dot_general3A {dimension_numbers = #tpu.dot_dimension_numbers<[1], [0], [0], [1], [0, 0, 1, 1], [], []>, transpose_lhs_hint = false} : vector<2048x8xf32>, vector<8x512xf32>, vector<2048x512xf32> -> vector<2048x512xf32>
    %mul3A = arith.mulf %concatenate3A, %concatenate3A : vector<2048x8xf32>
    %reduce_sum3A = arith.constant dense<0.000000e+00> : vector<2048xf32>
    %reduce_sum3A_23 = vector.multi_reduction <add>, %mul3A, %reduce_sum3A [1] : vector<2048x8xf32> to vector<2048xf32>
    %broadcast_in_dim3A = vector.shape_cast %reduce_sum3A_23 : vector<2048xf32> to vector<2048x1xf32>
    %get3A_24 = arith.constant 0 : index
    %get3A_25 = arith.constant 0 : index
    %get3A_26 = vector.load %arg7[%get3A_24, %get3A_25] : memref<1x512xf32, #tpu.memory_space<vmem>>, vector<1x512xf32>
    %add3A = vector.broadcast %broadcast_in_dim3A : vector<2048x1xf32> to vector<2048x512xf32>
    %add3A_27 = vector.broadcast %get3A_26 : vector<1x512xf32> to vector<2048x512xf32>
    %add3A_28 = arith.addf %add3A, %add3A_27 : vector<2048x512xf32>
    %mul3A_29 = arith.constant 2.000000e+00 : f32
    %mul3A_30 = vector.broadcast %mul3A_29 : f32 to vector<2048x512xf32>
    %mul3A_31 = arith.mulf %mul3A_30, %dot_general3A_22 : vector<2048x512xf32>
    %sub3A = arith.subf %add3A_28, %mul3A_31 : vector<2048x512xf32>
    %reduce_min3A = arith.constant dense<0x7F800000> : vector<2048xf32>
    %reduce_min3A_32 = vector.multi_reduction <minimumf>, %sub3A, %reduce_min3A [1] : vector<2048x512xf32> to vector<2048xf32>
    %broadcast_in_dim3A_33 = vector.shape_cast %reduce_min3A_32 : vector<2048xf32> to vector<2048x1xf32>
    %iota3A = tpu.iota {dimensions = array<i32: 1>} : vector<2048x512xi32>
    %eq3A_34 = vector.broadcast %broadcast_in_dim3A_33 : vector<2048x1xf32> to vector<2048x512xf32>
    %eq3A_35 = arith.cmpf oeq, %sub3A, %eq3A_34 : vector<2048x512xf32>
    %jit3A = arith.constant 512 : i32
    %broadcast_in_dim3A_36 = vector.broadcast %jit3A : i32 to vector<2048x512xi32>
    %select_n3A = arith.select %eq3A_35, %iota3A, %broadcast_in_dim3A_36 : vector<2048x512xi1>, vector<2048x512xi32>
    %reduce_min3A_37 = arith.constant dense<2147483647> : vector<2048xi32>
    %reduce_min3A_38 = vector.multi_reduction <minsi>, %select_n3A, %reduce_min3A_37 [1] : vector<2048x512xi32> to vector<2048xi32>
    %broadcast_in_dim3A_39 = vector.shape_cast %reduce_min3A_38 : vector<2048xi32> to vector<2048x1xi32>
    %reshape3A = vector.shape_cast %broadcast_in_dim3A_33 : vector<2048x1xf32> to vector<16x128xf32>
    %swap3A = arith.constant 0 : index
    %swap3A_40 = arith.constant 0 : index
    %swap3A_41 = vector.load %arg4[%swap3A, %swap3A_40] : memref<16x128xf32, #tpu.memory_space<vmem>>, vector<16x128xf32>
    tpu.vector_store %arg4[%swap3A, %swap3A_40], %reshape3A {strides = array<i32>} : memref<16x128xf32, #tpu.memory_space<vmem>>, vector<16x128xf32>,
    %lt3A = arith.constant 1.000000e+00 : f32
    %lt3A_42 = vector.broadcast %lt3A : f32 to vector<2048x1xf32>
    %lt3A_43 = arith.cmpf olt, %broadcast_in_dim3A_33, %lt3A_42 : vector<2048x1xf32>
    %jit3A_44 = arith.constant -1 : i32
    %broadcast_in_dim3A_45 = vector.broadcast %jit3A_44 : i32 to vector<2048x1xi32>
    %select_n3A_46 = arith.select %lt3A_43, %broadcast_in_dim3A_39, %broadcast_in_dim3A_45 : vector<2048x1xi1>, vector<2048x1xi32>
    %reshape3A_47 = vector.shape_cast %select_n3A_46 : vector<2048x1xi32> to vector<16x128xi32>
    %swap3A_48 = arith.constant 0 : index
    %swap3A_49 = arith.constant 0 : index
    %swap3A_50 = vector.load %arg5[%swap3A_48, %swap3A_49] : memref<16x128xi32, #tpu.memory_space<vmem>>, vector<16x128xi32>
    tpu.vector_store %arg5[%swap3A_48, %swap3A_49], %reshape3A_47 {strides = array<i32>} : memref<16x128xi32, #tpu.memory_space<vmem>>, vector<16x128xi32>,
    return
  }
  func.func @transform_0(%arg0: i32) -> (i32, i32) {
    %c0_i32 = arith.constant 0 : i32
    %c0_i32_0 = arith.constant 0 : i32
    return %arg0, %c0_i32 : i32, i32
  }
  func.func @transform_1(%arg0: i32) -> (i32, i32) {
    %c0_i32 = arith.constant 0 : i32
    %c0_i32_0 = arith.constant 0 : i32
    %c0_i32_1 = arith.constant 0 : i32
    return %c0_i32, %c0_i32_0 : i32, i32
  }
  func.func @transform_2(%arg0: i32) -> (i32, i32) {
    %c0_i32 = arith.constant 0 : i32
    %c0_i32_0 = arith.constant 0 : i32
    %c0_i32_1 = arith.constant 0 : i32
    return %c0_i32, %c0_i32_0 : i32, i32
  }
  func.func @transform_3(%arg0: i32) -> (i32, i32) {
    %c0_i32 = arith.constant 0 : i32
    %c0_i32_0 = arith.constant 0 : i32
    return %arg0, %c0_i32 : i32, i32
  }
  func.func @transform_4(%arg0: i32) -> (i32, i32) {
    %c0_i32 = arith.constant 0 : i32
    %c0_i32_0 = arith.constant 0 : i32
    return %arg0, %c0_i32 : i32, i32
  }
}

</mosaic_0001>

<sc_bundles>
// kernel: kernel.6.cloned.1.call-start
scs
__scs_entry_jumppad:
0x0: {  	(pc) =	sbr.rel $0x88, $3  }
0x1: {  	(tag) =	ssettag $0x0;
	lr =	simm.s32 $0x1  }
0x2: {  	[smem:$0x3F9C] =	sst lr;
	_ =	strace $0xD0000000  }
0x3: {  	_ = 	snop  }
0x4: {  	_ = 	snop  }
0x5: {  	_ = 	snop  }
0x6: {  	_ = 	snop  }
0x7: {  	_ = 	snop  }
__scs_overlays_trampoline_lowered:
0x8: {  	[smem:$0x3FAB] =	sst s0  }
0x9: {  	[smem:$0x3FAC] =	sst s1  }
0xa: {  	[smem:$0x3FAD] =	sst s2  }
0xb: {  	[smem:$0x3FAE] =	sst s3  }
0xc: {  	[smem:$0x3FAF] =	sst s4  }
0xd: {  	[smem:$0x3FB0] =	sst s5  }
0xe: {  	[smem:$0x3FB1] =	sst s6  }
0xf: {  	[smem:$0x3FB2] =	sst s7  }
0x10: {  	[smem:$0x3FB3] =	sst s8  }
0x11: {  	[smem:$0x3FB4] =	sst s9;
	s0 =	simm.s32 @!p0 $0x0  }
0x12: {  	s1 =	sld [smem:$0x3F9A];
	s0 =	simm.s32 @p0 $0x1  }
0x13: {  	[smem:$0x3FB5] =	sst s0;
	s0 =	simm.s32 @!p1 $0x0  }
0x14: {  	s2 =	sld [smem:$0x3F99];
	s0 =	simm.s32 @p1 $0x1  }
0x15: {  	[smem:$0x3FB6] =	sst s0;
	s0 =	simm.s32 @!p2 $0x0  }
0x16: {  	s3 =	sld [smem:$0x3FDB];
	s0 =	simm.s32 @p2 $0x1  }
0x17: {  	s4 =	simm.s32 $0x1BF5;
	[smem:$0x3FB8] =	sst s0  }
0x18: {  	s0 =	sld [smem:$0x3F9B];
	_ =	swait.ge [sflag:s4], $0x0  }
0x19: {  	s7 =	sld [smem:$0x3F9C]  }
0x1a: {  	s8 =	sadd.s32 $0xFFFFE003, lr  }
0x1b: {  	s9 =	sadd.s32 $0xFFFFFEF7, lr;
	s5 =	simm.s32 $0xFFFFFFFF;
	p2 =	slt.u32 s8, $0xFFFFF086  }
0x1c: {  	p1 =	slt.u32 s9, $0xF7A;
	s5 =	simm.s32 @!p2 $0x0  }
0x1d: {  	s5 =	simm.s32 @p1 $0x1;
	p0 =	seq.s32 s7, s2  }
0x1e: {  	s7 =	smul.u32 @!p0 $0xF7A, s2;
	p2 =	seq.s32 @!p0 s5, $0x0  }
0x1f: {  	s9 =	smul.u32 $0xF7A, s1;
	s8 =	simm.s32 @!p0 $0x1BF5;
	p2 =	por !p2, p0  }
0x20: {  	[sflag:s8] =	ssyncset.s32 @!p0 $0xFFFFF086;
	s6 =	sadd.s32 @!p0 s3, s7;
	s7 =	simm.s32 @!p0 $0x108  }
0x21: {  	s3 =	sadd.s32 s3, s9;
	s6 =	sadd.s32 @!p0 $0x88, s6;
	s7 =	simm.s32 @p2 $0x1082  }
0x22: {  	[simem:s7], [sflag:s8] =	dma.local @!p0 [hbm:s6], $0xF7A  }
0x23: {  	s9 =	sor.u32 $0xD0000000, s2;
	s6 =	simm.s32 $0x108;
	_ =	swait.ge @!p0 [sflag:s8], $0x0  }
0x24: {  	s3 =	sadd.s32 $0x88, s3;
	s6 =	simm.s32 @!p1 $0x1082;
	[sflag:s4] =	ssyncset.s32 $0xFFFFF086  }
0x25: {  	[simem:s6], [sflag:s4] =	dma.local [hbm:s3], $0xF7A  }
0x26: {  	[smem:$0x3F9C] =	sst s1;
	(tag) =	ssettag s2;
	_ =	strace s9  }
0x27: {  	s1 =	sld [smem:$0x3FAC]  }
0x28: {  	s2 =	sld [smem:$0x3FAD]  }
0x29: {  	s4 =	sld [smem:$0x3FAF]  }
0x2a: {  	p0 =	seq.s32 s5, $0x0;
	s5 =	sld [smem:$0x3FB0]  }
0x2b: {  	s6 =	sld [smem:$0x3FB1]  }
0x2c: {  	s7 =	sld [smem:$0x3FB2]  }
0x2d: {  	s3 =	simm.s32 $0x108;
	s8 =	sld [smem:$0x3FB3]  }
0x2e: {  	s3 =	simm.s32 @!p0 $0x1082;
	s9 =	sld [smem:$0x3FB4]  }
0x2f: {  	lr =	sadd.s32 s0, s3;
	s0 =	sld [smem:$0x3FAB]  }
0x30: {  	s3 =	sld [smem:$0x3FAE]  }
0x31: {  	[smem:$0x3FB7] =	sst s10  }
0x32: {  	s10 =	sld [smem:$0x3FB5];
	_ =	sdelay $0x3  }
0x33: {  	p0 =	seq.s32 s10, $0x1;
	s10 =	sld [smem:$0x3FB7];
	_ =	sdelay $0x3  }
0x34: {  	[smem:$0x3FB7] =	sst s10  }
0x35: {  	s10 =	sld [smem:$0x3FB6];
	_ =	sdelay $0x3  }
0x36: {  	p1 =	seq.s32 s10, $0x1;
	s10 =	sld [smem:$0x3FB7];
	_ =	sdelay $0x3  }
0x37: {  	[smem:$0x3FB7] =	sst s10  }
0x38: {  	s10 =	sld [smem:$0x3FB8]  }
0x39: {  	_ = 	snop;
	(pc) =	sbr.ind lr, $3  }
0x3a: {  	_ = 	snop  }
0x3b: {  	_ = 	snop  }
0x3c: {  	p2 =	seq.s32 s10, $0x1;
	s10 =	sld [smem:$0x3FB7]  }
0x3d: {  	_ =	shalt  }
0x3e: {  	_ =	shalt  }
0x3f: {  	_ =	shalt  }
0x40: {  	_ =	shalt  }
0x41: {  	_ =	shalt  }
0x42: {  	_ =	shalt  }
0x43: {  	_ =	shalt  }
0x44: {  	_ =	shalt  }
0x45: {  	_ =	shalt  }
0x46: {  	_ =	shalt  }
0x47: {  	_ =	shalt  }
0x48: {  	_ =	shalt  }
0x49: {  	_ =	shalt  }
0x4a: {  	_ =	shalt  }
0x4b: {  	_ =	shalt  }
0x4c: {  	_ =	shalt  }
0x4d: {  	_ =	shalt  }
0x4e: {  	_ =	shalt  }
0x4f: {  	_ =	shalt  }
0x50: {  	_ =	shalt  }
0x51: {  	_ =	shalt  }
0x52: {  	_ =	shalt  }
0x53: {  	_ =	shalt  }
0x54: {  	_ =	shalt  }
0x55: {  	_ =	shalt  }
0x56: {  	_ =	shalt  }
0x57: {  	_ =	shalt  }
0x58: {  	_ =	shalt  }
0x59: {  	_ =	shalt  }
0x5a: {  	_ =	shalt  }
0x5b: {  	_ =	shalt  }
0x5c: {  	_ =	shalt  }
0x5d: {  	_ =	shalt  }
0x5e: {  	_ =	shalt  }
0x5f: {  	_ =	shalt  }
0x60: {  	_ =	shalt  }
0x61: {  	_ =	shalt  }
0x62: {  	_ =	shalt  }
0x63: {  	_ =	shalt  }
0x64: {  	_ =	shalt  }
0x65: {  	_ =	shalt  }
0x66: {  	_ =	shalt  }
0x67: {  	_ =	shalt  }
0x68: {  	_ =	shalt  }
0x69: {  	_ =	shalt  }
0x6a: {  	_ =	shalt  }
0x6b: {  	_ =	shalt  }
0x6c: {  	_ =	shalt  }
0x6d: {  	_ =	shalt  }
0x6e: {  	_ =	shalt  }
0x6f: {  	_ =	shalt  }
0x70: {  	_ =	shalt  }
0x71: {  	_ =	shalt  }
0x72: {  	_ =	shalt  }
0x73: {  	_ =	shalt  }
0x74: {  	_ =	shalt  }
0x75: {  	_ =	shalt  }
0x76: {  	_ =	shalt  }
0x77: {  	_ =	shalt  }
0x78: {  	_ =	shalt  }
0x79: {  	_ =	shalt  }
0x7a: {  	_ =	shalt  }
0x7b: {  	_ =	shalt  }
0x7c: {  	_ =	shalt  }
0x7d: {  	_ =	shalt  }
0x7e: {  	_ =	shalt  }
0x7f: {  	_ =	shalt  }
0x80: {  	_ =	shalt  }
0x81: {  	_ =	shalt  }
0x82: {  	_ =	shalt  }
0x83: {  	_ =	shalt  }
0x84: {  	_ =	shalt  }
0x85: {  	_ =	shalt  }
0x86: {  	_ =	shalt  }
0x87: {  	_ =	shalt  }
.Lfunc_end0:
.L_simem_size_0:
called_computation_lowered:
.L_overlay_start_0:
0x88: {  	s0 =	sld [smem:$0x3FD9]  }
0x89: {  	s1 =	sld [smem:$0x3FFE];
	_ =	sdelay $0x3  }
0x8a: {  	s0 =	sadd.s32 s1, s0  }
0x8b: {  	[smem:$0x3FC3] =	sst s0  }
0x8c: {  	_ = 	snop  }
0x8d: {  	s0 =	sld [smem:$0x3FD0];
	_ =	sdelay $0x2  }
0x8e: {  	s13 =	simm.s32 $0xA;
	s2 =	simm.s32 $0x10  }
0x8f: {  	[smem:s2], [sflag:s13] =	dma.local [hbm:s0], $0x1  }
0x90: {  	_ =	swait.eq [sflag:s13], $0x1  }
0x91: {  	[sflag:s13] =	ssyncset.done $0x0  }
0x92: {  	s14 =	sld [smem:$0x12];
	[sflag:s13] =	ssyncadd.s32 $0xFFFFFFFF  }
0x93: {  	s15 =	sld [smem:$0x13];
	(tm) =	ssettm $0x1  }
0x94: {  	s16 =	sld [smem:$0x3FFB];
	_ =	sdelay $0x3  }
0x95: {  	_ =	strace s16  }
0x96: {  	s2 =	sld [smem:$0x3FFC];
	_ =	sdelay $0x3  }
0x97: {  	_ =	strace s2  }
0x98: {  	s2 =	sld [smem:$0x3FFD];
	_ =	sdelay $0x3  }
0x99: {  	_ =	strace s2  }
0x9a: {  	_ =	strace $0x8FFFFFFF  }
0x9b: {  	s17 =	sld [smem:$0x3FDB];
	_ =	sdelay $0x1  }
0x9c: {  	s3 =	simm.s32 $_scs_section_size  }
0x9d: {  	s4 =	simm.s32 $_size__tile_overlayer_lowered;
	s5 =	simm.s32 $_tile_overlayer_lowered  }
0x9e: {  	s20 =	simm.s32 $0x1BFF;
	s19 =	sshll.u32 s5, $0x1;
	s2 =	sadd.s32 s3, s17  }
0x9f: {  	s6 =	simm.s32 $0x0;
	s18 =	sshll.u32 s4, $0x1;
	s4 =	sadd.s32 s19, s2  }
0xa0: {  	[timem:s6], [sflag:s20] =	dma.local [hbm:s4], s18  }
0xa1: {  	_ =	swait.ge [sflag:s20], s18  }
0xa2: {  	s3 =	ssub.s32 $0x0, s18;
	[sflag:s20] =	ssyncset.done $0x0  }
0xa3: {  	[sflag:s20] =	ssyncadd.s32 s3;
	_ =	sdelay $0x1  }
0xa4: {  	s21 =	simm.s32 $0x1B8B  }
0xa5: {  	_ =	swait.ge [sflag:s21], $0x1  }
0xa6: {  	[sflag:s21] =	ssyncset.done $0x0  }
0xa7: {  	s23 =	simm.s32 $0x1B8E;
	s22 =	sld [smem:$0x3FFE];
	[sflag:s21] =	ssyncadd.s32 $0xFFFFFFFF  }
0xa8: {  	s24 =	simm.s32 $execute0_lowered;
	[smem:$0x3FD2] =	sst s23  }
0xa9: {  	s4 =	sshll.u32 s24, $0x1;
	_ =	strace $0x80000046;
	[dreg:$0x1] =	wrdreg $0xFFFFFFFF  }
0xaa: {  	s25 =	simm.s32 $_size_execute0_lowered;
	s2 =	sadd.s32 s2, s4;
	[dreg:$0x0] =	wrdreg $0x0  }
0xab: {  	s4 =	sshll.u32 s25, $0x1;
	[dreg:$0x2] =	wrdreg s2  }
0xac: {  	[dreg:$0x3] =	wrdreg s4  }
0xad: {  	[dreg:$0x4] =	wrdreg $0xC0  }
0xae: {  	_ =	task [dreg:s6], $0x5FFFF  }
0xaf: {  	[dreg:$0x1] =	wrdreg $0xFFFFFFFF  }
0xb0: {  	[dreg:$0x0] =	wrdreg $0x60  }
0xb1: {  	[dreg:$0x2] =	wrdreg s14  }
0xb2: {  	[dreg:$0x3] =	wrdreg s22  }
0xb3: {  	[dreg:$0x4] =	wrdreg s15  }
0xb4: {  	[dreg:$0x5] =	wrdreg $0x9  }
0xb5: {  	_ =	task.clear_ibuf [dreg:s6], $0x6FFFF;
	_ =	strace $0x90000046  }
0xb6: {  	s26 =	simm.s32 $0x9;
	_ =	strace $0x80000048  }
0xb7: {  	_ =	swait.ge [sflag:s26], $0x1  }
0xb8: {  	[sflag:s26] =	ssyncadd.s32 $0xFFFFFFFF  }
0xb9: {  	_ =	strace $0x90000048  }
0xba: {  	_ =	sfence  }
0xbb: {  	s28 =	sld [smem:$0x0];
	_ =	sdelay $0x1  }
0xbc: {  	s29 =	srdreg.scid  }
0xbd: {  	s30 =	sshll.u32 s29, $0xD;
	s31 =	sshrl.u32 s29, $0x2  }
0xbe: {  	s1 =	sand.u32 $0x1, s29;
	s2 =	sand.u32 $0x4000, s30;
	s0 =	sadd.s32 s31, s28  }
0xbf: {  	s1 =	sor.u32 s2, s1;
	s0 =	sshll.u32 s0, $0x11  }
0xc0: {  	s0 =	sor.u32 s0, s1  }
0xc1: {  	s0 =	sadd.s32 $0x8F2B, s0  }
0xc2: {  	[sflag:s0] =	ssyncadd.remote.s32 $0x1  }
0xc3: {  	_ =	sfence.sel $0xFFFF  }
0xc4: {  	[dreg:$0x0] =	wrdreg $0xFFFFFFFF;
	(pc) =	sbr.abs _section_cstart, $3  }
0xc5: {  	[dreg:$0x1] =	wrdreg $0xFFFFFFFF  }
0xc6: {  	_ =	task.clear_ibuf [dreg:s6], $0x2FFFF;
	_ =	strace $0x9FFFFFFF  }
0xc7: {  	(tm) =	ssettm $0x7FFFFFFF  }
tec
execute0_lowered:
.L_overlay_start_1:
0x0: {  	(tag) =	ssettag $0x1  }
0x1: {  	s4 =	rddreg [dreg:$0x0]  }
0x2: {  	s5 =	rddreg [dreg:$0x1]  }
0x3: {  	s2 =	rddreg [dreg:$0x2];
	s3 =	simm.s32 $0x0;
	s1 =	stileid.u32  }
0x4: {  	[smem:$0x7FF] =	sst s3;
	s6 =	sshll.u32 s1, $0x2  }
0x5: {  	s0 =	rddreg [dreg:$0x3];
	_ =	strace $0x80000047;
	s4 =	sadd.s32 s4, s6  }
0x6: {  	[tilespmem:s3], [sflag:$0x1] =	stream.linear.gather [hbm4b:s4+s3], $0x20, $0x38;
	[tilespmem:$0x180] =	vst v63  }
0x7: {  	s4 =	simm.s32 $0x1  }
0x8: {  	_ =	swait.ge [sflag:s4], $0x20  }
0x9: {  	[sflag:s4] =	ssyncset.done $0x0  }
0xa: {  	[sflag:s4] =	ssyncadd.s32 $0xFFFFFFE0  }
0xb: {  	v0 =	vld [tilespmem:$0x0];
	_ =	sdelay $0x4  }
0xc: {  	(v2sf) =	vpush v0, $0x0;
	_ =	sdelay $0xe  }
0xd: {  	s28 =	spop (v2sf)  }
0xe: {  	s7 =	sshra.s32 s28, $0x1F  }
0xf: {  	s8 =	sshrl.u32 s7, $0x15;
	s7 =	sshrl.u32 s7, $0x19  }
0x10: {  	s10 =	simm.s32 $0x1;
	s9 =	sand.u32 $0x7FF, s28;
	s7 =	sadd.s32 s7, s28  }
0x11: {  	p0 =	slt.s32 s28, $0x1;
	s6 =	sshll.u32 s28, $0x7;
	s29 =	sand.u32 $0xFFFFFF80, s7  }
0x12: {  	p1 =	sne.s32 s9, $0x0;
	s9 =	simm.s32 $0x1;
	p2 =	sne.s32 s28, s29  }
0x13: {  	s8 =	sadd.s32 s8, s28;
	p1 =	por !p0, !p1;
	p0 =	por !p0, !p2  }
0x14: {  	s8 =	sshrl.u32 s8, $0xB;
	p1 =	por !p1, !p1;
	p0 =	por !p0, !p0  }
0x15: {  	s7 =	sshrl.u32 s7, $0x7;
	s9 =	simm.s32 @!p1 $0x0;
	s10 =	simm.s32 @!p0 $0x0  }
0x16: {  	s6 =	sadd.s32 $0x4000, s6;
	s8 =	ssub.s32 s8, s9;
	s7 =	ssub.s32 s7, s10  }
0x17: {  	s6 =	sand.u32 $0x3F80, s6;
	s8 =	sshll.u32 s8, $0xE;
	s7 =	sshll.u32 s7, $0x3  }
0x18: {  	s6 =	sor.u32 s6, s8;
	s7 =	sand.u32 $0x78, s7  }
0x19: {  	s7 =	sor.u32 s7, s6  }
0x1a: {  	s6 =	sadd.s32 $0x187A00, s5;
	s30 =	sshrl.u32 s7, $0x3  }
0x1b: {  	s5 =	simm.s32 $0x80;
	s7 =	sadd.s32 s6, s30  }
0x1c: {  	[tilespmem:s5], [sflag:$0x1] =	stream.linear.gather [hbm4b:s7+s3], $0x8, $0x38;
	[tilespmem:$0x180] =	vst v63  }
0x1d: {  	_ =	swait.ge [sflag:s4], $0x8  }
0x1e: {  	(v2sf) =	vpush v0, $0x1;
	_ =	sdelay $0xe  }
0x1f: {  	s31 =	spop (v2sf)  }
0x20: {  	s9 =	sshra.s32 s31, $0x1F  }
0x21: {  	s11 =	sand.u32 $0x7FF, s31;
	s8 =	sshrl.u32 s9, $0x19  }
0x22: {  	p4 =	slt.s32 s31, $0x1;
	s7 =	sshll.u32 s31, $0x7;
	s8 =	sadd.s32 s8, s31  }
0x23: {  	s10 =	sshrl.u32 s9, $0x15;
	p5 =	sne.s32 s11, $0x0;
	s12 =	sand.u32 $0xFFFFFF80, s8  }
0x24: {  	s11 =	simm.s32 $0x1;
	s9 =	sadd.s32 s10, s31;
	p6 =	sne.s32 s31, s12  }
0x25: {  	p1 =	por !p4, !p5;
	s10 =	simm.s32 $0x1;
	p0 =	por !p4, !p6  }
0x26: {  	s9 =	sshrl.u32 s9, $0xB;
	p1 =	por !p1, !p1;
	p0 =	por !p0, !p0  }
0x27: {  	s8 =	sshrl.u32 s8, $0x7;
	s10 =	simm.s32 @!p1 $0x0;
	s11 =	simm.s32 @!p0 $0x0  }
0x28: {  	s7 =	sadd.s32 $0x4000, s7;
	s9 =	ssub.s32 s9, s10;
	s8 =	ssub.s32 s8, s11  }
0x29: {  	s7 =	sand.u32 $0x3F80, s7;
	s9 =	sshll.u32 s9, $0xE;
	s8 =	sshll.u32 s8, $0x3  }
0x2a: {  	s7 =	sor.u32 s7, s9;
	s8 =	sand.u32 $0x78, s8  }
0x2b: {  	s7 =	sor.u32 s8, s7  }
0x2c: {  	[sflag:s4] =	ssyncset.done $0x0;
	s7 =	sshrl.u32 s7, $0x3  }
0x2d: {  	s13 =	simm.s32 $0x88;
	[sflag:s4] =	ssyncadd.s32 $0xFFFFFFF8;
	s7 =	sadd.s32 s6, s7  }
0x2e: {  	[tilespmem:s13], [sflag:$0x1] =	stream.linear.gather [hbm4b:s7+s3], $0x8, $0x38;
	[tilespmem:$0x180] =	vst v63  }
0x2f: {  	_ =	swait.ge [sflag:s4], $0x8  }
0x30: {  	(v2sf) =	vpush v0, $0x2;
	_ =	sdelay $0xe  }
0x31: {  	s14 =	spop (v2sf)  }
0x32: {  	s15 =	sshra.s32 s14, $0x1F  }
0x33: {  	s10 =	simm.s32 $0x1;
	s8 =	sshrl.u32 s15, $0x19  }
0x34: {  	s11 =	simm.s32 $0x1;
	s17 =	sand.u32 $0x7FF, s14;
	s8 =	sadd.s32 s8, s14  }
0x35: {  	p3 =	slt.s32 s14, $0x1;
	s7 =	sshll.u32 s14, $0x7;
	s18 =	sand.u32 $0xFFFFFF80, s8  }
0x36: {  	s16 =	sshrl.u32 s15, $0x15;
	p4 =	sne.s32 s17, $0x0;
	p5 =	sne.s32 s14, s18  }
0x37: {  	s9 =	sadd.s32 s16, s14;
	p1 =	por !p3, !p4;
	p0 =	por !p3, !p5  }
0x38: {  	s9 =	sshrl.u32 s9, $0xB;
	p1 =	por !p1, !p1;
	p0 =	por !p0, !p0  }
0x39: {  	s8 =	sshrl.u32 s8, $0x7;
	s10 =	simm.s32 @!p1 $0x0;
	s11 =	simm.s32 @!p0 $0x0  }
0x3a: {  	s7 =	sadd.s32 $0x4000, s7;
	s9 =	ssub.s32 s9, s10;
	s8 =	ssub.s32 s8, s11  }
0x3b: {  	s7 =	sand.u32 $0x3F80, s7;
	s9 =	sshll.u32 s9, $0xE;
	s8 =	sshll.u32 s8, $0x3  }
0x3c: {  	s7 =	sor.u32 s7, s9;
	s8 =	sand.u32 $0x78, s8  }
0x3d: {  	s7 =	sor.u32 s8, s7  }
0x3e: {  	[sflag:s4] =	ssyncset.done $0x0;
	s7 =	sshrl.u32 s7, $0x3  }
0x3f: {  	s19 =	simm.s32 $0x90;
	[sflag:s4] =	ssyncadd.s32 $0xFFFFFFF8;
	s7 =	sadd.s32 s6, s7  }
0x40: {  	[tilespmem:s19], [sflag:$0x1] =	stream.linear.gather [hbm4b:s7+s3], $0x8, $0x38;
	[tilespmem:$0x180] =	vst v63  }
0x41: {  	_ =	swait.ge [sflag:s4], $0x8  }
0x42: {  	(v2sf) =	vpush v0, $0x3;
	_ =	sdelay $0xe  }
0x43: {  	s20 =	spop (v2sf)  }
0x44: {  	s21 =	sshra.s32 s20, $0x1F  }
0x45: {  	s10 =	simm.s32 $0x1;
	s8 =	sshrl.u32 s21, $0x19  }
0x46: {  	s11 =	simm.s32 $0x1;
	s23 =	sand.u32 $0x7FF, s20;
	s8 =	sadd.s32 s8, s20  }
0x47: {  	p6 =	slt.s32 s20, $0x1;
	s7 =	sshll.u32 s20, $0x7;
	s24 =	sand.u32 $0xFFFFFF80, s8  }
0x48: {  	s22 =	sshrl.u32 s21, $0x15;
	p2 =	sne.s32 s23, $0x0;
	p3 =	sne.s32 s20, s24  }
0x49: {  	s9 =	sadd.s32 s22, s20;
	p1 =	por !p6, !p2;
	p0 =	por !p6, !p3  }
0x4a: {  	s9 =	sshrl.u32 s9, $0xB;
	p1 =	por !p1, !p1;
	p0 =	por !p0, !p0  }
0x4b: {  	s8 =	sshrl.u32 s8, $0x7;
	s10 =	simm.s32 @!p1 $0x0;
	s11 =	simm.s32 @!p0 $0x0  }
0x4c: {  	s7 =	sadd.s32 $0x4000, s7;
	s9 =	ssub.s32 s9, s10;
	s8 =	ssub.s32 s8, s11  }
0x4d: {  	s7 =	sand.u32 $0x3F80, s7;
	s9 =	sshll.u32 s9, $0xE;
	s8 =	sshll.u32 s8, $0x3  }
0x4e: {  	s7 =	sor.u32 s7, s9;
	s8 =	sand.u32 $0x78, s8  }
0x4f: {  	s7 =	sor.u32 s8, s7  }
0x50: {  	[sflag:s4] =	ssyncset.done $0x0;
	s7 =	sshrl.u32 s7, $0x3  }
0x51: {  	s25 =	simm.s32 $0x98;
	[sflag:s4] =	ssyncadd.s32 $0xFFFFFFF8;
	s7 =	sadd.s32 s6, s7  }
0x52: {  	[tilespmem:s25], [sflag:$0x1] =	stream.linear.gather [hbm4b:s7+s3], $0x8, $0x38;
	[tilespmem:$0x180] =	vst v63  }
0x53: {  	_ =	swait.ge [sflag:s4], $0x8  }
0x54: {  	(v2sf) =	vpush v0, $0x4;
	_ =	sdelay $0xe  }
0x55: {  	s26 =	spop (v2sf)  }
0x56: {  	s28 =	sshra.s32 s26, $0x1F  }
0x57: {  	s10 =	simm.s32 $0x1;
	s8 =	sshrl.u32 s28, $0x19  }
0x58: {  	s11 =	simm.s32 $0x1;
	s30 =	sand.u32 $0x7FF, s26;
	s8 =	sadd.s32 s8, s26  }
0x59: {  	p4 =	slt.s32 s26, $0x1;
	s7 =	sshll.u32 s26, $0x7;
	s31 =	sand.u32 $0xFFFFFF80, s8  }
0x5a: {  	s29 =	sshrl.u32 s28, $0x15;
	p5 =	sne.s32 s30, $0x0;
	p6 =	sne.s32 s26, s31  }
0x5b: {  	s9 =	sadd.s32 s29, s26;
	p1 =	por !p4, !p5;
	p0 =	por !p4, !p6  }
0x5c: {  	s9 =	sshrl.u32 s9, $0xB;
	p1 =	por !p1, !p1;
	p0 =	por !p0, !p0  }
0x5d: {  	s8 =	sshrl.u32 s8, $0x7;
	s10 =	simm.s32 @!p1 $0x0;
	s11 =	simm.s32 @!p0 $0x0  }
0x5e: {  	s7 =	sadd.s32 $0x4000, s7;
	s9 =	ssub.s32 s9, s10;
	s8 =	ssub.s32 s8, s11  }
0x5f: {  	s7 =	sand.u32 $0x3F80, s7;
	s9 =	sshll.u32 s9, $0xE;
	s8 =	sshll.u32 s8, $0x3  }
0x60: {  	s7 =	sor.u32 s7, s9;
	s8 =	sand.u32 $0x78, s8  }
0x61: {  	s7 =	sor.u32 s8, s7  }
0x62: {  	[sflag:s4] =	ssyncset.done $0x0;
	s7 =	sshrl.u32 s7, $0x3  }
0x63: {  	[sflag:s4] =	ssyncadd.s32 $0xFFFFFFF8;
	s11 =	simm.s32 $0xA0;
	s7 =	sadd.s32 s6, s7  }
0x64: {  	[tilespmem:s11], [sflag:$0x1] =	stream.linear.gather [hbm4b:s7+s3], $0x8, $0x38;
	[tilespmem:$0x180] =	vst v63  }
0x65: {  	_ =	swait.ge [sflag:s4], $0x8  }
0x66: {  	(v2sf) =	vpush v0, $0x5;
	_ =	sdelay $0xe  }
0x67: {  	s12 =	spop (v2sf)  }
0x68: {  	s13 =	sshra.s32 s12, $0x1F  }
0x69: {  	s10 =	simm.s32 $0x1;
	s8 =	sshrl.u32 s13, $0x19  }
0x6a: {  	s11 =	simm.s32 $0x1;
	s15 =	sand.u32 $0x7FF, s12;
	s8 =	sadd.s32 s8, s12  }
0x6b: {  	p3 =	slt.s32 s12, $0x1;
	s7 =	sshll.u32 s12, $0x7;
	s16 =	sand.u32 $0xFFFFFF80, s8  }
0x6c: {  	s14 =	sshrl.u32 s13, $0x15;
	p4 =	sne.s32 s15, $0x0;
	p5 =	sne.s32 s12, s16  }
0x6d: {  	s9 =	sadd.s32 s14, s12;
	p1 =	por !p3, !p4;
	p0 =	por !p3, !p5  }
0x6e: {  	s9 =	sshrl.u32 s9, $0xB;
	p1 =	por !p1, !p1;
	p0 =	por !p0, !p0  }
0x6f: {  	s8 =	sshrl.u32 s8, $0x7;
	s10 =	simm.s32 @!p1 $0x0;
	s11 =	simm.s32 @!p0 $0x0  }
0x70: {  	s7 =	sadd.s32 $0x4000, s7;
	s9 =	ssub.s32 s9, s10;
	s8 =	ssub.s32 s8, s11  }
0x71: {  	s7 =	sand.u32 $0x3F80, s7;
	s9 =	sshll.u32 s9, $0xE;
	s8 =	sshll.u32 s8, $0x3  }
0x72: {  	s7 =	sor.u32 s7, s9;
	s8 =	sand.u32 $0x78, s8  }
0x73: {  	s7 =	sor.u32 s8, s7  }
0x74: {  	[sflag:s4] =	ssyncset.done $0x0;
	s7 =	sshrl.u32 s7, $0x3  }
0x75: {  	s17 =	simm.s32 $0xA8;
	[sflag:s4] =	ssyncadd.s32 $0xFFFFFFF8;
	s7 =	sadd.s32 s6, s7  }
0x76: {  	[tilespmem:s17], [sflag:$0x1] =	stream.linear.gather [hbm4b:s7+s3], $0x8, $0x38;
	[tilespmem:$0x180] =	vst v63  }
0x77: {  	_ =	swait.ge [sflag:s4], $0x8  }
0x78: {  	(v2sf) =	vpush v0, $0x6;
	_ =	sdelay $0xe  }
0x79: {  	s18 =	spop (v2sf)  }
0x7a: {  	s19 =	sshra.s32 s18, $0x1F  }
0x7b: {  	s10 =	simm.s32 $0x1;
	s8 =	sshrl.u32 s19, $0x19  }
0x7c: {  	s11 =	simm.s32 $0x1;
	s21 =	sand.u32 $0x7FF, s18;
	s8 =	sadd.s32 s8, s18  }
0x7d: {  	p6 =	slt.s32 s18, $0x1;
	s7 =	sshll.u32 s18, $0x7;
	s22 =	sand.u32 $0xFFFFFF80, s8  }
0x7e: {  	s20 =	sshrl.u32 s19, $0x15;
	p2 =	sne.s32 s21, $0x0;
	p3 =	sne.s32 s18, s22  }
0x7f: {  	s9 =	sadd.s32 s20, s18;
	p1 =	por !p6, !p2;
	p0 =	por !p6, !p3  }
0x80: {  	s9 =	sshrl.u32 s9, $0xB;
	p1 =	por !p1, !p1;
	p0 =	por !p0, !p0  }
0x81: {  	s8 =	sshrl.u32 s8, $0x7;
	s10 =	simm.s32 @!p1 $0x0;
	s11 =	simm.s32 @!p0 $0x0  }
0x82: {  	s7 =	sadd.s32 $0x4000, s7;
	s9 =	ssub.s32 s9, s10;
	s8 =	ssub.s32 s8, s11  }
0x83: {  	s7 =	sand.u32 $0x3F80, s7;
	s9 =	sshll.u32 s9, $0xE;
	s8 =	sshll.u32 s8, $0x3  }
0x84: {  	s7 =	sor.u32 s7, s9;
	s8 =	sand.u32 $0x78, s8  }
0x85: {  	s7 =	sor.u32 s8, s7  }
0x86: {  	[sflag:s4] =	ssyncset.done $0x0;
	s7 =	sshrl.u32 s7, $0x3  }
0x87: {  	s23 =	simm.s32 $0xB0;
	[sflag:s4] =	ssyncadd.s32 $0xFFFFFFF8;
	s7 =	sadd.s32 s6, s7  }
0x88: {  	[tilespmem:s23], [sflag:$0x1] =	stream.linear.gather [hbm4b:s7+s3], $0x8, $0x38;
	[tilespmem:$0x180] =	vst v63  }
0x89: {  	_ =	swait.ge [sflag:s4], $0x8  }
0x8a: {  	(v2sf) =	vpush v0, $0x7;
	_ =	sdelay $0xe  }
0x8b: {  	s24 =	spop (v2sf)  }
0x8c: {  	s25 =	sshra.s32 s24, $0x1F  }
0x8d: {  	s10 =	simm.s32 $0x1;
	s8 =	sshrl.u32 s25, $0x19  }
0x8e: {  	s11 =	simm.s32 $0x1;
	s28 =	sand.u32 $0x7FF, s24;
	s8 =	sadd.s32 s8, s24  }
0x8f: {  	p4 =	slt.s32 s24, $0x1;
	s7 =	sshll.u32 s24, $0x7;
	s29 =	sand.u32 $0xFFFFFF80, s8  }
0x90: {  	s26 =	sshrl.u32 s25, $0x15;
	p5 =	sne.s32 s28, $0x0;
	p6 =	sne.s32 s24, s29  }
0x91: {  	s9 =	sadd.s32 s26, s24;
	p1 =	por !p4, !p5;
	p0 =	por !p4, !p6  }
0x92: {  	s9 =	sshrl.u32 s9, $0xB;
	p1 =	por !p1, !p1;
	p0 =	por !p0, !p0  }
0x93: {  	s8 =	sshrl.u32 s8, $0x7;
	s10 =	simm.s32 @!p1 $0x0;
	s11 =	simm.s32 @!p0 $0x0  }
0x94: {  	s7 =	sadd.s32 $0x4000, s7;
	s9 =	ssub.s32 s9, s10;
	s8 =	ssub.s32 s8, s11  }
0x95: {  	s7 =	sand.u32 $0x3F80, s7;
	s9 =	sshll.u32 s9, $0xE;
	s8 =	sshll.u32 s8, $0x3  }
0x96: {  	s7 =	sor.u32 s7, s9;
	s8 =	sand.u32 $0x78, s8  }
0x97: {  	s7 =	sor.u32 s8, s7  }
0x98: {  	[sflag:s4] =	ssyncset.done $0x0;
	s7 =	sshrl.u32 s7, $0x3  }
0x99: {  	s30 =	simm.s32 $0xB8;
	[sflag:s4] =	ssyncadd.s32 $0xFFFFFFF8;
	s7 =	sadd.s32 s6, s7  }
0x9a: {  	[tilespmem:s30], [sflag:$0x1] =	stream.linear.gather [hbm4b:s7+s3], $0x8, $0x38;
	[tilespmem:$0x180] =	vst v63  }
0x9b: {  	_ =	swait.ge [sflag:s4], $0x8  }
0x9c: {  	(v2sf) =	vpush v0, $0x8;
	_ =	sdelay $0xe  }
0x9d: {  	s31 =	spop (v2sf)  }
0x9e: {  	s9 =	sshra.s32 s31, $0x1F  }
0x9f: {  	s11 =	sand.u32 $0x7FF, s31;
	s8 =	sshrl.u32 s9, $0x19  }
0xa0: {  	p3 =	slt.s32 s31, $0x1;
	s7 =	sshll.u32 s31, $0x7;
	s8 =	sadd.s32 s8, s31  }
0xa1: {  	s10 =	sshrl.u32 s9, $0x15;
	p4 =	sne.s32 s11, $0x0;
	s12 =	sand.u32 $0xFFFFFF80, s8  }
0xa2: {  	s11 =	simm.s32 $0x1;
	s9 =	sadd.s32 s10, s31;
	p5 =	sne.s32 s31, s12  }
0xa3: {  	p1 =	por !p3, !p4;
	s10 =	simm.s32 $0x1;
	p0 =	por !p3, !p5  }
0xa4: {  	s9 =	sshrl.u32 s9, $0xB;
	p1 =	por !p1, !p1;
	p0 =	por !p0, !p0  }
0xa5: {  	s8 =	sshrl.u32 s8, $0x7;
	s10 =	simm.s32 @!p1 $0x0;
	s11 =	simm.s32 @!p0 $0x0  }
0xa6: {  	s7 =	sadd.s32 $0x4000, s7;
	s9 =	ssub.s32 s9, s10;
	s8 =	ssub.s32 s8, s11  }
0xa7: {  	s7 =	sand.u32 $0x3F80, s7;
	s9 =	sshll.u32 s9, $0xE;
	s8 =	sshll.u32 s8, $0x3  }
0xa8: {  	s7 =	sor.u32 s7, s9;
	s8 =	sand.u32 $0x78, s8  }
0xa9: {  	s7 =	sor.u32 s8, s7  }
0xaa: {  	[sflag:s4] =	ssyncset.done $0x0;
	s7 =	sshrl.u32 s7, $0x3  }
0xab: {  	s13 =	simm.s32 $0xC0;
	[sflag:s4] =	ssyncadd.s32 $0xFFFFFFF8;
	s7 =	sadd.s32 s6, s7  }
0xac: {  	[tilespmem:s13], [sflag:$0x1] =	stream.linear.gather [hbm4b:s7+s3], $0x8, $0x38;
	[tilespmem:$0x180] =	vst v63  }
0xad: {  	_ =	swait.ge [sflag:s4], $0x8  }
0xae: {  	(v2sf) =	vpush v0, $0x9;
	_ =	sdelay $0xe  }
0xaf: {  	s14 =	spop (v2sf)  }
0xb0: {  	s15 =	sshra.s32 s14, $0x1F  }
0xb1: {  	s10 =	simm.s32 $0x1;
	s8 =	sshrl.u32 s15, $0x19  }
0xb2: {  	s11 =	simm.s32 $0x1;
	s17 =	sand.u32 $0x7FF, s14;
	s8 =	sadd.s32 s8, s14  }
0xb3: {  	p6 =	slt.s32 s14, $0x1;
	s7 =	sshll.u32 s14, $0x7;
	s18 =	sand.u32 $0xFFFFFF80, s8  }
0xb4: {  	s16 =	sshrl.u32 s15, $0x15;
	p2 =	sne.s32 s17, $0x0;
	p3 =	sne.s32 s14, s18  }
0xb5: {  	s9 =	sadd.s32 s16, s14;
	p1 =	por !p6, !p2;
	p0 =	por !p6, !p3  }
0xb6: {  	s9 =	sshrl.u32 s9, $0xB;
	p1 =	por !p1, !p1;
	p0 =	por !p0, !p0  }
0xb7: {  	s8 =	sshrl.u32 s8, $0x7;
	s10 =	simm.s32 @!p1 $0x0;
	s11 =	simm.s32 @!p0 $0x0  }
0xb8: {  	s7 =	sadd.s32 $0x4000, s7;
	s9 =	ssub.s32 s9, s10;
	s8 =	ssub.s32 s8, s11  }
0xb9: {  	s7 =	sand.u32 $0x3F80, s7;
	s9 =	sshll.u32 s9, $0xE;
	s8 =	sshll.u32 s8, $0x3  }
0xba: {  	s7 =	sor.u32 s7, s9;
	s8 =	sand.u32 $0x78, s8  }
0xbb: {  	s7 =	sor.u32 s8, s7  }
0xbc: {  	[sflag:s4] =	ssyncset.done $0x0;
	s7 =	sshrl.u32 s7, $0x3  }
0xbd: {  	s19 =	simm.s32 $0xC8;
	[sflag:s4] =	ssyncadd.s32 $0xFFFFFFF8;
	s7 =	sadd.s32 s6, s7  }
0xbe: {  	[tilespmem:s19], [sflag:$0x1] =	stream.linear.gather [hbm4b:s7+s3], $0x8, $0x38;
	[tilespmem:$0x180] =	vst v63  }
0xbf: {  	_ =	swait.ge [sflag:s4], $0x8  }
0xc0: {  	(v2sf) =	vpush v0, $0xA;
	_ =	sdelay $0xe  }
0xc1: {  	s20 =	spop (v2sf)  }
0xc2: {  	s21 =	sshra.s32 s20, $0x1F  }
0xc3: {  	s10 =	simm.s32 $0x1;
	s8 =	sshrl.u32 s21, $0x19  }
0xc4: {  	s11 =	simm.s32 $0x1;
	s23 =	sand.u32 $0x7FF, s20;
	s8 =	sadd.s32 s8, s20  }
0xc5: {  	p4 =	slt.s32 s20, $0x1;
	s7 =	sshll.u32 s20, $0x7;
	s24 =	sand.u32 $0xFFFFFF80, s8  }
0xc6: {  	s22 =	sshrl.u32 s21, $0x15;
	p5 =	sne.s32 s23, $0x0;
	p6 =	sne.s32 s20, s24  }
0xc7: {  	s9 =	sadd.s32 s22, s20;
	p1 =	por !p4, !p5;
	p0 =	por !p4, !p6  }
0xc8: {  	s9 =	sshrl.u32 s9, $0xB;
	p1 =	por !p1, !p1;
	p0 =	por !p0, !p0  }
0xc9: {  	s8 =	sshrl.u32 s8, $0x7;
	s10 =	simm.s32 @!p1 $0x0;
	s11 =	simm.s32 @!p0 $0x0  }
0xca: {  	s7 =	sadd.s32 $0x4000, s7;
	s9 =	ssub.s32 s9, s10;
	s8 =	ssub.s32 s8, s11  }
0xcb: {  	s7 =	sand.u32 $0x3F80, s7;
	s9 =	sshll.u32 s9, $0xE;
	s8 =	sshll.u32 s8, $0x3  }
0xcc: {  	s7 =	sor.u32 s7, s9;
	s8 =	sand.u32 $0x78, s8  }
0xcd: {  	s7 =	sor.u32 s8, s7  }
0xce: {  	[sflag:s4] =	ssyncset.done $0x0;
	s7 =	sshrl.u32 s7, $0x3  }
0xcf: {  	s25 =	simm.s32 $0xD0;
	[sflag:s4] =	ssyncadd.s32 $0xFFFFFFF8;
	s7 =	sadd.s32 s6, s7  }
0xd0: {  	[tilespmem:s25], [sflag:$0x1] =	stream.linear.gather [hbm4b:s7+s3], $0x8, $0x38;
	[tilespmem:$0x180] =	vst v63  }
0xd1: {  	_ =	swait.ge [sflag:s4], $0x8  }
0xd2: {  	(v2sf) =	vpush v0, $0xB;
	_ =	sdelay $0xe  }
0xd3: {  	s26 =	spop (v2sf)  }
0xd4: {  	s28 =	sshra.s32 s26, $0x1F  }
0xd5: {  	s10 =	simm.s32 $0x1;
	s8 =	sshrl.u32 s28, $0x19  }
0xd6: {  	s11 =	simm.s32 $0x1;
	s30 =	sand.u32 $0x7FF, s26;
	s8 =	sadd.s32 s8, s26  }
0xd7: {  	p3 =	slt.s32 s26, $0x1;
	s7 =	sshll.u32 s26, $0x7;
	s31 =	sand.u32 $0xFFFFFF80, s8  }
0xd8: {  	s29 =	sshrl.u32 s28, $0x15;
	p4 =	sne.s32 s30, $0x0;
	p5 =	sne.s32 s26, s31  }
0xd9: {  	s9 =	sadd.s32 s29, s26;
	p1 =	por !p3, !p4;
	p0 =	por !p3, !p5  }
0xda: {  	s9 =	sshrl.u32 s9, $0xB;
	p1 =	por !p1, !p1;
	p0 =	por !p0, !p0  }
0xdb: {  	s8 =	sshrl.u32 s8, $0x7;
	s10 =	simm.s32 @!p1 $0x0;
	s11 =	simm.s32 @!p0 $0x0  }
0xdc: {  	s7 =	sadd.s32 $0x4000, s7;
	s9 =	ssub.s32 s9, s10;
	s8 =	ssub.s32 s8, s11  }
0xdd: {  	s7 =	sand.u32 $0x3F80, s7;
	s9 =	sshll.u32 s9, $0xE;
	s8 =	sshll.u32 s8, $0x3  }
0xde: {  	s7 =	sor.u32 s7, s9;
	s8 =	sand.u32 $0x78, s8  }
0xdf: {  	s7 =	sor.u32 s8, s7  }
0xe0: {  	[sflag:s4] =	ssyncset.done $0x0;
	s7 =	sshrl.u32 s7, $0x3  }
0xe1: {  	[sflag:s4] =	ssyncadd.s32 $0xFFFFFFF8;
	s11 =	simm.s32 $0xD8;
	s7 =	sadd.s32 s6, s7  }
0xe2: {  	[tilespmem:s11], [sflag:$0x1] =	stream.linear.gather [hbm4b:s7+s3], $0x8, $0x38;
	[tilespmem:$0x180] =	vst v63  }
0xe3: {  	_ =	swait.ge [sflag:s4], $0x8  }
0xe4: {  	(v2sf) =	vpush v0, $0xC;
	_ =	sdelay $0xe  }
0xe5: {  	s12 =	spop (v2sf)  }
0xe6: {  	s13 =	sshra.s32 s12, $0x1F  }
0xe7: {  	s10 =	simm.s32 $0x1;
	s8 =	sshrl.u32 s13, $0x19  }
0xe8: {  	s11 =	simm.s32 $0x1;
	s15 =	sand.u32 $0x7FF, s12;
	s8 =	sadd.s32 s8, s12  }
0xe9: {  	p6 =	slt.s32 s12, $0x1;
	s7 =	sshll.u32 s12, $0x7;
	s16 =	sand.u32 $0xFFFFFF80, s8  }
0xea: {  	s14 =	sshrl.u32 s13, $0x15;
	p2 =	sne.s32 s15, $0x0;
	p3 =	sne.s32 s12, s16  }
0xeb: {  	s9 =	sadd.s32 s14, s12;
	p1 =	por !p6, !p2;
	p0 =	por !p6, !p3  }
0xec: {  	s9 =	sshrl.u32 s9, $0xB;
	p1 =	por !p1, !p1;
	p0 =	por !p0, !p0  }
0xed: {  	s8 =	sshrl.u32 s8, $0x7;
	s10 =	simm.s32 @!p1 $0x0;
	s11 =	simm.s32 @!p0 $0x0  }
0xee: {  	s7 =	sadd.s32 $0x4000, s7;
	s9 =	ssub.s32 s9, s10;
	s8 =	ssub.s32 s8, s11  }
0xef: {  	s7 =	sand.u32 $0x3F80, s7;
	s9 =	sshll.u32 s9, $0xE;
	s8 =	sshll.u32 s8, $0x3  }
0xf0: {  	s7 =	sor.u32 s7, s9;
	s8 =	sand.u32 $0x78, s8  }
0xf1: {  	s7 =	sor.u32 s8, s7  }
0xf2: {  	[sflag:s4] =	ssyncset.done $0x0;
	s7 =	sshrl.u32 s7, $0x3  }
0xf3: {  	s17 =	simm.s32 $0xE0;
	[sflag:s4] =	ssyncadd.s32 $0xFFFFFFF8;
	s7 =	sadd.s32 s6, s7  }
0xf4: {  	[tilespmem:s17], [sflag:$0x1] =	stream.linear.gather [hbm4b:s7+s3], $0x8, $0x38;
	[tilespmem:$0x180] =	vst v63  }
0xf5: {  	_ =	swait.ge [sflag:s4], $0x8  }
0xf6: {  	(v2sf) =	vpush v0, $0xD;
	_ =	sdelay $0xe  }
0xf7: {  	s18 =	spop (v2sf)  }
0xf8: {  	s19 =	sshra.s32 s18, $0x1F  }
0xf9: {  	s10 =	simm.s32 $0x1;
	s8 =	sshrl.u32 s19, $0x19  }
0xfa: {  	s11 =	simm.s32 $0x1;
	s21 =	sand.u32 $0x7FF, s18;
	s8 =	sadd.s32 s8, s18  }
0xfb: {  	p4 =	slt.s32 s18, $0x1;
	s7 =	sshll.u32 s18, $0x7;
	s22 =	sand.u32 $0xFFFFFF80, s8  }
0xfc: {  	s20 =	sshrl.u32 s19, $0x15;
	p5 =	sne.s32 s21, $0x0;
	p6 =	sne.s32 s18, s22  }
0xfd: {  	s9 =	sadd.s32 s20, s18;
	p1 =	por !p4, !p5;
	p0 =	por !p4, !p6  }
0xfe: {  	s9 =	sshrl.u32 s9, $0xB;
	p1 =	por !p1, !p1;
	p0 =	por !p0, !p0  }
0xff: {  	s8 =	sshrl.u32 s8, $0x7;
	s10 =	simm.s32 @!p1 $0x0;
	s11 =	simm.s32 @!p0 $0x0  }
0x100: {  	s7 =	sadd.s32 $0x4000, s7;
	s9 =	ssub.s32 s9, s10;
	s8 =	ssub.s32 s8, s11  }
0x101: {  	s7 =	sand.u32 $0x3F80, s7;
	s9 =	sshll.u32 s9, $0xE;
	s8 =	sshll.u32 s8, $0x3  }
0x102: {  	s7 =	sor.u32 s7, s9;
	s8 =	sand.u32 $0x78, s8  }
0x103: {  	s7 =	sor.u32 s8, s7  }
0x104: {  	[sflag:s4] =	ssyncset.done $0x0;
	s7 =	sshrl.u32 s7, $0x3  }
0x105: {  	s23 =	simm.s32 $0xE8;
	[sflag:s4] =	ssyncadd.s32 $0xFFFFFFF8;
	s7 =	sadd.s32 s6, s7  }
0x106: {  	[tilespmem:s23], [sflag:$0x1] =	stream.linear.gather [hbm4b:s7+s3], $0x8, $0x38;
	[tilespmem:$0x180] =	vst v63  }
0x107: {  	_ =	swait.ge [sflag:s4], $0x8  }
0x108: {  	(v2sf) =	vpush v0, $0xE;
	_ =	sdelay $0xe  }
0x109: {  	s24 =	spop (v2sf)  }
0x10a: {  	s25 =	sshra.s32 s24, $0x1F  }
0x10b: {  	s10 =	simm.s32 $0x1;
	s8 =	sshrl.u32 s25, $0x19  }
0x10c: {  	s11 =	simm.s32 $0x1;
	s28 =	sand.u32 $0x7FF, s24;
	s8 =	sadd.s32 s8, s24  }
0x10d: {  	p3 =	slt.s32 s24, $0x1;
	s7 =	sshll.u32 s24, $0x7;
	s29 =	sand.u32 $0xFFFFFF80, s8  }
0x10e: {  	s26 =	sshrl.u32 s25, $0x15;
	p4 =	sne.s32 s28, $0x0;
	p5 =	sne.s32 s24, s29  }
0x10f: {  	s9 =	sadd.s32 s26, s24;
	p1 =	por !p3, !p4;
	p0 =	por !p3, !p5  }
0x110: {  	s9 =	sshrl.u32 s9, $0xB;
	p1 =	por !p1, !p1;
	p0 =	por !p0, !p0  }
0x111: {  	s8 =	sshrl.u32 s8, $0x7;
	s10 =	simm.s32 @!p1 $0x0;
	s11 =	simm.s32 @!p0 $0x0  }
0x112: {  	s7 =	sadd.s32 $0x4000, s7;
	s9 =	ssub.s32 s9, s10;
	s8 =	ssub.s32 s8, s11  }
0x113: {  	s7 =	sand.u32 $0x3F80, s7;
	s9 =	sshll.u32 s9, $0xE;
	s8 =	sshll.u32 s8, $0x3  }
0x114: {  	s7 =	sor.u32 s7, s9;
	s8 =	sand.u32 $0x78, s8  }
0x115: {  	s7 =	sor.u32 s8, s7  }
0x116: {  	[sflag:s4] =	ssyncset.done $0x0;
	s7 =	sshrl.u32 s7, $0x3  }
0x117: {  	s30 =	simm.s32 $0xF0;
	[sflag:s4] =	ssyncadd.s32 $0xFFFFFFF8;
	s7 =	sadd.s32 s6, s7  }
0x118: {  	[tilespmem:s30], [sflag:$0x1] =	stream.linear.gather [hbm4b:s7+s3], $0x8, $0x38;
	[tilespmem:$0x180] =	vst v63  }
0x119: {  	_ =	swait.ge [sflag:s4], $0x8  }
0x11a: {  	(v2sf) =	vpush v0, $0xF;
	_ =	sdelay $0xe  }
0x11b: {  	s31 =	spop (v2sf)  }
0x11c: {  	s9 =	sshra.s32 s31, $0x1F  }
0x11d: {  	s11 =	sand.u32 $0x7FF, s31;
	s8 =	sshrl.u32 s9, $0x19  }
0x11e: {  	p6 =	slt.s32 s31, $0x1;
	s7 =	sshll.u32 s31, $0x7;
	s8 =	sadd.s32 s8, s31  }
0x11f: {  	s10 =	sshrl.u32 s9, $0x15;
	p2 =	sne.s32 s11, $0x0;
	s12 =	sand.u32 $0xFFFFFF80, s8  }
0x120: {  	s11 =	simm.s32 $0x1;
	s9 =	sadd.s32 s10, s31;
	p3 =	sne.s32 s31, s12  }
0x121: {  	p1 =	por !p6, !p2;
	s10 =	simm.s32 $0x1;
	p0 =	por !p6, !p3  }
0x122: {  	s9 =	sshrl.u32 s9, $0xB;
	p1 =	por !p1, !p1;
	p0 =	por !p0, !p0  }
0x123: {  	s8 =	sshrl.u32 s8, $0x7;
	s10 =	simm.s32 @!p1 $0x0;
	s11 =	simm.s32 @!p0 $0x0  }
0x124: {  	s7 =	sadd.s32 $0x4000, s7;
	s9 =	ssub.s32 s9, s10;
	s8 =	ssub.s32 s8, s11  }
0x125: {  	s7 =	sand.u32 $0x3F80, s7;
	s9 =	sshll.u32 s9, $0xE;
	s8 =	sshll.u32 s8, $0x3  }
0x126: {  	s7 =	sor.u32 s7, s9;
	s8 =	sand.u32 $0x78, s8  }
0x127: {  	s7 =	sor.u32 s8, s7  }
0x128: {  	[sflag:s4] =	ssyncset.done $0x0;
	s7 =	sshrl.u32 s7, $0x3  }
0x129: {  	s13 =	simm.s32 $0xF8;
	[sflag:s4] =	ssyncadd.s32 $0xFFFFFFF8;
	s7 =	sadd.s32 s6, s7  }
0x12a: {  	[tilespmem:s13], [sflag:$0x1] =	stream.linear.gather [hbm4b:s7+s3], $0x8, $0x38;
	[tilespmem:$0x180] =	vst v63  }
0x12b: {  	_ =	swait.ge [sflag:s4], $0x8  }
0x12c: {  	[sflag:s4] =	ssyncset.done $0x0  }
0x12d: {  	[sflag:s4] =	ssyncadd.s32 $0xFFFFFFF8  }
0x12e: {  	v63 =	vld [tilespmem:$0x10];
	_ =	sdelay $0x4  }
0x12f: {  	(v2sf) =	vpush v63, $0x0;
	_ =	sdelay $0xe  }
0x130: {  	s14 =	spop (v2sf)  }
0x131: {  	s15 =	sshra.s32 s14, $0x1F  }
0x132: {  	s10 =	simm.s32 $0x1;
	s8 =	sshrl.u32 s15, $0x19  }
0x133: {  	s11 =	simm.s32 $0x1;
	s17 =	sand.u32 $0x7FF, s14;
	s8 =	sadd.s32 s8, s14  }
0x134: {  	p4 =	slt.s32 s14, $0x1;
	s7 =	sshll.u32 s14, $0x7;
	s18 =	sand.u32 $0xFFFFFF80, s8  }
0x135: {  	s16 =	sshrl.u32 s15, $0x15;
	p5 =	sne.s32 s17, $0x0;
	p6 =	sne.s32 s14, s18  }
0x136: {  	s9 =	sadd.s32 s16, s14;
	p1 =	por !p4, !p5;
	p0 =	por !p4, !p6  }
0x137: {  	s9 =	sshrl.u32 s9, $0xB;
	p1 =	por !p1, !p1;
	p0 =	por !p0, !p0  }
0x138: {  	s8 =	sshrl.u32 s8, $0x7;
	s10 =	simm.s32 @!p1 $0x0;
	s11 =	simm.s32 @!p0 $0x0  }
0x139: {  	s7 =	sadd.s32 $0x4000, s7;
	s9 =	ssub.s32 s9, s10;
	s8 =	ssub.s32 s8, s11  }
0x13a: {  	s7 =	sand.u32 $0x3F80, s7;
	s9 =	sshll.u32 s9, $0xE;
	s8 =	sshll.u32 s8, $0x3  }
0x13b: {  	s7 =	sor.u32 s7, s9;
	s8 =	sand.u32 $0x78, s8  }
0x13c: {  	s7 =	sor.u32 s8, s7  }
0x13d: {  	s7 =	sshrl.u32 s7, $0x3  }
0x13e: {  	s19 =	simm.s32 $0x100;
	s7 =	sadd.s32 s6, s7  }
0x13f: {  	[tilespmem:s19], [sflag:$0x1] =	stream.linear.gather [hbm4b:s7+s3], $0x8, $0x38;
	[tilespmem:$0x180] =	vst v63  }
0x140: {  	_ =	swait.ge [sflag:s4], $0x8  }
0x141: {  	(v2sf) =	vpush v63, $0x1;
	_ =	sdelay $0xe  }
0x142: {  	s20 =	spop (v2sf)  }
0x143: {  	s21 =	sshra.s32 s20, $0x1F  }
0x144: {  	s10 =	simm.s32 $0x1;
	s8 =	sshrl.u32 s21, $0x19  }
0x145: {  	s11 =	simm.s32 $0x1;
	s23 =	sand.u32 $0x7FF, s20;
	s8 =	sadd.s32 s8, s20  }
0x146: {  	p3 =	slt.s32 s20, $0x1;
	s7 =	sshll.u32 s20, $0x7;
	s24 =	sand.u32 $0xFFFFFF80, s8  }
0x147: {  	s22 =	sshrl.u32 s21, $0x15;
	p4 =	sne.s32 s23, $0x0;
	p5 =	sne.s32 s20, s24  }
0x148: {  	s9 =	sadd.s32 s22, s20;
	p1 =	por !p3, !p4;
	p0 =	por !p3, !p5  }
0x149: {  	s9 =	sshrl.u32 s9, $0xB;
	p1 =	por !p1, !p1;
	p0 =	por !p0, !p0  }
0x14a: {  	s8 =	sshrl.u32 s8, $0x7;
	s10 =	simm.s32 @!p1 $0x0;
	s11 =	simm.s32 @!p0 $0x0  }
0x14b: {  	s7 =	sadd.s32 $0x4000, s7;
	s9 =	ssub.s32 s9, s10;
	s8 =	ssub.s32 s8, s11  }
0x14c: {  	s7 =	sand.u32 $0x3F80, s7;
	s9 =	sshll.u32 s9, $0xE;
	s8 =	sshll.u32 s8, $0x3  }
0x14d: {  	s7 =	sor.u32 s7, s9;
	s8 =	sand.u32 $0x78, s8  }
0x14e: {  	s7 =	sor.u32 s8, s7  }
0x14f: {  	[sflag:s4] =	ssyncset.done $0x0;
	s7 =	sshrl.u32 s7, $0x3  }
0x150: {  	s25 =	simm.s32 $0x108;
	[sflag:s4] =	ssyncadd.s32 $0xFFFFFFF8;
	s7 =	sadd.s32 s6, s7  }
0x151: {  	[tilespmem:s25], [sflag:$0x1] =	stream.linear.gather [hbm4b:s7+s3], $0x8, $0x38;
	[tilespmem:$0x180] =	vst v63  }
0x152: {  	_ =	swait.ge [sflag:s4], $0x8  }
0x153: {  	(v2sf) =	vpush v63, $0x2;
	_ =	sdelay $0xe  }
0x154: {  	s26 =	spop (v2sf)  }
0x155: {  	s28 =	sshra.s32 s26, $0x1F  }
0x156: {  	s10 =	simm.s32 $0x1;
	s8 =	sshrl.u32 s28, $0x19  }
0x157: {  	s11 =	simm.s32 $0x1;
	s30 =	sand.u32 $0x7FF, s26;
	s8 =	sadd.s32 s8, s26  }
0x158: {  	p6 =	slt.s32 s26, $0x1;
	s7 =	sshll.u32 s26, $0x7;
	s31 =	sand.u32 $0xFFFFFF80, s8  }
0x159: {  	s29 =	sshrl.u32 s28, $0x15;
	p2 =	sne.s32 s30, $0x0;
	p3 =	sne.s32 s26, s31  }
0x15a: {  	s9 =	sadd.s32 s29, s26;
	p1 =	por !p6, !p2;
	p0 =	por !p6, !p3  }
0x15b: {  	s9 =	sshrl.u32 s9, $0xB;
	p1 =	por !p1, !p1;
	p0 =	por !p0, !p0  }
0x15c: {  	s8 =	sshrl.u32 s8, $0x7;
	s10 =	simm.s32 @!p1 $0x0;
	s11 =	simm.s32 @!p0 $0x0  }
0x15d: {  	s7 =	sadd.s32 $0x4000, s7;
	s9 =	ssub.s32 s9, s10;
	s8 =	ssub.s32 s8, s11  }
0x15e: {  	s7 =	sand.u32 $0x3F80, s7;
	s9 =	sshll.u32 s9, $0xE;
	s8 =	sshll.u32 s8, $0x3  }
0x15f: {  	s7 =	sor.u32 s7, s9;
	s8 =	sand.u32 $0x78, s8  }
0x160: {  	s7 =	sor.u32 s8, s7  }
0x161: {  	[sflag:s4] =	ssyncset.done $0x0;
	s7 =	sshrl.u32 s7, $0x3  }
0x162: {  	[sflag:s4] =	ssyncadd.s32 $0xFFFFFFF8;
	s11 =	simm.s32 $0x110;
	s7 =	sadd.s32 s6, s7  }
0x163: {  	[tilespmem:s11], [sflag:$0x1] =	stream.linear.gather [hbm4b:s7+s3], $0x8, $0x38;
	[tilespmem:$0x180] =	vst v63  }
0x164: {  	_ =	swait.ge [sflag:s4], $0x8  }
0x165: {  	(v2sf) =	vpush v63, $0x3;
	_ =	sdelay $0xe  }
0x166: {  	s12 =	spop (v2sf)  }
0x167: {  	s13 =	sshra.s32 s12, $0x1F  }
0x168: {  	s10 =	simm.s32 $0x1;
	s8 =	sshrl.u32 s13, $0x19  }
0x169: {  	s11 =	simm.s32 $0x1;
	s15 =	sand.u32 $0x7FF, s12;
	s8 =	sadd.s32 s8, s12  }
0x16a: {  	p4 =	slt.s32 s12, $0x1;
	s7 =	sshll.u32 s12, $0x7;
	s16 =	sand.u32 $0xFFFFFF80, s8  }
0x16b: {  	s14 =	sshrl.u32 s13, $0x15;
	p5 =	sne.s32 s15, $0x0;
	p6 =	sne.s32 s12, s16  }
0x16c: {  	s9 =	sadd.s32 s14, s12;
	p1 =	por !p4, !p5;
	p0 =	por !p4, !p6  }
0x16d: {  	s9 =	sshrl.u32 s9, $0xB;
	p1 =	por !p1, !p1;
	p0 =	por !p0, !p0  }
0x16e: {  	s8 =	sshrl.u32 s8, $0x7;
	s10 =	simm.s32 @!p1 $0x0;
	s11 =	simm.s32 @!p0 $0x0  }
0x16f: {  	s7 =	sadd.s32 $0x4000, s7;
	s9 =	ssub.s32 s9, s10;
	s8 =	ssub.s32 s8, s11  }
0x170: {  	s7 =	sand.u32 $0x3F80, s7;
	s9 =	sshll.u32 s9, $0xE;
	s8 =	sshll.u32 s8, $0x3  }
0x171: {  	s7 =	sor.u32 s7, s9;
	s8 =	sand.u32 $0x78, s8  }
0x172: {  	s7 =	sor.u32 s8, s7  }
0x173: {  	[sflag:s4] =	ssyncset.done $0x0;
	s7 =	sshrl.u32 s7, $0x3  }
0x174: {  	s17 =	simm.s32 $0x118;
	[sflag:s4] =	ssyncadd.s32 $0xFFFFFFF8;
	s7 =	sadd.s32 s6, s7  }
0x175: {  	[tilespmem:s17], [sflag:$0x1] =	stream.linear.gather [hbm4b:s7+s3], $0x8, $0x38;
	[tilespmem:$0x180] =	vst v63  }
0x176: {  	_ =	swait.ge [sflag:s4], $0x8  }
0x177: {  	(v2sf) =	vpush v63, $0x4;
	_ =	sdelay $0xe  }
0x178: {  	s18 =	spop (v2sf)  }
0x179: {  	s19 =	sshra.s32 s18, $0x1F  }
0x17a: {  	s10 =	simm.s32 $0x1;
	s8 =	sshrl.u32 s19, $0x19  }
0x17b: {  	s11 =	simm.s32 $0x1;
	s21 =	sand.u32 $0x7FF, s18;
	s8 =	sadd.s32 s8, s18  }
0x17c: {  	p3 =	slt.s32 s18, $0x1;
	s7 =	sshll.u32 s18, $0x7;
	s22 =	sand.u32 $0xFFFFFF80, s8  }
0x17d: {  	s20 =	sshrl.u32 s19, $0x15;
	p4 =	sne.s32 s21, $0x0;
	p5 =	sne.s32 s18, s22  }
0x17e: {  	s9 =	sadd.s32 s20, s18;
	p1 =	por !p3, !p4;
	p0 =	por !p3, !p5  }
0x17f: {  	s9 =	sshrl.u32 s9, $0xB;
	p1 =	por !p1, !p1;
	p0 =	por !p0, !p0  }
0x180: {  	s8 =	sshrl.u32 s8, $0x7;
	s10 =	simm.s32 @!p1 $0x0;
	s11 =	simm.s32 @!p0 $0x0  }
0x181: {  	s7 =	sadd.s32 $0x4000, s7;
	s9 =	ssub.s32 s9, s10;
	s8 =	ssub.s32 s8, s11  }
0x182: {  	s7 =	sand.u32 $0x3F80, s7;
	s9 =	sshll.u32 s9, $0xE;
	s8 =	sshll.u32 s8, $0x3  }
0x183: {  	s7 =	sor.u32 s7, s9;
	s8 =	sand.u32 $0x78, s8  }
0x184: {  	s7 =	sor.u32 s8, s7  }
0x185: {  	[sflag:s4] =	ssyncset.done $0x0;
	s7 =	sshrl.u32 s7, $0x3  }
0x186: {  	s23 =	simm.s32 $0x120;
	[sflag:s4] =	ssyncadd.s32 $0xFFFFFFF8;
	s7 =	sadd.s32 s6, s7  }
0x187: {  	[tilespmem:s23], [sflag:$0x1] =	stream.linear.gather [hbm4b:s7+s3], $0x8, $0x38;
	[tilespmem:$0x180] =	vst v63  }
0x188: {  	_ =	swait.ge [sflag:s4], $0x8  }
0x189: {  	(v2sf) =	vpush v63, $0x5;
	_ =	sdelay $0xe  }
0x18a: {  	s24 =	spop (v2sf)  }
0x18b: {  	s25 =	sshra.s32 s24, $0x1F  }
0x18c: {  	s10 =	simm.s32 $0x1;
	s8 =	sshrl.u32 s25, $0x19  }
0x18d: {  	s11 =	simm.s32 $0x1;
	s28 =	sand.u32 $0x7FF, s24;
	s8 =	sadd.s32 s8, s24  }
0x18e: {  	p6 =	slt.s32 s24, $0x1;
	s7 =	sshll.u32 s24, $0x7;
	s29 =	sand.u32 $0xFFFFFF80, s8  }
0x18f: {  	s26 =	sshrl.u32 s25, $0x15;
	p2 =	sne.s32 s28, $0x0;
	p3 =	sne.s32 s24, s29  }
0x190: {  	s9 =	sadd.s32 s26, s24;
	p1 =	por !p6, !p2;
	p0 =	por !p6, !p3  }
0x191: {  	s9 =	sshrl.u32 s9, $0xB;
	p1 =	por !p1, !p1;
	p0 =	por !p0, !p0  }
0x192: {  	s8 =	sshrl.u32 s8, $0x7;
	s10 =	simm.s32 @!p1 $0x0;
	s11 =	simm.s32 @!p0 $0x0  }
0x193: {  	s7 =	sadd.s32 $0x4000, s7;
	s9 =	ssub.s32 s9, s10;
	s8 =	ssub.s32 s8, s11  }
0x194: {  	s7 =	sand.u32 $0x3F80, s7;
	s9 =	sshll.u32 s9, $0xE;
	s8 =	sshll.u32 s8, $0x3  }
0x195: {  	s7 =	sor.u32 s7, s9;
	s8 =	sand.u32 $0x78, s8  }
0x196: {  	s7 =	sor.u32 s8, s7  }
0x197: {  	[sflag:s4] =	ssyncset.done $0x0;
	s7 =	sshrl.u32 s7, $0x3  }
0x198: {  	s30 =	simm.s32 $0x128;
	[sflag:s4] =	ssyncadd.s32 $0xFFFFFFF8;
	s7 =	sadd.s32 s6, s7  }
0x199: {  	[tilespmem:s30], [sflag:$0x1] =	stream.linear.gather [hbm4b:s7+s3], $0x8, $0x38;
	[tilespmem:$0x180] =	vst v63  }
0x19a: {  	_ =	swait.ge [sflag:s4], $0x8  }
0x19b: {  	(v2sf) =	vpush v63, $0x6;
	_ =	sdelay $0xe  }
0x19c: {  	s31 =	spop (v2sf)  }
0x19d: {  	s9 =	sshra.s32 s31, $0x1F  }
0x19e: {  	s11 =	sand.u32 $0x7FF, s31;
	s8 =	sshrl.u32 s9, $0x19  }
0x19f: {  	p4 =	slt.s32 s31, $0x1;
	s7 =	sshll.u32 s31, $0x7;
	s8 =	sadd.s32 s8, s31  }
0x1a0: {  	s10 =	sshrl.u32 s9, $0x15;
	p5 =	sne.s32 s11, $0x0;
	s12 =	sand.u32 $0xFFFFFF80, s8  }
0x1a1: {  	s11 =	simm.s32 $0x1;
	s9 =	sadd.s32 s10, s31;
	p6 =	sne.s32 s31, s12  }
0x1a2: {  	p1 =	por !p4, !p5;
	s10 =	simm.s32 $0x1;
	p0 =	por !p4, !p6  }
0x1a3: {  	s9 =	sshrl.u32 s9, $0xB;
	p1 =	por !p1, !p1;
	p0 =	por !p0, !p0  }
0x1a4: {  	s8 =	sshrl.u32 s8, $0x7;
	s10 =	simm.s32 @!p1 $0x0;
	s11 =	simm.s32 @!p0 $0x0  }
0x1a5: {  	s7 =	sadd.s32 $0x4000, s7;
	s9 =	ssub.s32 s9, s10;
	s8 =	ssub.s32 s8, s11  }
0x1a6: {  	s7 =	sand.u32 $0x3F80, s7;
	s9 =	sshll.u32 s9, $0xE;
	s8 =	sshll.u32 s8, $0x3  }
0x1a7: {  	s7 =	sor.u32 s7, s9;
	s8 =	sand.u32 $0x78, s8  }
0x1a8: {  	s7 =	sor.u32 s8, s7  }
0x1a9: {  	[sflag:s4] =	ssyncset.done $0x0;
	s7 =	sshrl.u32 s7, $0x3  }
0x1aa: {  	s13 =	simm.s32 $0x130;
	[sflag:s4] =	ssyncadd.s32 $0xFFFFFFF8;
	s7 =	sadd.s32 s6, s7  }
0x1ab: {  	[tilespmem:s13], [sflag:$0x1] =	stream.linear.gather [hbm4b:s7+s3], $0x8, $0x38;
	[tilespmem:$0x180] =	vst v63  }
0x1ac: {  	_ =	swait.ge [sflag:s4], $0x8  }
0x1ad: {  	(v2sf) =	vpush v63, $0x7;
	_ =	sdelay $0xe  }
0x1ae: {  	s14 =	spop (v2sf)  }
0x1af: {  	s15 =	sshra.s32 s14, $0x1F  }
0x1b0: {  	s10 =	simm.s32 $0x1;
	s8 =	sshrl.u32 s15, $0x19  }
0x1b1: {  	s11 =	simm.s32 $0x1;
	s17 =	sand.u32 $0x7FF, s14;
	s8 =	sadd.s32 s8, s14  }
0x1b2: {  	p3 =	slt.s32 s14, $0x1;
	s7 =	sshll.u32 s14, $0x7;
	s18 =	sand.u32 $0xFFFFFF80, s8  }
0x1b3: {  	s16 =	sshrl.u32 s15, $0x15;
	p4 =	sne.s32 s17, $0x0;
	p5 =	sne.s32 s14, s18  }
0x1b4: {  	s9 =	sadd.s32 s16, s14;
	p1 =	por !p3, !p4;
	p0 =	por !p3, !p5  }
0x1b5: {  	s9 =	sshrl.u32 s9, $0xB;
	p1 =	por !p1, !p1;
	p0 =	por !p0, !p0  }
0x1b6: {  	s8 =	sshrl.u32 s8, $0x7;
	s10 =	simm.s32 @!p1 $0x0;
	s11 =	simm.s32 @!p0 $0x0  }
0x1b7: {  	s7 =	sadd.s32 $0x4000, s7;
	s9 =	ssub.s32 s9, s10;
	s8 =	ssub.s32 s8, s11  }
0x1b8: {  	s7 =	sand.u32 $0x3F80, s7;
	s9 =	sshll.u32 s9, $0xE;
	s8 =	sshll.u32 s8, $0x3  }
0x1b9: {  	s7 =	sor.u32 s7, s9;
	s8 =	sand.u32 $0x78, s8  }
0x1ba: {  	s7 =	sor.u32 s8, s7  }
0x1bb: {  	[sflag:s4] =	ssyncset.done $0x0;
	s7 =	sshrl.u32 s7, $0x3  }
0x1bc: {  	s19 =	simm.s32 $0x138;
	[sflag:s4] =	ssyncadd.s32 $0xFFFFFFF8;
	s7 =	sadd.s32 s6, s7  }
0x1bd: {  	[tilespmem:s19], [sflag:$0x1] =	stream.linear.gather [hbm4b:s7+s3], $0x8, $0x38;
	[tilespmem:$0x180] =	vst v63  }
0x1be: {  	_ =	swait.ge [sflag:s4], $0x8  }
0x1bf: {  	(v2sf) =	vpush v63, $0x8;
	_ =	sdelay $0xe  }
0x1c0: {  	s20 =	spop (v2sf)  }
0x1c1: {  	s21 =	sshra.s32 s20, $0x1F  }
0x1c2: {  	s10 =	simm.s32 $0x1;
	s8 =	sshrl.u32 s21, $0x19  }
0x1c3: {  	s11 =	simm.s32 $0x1;
	s23 =	sand.u32 $0x7FF, s20;
	s8 =	sadd.s32 s8, s20  }
0x1c4: {  	p6 =	slt.s32 s20, $0x1;
	s7 =	sshll.u32 s20, $0x7;
	s24 =	sand.u32 $0xFFFFFF80, s8  }
0x1c5: {  	s22 =	sshrl.u32 s21, $0x15;
	p2 =	sne.s32 s23, $0x0;
	p3 =	sne.s32 s20, s24  }
0x1c6: {  	s9 =	sadd.s32 s22, s20;
	p1 =	por !p6, !p2;
	p0 =	por !p6, !p3  }
0x1c7: {  	s9 =	sshrl.u32 s9, $0xB;
	p1 =	por !p1, !p1;
	p0 =	por !p0, !p0  }
0x1c8: {  	s8 =	sshrl.u32 s8, $0x7;
	s10 =	simm.s32 @!p1 $0x0;
	s11 =	simm.s32 @!p0 $0x0  }
0x1c9: {  	s7 =	sadd.s32 $0x4000, s7;
	s9 =	ssub.s32 s9, s10;
	s8 =	ssub.s32 s8, s11  }
0x1ca: {  	s7 =	sand.u32 $0x3F80, s7;
	s9 =	sshll.u32 s9, $0xE;
	s8 =	sshll.u32 s8, $0x3  }
0x1cb: {  	s7 =	sor.u32 s7, s9;
	s8 =	sand.u32 $0x78, s8  }
0x1cc: {  	s7 =	sor.u32 s8, s7  }
0x1cd: {  	[sflag:s4] =	ssyncset.done $0x0;
	s7 =	sshrl.u32 s7, $0x3  }
0x1ce: {  	s25 =	simm.s32 $0x140;
	[sflag:s4] =	ssyncadd.s32 $0xFFFFFFF8;
	s7 =	sadd.s32 s6, s7  }
0x1cf: {  	[tilespmem:s25], [sflag:$0x1] =	stream.linear.gather [hbm4b:s7+s3], $0x8, $0x38;
	[tilespmem:$0x180] =	vst v63  }
0x1d0: {  	_ =	swait.ge [sflag:s4], $0x8  }
0x1d1: {  	(v2sf) =	vpush v63, $0x9;
	_ =	sdelay $0xe  }
0x1d2: {  	s26 =	spop (v2sf)  }
0x1d3: {  	s28 =	sshra.s32 s26, $0x1F  }
0x1d4: {  	s10 =	simm.s32 $0x1;
	s8 =	sshrl.u32 s28, $0x19  }
0x1d5: {  	s11 =	simm.s32 $0x1;
	s30 =	sand.u32 $0x7FF, s26;
	s8 =	sadd.s32 s8, s26  }
0x1d6: {  	p4 =	slt.s32 s26, $0x1;
	s7 =	sshll.u32 s26, $0x7;
	s31 =	sand.u32 $0xFFFFFF80, s8  }
0x1d7: {  	s29 =	sshrl.u32 s28, $0x15;
	p5 =	sne.s32 s30, $0x0;
	p6 =	sne.s32 s26, s31  }
0x1d8: {  	s9 =	sadd.s32 s29, s26;
	p1 =	por !p4, !p5;
	p0 =	por !p4, !p6  }
0x1d9: {  	s9 =	sshrl.u32 s9, $0xB;
	p1 =	por !p1, !p1;
	p0 =	por !p0, !p0  }
0x1da: {  	s8 =	sshrl.u32 s8, $0x7;
	s10 =	simm.s32 @!p1 $0x0;
	s11 =	simm.s32 @!p0 $0x0  }
0x1db: {  	s7 =	sadd.s32 $0x4000, s7;
	s9 =	ssub.s32 s9, s10;
	s8 =	ssub.s32 s8, s11  }
0x1dc: {  	s7 =	sand.u32 $0x3F80, s7;
	s9 =	sshll.u32 s9, $0xE;
	s8 =	sshll.u32 s8, $0x3  }
0x1dd: {  	s7 =	sor.u32 s7, s9;
	s8 =	sand.u32 $0x78, s8  }
0x1de: {  	s7 =	sor.u32 s8, s7  }
0x1df: {  	[sflag:s4] =	ssyncset.done $0x0;
	s7 =	sshrl.u32 s7, $0x3  }
0x1e0: {  	[sflag:s4] =	ssyncadd.s32 $0xFFFFFFF8;
	s11 =	simm.s32 $0x148;
	s7 =	sadd.s32 s6, s7  }
0x1e1: {  	[tilespmem:s11], [sflag:$0x1] =	stream.linear.gather [hbm4b:s7+s3], $0x8, $0x38;
	[tilespmem:$0x180] =	vst v63  }
0x1e2: {  	_ =	swait.ge [sflag:s4], $0x8  }
0x1e3: {  	(v2sf) =	vpush v63, $0xA;
	_ =	sdelay $0xe  }
0x1e4: {  	s12 =	spop (v2sf)  }
0x1e5: {  	s13 =	sshra.s32 s12, $0x1F  }
0x1e6: {  	s10 =	simm.s32 $0x1;
	s8 =	sshrl.u32 s13, $0x19  }
0x1e7: {  	s11 =	simm.s32 $0x1;
	s15 =	sand.u32 $0x7FF, s12;
	s8 =	sadd.s32 s8, s12  }
0x1e8: {  	p3 =	slt.s32 s12, $0x1;
	s7 =	sshll.u32 s12, $0x7;
	s16 =	sand.u32 $0xFFFFFF80, s8  }
0x1e9: {  	s14 =	sshrl.u32 s13, $0x15;
	p4 =	sne.s32 s15, $0x0;
	p5 =	sne.s32 s12, s16  }
0x1ea: {  	s9 =	sadd.s32 s14, s12;
	p1 =	por !p3, !p4;
	p0 =	por !p3, !p5  }
0x1eb: {  	s9 =	sshrl.u32 s9, $0xB;
	p1 =	por !p1, !p1;
	p0 =	por !p0, !p0  }
0x1ec: {  	s8 =	sshrl.u32 s8, $0x7;
	s10 =	simm.s32 @!p1 $0x0;
	s11 =	simm.s32 @!p0 $0x0  }
0x1ed: {  	s7 =	sadd.s32 $0x4000, s7;
	s9 =	ssub.s32 s9, s10;
	s8 =	ssub.s32 s8, s11  }
0x1ee: {  	s7 =	sand.u32 $0x3F80, s7;
	s9 =	sshll.u32 s9, $0xE;
	s8 =	sshll.u32 s8, $0x3  }
0x1ef: {  	s7 =	sor.u32 s7, s9;
	s8 =	sand.u32 $0x78, s8  }
0x1f0: {  	s7 =	sor.u32 s8, s7  }
0x1f1: {  	[sflag:s4] =	ssyncset.done $0x0;
	s7 =	sshrl.u32 s7, $0x3  }
0x1f2: {  	s17 =	simm.s32 $0x150;
	[sflag:s4] =	ssyncadd.s32 $0xFFFFFFF8;
	s7 =	sadd.s32 s6, s7  }
0x1f3: {  	[tilespmem:s17], [sflag:$0x1] =	stream.linear.gather [hbm4b:s7+s3], $0x8, $0x38;
	[tilespmem:$0x180] =	vst v63  }
0x1f4: {  	_ =	swait.ge [sflag:s4], $0x8  }
0x1f5: {  	(v2sf) =	vpush v63, $0xB;
	_ =	sdelay $0xe  }
0x1f6: {  	s18 =	spop (v2sf)  }
0x1f7: {  	s19 =	sshra.s32 s18, $0x1F  }
0x1f8: {  	s10 =	simm.s32 $0x1;
	s8 =	sshrl.u32 s19, $0x19  }
0x1f9: {  	s11 =	simm.s32 $0x1;
	s21 =	sand.u32 $0x7FF, s18;
	s8 =	sadd.s32 s8, s18  }
0x1fa: {  	p6 =	slt.s32 s18, $0x1;
	s7 =	sshll.u32 s18, $0x7;
	s22 =	sand.u32 $0xFFFFFF80, s8  }
0x1fb: {  	s20 =	sshrl.u32 s19, $0x15;
	p2 =	sne.s32 s21, $0x0;
	p3 =	sne.s32 s18, s22  }
0x1fc: {  	s9 =	sadd.s32 s20, s18;
	p1 =	por !p6, !p2;
	p0 =	por !p6, !p3  }
0x1fd: {  	s9 =	sshrl.u32 s9, $0xB;
	p1 =	por !p1, !p1;
	p0 =	por !p0, !p0  }
0x1fe: {  	s8 =	sshrl.u32 s8, $0x7;
	s10 =	simm.s32 @!p1 $0x0;
	s11 =	simm.s32 @!p0 $0x0  }
0x1ff: {  	s7 =	sadd.s32 $0x4000, s7;
	s9 =	ssub.s32 s9, s10;
	s8 =	ssub.s32 s8, s11  }
0x200: {  	s7 =	sand.u32 $0x3F80, s7;
	s9 =	sshll.u32 s9, $0xE;
	s8 =	sshll.u32 s8, $0x3  }
0x201: {  	s7 =	sor.u32 s7, s9;
	s8 =	sand.u32 $0x78, s8  }
0x202: {  	s7 =	sor.u32 s8, s7  }
0x203: {  	[sflag:s4] =	ssyncset.done $0x0;
	s7 =	sshrl.u32 s7, $0x3  }
0x204: {  	s23 =	simm.s32 $0x158;
	[sflag:s4] =	ssyncadd.s32 $0xFFFFFFF8;
	s7 =	sadd.s32 s6, s7  }
0x205: {  	[tilespmem:s23], [sflag:$0x1] =	stream.linear.gather [hbm4b:s7+s3], $0x8, $0x38;
	[tilespmem:$0x180] =	vst v63  }
0x206: {  	_ =	swait.ge [sflag:s4], $0x8  }
0x207: {  	(v2sf) =	vpush v63, $0xC;
	_ =	sdelay $0xe  }
0x208: {  	s24 =	spop (v2sf)  }
0x209: {  	s25 =	sshra.s32 s24, $0x1F  }
0x20a: {  	s10 =	simm.s32 $0x1;
	s8 =	sshrl.u32 s25, $0x19  }
0x20b: {  	s11 =	simm.s32 $0x1;
	s28 =	sand.u32 $0x7FF, s24;
	s8 =	sadd.s32 s8, s24  }
0x20c: {  	p4 =	slt.s32 s24, $0x1;
	s7 =	sshll.u32 s24, $0x7;
	s29 =	sand.u32 $0xFFFFFF80, s8  }
0x20d: {  	s26 =	sshrl.u32 s25, $0x15;
	p5 =	sne.s32 s28, $0x0;
	p6 =	sne.s32 s24, s29  }
0x20e: {  	s9 =	sadd.s32 s26, s24;
	p1 =	por !p4, !p5;
	p0 =	por !p4, !p6  }
0x20f: {  	s9 =	sshrl.u32 s9, $0xB;
	p1 =	por !p1, !p1;
	p0 =	por !p0, !p0  }
0x210: {  	s8 =	sshrl.u32 s8, $0x7;
	s10 =	simm.s32 @!p1 $0x0;
	s11 =	simm.s32 @!p0 $0x0  }
0x211: {  	s7 =	sadd.s32 $0x4000, s7;
	s9 =	ssub.s32 s9, s10;
	s8 =	ssub.s32 s8, s11  }
0x212: {  	s7 =	sand.u32 $0x3F80, s7;
	s9 =	sshll.u32 s9, $0xE;
	s8 =	sshll.u32 s8, $0x3  }
0x213: {  	s7 =	sor.u32 s7, s9;
	s8 =	sand.u32 $0x78, s8  }
0x214: {  	s7 =	sor.u32 s8, s7  }
0x215: {  	[sflag:s4] =	ssyncset.done $0x0;
	s7 =	sshrl.u32 s7, $0x3  }
0x216: {  	s30 =	simm.s32 $0x160;
	[sflag:s4] =	ssyncadd.s32 $0xFFFFFFF8;
	s7 =	sadd.s32 s6, s7  }
0x217: {  	[tilespmem:s30], [sflag:$0x1] =	stream.linear.gather [hbm4b:s7+s3], $0x8, $0x38;
	[tilespmem:$0x180] =	vst v63  }
0x218: {  	_ =	swait.ge [sflag:s4], $0x8  }
0x219: {  	(v2sf) =	vpush v63, $0xD;
	_ =	sdelay $0xe  }
0x21a: {  	s31 =	spop (v2sf)  }
0x21b: {  	s12 =	sshra.s32 s31, $0x1F  }
0x21c: {  	s10 =	simm.s32 $0x1;
	s8 =	sshrl.u32 s12, $0x19  }
0x21d: {  	s11 =	simm.s32 $0x1;
	s14 =	sand.u32 $0x7FF, s31;
	s8 =	sadd.s32 s8, s31  }
0x21e: {  	p3 =	slt.s32 s31, $0x1;
	s7 =	sshll.u32 s31, $0x7;
	s15 =	sand.u32 $0xFFFFFF80, s8  }
0x21f: {  	s13 =	sshrl.u32 s12, $0x15;
	p4 =	sne.s32 s14, $0x0;
	p5 =	sne.s32 s31, s15  }
0x220: {  	s9 =	sadd.s32 s13, s31;
	p1 =	por !p3, !p4;
	p0 =	por !p3, !p5  }
0x221: {  	s9 =	sshrl.u32 s9, $0xB;
	p1 =	por !p1, !p1;
	p0 =	por !p0, !p0  }
0x222: {  	s8 =	sshrl.u32 s8, $0x7;
	s10 =	simm.s32 @!p1 $0x0;
	s11 =	simm.s32 @!p0 $0x0  }
0x223: {  	s7 =	sadd.s32 $0x4000, s7;
	s9 =	ssub.s32 s9, s10;
	s8 =	ssub.s32 s8, s11  }
0x224: {  	s7 =	sand.u32 $0x3F80, s7;
	s9 =	sshll.u32 s9, $0xE;
	s8 =	sshll.u32 s8, $0x3  }
0x225: {  	s7 =	sor.u32 s7, s9;
	s8 =	sand.u32 $0x78, s8  }
0x226: {  	s7 =	sor.u32 s8, s7  }
0x227: {  	[sflag:s4] =	ssyncset.done $0x0;
	s7 =	sshrl.u32 s7, $0x3  }
0x228: {  	s16 =	simm.s32 $0x168;
	[sflag:s4] =	ssyncadd.s32 $0xFFFFFFF8;
	s7 =	sadd.s32 s6, s7  }
0x229: {  	[tilespmem:s16], [sflag:$0x1] =	stream.linear.gather [hbm4b:s7+s3], $0x8, $0x38;
	[tilespmem:$0x180] =	vst v63  }
0x22a: {  	_ =	swait.ge [sflag:s4], $0x8  }
0x22b: {  	(v2sf) =	vpush v63, $0xE;
	_ =	sdelay $0xe  }
0x22c: {  	s17 =	spop (v2sf)  }
0x22d: {  	s18 =	sshra.s32 s17, $0x1F  }
0x22e: {  	s10 =	simm.s32 $0x1;
	s8 =	sshrl.u32 s18, $0x19  }
0x22f: {  	s11 =	simm.s32 $0x1;
	s20 =	sand.u32 $0x7FF, s17;
	s8 =	sadd.s32 s8, s17  }
0x230: {  	p6 =	slt.s32 s17, $0x1;
	s7 =	sshll.u32 s17, $0x7;
	s21 =	sand.u32 $0xFFFFFF80, s8  }
0x231: {  	s19 =	sshrl.u32 s18, $0x15;
	p2 =	sne.s32 s20, $0x0;
	p3 =	sne.s32 s17, s21  }
0x232: {  	s9 =	sadd.s32 s19, s17;
	p1 =	por !p6, !p2;
	p0 =	por !p6, !p3  }
0x233: {  	s9 =	sshrl.u32 s9, $0xB;
	p1 =	por !p1, !p1;
	p0 =	por !p0, !p0  }
0x234: {  	s8 =	sshrl.u32 s8, $0x7;
	s10 =	simm.s32 @!p1 $0x0;
	s11 =	simm.s32 @!p0 $0x0  }
0x235: {  	s7 =	sadd.s32 $0x4000, s7;
	s9 =	ssub.s32 s9, s10;
	s8 =	ssub.s32 s8, s11  }
0x236: {  	s7 =	sand.u32 $0x3F80, s7;
	s9 =	sshll.u32 s9, $0xE;
	s8 =	sshll.u32 s8, $0x3  }
0x237: {  	s7 =	sor.u32 s7, s9;
	s8 =	sand.u32 $0x78, s8  }
0x238: {  	s7 =	sor.u32 s8, s7  }
0x239: {  	[sflag:s4] =	ssyncset.done $0x0;
	s7 =	sshrl.u32 s7, $0x3  }
0x23a: {  	s22 =	simm.s32 $0x170;
	[sflag:s4] =	ssyncadd.s32 $0xFFFFFFF8;
	s7 =	sadd.s32 s6, s7  }
0x23b: {  	[tilespmem:s22], [sflag:$0x1] =	stream.linear.gather [hbm4b:s7+s3], $0x8, $0x38;
	[tilespmem:$0x180] =	vst v63  }
0x23c: {  	_ =	swait.ge [sflag:s4], $0x8  }
0x23d: {  	(v2sf) =	vpush v63, $0xF;
	_ =	sdelay $0xe  }
0x23e: {  	s23 =	spop (v2sf)  }
0x23f: {  	s24 =	sshra.s32 s23, $0x1F  }
0x240: {  	s10 =	simm.s32 $0x1;
	s25 =	sshrl.u32 s24, $0x19  }
0x241: {  	s11 =	simm.s32 $0x1;
	s26 =	sand.u32 $0x7FF, s23;
	s9 =	sadd.s32 s25, s23  }
0x242: {  	p4 =	slt.s32 s23, $0x1;
	s7 =	sshll.u32 s23, $0x7;
	s28 =	sand.u32 $0xFFFFFF80, s9  }
0x243: {  	s8 =	sshrl.u32 s24, $0x15;
	p5 =	sne.s32 s26, $0x0;
	p6 =	sne.s32 s23, s28  }
0x244: {  	p1 =	por !p4, !p5;
	s8 =	sadd.s32 s8, s23;
	p0 =	por !p4, !p6  }
0x245: {  	s8 =	sshrl.u32 s8, $0xB;
	p1 =	por !p1, !p1;
	p0 =	por !p0, !p0  }
0x246: {  	s9 =	sshrl.u32 s9, $0x7;
	s10 =	simm.s32 @!p1 $0x0;
	s11 =	simm.s32 @!p0 $0x0  }
0x247: {  	s7 =	sadd.s32 $0x4000, s7;
	s8 =	ssub.s32 s8, s10;
	s9 =	ssub.s32 s9, s11  }
0x248: {  	s7 =	sand.u32 $0x3F80, s7;
	s8 =	sshll.u32 s8, $0xE;
	s9 =	sshll.u32 s9, $0x3  }
0x249: {  	s7 =	sor.u32 s7, s8;
	s29 =	sand.u32 $0x78, s9  }
0x24a: {  	s7 =	sor.u32 s29, s7  }
0x24b: {  	[sflag:s4] =	ssyncset.done $0x0;
	s7 =	sshrl.u32 s7, $0x3  }
0x24c: {  	s30 =	simm.s32 $0x178;
	[sflag:s4] =	ssyncadd.s32 $0xFFFFFFF8;
	s6 =	sadd.s32 s6, s7  }
0x24d: {  	[tilespmem:s30], [sflag:$0x1] =	stream.linear.gather [hbm4b:s6+s3], $0x8, $0x38;
	[tilespmem:$0x180] =	vst v63  }
0x24e: {  	_ =	swait.ge [sflag:s4], $0x8  }
0x24f: {  	s31 =	sshll.u32 s1, $0x5;
	[sflag:s4] =	ssyncset.done $0x0  }
0x250: {  	s2 =	sadd.s32 s2, s31;
	[sflag:s4] =	ssyncadd.s32 $0xFFFFFFF8  }
0x251: {  	[hbm4b:s2+s3] =	stream.linear.scatter [tilespmem:s5], [sflag:$0x1], $0x100, $0x38;
	[tilespmem:$0x180] =	vst v63  }
0x252: {  	_ =	swait.ge [sflag:s4], $0x100  }
0x253: {  	[sflag:s4] =	ssyncset.done $0x0  }
0x254: {  	[sflag:s4] =	ssyncadd.s32 $0xFFFFFF00  }
0x255: {  	_ =	sfence.sel $0x180000  }
0x256: {  	[bflag:$0x0] =	sbarrier.arrive $0xFFFF  }
0x257: {  	p0 =	sne.s32 s1, $0x0;
	_ =	strace $0x90000047  }
0x258: {  	s0 =	sadd.s32 @!p0 $0x100000, s0;
	[bflag:$0x2] =	sbarrier.arrive $0xFFFF  }
0x259: {  	[sflag:s0] =	ssyncadd.tile.s32 @!p0 $0x1;
	_ =	shalt  }
.Lfunc_end2:
_tile_overlayer_lowered:
.L_overlay_start_2:
0x25a: {  	(tag) =	ssettag $0x2  }
0x25b: {  	s0 =	rddreg [dreg:$0x0];
	s2 =	stileid.u32  }
0x25c: {  	s1 =	rddreg [dreg:$0x1];
	p0 =	sne.s32 s2, $0x0  }
0x25d: {  	s3 =	rddreg [dreg:$0x2];
	[bflag:$0x3] =	sbarrier.arrive $0xFFFF;
	s2 =	simm.s32 @!p0 $0x1C01  }
0x25e: {  	[timem:s3], [sflag:s2] =	dma.local @!p0 [hbm:s0], s1  }
0x25f: {  	s0 =	simm.s32 @!p0 $0x1  }
0x260: {  	_ =	swait.ge @!p0 [sflag:s0], s1  }
0x261: {  	s1 =	ssub.s32 @!p0 $0x0, s1;
	[sflag:s0] =	ssyncset.done @!p0 $0x0  }
0x262: {  	[sflag:s0] =	ssyncadd.s32 @!p0 s1  }
0x263: {  	[bflag:$0x3] =	sbarrier.arrive $0xFFFF  }
0x264: {  	_ =	shalt  }

</sc_bundles>
